<compile_context>
chip_gen: v7x
topology: tpu7x:2x2x1
jax: 0.10.2.dev20260603
libtpu: 0.0.44.dev20260713+nightly
codegen_flags: <defaults>
</compile_context>

<pallas_src>
import functools

import jax
import jax.numpy as jnp
from jax import lax
from jax.experimental import pallas as pl
from jax.experimental.pallas import tpu as pltpu
from jax.experimental.pallas import tpu_sc as plsc

N = 10000
E = 320000
DN = 128
DE = 16
DO = 128


_NODE_BLK = 1000


def _nodeproj_body(x_ref, w_ref, b_ref, ax_ref, dx_ref, exbx_ref):
    h = lax.dot_general(x_ref[...], w_ref[...], (((1,), (1,)), ((), ())),
                        preferred_element_type=jnp.float32)
    h = h + b_ref[...]
    ax_ref[...] = h[:, :DO]
    dx_ref[...] = h[:, DO:2 * DO]
    exbx_ref[...] = h[:, 2 * DO:]


def _nodeproj(x, w_cat, b_cat):
    grid = N // _NODE_BLK
    return pl.pallas_call(
        _nodeproj_body,
        grid=(grid,),
        in_specs=[
            pl.BlockSpec((_NODE_BLK, DN), lambda i: (i, 0)),
            pl.BlockSpec((4 * DO, DN), lambda i: (0, 0)),
            pl.BlockSpec((1, 4 * DO), lambda i: (0, 0)),
        ],
        out_specs=[
            pl.BlockSpec((_NODE_BLK, DO), lambda i: (i, 0)),
            pl.BlockSpec((_NODE_BLK, DO), lambda i: (i, 0)),
            pl.BlockSpec((_NODE_BLK, 2 * DO), lambda i: (i, 0)),
        ],
        out_shape=[
            jax.ShapeDtypeStruct((N, DO), jnp.float32),
            jax.ShapeDtypeStruct((N, DO), jnp.float32),
            jax.ShapeDtypeStruct((N, 2 * DO), jnp.float32),
        ],
    )(x, w_cat, b_cat)



_EDGE_BLK = 8000


def _edgeproj_body(a_ref, w_ref, b_ref, o_ref):
    o_ref[...] = lax.dot_general(a_ref[...], w_ref[...], (((1,), (1,)), ((), ())),
                                 preferred_element_type=jnp.float32) + b_ref[...]


def _edgeproj(attr, w_cat, b_cat):
    grid = E // _EDGE_BLK
    return pl.pallas_call(
        _edgeproj_body,
        grid=(grid,),
        in_specs=[
            pl.BlockSpec((_EDGE_BLK, DE), lambda i: (i, 0)),
            pl.BlockSpec((2 * DO, DE), lambda i: (0, 0)),
            pl.BlockSpec((1, 2 * DO), lambda i: (0, 0)),
        ],
        out_specs=pl.BlockSpec((_EDGE_BLK, 2 * DO), lambda i: (i, 0)),
        out_shape=jax.ShapeDtypeStruct((E, 2 * DO), jnp.float32),
    )(attr, w_cat, b_cat)



_NW = 32
_E_PER_W = E // _NW
_CK = 16
_NCH = _E_PER_W // _CK
_ROWS_PER_TILE = 624
_TAIL_LO = 16 * _ROWS_PER_TILE
_TAIL = N - _TAIL_LO


def _sc_edge_body(row_hbm, col_hbm, dx_hbm, exbx_hbm, cer_hbm,
                  eout_hbm, aggr_hbm,
                  row_sc0, row_sc1, col_sc0, col_sc1,
                  dxg, exbxg, cer_v, eout_v, msg_v,
                  acc_sh, isem, gsem, osem):
    cid = lax.axis_index("c")
    sid = lax.axis_index("s")
    wid = sid * 2 + cid
    base = wid * _E_PER_W
    row_sc = (row_sc0, row_sc1)
    col_sc = (col_sc0, col_sc1)

    zero16 = jnp.zeros((16,), jnp.float32)

    def zfill(i, _):
        for j in range(DO // 16):
            msg_v[i, pl.ds(j * 16, 16)] = zero16
        return 0
    lax.fori_loop(0, _CK, zfill, 0)
    for z in range(40):
        pltpu.sync_copy(msg_v, acc_sh.at[pl.ds(sid * _ROWS_PER_TILE + z * _CK, _CK)])

    plsc.subcore_barrier()


    def issue_idx(k, b):
        kc = jnp.minimum(k, _NCH - 1)
        start = base + kc * _CK
        pltpu.async_copy(row_hbm.at[pl.ds(start, _CK)], row_sc[b], isem)
        pltpu.async_copy(col_hbm.at[pl.ds(start, _CK)], col_sc[b], isem)

    def wait_idx(b):
        pltpu.make_async_copy(row_hbm.at[pl.ds(0, _CK)], row_sc[b], isem).wait()
        pltpu.make_async_copy(col_hbm.at[pl.ds(0, _CK)], col_sc[b], isem).wait()

    def issue_in(k, b):
        start = base + k * _CK
        pltpu.async_copy(dx_hbm.at[row_sc[b]], dxg.at[b], gsem)
        pltpu.async_copy(exbx_hbm.at[col_sc[b]], exbxg.at[b], gsem)
        pltpu.async_copy(cer_hbm.at[pl.ds(start, _CK)], cer_v.at[b], gsem)

    def wait_in(b):
        pltpu.make_async_copy(dx_hbm.at[pl.ds(0, _CK)], dxg.at[b], gsem).wait()
        pltpu.make_async_copy(exbx_hbm.at[pl.ds(0, _CK)], exbxg.at[b], gsem).wait()
        pltpu.make_async_copy(cer_hbm.at[pl.ds(0, _CK)], cer_v.at[b], gsem).wait()

    def wait_out():
        pltpu.make_async_copy(eout_hbm.at[pl.ds(0, _CK)], eout_v, osem).wait()

    def compute(b):
        def edge_body(i, _):
            for j in range(DO // 16):
                sl = pl.ds(j * 16, 16)
                sl2 = pl.ds(DO + j * 16, 16)
                e = dxg[b, i, sl] + exbxg[b, i, sl] + cer_v[b, i, sl]
                eout_v[i, sl] = cer_v[b, i, sl2] + jnp.maximum(e, 0.0)
                sig = 1.0 / (1.0 + jnp.exp(-e))
                msg_v[i, sl] = sig * exbxg[b, i, sl2]
            return 0
        lax.fori_loop(0, _CK, edge_body, 0)

    issue_idx(0, 0)
    issue_idx(1, 1)
    wait_idx(0)
    issue_in(0, 0)
    pltpu.async_copy(eout_hbm.at[pl.ds(0, _CK)], eout_v, osem)

    def step(k, b):
        wait_in(b)
        wait_out()
        wait_idx(1 - b)
        issue_in(k + 1, 1 - b)
        compute(b)
        start = base + k * _CK
        pltpu.async_copy(eout_v, eout_hbm.at[pl.ds(start, _CK)], osem)
        pltpu.sync_copy(msg_v, acc_sh.at[row_sc[b]], add=True)
        issue_idx(k + 2, b)

    def pair_body(g, _):
        step(2 * g, 0)
        step(2 * g + 1, 1)
        return 0
    lax.fori_loop(0, (_NCH - 1) // 2, pair_body, 0)

    wait_in(0)
    wait_out()
    compute(0)
    pltpu.async_copy(eout_v, eout_hbm.at[pl.ds(base + (_NCH - 1) * _CK, _CK)],
                     osem)
    pltpu.sync_copy(msg_v, acc_sh.at[row_sc0], add=True)
    wait_out()
    wait_idx(1)

    plsc.subcore_barrier()

    lo = sid * _ROWS_PER_TILE
    pltpu.sync_copy(acc_sh.at[pl.ds(lo, _ROWS_PER_TILE)],
                    aggr_hbm.at[cid, pl.ds(lo, _ROWS_PER_TILE)])

    @pl.when(sid == 15)
    def _copy_tail():
        pltpu.sync_copy(acc_sh.at[pl.ds(_TAIL_LO, _TAIL)],
                        aggr_hbm.at[cid, pl.ds(_TAIL_LO, _TAIL)])


def _sc_edge(row, col, dx, exbx, cer):
    mesh = plsc.VectorSubcoreMesh(core_axis_name="c", subcore_axis_name="s")
    fn = functools.partial(
        pl.kernel,
        mesh=mesh,
        out_type=[
            jax.ShapeDtypeStruct((E, DO), jnp.float32),
            jax.ShapeDtypeStruct((2, N, DO), jnp.float32),
        ],
        scratch_types=[
            pltpu.VMEM((_CK,), jnp.int32),
            pltpu.VMEM((_CK,), jnp.int32),
            pltpu.VMEM((_CK,), jnp.int32),
            pltpu.VMEM((_CK,), jnp.int32),
            pltpu.VMEM((2, _CK, DO), jnp.float32),
            pltpu.VMEM((2, _CK, 2 * DO), jnp.float32),
            pltpu.VMEM((2, _CK, 2 * DO), jnp.float32),
            pltpu.VMEM((_CK, DO), jnp.float32),
            pltpu.VMEM((_CK, DO), jnp.float32),
            pltpu.VMEM_SHARED((N, DO), jnp.float32),
            pltpu.SemaphoreType.DMA,
            pltpu.SemaphoreType.DMA,
            pltpu.SemaphoreType.DMA,
        ],
    )(_sc_edge_body)
    return fn(row, col, dx, exbx, cer)



def _final_body(x_ref, ax_ref, ag_ref, o_ref):
    o_ref[...] = x_ref[...] + jnp.maximum(
        ax_ref[...] + ag_ref[0] + ag_ref[1], 0.0)


def _final(x, ax, aggr):
    grid = N // _NODE_BLK
    return pl.pallas_call(
        _final_body,
        grid=(grid,),
        in_specs=[
            pl.BlockSpec((_NODE_BLK, DO), lambda i: (i, 0)),
            pl.BlockSpec((_NODE_BLK, DO), lambda i: (i, 0)),
            pl.BlockSpec((2, _NODE_BLK, DO), lambda i: (0, i, 0)),
        ],
        out_specs=pl.BlockSpec((_NODE_BLK, DO), lambda i: (i, 0)),
        out_shape=jax.ShapeDtypeStruct((N, DO), jnp.float32),
    )(x, ax, aggr)



def kernel(x_input_node, edge_index, edge_input_attr,
           A_w, A_b, B_w, B_b, C_w, C_b, D_w, D_b, E_w, E_b, res_e_w):
    row = edge_index[0].astype(jnp.int32)
    col = edge_index[1].astype(jnp.int32)

    w_node = jnp.concatenate([A_w, D_w, E_w, B_w], axis=0)
    b_node = jnp.concatenate([A_b, D_b, E_b, B_b], axis=0)[None]
    w_edge = jnp.concatenate([C_w, res_e_w], axis=0)
    b_edge = jnp.concatenate([C_b, jnp.zeros_like(C_b)], axis=0)[None]

    ax, dx, exbx = _nodeproj(x_input_node, w_node, b_node)
    cer = _edgeproj(edge_input_attr, w_edge, b_edge)
    eout, aggr = _sc_edge(row, col, dx, exbx, cer)
    x_final = _final(x_input_node, ax, aggr)
    return (x_final, eout)

# --- scband reference (transcript-rebuilt; emitter-appended) ---
"""Pipeline reference for scband-standalone-gated-gcnlayer-56014963475030 (READ-ONLY COPY).

The authoritative reference and input builder live on the scoring server;
editing this copy changes nothing except your own understanding.
"""

import jax, jax.numpy as jnp
import numpy as np

N = 10000
E = 320000
DN = 128
DE = 16
DO = 128


def setup_inputs(seed: int = 0) -> dict:
    key = jax.random.key(seed)
    ks = jax.random.split(key, 12)
    x_input_node = jax.random.normal(ks[0], (N, DN), dtype=jnp.float32)
    edge_index = jax.random.randint(ks[1], (2, E), 0, N, dtype=jnp.int64)
    edge_input_attr = jax.random.normal(ks[2], (E, DE), dtype=jnp.float32)
    s = lambda k, shp: jax.random.normal(k, shp, dtype=jnp.float32) * 0.05
    return {
        "x_input_node": x_input_node,
        "edge_index": edge_index,
        "edge_input_attr": edge_input_attr,
        "A_w": s(ks[3], (DO, DN)), "A_b": jnp.zeros((DO,), jnp.float32),
        "B_w": s(ks[4], (DO, DN)), "B_b": jnp.zeros((DO,), jnp.float32),
        "C_w": s(ks[5], (DO, DE)), "C_b": jnp.zeros((DO,), jnp.float32),
        "D_w": s(ks[6], (DO, DN)), "D_b": jnp.zeros((DO,), jnp.float32),
        "E_w": s(ks[7], (DO, DN)), "E_b": jnp.zeros((DO,), jnp.float32),
        "res_e_w": s(ks[8], (DO, DE)),
    }


def reference(x_input_node, edge_index, edge_input_attr,
              A_w, A_b, B_w, B_b, C_w, C_b, D_w, D_b, E_w, E_b, res_e_w):
    # Linear projections (torch Linear: y = x @ W.T + b)
    Ax = x_input_node @ A_w.T + A_b
    Bx = x_input_node @ B_w.T + B_b
    Ce = edge_input_attr @ C_w.T + C_b
    Dx = x_input_node @ D_w.T + D_b
    Ex = x_input_node @ E_w.T + E_b

    row = edge_index[0]
    col = edge_index[1]

    # gated edge features
    dx_i = jnp.take(Dx, row, axis=0)
    ex_j = jnp.take(Ex, col, axis=0)
    e_ij = dx_i + ex_j + Ce
    sigma_ij = jax.nn.sigmoid(e_ij)

    # message passing: scatter-add over destination (row), aggr='add'
    msg_j = sigma_ij * jnp.take(Bx, col, axis=0)
    aggr_out = jax.ops.segment_sum(msg_j, row, num_segments=N)

    x_transformed = Ax + aggr_out
    edge_attr_transformed = e_ij

    # no batchnorm (batchnorm_enabled=False); activation relu; dropout=0.0 (eval)
    x_transformed = jax.nn.relu(x_transformed)
    edge_attr_transformed = jax.nn.relu(edge_attr_transformed)

    # residual: node dims match (identity); edge dims differ (linear proj, no bias)
    x_final = x_input_node + x_transformed
    edge_attr_final = edge_input_attr @ res_e_w.T + edge_attr_transformed

    # ffn_enabled=False
    return (x_final, edge_attr_final)

if __name__ == "__main__":
    import jax
    _d = setup_inputs()
    print(jax.jit(kernel)(*tuple(_d.values())))

</pallas_src>

<mosaic_0001>
#map = affine_map<(d0, d1) -> (0)>
#map1 = affine_map<(d0, d1) -> (0, 0)>
#map2 = affine_map<(d0, d1) -> (0, 0, 0)>
module attributes {stable_mosaic.version = 14 : i64} {
  func.func @_sc_edge_body(%arg0: i32, %arg1: i32, %arg2: memref<320000xi32, #tpu.memory_space<hbm>>, %arg3: memref<320000xi32, #tpu.memory_space<hbm>>, %arg4: memref<10000x128xf32, #tpu.memory_space<hbm>>, %arg5: memref<10000x256xf32, #tpu.memory_space<hbm>>, %arg6: memref<320000x256xf32, #tpu.memory_space<hbm>>, %arg7: memref<320000x128xf32, #tpu.memory_space<hbm>>, %arg8: memref<2x10000x128xf32, #tpu.memory_space<hbm>>, %arg9: memref<16xi32, #tpu.memory_space<vmem>>, %arg10: memref<16xi32, #tpu.memory_space<vmem>>, %arg11: memref<16xi32, #tpu.memory_space<vmem>>, %arg12: memref<16xi32, #tpu.memory_space<vmem>>, %arg13: memref<2x16x128xf32, #tpu.memory_space<vmem>>, %arg14: memref<2x16x256xf32, #tpu.memory_space<vmem>>, %arg15: memref<2x16x256xf32, #tpu.memory_space<vmem>>, %arg16: memref<16x128xf32, #tpu.memory_space<vmem>>, %arg17: memref<16x128xf32, #tpu.memory_space<vmem>>, %arg18: memref<10000x128xf32, #tpu.memory_space<vmem_shared>>, %arg19: memref<!tpu.dma_semaphore, #tpu.memory_space<semaphore_mem>>, %arg20: memref<!tpu.dma_semaphore, #tpu.memory_space<semaphore_mem>>, %arg21: memref<!tpu.dma_semaphore, #tpu.memory_space<semaphore_mem>>) attributes {dimension_semantics = [#tpu.dimension_semantics<core_parallel>, #tpu.dimension_semantics<subcore_parallel>], iteration_bounds = array<i64: 2, 16>, scalar_prefetch = 0 : i64, scratch_operands = 13 : i64, tpu.core_type = #tpu.core_type<sc_vector_subcore>, window_params = [{transform_indices = #map}, {transform_indices = #map}, {transform_indices = #map1}, {transform_indices = #map1}, {transform_indices = #map1}, {transform_indices = #map1}, {transform_indices = #map2}]} {
    %mul3A = arith.constant 2 : i32
    %mul3A_0 = arith.muli %arg1, %mul3A : i32
    %add3A = arith.addi %mul3A_0, %arg0 : i32
    %mul3A_1 = arith.constant 10000 : i32
    %mul3A_2 = arith.muli %add3A, %mul3A_1 : i32
    %broadcast_in_dim3A = arith.constant 0.000000e+00 : f32
    %broadcast_in_dim3A_3 = vector.broadcast %broadcast_in_dim3A : f32 to vector<16xf32>
    %scan3A = arith.constant 0 : i32
    %scan3A_4 = arith.constant 0 : i32
    %scan3A_5 = arith.constant 16 : i32
    %scan3A_6 = arith.addi %scan3A_4, %scan3A_5 : i32
    %scan3A_7 = arith.constant 1 : i32
    %scan3A_8 = scf.for %scan3A_322 = %scan3A_4 to %scan3A_6 step %scan3A_7 iter_args(%scan3A_323 = %scan3A) -> (i32)  : i32 {
      %swap3A = arith.index_cast %scan3A_322 : i32 to index
      %swap3A_324 = arith.constant 0 : index
      %swap3A_325 = tpu.vector_load %arg17[%swap3A, %swap3A_324] {strides = array<i32>} : memref<16x128xf32, #tpu.memory_space<vmem>>, vector<1x16xf32>,
      %swap3A_326 = vector.shape_cast %swap3A_325 : vector<1x16xf32> to vector<16xf32>
      %swap3A_327 = vector.shape_cast %broadcast_in_dim3A_3 : vector<16xf32> to vector<1x16xf32>
      tpu.vector_store %arg17[%swap3A, %swap3A_324], %swap3A_327 {strides = array<i32>} : memref<16x128xf32, #tpu.memory_space<vmem>>, vector<1x16xf32>,
      %swap3A_328 = arith.index_cast %scan3A_322 : i32 to index
      %swap3A_329 = arith.constant 16 : index
      %swap3A_330 = tpu.vector_load %arg17[%swap3A_328, %swap3A_329] {strides = array<i32>} : memref<16x128xf32, #tpu.memory_space<vmem>>, vector<1x16xf32>,
      %swap3A_331 = vector.shape_cast %swap3A_330 : vector<1x16xf32> to vector<16xf32>
      %swap3A_332 = vector.shape_cast %broadcast_in_dim3A_3 : vector<16xf32> to vector<1x16xf32>
      tpu.vector_store %arg17[%swap3A_328, %swap3A_329], %swap3A_332 {strides = array<i32>} : memref<16x128xf32, #tpu.memory_space<vmem>>, vector<1x16xf32>,
      %swap3A_333 = arith.index_cast %scan3A_322 : i32 to index
      %swap3A_334 = arith.constant 32 : index
      %swap3A_335 = tpu.vector_load %arg17[%swap3A_333, %swap3A_334] {strides = array<i32>} : memref<16x128xf32, #tpu.memory_space<vmem>>, vector<1x16xf32>,
      %swap3A_336 = vector.shape_cast %swap3A_335 : vector<1x16xf32> to vector<16xf32>
      %swap3A_337 = vector.shape_cast %broadcast_in_dim3A_3 : vector<16xf32> to vector<1x16xf32>
      tpu.vector_store %arg17[%swap3A_333, %swap3A_334], %swap3A_337 {strides = array<i32>} : memref<16x128xf32, #tpu.memory_space<vmem>>, vector<1x16xf32>,
      %swap3A_338 = arith.index_cast %scan3A_322 : i32 to index
      %swap3A_339 = arith.constant 48 : index
      %swap3A_340 = tpu.vector_load %arg17[%swap3A_338, %swap3A_339] {strides = array<i32>} : memref<16x128xf32, #tpu.memory_space<vmem>>, vector<1x16xf32>,
      %swap3A_341 = vector.shape_cast %swap3A_340 : vector<1x16xf32> to vector<16xf32>
      %swap3A_342 = vector.shape_cast %broadcast_in_dim3A_3 : vector<16xf32> to vector<1x16xf32>
      tpu.vector_store %arg17[%swap3A_338, %swap3A_339], %swap3A_342 {strides = array<i32>} : memref<16x128xf32, #tpu.memory_space<vmem>>, vector<1x16xf32>,
      %swap3A_343 = arith.index_cast %scan3A_322 : i32 to index
      %swap3A_344 = arith.constant 64 : index
      %swap3A_345 = tpu.vector_load %arg17[%swap3A_343, %swap3A_344] {strides = array<i32>} : memref<16x128xf32, #tpu.memory_space<vmem>>, vector<1x16xf32>,
      %swap3A_346 = vector.shape_cast %swap3A_345 : vector<1x16xf32> to vector<16xf32>
      %swap3A_347 = vector.shape_cast %broadcast_in_dim3A_3 : vector<16xf32> to vector<1x16xf32>
      tpu.vector_store %arg17[%swap3A_343, %swap3A_344], %swap3A_347 {strides = array<i32>} : memref<16x128xf32, #tpu.memory_space<vmem>>, vector<1x16xf32>,
      %swap3A_348 = arith.index_cast %scan3A_322 : i32 to index
      %swap3A_349 = arith.constant 80 : index
      %swap3A_350 = tpu.vector_load %arg17[%swap3A_348, %swap3A_349] {strides = array<i32>} : memref<16x128xf32, #tpu.memory_space<vmem>>, vector<1x16xf32>,
      %swap3A_351 = vector.shape_cast %swap3A_350 : vector<1x16xf32> to vector<16xf32>
      %swap3A_352 = vector.shape_cast %broadcast_in_dim3A_3 : vector<16xf32> to vector<1x16xf32>
      tpu.vector_store %arg17[%swap3A_348, %swap3A_349], %swap3A_352 {strides = array<i32>} : memref<16x128xf32, #tpu.memory_space<vmem>>, vector<1x16xf32>,
      %swap3A_353 = arith.index_cast %scan3A_322 : i32 to index
      %swap3A_354 = arith.constant 96 : index
      %swap3A_355 = tpu.vector_load %arg17[%swap3A_353, %swap3A_354] {strides = array<i32>} : memref<16x128xf32, #tpu.memory_space<vmem>>, vector<1x16xf32>,
      %swap3A_356 = vector.shape_cast %swap3A_355 : vector<1x16xf32> to vector<16xf32>
      %swap3A_357 = vector.shape_cast %broadcast_in_dim3A_3 : vector<16xf32> to vector<1x16xf32>
      tpu.vector_store %arg17[%swap3A_353, %swap3A_354], %swap3A_357 {strides = array<i32>} : memref<16x128xf32, #tpu.memory_space<vmem>>, vector<1x16xf32>,
      %swap3A_358 = arith.index_cast %scan3A_322 : i32 to index
      %swap3A_359 = arith.constant 112 : index
      %swap3A_360 = tpu.vector_load %arg17[%swap3A_358, %swap3A_359] {strides = array<i32>} : memref<16x128xf32, #tpu.memory_space<vmem>>, vector<1x16xf32>,
      %swap3A_361 = vector.shape_cast %swap3A_360 : vector<1x16xf32> to vector<16xf32>
      %swap3A_362 = vector.shape_cast %broadcast_in_dim3A_3 : vector<16xf32> to vector<1x16xf32>
      tpu.vector_store %arg17[%swap3A_358, %swap3A_359], %swap3A_362 {strides = array<i32>} : memref<16x128xf32, #tpu.memory_space<vmem>>, vector<1x16xf32>,
      %scan3A_363 = arith.constant 0 : i32
      scf.yield %scan3A_363 : i32
    }
    %scan3A_9 = arith.constant 16 : i32
    %mul3A_10 = arith.constant 624 : i32
    %mul3A_11 = arith.muli %arg1, %mul3A_10 : i32
    %add3A_12 = arith.constant 0 : i32
    %add3A_13 = arith.addi %mul3A_11, %add3A_12 : i32
    "tpu.region"() ({
      %run_scoped3A = tpu.sem_alloc : memref<!tpu.dma_semaphore, #tpu.memory_space<semaphore_mem>>
      %dma_start3A_322 = arith.constant 0 : i32
      %dma_start3A_323 = tpu.memref_slice %arg18[%add3A_13, %dma_start3A_322] : memref<10000x128xf32, #tpu.memory_space<vmem_shared>> -> memref<16x128xf32, #tpu.memory_space<vmem_shared>>
      %dma_start3A_324 = arith.constant 0 : i32
      %dma_start3A_325 = tpu.memref_slice %arg18[%add3A_13, %dma_start3A_324] : memref<10000x128xf32, #tpu.memory_space<vmem_shared>> -> memref<16x128xf32, #tpu.memory_space<vmem_shared>>
      tpu.enqueue_dma source(%arg17 : memref<16x128xf32, #tpu.memory_space<vmem>>) target(%dma_start3A_325 : memref<16x128xf32, #tpu.memory_space<vmem_shared>>) target_semaphore(%run_scoped3A : memref<!tpu.dma_semaphore, #tpu.memory_space<semaphore_mem>>)
      %dma_wait3A_326 = arith.constant 0 : i32
      %dma_wait3A_327 = tpu.memref_slice %arg18[%add3A_13, %dma_wait3A_326] : memref<10000x128xf32, #tpu.memory_space<vmem_shared>> -> memref<16x128xf32, #tpu.memory_space<vmem_shared>>
      %dma_wait3A_328 = arith.constant 0 : i32
      %dma_wait3A_329 = tpu.memref_slice %arg18[%add3A_13, %dma_wait3A_328] : memref<10000x128xf32, #tpu.memory_space<vmem_shared>> -> memref<16x128xf32, #tpu.memory_space<vmem_shared>>
      tpu.wait_dma2 semaphore(%run_scoped3A : memref<!tpu.dma_semaphore, #tpu.memory_space<semaphore_mem>>) src(%arg17 : memref<16x128xf32, #tpu.memory_space<vmem>>) dst(%dma_wait3A_329 : memref<16x128xf32, #tpu.memory_space<vmem_shared>>)
      tpu.yield
    }) : () -> ()
    %mul3A_14 = arith.constant 624 : i32
    %mul3A_15 = arith.muli %arg1, %mul3A_14 : i32
    %add3A_16 = arith.constant 16 : i32
    %add3A_17 = arith.addi %mul3A_15, %add3A_16 : i32
    "tpu.region"() ({
      %run_scoped3A = tpu.sem_alloc : memref<!tpu.dma_semaphore, #tpu.memory_space<semaphore_mem>>
      %dma_start3A_322 = arith.constant 0 : i32
      %dma_start3A_323 = tpu.memref_slice %arg18[%add3A_17, %dma_start3A_322] : memref<10000x128xf32, #tpu.memory_space<vmem_shared>> -> memref<16x128xf32, #tpu.memory_space<vmem_shared>>
      %dma_start3A_324 = arith.constant 0 : i32
      %dma_start3A_325 = tpu.memref_slice %arg18[%add3A_17, %dma_start3A_324] : memref<10000x128xf32, #tpu.memory_space<vmem_shared>> -> memref<16x128xf32, #tpu.memory_space<vmem_shared>>
      tpu.enqueue_dma source(%arg17 : memref<16x128xf32, #tpu.memory_space<vmem>>) target(%dma_start3A_325 : memref<16x128xf32, #tpu.memory_space<vmem_shared>>) target_semaphore(%run_scoped3A : memref<!tpu.dma_semaphore, #tpu.memory_space<semaphore_mem>>)
      %dma_wait3A_326 = arith.constant 0 : i32
      %dma_wait3A_327 = tpu.memref_slice %arg18[%add3A_17, %dma_wait3A_326] : memref<10000x128xf32, #tpu.memory_space<vmem_shared>> -> memref<16x128xf32, #tpu.memory_space<vmem_shared>>
      %dma_wait3A_328 = arith.constant 0 : i32
      %dma_wait3A_329 = tpu.memref_slice %arg18[%add3A_17, %dma_wait3A_328] : memref<10000x128xf32, #tpu.memory_space<vmem_shared>> -> memref<16x128xf32, #tpu.memory_space<vmem_shared>>
      tpu.wait_dma2 semaphore(%run_scoped3A : memref<!tpu.dma_semaphore, #tpu.memory_space<semaphore_mem>>) src(%arg17 : memref<16x128xf32, #tpu.memory_space<vmem>>) dst(%dma_wait3A_329 : memref<16x128xf32, #tpu.memory_space<vmem_shared>>)
      tpu.yield
    }) : () -> ()
    %mul3A_18 = arith.constant 624 : i32
    %mul3A_19 = arith.muli %arg1, %mul3A_18 : i32
    %add3A_20 = arith.constant 32 : i32
    %add3A_21 = arith.addi %mul3A_19, %add3A_20 : i32
    "tpu.region"() ({
      %run_scoped3A = tpu.sem_alloc : memref<!tpu.dma_semaphore, #tpu.memory_space<semaphore_mem>>
      %dma_start3A_322 = arith.constant 0 : i32
      %dma_start3A_323 = tpu.memref_slice %arg18[%add3A_21, %dma_start3A_322] : memref<10000x128xf32, #tpu.memory_space<vmem_shared>> -> memref<16x128xf32, #tpu.memory_space<vmem_shared>>
      %dma_start3A_324 = arith.constant 0 : i32
      %dma_start3A_325 = tpu.memref_slice %arg18[%add3A_21, %dma_start3A_324] : memref<10000x128xf32, #tpu.memory_space<vmem_shared>> -> memref<16x128xf32, #tpu.memory_space<vmem_shared>>
      tpu.enqueue_dma source(%arg17 : memref<16x128xf32, #tpu.memory_space<vmem>>) target(%dma_start3A_325 : memref<16x128xf32, #tpu.memory_space<vmem_shared>>) target_semaphore(%run_scoped3A : memref<!tpu.dma_semaphore, #tpu.memory_space<semaphore_mem>>)
      %dma_wait3A_326 = arith.constant 0 : i32
      %dma_wait3A_327 = tpu.memref_slice %arg18[%add3A_21, %dma_wait3A_326] : memref<10000x128xf32, #tpu.memory_space<vmem_shared>> -> memref<16x128xf32, #tpu.memory_space<vmem_shared>>
      %dma_wait3A_328 = arith.constant 0 : i32
      %dma_wait3A_329 = tpu.memref_slice %arg18[%add3A_21, %dma_wait3A_328] : memref<10000x128xf32, #tpu.memory_space<vmem_shared>> -> memref<16x128xf32, #tpu.memory_space<vmem_shared>>
      tpu.wait_dma2 semaphore(%run_scoped3A : memref<!tpu.dma_semaphore, #tpu.memory_space<semaphore_mem>>) src(%arg17 : memref<16x128xf32, #tpu.memory_space<vmem>>) dst(%dma_wait3A_329 : memref<16x128xf32, #tpu.memory_space<vmem_shared>>)
      tpu.yield
    }) : () -> ()
    %mul3A_22 = arith.constant 624 : i32
    %mul3A_23 = arith.muli %arg1, %mul3A_22 : i32
    %add3A_24 = arith.constant 48 : i32
    %add3A_25 = arith.addi %mul3A_23, %add3A_24 : i32
    "tpu.region"() ({
      %run_scoped3A = tpu.sem_alloc : memref<!tpu.dma_semaphore, #tpu.memory_space<semaphore_mem>>
      %dma_start3A_322 = arith.constant 0 : i32
      %dma_start3A_323 = tpu.memref_slice %arg18[%add3A_25, %dma_start3A_322] : memref<10000x128xf32, #tpu.memory_space<vmem_shared>> -> memref<16x128xf32, #tpu.memory_space<vmem_shared>>
      %dma_start3A_324 = arith.constant 0 : i32
      %dma_start3A_325 = tpu.memref_slice %arg18[%add3A_25, %dma_start3A_324] : memref<10000x128xf32, #tpu.memory_space<vmem_shared>> -> memref<16x128xf32, #tpu.memory_space<vmem_shared>>
      tpu.enqueue_dma source(%arg17 : memref<16x128xf32, #tpu.memory_space<vmem>>) target(%dma_start3A_325 : memref<16x128xf32, #tpu.memory_space<vmem_shared>>) target_semaphore(%run_scoped3A : memref<!tpu.dma_semaphore, #tpu.memory_space<semaphore_mem>>)
      %dma_wait3A_326 = arith.constant 0 : i32
      %dma_wait3A_327 = tpu.memref_slice %arg18[%add3A_25, %dma_wait3A_326] : memref<10000x128xf32, #tpu.memory_space<vmem_shared>> -> memref<16x128xf32, #tpu.memory_space<vmem_shared>>
      %dma_wait3A_328 = arith.constant 0 : i32
      %dma_wait3A_329 = tpu.memref_slice %arg18[%add3A_25, %dma_wait3A_328] : memref<10000x128xf32, #tpu.memory_space<vmem_shared>> -> memref<16x128xf32, #tpu.memory_space<vmem_shared>>
      tpu.wait_dma2 semaphore(%run_scoped3A : memref<!tpu.dma_semaphore, #tpu.memory_space<semaphore_mem>>) src(%arg17 : memref<16x128xf32, #tpu.memory_space<vmem>>) dst(%dma_wait3A_329 : memref<16x128xf32, #tpu.memory_space<vmem_shared>>)
      tpu.yield
    }) : () -> ()
    %mul3A_26 = arith.constant 624 : i32
    %mul3A_27 = arith.muli %arg1, %mul3A_26 : i32
    %add3A_28 = arith.constant 64 : i32
    %add3A_29 = arith.addi %mul3A_27, %add3A_28 : i32
    "tpu.region"() ({
      %run_scoped3A = tpu.sem_alloc : memref<!tpu.dma_semaphore, #tpu.memory_space<semaphore_mem>>
      %dma_start3A_322 = arith.constant 0 : i32
      %dma_start3A_323 = tpu.memref_slice %arg18[%add3A_29, %dma_start3A_322] : memref<10000x128xf32, #tpu.memory_space<vmem_shared>> -> memref<16x128xf32, #tpu.memory_space<vmem_shared>>
      %dma_start3A_324 = arith.constant 0 : i32
      %dma_start3A_325 = tpu.memref_slice %arg18[%add3A_29, %dma_start3A_324] : memref<10000x128xf32, #tpu.memory_space<vmem_shared>> -> memref<16x128xf32, #tpu.memory_space<vmem_shared>>
      tpu.enqueue_dma source(%arg17 : memref<16x128xf32, #tpu.memory_space<vmem>>) target(%dma_start3A_325 : memref<16x128xf32, #tpu.memory_space<vmem_shared>>) target_semaphore(%run_scoped3A : memref<!tpu.dma_semaphore, #tpu.memory_space<semaphore_mem>>)
      %dma_wait3A_326 = arith.constant 0 : i32
      %dma_wait3A_327 = tpu.memref_slice %arg18[%add3A_29, %dma_wait3A_326] : memref<10000x128xf32, #tpu.memory_space<vmem_shared>> -> memref<16x128xf32, #tpu.memory_space<vmem_shared>>
      %dma_wait3A_328 = arith.constant 0 : i32
      %dma_wait3A_329 = tpu.memref_slice %arg18[%add3A_29, %dma_wait3A_328] : memref<10000x128xf32, #tpu.memory_space<vmem_shared>> -> memref<16x128xf32, #tpu.memory_space<vmem_shared>>
      tpu.wait_dma2 semaphore(%run_scoped3A : memref<!tpu.dma_semaphore, #tpu.memory_space<semaphore_mem>>) src(%arg17 : memref<16x128xf32, #tpu.memory_space<vmem>>) dst(%dma_wait3A_329 : memref<16x128xf32, #tpu.memory_space<vmem_shared>>)
      tpu.yield
    }) : () -> ()
    %mul3A_30 = arith.constant 624 : i32
    %mul3A_31 = arith.muli %arg1, %mul3A_30 : i32
    %add3A_32 = arith.constant 80 : i32
    %add3A_33 = arith.addi %mul3A_31, %add3A_32 : i32
    "tpu.region"() ({
      %run_scoped3A = tpu.sem_alloc : memref<!tpu.dma_semaphore, #tpu.memory_space<semaphore_mem>>
      %dma_start3A_322 = arith.constant 0 : i32
      %dma_start3A_323 = tpu.memref_slice %arg18[%add3A_33, %dma_start3A_322] : memref<10000x128xf32, #tpu.memory_space<vmem_shared>> -> memref<16x128xf32, #tpu.memory_space<vmem_shared>>
      %dma_start3A_324 = arith.constant 0 : i32
      %dma_start3A_325 = tpu.memref_slice %arg18[%add3A_33, %dma_start3A_324] : memref<10000x128xf32, #tpu.memory_space<vmem_shared>> -> memref<16x128xf32, #tpu.memory_space<vmem_shared>>
      tpu.enqueue_dma source(%arg17 : memref<16x128xf32, #tpu.memory_space<vmem>>) target(%dma_start3A_325 : memref<16x128xf32, #tpu.memory_space<vmem_shared>>) target_semaphore(%run_scoped3A : memref<!tpu.dma_semaphore, #tpu.memory_space<semaphore_mem>>)
      %dma_wait3A_326 = arith.constant 0 : i32
      %dma_wait3A_327 = tpu.memref_slice %arg18[%add3A_33, %dma_wait3A_326] : memref<10000x128xf32, #tpu.memory_space<vmem_shared>> -> memref<16x128xf32, #tpu.memory_space<vmem_shared>>
      %dma_wait3A_328 = arith.constant 0 : i32
      %dma_wait3A_329 = tpu.memref_slice %arg18[%add3A_33, %dma_wait3A_328] : memref<10000x128xf32, #tpu.memory_space<vmem_shared>> -> memref<16x128xf32, #tpu.memory_space<vmem_shared>>
      tpu.wait_dma2 semaphore(%run_scoped3A : memref<!tpu.dma_semaphore, #tpu.memory_space<semaphore_mem>>) src(%arg17 : memref<16x128xf32, #tpu.memory_space<vmem>>) dst(%dma_wait3A_329 : memref<16x128xf32, #tpu.memory_space<vmem_shared>>)
      tpu.yield
    }) : () -> ()
    %mul3A_34 = arith.constant 624 : i32
    %mul3A_35 = arith.muli %arg1, %mul3A_34 : i32
    %add3A_36 = arith.constant 96 : i32
    %add3A_37 = arith.addi %mul3A_35, %add3A_36 : i32
    "tpu.region"() ({
      %run_scoped3A = tpu.sem_alloc : memref<!tpu.dma_semaphore, #tpu.memory_space<semaphore_mem>>
      %dma_start3A_322 = arith.constant 0 : i32
      %dma_start3A_323 = tpu.memref_slice %arg18[%add3A_37, %dma_start3A_322] : memref<10000x128xf32, #tpu.memory_space<vmem_shared>> -> memref<16x128xf32, #tpu.memory_space<vmem_shared>>
      %dma_start3A_324 = arith.constant 0 : i32
      %dma_start3A_325 = tpu.memref_slice %arg18[%add3A_37, %dma_start3A_324] : memref<10000x128xf32, #tpu.memory_space<vmem_shared>> -> memref<16x128xf32, #tpu.memory_space<vmem_shared>>
      tpu.enqueue_dma source(%arg17 : memref<16x128xf32, #tpu.memory_space<vmem>>) target(%dma_start3A_325 : memref<16x128xf32, #tpu.memory_space<vmem_shared>>) target_semaphore(%run_scoped3A : memref<!tpu.dma_semaphore, #tpu.memory_space<semaphore_mem>>)
      %dma_wait3A_326 = arith.constant 0 : i32
      %dma_wait3A_327 = tpu.memref_slice %arg18[%add3A_37, %dma_wait3A_326] : memref<10000x128xf32, #tpu.memory_space<vmem_shared>> -> memref<16x128xf32, #tpu.memory_space<vmem_shared>>
      %dma_wait3A_328 = arith.constant 0 : i32
      %dma_wait3A_329 = tpu.memref_slice %arg18[%add3A_37, %dma_wait3A_328] : memref<10000x128xf32, #tpu.memory_space<vmem_shared>> -> memref<16x128xf32, #tpu.memory_space<vmem_shared>>
      tpu.wait_dma2 semaphore(%run_scoped3A : memref<!tpu.dma_semaphore, #tpu.memory_space<semaphore_mem>>) src(%arg17 : memref<16x128xf32, #tpu.memory_space<vmem>>) dst(%dma_wait3A_329 : memref<16x128xf32, #tpu.memory_space<vmem_shared>>)
      tpu.yield
    }) : () -> ()
    %mul3A_38 = arith.constant 624 : i32
    %mul3A_39 = arith.muli %arg1, %mul3A_38 : i32
    %add3A_40 = arith.constant 112 : i32
    %add3A_41 = arith.addi %mul3A_39, %add3A_40 : i32
    "tpu.region"() ({
      %run_scoped3A = tpu.sem_alloc : memref<!tpu.dma_semaphore, #tpu.memory_space<semaphore_mem>>
      %dma_start3A_322 = arith.constant 0 : i32
      %dma_start3A_323 = tpu.memref_slice %arg18[%add3A_41, %dma_start3A_322] : memref<10000x128xf32, #tpu.memory_space<vmem_shared>> -> memref<16x128xf32, #tpu.memory_space<vmem_shared>>
      %dma_start3A_324 = arith.constant 0 : i32
      %dma_start3A_325 = tpu.memref_slice %arg18[%add3A_41, %dma_start3A_324] : memref<10000x128xf32, #tpu.memory_space<vmem_shared>> -> memref<16x128xf32, #tpu.memory_space<vmem_shared>>
      tpu.enqueue_dma source(%arg17 : memref<16x128xf32, #tpu.memory_space<vmem>>) target(%dma_start3A_325 : memref<16x128xf32, #tpu.memory_space<vmem_shared>>) target_semaphore(%run_scoped3A : memref<!tpu.dma_semaphore, #tpu.memory_space<semaphore_mem>>)
      %dma_wait3A_326 = arith.constant 0 : i32
      %dma_wait3A_327 = tpu.memref_slice %arg18[%add3A_41, %dma_wait3A_326] : memref<10000x128xf32, #tpu.memory_space<vmem_shared>> -> memref<16x128xf32, #tpu.memory_space<vmem_shared>>
      %dma_wait3A_328 = arith.constant 0 : i32
      %dma_wait3A_329 = tpu.memref_slice %arg18[%add3A_41, %dma_wait3A_328] : memref<10000x128xf32, #tpu.memory_space<vmem_shared>> -> memref<16x128xf32, #tpu.memory_space<vmem_shared>>
      tpu.wait_dma2 semaphore(%run_scoped3A : memref<!tpu.dma_semaphore, #tpu.memory_space<semaphore_mem>>) src(%arg17 : memref<16x128xf32, #tpu.memory_space<vmem>>) dst(%dma_wait3A_329 : memref<16x128xf32, #tpu.memory_space<vmem_shared>>)
      tpu.yield
    }) : () -> ()
    %mul3A_42 = arith.constant 624 : i32
    %mul3A_43 = arith.muli %arg1, %mul3A_42 : i32
    %add3A_44 = arith.constant 128 : i32
    %add3A_45 = arith.addi %mul3A_43, %add3A_44 : i32
    "tpu.region"() ({
      %run_scoped3A = tpu.sem_alloc : memref<!tpu.dma_semaphore, #tpu.memory_space<semaphore_mem>>
      %dma_start3A_322 = arith.constant 0 : i32
      %dma_start3A_323 = tpu.memref_slice %arg18[%add3A_45, %dma_start3A_322] : memref<10000x128xf32, #tpu.memory_space<vmem_shared>> -> memref<16x128xf32, #tpu.memory_space<vmem_shared>>
      %dma_start3A_324 = arith.constant 0 : i32
      %dma_start3A_325 = tpu.memref_slice %arg18[%add3A_45, %dma_start3A_324] : memref<10000x128xf32, #tpu.memory_space<vmem_shared>> -> memref<16x128xf32, #tpu.memory_space<vmem_shared>>
      tpu.enqueue_dma source(%arg17 : memref<16x128xf32, #tpu.memory_space<vmem>>) target(%dma_start3A_325 : memref<16x128xf32, #tpu.memory_space<vmem_shared>>) target_semaphore(%run_scoped3A : memref<!tpu.dma_semaphore, #tpu.memory_space<semaphore_mem>>)
      %dma_wait3A_326 = arith.constant 0 : i32
      %dma_wait3A_327 = tpu.memref_slice %arg18[%add3A_45, %dma_wait3A_326] : memref<10000x128xf32, #tpu.memory_space<vmem_shared>> -> memref<16x128xf32, #tpu.memory_space<vmem_shared>>
      %dma_wait3A_328 = arith.constant 0 : i32
      %dma_wait3A_329 = tpu.memref_slice %arg18[%add3A_45, %dma_wait3A_328] : memref<10000x128xf32, #tpu.memory_space<vmem_shared>> -> memref<16x128xf32, #tpu.memory_space<vmem_shared>>
      tpu.wait_dma2 semaphore(%run_scoped3A : memref<!tpu.dma_semaphore, #tpu.memory_space<semaphore_mem>>) src(%arg17 : memref<16x128xf32, #tpu.memory_space<vmem>>) dst(%dma_wait3A_329 : memref<16x128xf32, #tpu.memory_space<vmem_shared>>)
      tpu.yield
    }) : () -> ()
    %mul3A_46 = arith.constant 624 : i32
    %mul3A_47 = arith.muli %arg1, %mul3A_46 : i32
    %add3A_48 = arith.constant 144 : i32
    %add3A_49 = arith.addi %mul3A_47, %add3A_48 : i32
    "tpu.region"() ({
      %run_scoped3A = tpu.sem_alloc : memref<!tpu.dma_semaphore, #tpu.memory_space<semaphore_mem>>
      %dma_start3A_322 = arith.constant 0 : i32
      %dma_start3A_323 = tpu.memref_slice %arg18[%add3A_49, %dma_start3A_322] : memref<10000x128xf32, #tpu.memory_space<vmem_shared>> -> memref<16x128xf32, #tpu.memory_space<vmem_shared>>
      %dma_start3A_324 = arith.constant 0 : i32
      %dma_start3A_325 = tpu.memref_slice %arg18[%add3A_49, %dma_start3A_324] : memref<10000x128xf32, #tpu.memory_space<vmem_shared>> -> memref<16x128xf32, #tpu.memory_space<vmem_shared>>
      tpu.enqueue_dma source(%arg17 : memref<16x128xf32, #tpu.memory_space<vmem>>) target(%dma_start3A_325 : memref<16x128xf32, #tpu.memory_space<vmem_shared>>) target_semaphore(%run_scoped3A : memref<!tpu.dma_semaphore, #tpu.memory_space<semaphore_mem>>)
      %dma_wait3A_326 = arith.constant 0 : i32
      %dma_wait3A_327 = tpu.memref_slice %arg18[%add3A_49, %dma_wait3A_326] : memref<10000x128xf32, #tpu.memory_space<vmem_shared>> -> memref<16x128xf32, #tpu.memory_space<vmem_shared>>
      %dma_wait3A_328 = arith.constant 0 : i32
      %dma_wait3A_329 = tpu.memref_slice %arg18[%add3A_49, %dma_wait3A_328] : memref<10000x128xf32, #tpu.memory_space<vmem_shared>> -> memref<16x128xf32, #tpu.memory_space<vmem_shared>>
      tpu.wait_dma2 semaphore(%run_scoped3A : memref<!tpu.dma_semaphore, #tpu.memory_space<semaphore_mem>>) src(%arg17 : memref<16x128xf32, #tpu.memory_space<vmem>>) dst(%dma_wait3A_329 : memref<16x128xf32, #tpu.memory_space<vmem_shared>>)
      tpu.yield
    }) : () -> ()
    %mul3A_50 = arith.constant 624 : i32
    %mul3A_51 = arith.muli %arg1, %mul3A_50 : i32
    %add3A_52 = arith.constant 160 : i32
    %add3A_53 = arith.addi %mul3A_51, %add3A_52 : i32
    "tpu.region"() ({
      %run_scoped3A = tpu.sem_alloc : memref<!tpu.dma_semaphore, #tpu.memory_space<semaphore_mem>>
      %dma_start3A_322 = arith.constant 0 : i32
      %dma_start3A_323 = tpu.memref_slice %arg18[%add3A_53, %dma_start3A_322] : memref<10000x128xf32, #tpu.memory_space<vmem_shared>> -> memref<16x128xf32, #tpu.memory_space<vmem_shared>>
      %dma_start3A_324 = arith.constant 0 : i32
      %dma_start3A_325 = tpu.memref_slice %arg18[%add3A_53, %dma_start3A_324] : memref<10000x128xf32, #tpu.memory_space<vmem_shared>> -> memref<16x128xf32, #tpu.memory_space<vmem_shared>>
      tpu.enqueue_dma source(%arg17 : memref<16x128xf32, #tpu.memory_space<vmem>>) target(%dma_start3A_325 : memref<16x128xf32, #tpu.memory_space<vmem_shared>>) target_semaphore(%run_scoped3A : memref<!tpu.dma_semaphore, #tpu.memory_space<semaphore_mem>>)
      %dma_wait3A_326 = arith.constant 0 : i32
      %dma_wait3A_327 = tpu.memref_slice %arg18[%add3A_53, %dma_wait3A_326] : memref<10000x128xf32, #tpu.memory_space<vmem_shared>> -> memref<16x128xf32, #tpu.memory_space<vmem_shared>>
      %dma_wait3A_328 = arith.constant 0 : i32
      %dma_wait3A_329 = tpu.memref_slice %arg18[%add3A_53, %dma_wait3A_328] : memref<10000x128xf32, #tpu.memory_space<vmem_shared>> -> memref<16x128xf32, #tpu.memory_space<vmem_shared>>
      tpu.wait_dma2 semaphore(%run_scoped3A : memref<!tpu.dma_semaphore, #tpu.memory_space<semaphore_mem>>) src(%arg17 : memref<16x128xf32, #tpu.memory_space<vmem>>) dst(%dma_wait3A_329 : memref<16x128xf32, #tpu.memory_space<vmem_shared>>)
      tpu.yield
    }) : () -> ()
    %mul3A_54 = arith.constant 624 : i32
    %mul3A_55 = arith.muli %arg1, %mul3A_54 : i32
    %add3A_56 = arith.constant 176 : i32
    %add3A_57 = arith.addi %mul3A_55, %add3A_56 : i32
    "tpu.region"() ({
      %run_scoped3A = tpu.sem_alloc : memref<!tpu.dma_semaphore, #tpu.memory_space<semaphore_mem>>
      %dma_start3A_322 = arith.constant 0 : i32
      %dma_start3A_323 = tpu.memref_slice %arg18[%add3A_57, %dma_start3A_322] : memref<10000x128xf32, #tpu.memory_space<vmem_shared>> -> memref<16x128xf32, #tpu.memory_space<vmem_shared>>
      %dma_start3A_324 = arith.constant 0 : i32
      %dma_start3A_325 = tpu.memref_slice %arg18[%add3A_57, %dma_start3A_324] : memref<10000x128xf32, #tpu.memory_space<vmem_shared>> -> memref<16x128xf32, #tpu.memory_space<vmem_shared>>
      tpu.enqueue_dma source(%arg17 : memref<16x128xf32, #tpu.memory_space<vmem>>) target(%dma_start3A_325 : memref<16x128xf32, #tpu.memory_space<vmem_shared>>) target_semaphore(%run_scoped3A : memref<!tpu.dma_semaphore, #tpu.memory_space<semaphore_mem>>)
      %dma_wait3A_326 = arith.constant 0 : i32
      %dma_wait3A_327 = tpu.memref_slice %arg18[%add3A_57, %dma_wait3A_326] : memref<10000x128xf32, #tpu.memory_space<vmem_shared>> -> memref<16x128xf32, #tpu.memory_space<vmem_shared>>
      %dma_wait3A_328 = arith.constant 0 : i32
      %dma_wait3A_329 = tpu.memref_slice %arg18[%add3A_57, %dma_wait3A_328] : memref<10000x128xf32, #tpu.memory_space<vmem_shared>> -> memref<16x128xf32, #tpu.memory_space<vmem_shared>>
      tpu.wait_dma2 semaphore(%run_scoped3A : memref<!tpu.dma_semaphore, #tpu.memory_space<semaphore_mem>>) src(%arg17 : memref<16x128xf32, #tpu.memory_space<vmem>>) dst(%dma_wait3A_329 : memref<16x128xf32, #tpu.memory_space<vmem_shared>>)
      tpu.yield
    }) : () -> ()
    %mul3A_58 = arith.constant 624 : i32
    %mul3A_59 = arith.muli %arg1, %mul3A_58 : i32
    %add3A_60 = arith.constant 192 : i32
    %add3A_61 = arith.addi %mul3A_59, %add3A_60 : i32
    "tpu.region"() ({
      %run_scoped3A = tpu.sem_alloc : memref<!tpu.dma_semaphore, #tpu.memory_space<semaphore_mem>>
      %dma_start3A_322 = arith.constant 0 : i32
      %dma_start3A_323 = tpu.memref_slice %arg18[%add3A_61, %dma_start3A_322] : memref<10000x128xf32, #tpu.memory_space<vmem_shared>> -> memref<16x128xf32, #tpu.memory_space<vmem_shared>>
      %dma_start3A_324 = arith.constant 0 : i32
      %dma_start3A_325 = tpu.memref_slice %arg18[%add3A_61, %dma_start3A_324] : memref<10000x128xf32, #tpu.memory_space<vmem_shared>> -> memref<16x128xf32, #tpu.memory_space<vmem_shared>>
      tpu.enqueue_dma source(%arg17 : memref<16x128xf32, #tpu.memory_space<vmem>>) target(%dma_start3A_325 : memref<16x128xf32, #tpu.memory_space<vmem_shared>>) target_semaphore(%run_scoped3A : memref<!tpu.dma_semaphore, #tpu.memory_space<semaphore_mem>>)
      %dma_wait3A_326 = arith.constant 0 : i32
      %dma_wait3A_327 = tpu.memref_slice %arg18[%add3A_61, %dma_wait3A_326] : memref<10000x128xf32, #tpu.memory_space<vmem_shared>> -> memref<16x128xf32, #tpu.memory_space<vmem_shared>>
      %dma_wait3A_328 = arith.constant 0 : i32
      %dma_wait3A_329 = tpu.memref_slice %arg18[%add3A_61, %dma_wait3A_328] : memref<10000x128xf32, #tpu.memory_space<vmem_shared>> -> memref<16x128xf32, #tpu.memory_space<vmem_shared>>
      tpu.wait_dma2 semaphore(%run_scoped3A : memref<!tpu.dma_semaphore, #tpu.memory_space<semaphore_mem>>) src(%arg17 : memref<16x128xf32, #tpu.memory_space<vmem>>) dst(%dma_wait3A_329 : memref<16x128xf32, #tpu.memory_space<vmem_shared>>)
      tpu.yield
    }) : () -> ()
    %mul3A_62 = arith.constant 624 : i32
    %mul3A_63 = arith.muli %arg1, %mul3A_62 : i32
    %add3A_64 = arith.constant 208 : i32
    %add3A_65 = arith.addi %mul3A_63, %add3A_64 : i32
    "tpu.region"() ({
      %run_scoped3A = tpu.sem_alloc : memref<!tpu.dma_semaphore, #tpu.memory_space<semaphore_mem>>
      %dma_start3A_322 = arith.constant 0 : i32
      %dma_start3A_323 = tpu.memref_slice %arg18[%add3A_65, %dma_start3A_322] : memref<10000x128xf32, #tpu.memory_space<vmem_shared>> -> memref<16x128xf32, #tpu.memory_space<vmem_shared>>
      %dma_start3A_324 = arith.constant 0 : i32
      %dma_start3A_325 = tpu.memref_slice %arg18[%add3A_65, %dma_start3A_324] : memref<10000x128xf32, #tpu.memory_space<vmem_shared>> -> memref<16x128xf32, #tpu.memory_space<vmem_shared>>
      tpu.enqueue_dma source(%arg17 : memref<16x128xf32, #tpu.memory_space<vmem>>) target(%dma_start3A_325 : memref<16x128xf32, #tpu.memory_space<vmem_shared>>) target_semaphore(%run_scoped3A : memref<!tpu.dma_semaphore, #tpu.memory_space<semaphore_mem>>)
      %dma_wait3A_326 = arith.constant 0 : i32
      %dma_wait3A_327 = tpu.memref_slice %arg18[%add3A_65, %dma_wait3A_326] : memref<10000x128xf32, #tpu.memory_space<vmem_shared>> -> memref<16x128xf32, #tpu.memory_space<vmem_shared>>
      %dma_wait3A_328 = arith.constant 0 : i32
      %dma_wait3A_329 = tpu.memref_slice %arg18[%add3A_65, %dma_wait3A_328] : memref<10000x128xf32, #tpu.memory_space<vmem_shared>> -> memref<16x128xf32, #tpu.memory_space<vmem_shared>>
      tpu.wait_dma2 semaphore(%run_scoped3A : memref<!tpu.dma_semaphore, #tpu.memory_space<semaphore_mem>>) src(%arg17 : memref<16x128xf32, #tpu.memory_space<vmem>>) dst(%dma_wait3A_329 : memref<16x128xf32, #tpu.memory_space<vmem_shared>>)
      tpu.yield
    }) : () -> ()
    %mul3A_66 = arith.constant 624 : i32
    %mul3A_67 = arith.muli %arg1, %mul3A_66 : i32
    %add3A_68 = arith.constant 224 : i32
    %add3A_69 = arith.addi %mul3A_67, %add3A_68 : i32
    "tpu.region"() ({
      %run_scoped3A = tpu.sem_alloc : memref<!tpu.dma_semaphore, #tpu.memory_space<semaphore_mem>>
      %dma_start3A_322 = arith.constant 0 : i32
      %dma_start3A_323 = tpu.memref_slice %arg18[%add3A_69, %dma_start3A_322] : memref<10000x128xf32, #tpu.memory_space<vmem_shared>> -> memref<16x128xf32, #tpu.memory_space<vmem_shared>>
      %dma_start3A_324 = arith.constant 0 : i32
      %dma_start3A_325 = tpu.memref_slice %arg18[%add3A_69, %dma_start3A_324] : memref<10000x128xf32, #tpu.memory_space<vmem_shared>> -> memref<16x128xf32, #tpu.memory_space<vmem_shared>>
      tpu.enqueue_dma source(%arg17 : memref<16x128xf32, #tpu.memory_space<vmem>>) target(%dma_start3A_325 : memref<16x128xf32, #tpu.memory_space<vmem_shared>>) target_semaphore(%run_scoped3A : memref<!tpu.dma_semaphore, #tpu.memory_space<semaphore_mem>>)
      %dma_wait3A_326 = arith.constant 0 : i32
      %dma_wait3A_327 = tpu.memref_slice %arg18[%add3A_69, %dma_wait3A_326] : memref<10000x128xf32, #tpu.memory_space<vmem_shared>> -> memref<16x128xf32, #tpu.memory_space<vmem_shared>>
      %dma_wait3A_328 = arith.constant 0 : i32
      %dma_wait3A_329 = tpu.memref_slice %arg18[%add3A_69, %dma_wait3A_328] : memref<10000x128xf32, #tpu.memory_space<vmem_shared>> -> memref<16x128xf32, #tpu.memory_space<vmem_shared>>
      tpu.wait_dma2 semaphore(%run_scoped3A : memref<!tpu.dma_semaphore, #tpu.memory_space<semaphore_mem>>) src(%arg17 : memref<16x128xf32, #tpu.memory_space<vmem>>) dst(%dma_wait3A_329 : memref<16x128xf32, #tpu.memory_space<vmem_shared>>)
      tpu.yield
    }) : () -> ()
    %mul3A_70 = arith.constant 624 : i32
    %mul3A_71 = arith.muli %arg1, %mul3A_70 : i32
    %add3A_72 = arith.constant 240 : i32
    %add3A_73 = arith.addi %mul3A_71, %add3A_72 : i32
    "tpu.region"() ({
      %run_scoped3A = tpu.sem_alloc : memref<!tpu.dma_semaphore, #tpu.memory_space<semaphore_mem>>
      %dma_start3A_322 = arith.constant 0 : i32
      %dma_start3A_323 = tpu.memref_slice %arg18[%add3A_73, %dma_start3A_322] : memref<10000x128xf32, #tpu.memory_space<vmem_shared>> -> memref<16x128xf32, #tpu.memory_space<vmem_shared>>
      %dma_start3A_324 = arith.constant 0 : i32
      %dma_start3A_325 = tpu.memref_slice %arg18[%add3A_73, %dma_start3A_324] : memref<10000x128xf32, #tpu.memory_space<vmem_shared>> -> memref<16x128xf32, #tpu.memory_space<vmem_shared>>
      tpu.enqueue_dma source(%arg17 : memref<16x128xf32, #tpu.memory_space<vmem>>) target(%dma_start3A_325 : memref<16x128xf32, #tpu.memory_space<vmem_shared>>) target_semaphore(%run_scoped3A : memref<!tpu.dma_semaphore, #tpu.memory_space<semaphore_mem>>)
      %dma_wait3A_326 = arith.constant 0 : i32
      %dma_wait3A_327 = tpu.memref_slice %arg18[%add3A_73, %dma_wait3A_326] : memref<10000x128xf32, #tpu.memory_space<vmem_shared>> -> memref<16x128xf32, #tpu.memory_space<vmem_shared>>
      %dma_wait3A_328 = arith.constant 0 : i32
      %dma_wait3A_329 = tpu.memref_slice %arg18[%add3A_73, %dma_wait3A_328] : memref<10000x128xf32, #tpu.memory_space<vmem_shared>> -> memref<16x128xf32, #tpu.memory_space<vmem_shared>>
      tpu.wait_dma2 semaphore(%run_scoped3A : memref<!tpu.dma_semaphore, #tpu.memory_space<semaphore_mem>>) src(%arg17 : memref<16x128xf32, #tpu.memory_space<vmem>>) dst(%dma_wait3A_329 : memref<16x128xf32, #tpu.memory_space<vmem_shared>>)
      tpu.yield
    }) : () -> ()
    %mul3A_74 = arith.constant 624 : i32
    %mul3A_75 = arith.muli %arg1, %mul3A_74 : i32
    %add3A_76 = arith.constant 256 : i32
    %add3A_77 = arith.addi %mul3A_75, %add3A_76 : i32
    "tpu.region"() ({
      %run_scoped3A = tpu.sem_alloc : memref<!tpu.dma_semaphore, #tpu.memory_space<semaphore_mem>>
      %dma_start3A_322 = arith.constant 0 : i32
      %dma_start3A_323 = tpu.memref_slice %arg18[%add3A_77, %dma_start3A_322] : memref<10000x128xf32, #tpu.memory_space<vmem_shared>> -> memref<16x128xf32, #tpu.memory_space<vmem_shared>>
      %dma_start3A_324 = arith.constant 0 : i32
      %dma_start3A_325 = tpu.memref_slice %arg18[%add3A_77, %dma_start3A_324] : memref<10000x128xf32, #tpu.memory_space<vmem_shared>> -> memref<16x128xf32, #tpu.memory_space<vmem_shared>>
      tpu.enqueue_dma source(%arg17 : memref<16x128xf32, #tpu.memory_space<vmem>>) target(%dma_start3A_325 : memref<16x128xf32, #tpu.memory_space<vmem_shared>>) target_semaphore(%run_scoped3A : memref<!tpu.dma_semaphore, #tpu.memory_space<semaphore_mem>>)
      %dma_wait3A_326 = arith.constant 0 : i32
      %dma_wait3A_327 = tpu.memref_slice %arg18[%add3A_77, %dma_wait3A_326] : memref<10000x128xf32, #tpu.memory_space<vmem_shared>> -> memref<16x128xf32, #tpu.memory_space<vmem_shared>>
      %dma_wait3A_328 = arith.constant 0 : i32
      %dma_wait3A_329 = tpu.memref_slice %arg18[%add3A_77, %dma_wait3A_328] : memref<10000x128xf32, #tpu.memory_space<vmem_shared>> -> memref<16x128xf32, #tpu.memory_space<vmem_shared>>
      tpu.wait_dma2 semaphore(%run_scoped3A : memref<!tpu.dma_semaphore, #tpu.memory_space<semaphore_mem>>) src(%arg17 : memref<16x128xf32, #tpu.memory_space<vmem>>) dst(%dma_wait3A_329 : memref<16x128xf32, #tpu.memory_space<vmem_shared>>)
      tpu.yield
    }) : () -> ()
    %mul3A_78 = arith.constant 624 : i32
    %mul3A_79 = arith.muli %arg1, %mul3A_78 : i32
    %add3A_80 = arith.constant 272 : i32
    %add3A_81 = arith.addi %mul3A_79, %add3A_80 : i32
    "tpu.region"() ({
      %run_scoped3A = tpu.sem_alloc : memref<!tpu.dma_semaphore, #tpu.memory_space<semaphore_mem>>
      %dma_start3A_322 = arith.constant 0 : i32
      %dma_start3A_323 = tpu.memref_slice %arg18[%add3A_81, %dma_start3A_322] : memref<10000x128xf32, #tpu.memory_space<vmem_shared>> -> memref<16x128xf32, #tpu.memory_space<vmem_shared>>
      %dma_start3A_324 = arith.constant 0 : i32
      %dma_start3A_325 = tpu.memref_slice %arg18[%add3A_81, %dma_start3A_324] : memref<10000x128xf32, #tpu.memory_space<vmem_shared>> -> memref<16x128xf32, #tpu.memory_space<vmem_shared>>
      tpu.enqueue_dma source(%arg17 : memref<16x128xf32, #tpu.memory_space<vmem>>) target(%dma_start3A_325 : memref<16x128xf32, #tpu.memory_space<vmem_shared>>) target_semaphore(%run_scoped3A : memref<!tpu.dma_semaphore, #tpu.memory_space<semaphore_mem>>)
      %dma_wait3A_326 = arith.constant 0 : i32
      %dma_wait3A_327 = tpu.memref_slice %arg18[%add3A_81, %dma_wait3A_326] : memref<10000x128xf32, #tpu.memory_space<vmem_shared>> -> memref<16x128xf32, #tpu.memory_space<vmem_shared>>
      %dma_wait3A_328 = arith.constant 0 : i32
      %dma_wait3A_329 = tpu.memref_slice %arg18[%add3A_81, %dma_wait3A_328] : memref<10000x128xf32, #tpu.memory_space<vmem_shared>> -> memref<16x128xf32, #tpu.memory_space<vmem_shared>>
      tpu.wait_dma2 semaphore(%run_scoped3A : memref<!tpu.dma_semaphore, #tpu.memory_space<semaphore_mem>>) src(%arg17 : memref<16x128xf32, #tpu.memory_space<vmem>>) dst(%dma_wait3A_329 : memref<16x128xf32, #tpu.memory_space<vmem_shared>>)
      tpu.yield
    }) : () -> ()
    %mul3A_82 = arith.constant 624 : i32
    %mul3A_83 = arith.muli %arg1, %mul3A_82 : i32
    %add3A_84 = arith.constant 288 : i32
    %add3A_85 = arith.addi %mul3A_83, %add3A_84 : i32
    "tpu.region"() ({
      %run_scoped3A = tpu.sem_alloc : memref<!tpu.dma_semaphore, #tpu.memory_space<semaphore_mem>>
      %dma_start3A_322 = arith.constant 0 : i32
      %dma_start3A_323 = tpu.memref_slice %arg18[%add3A_85, %dma_start3A_322] : memref<10000x128xf32, #tpu.memory_space<vmem_shared>> -> memref<16x128xf32, #tpu.memory_space<vmem_shared>>
      %dma_start3A_324 = arith.constant 0 : i32
      %dma_start3A_325 = tpu.memref_slice %arg18[%add3A_85, %dma_start3A_324] : memref<10000x128xf32, #tpu.memory_space<vmem_shared>> -> memref<16x128xf32, #tpu.memory_space<vmem_shared>>
      tpu.enqueue_dma source(%arg17 : memref<16x128xf32, #tpu.memory_space<vmem>>) target(%dma_start3A_325 : memref<16x128xf32, #tpu.memory_space<vmem_shared>>) target_semaphore(%run_scoped3A : memref<!tpu.dma_semaphore, #tpu.memory_space<semaphore_mem>>)
      %dma_wait3A_326 = arith.constant 0 : i32
      %dma_wait3A_327 = tpu.memref_slice %arg18[%add3A_85, %dma_wait3A_326] : memref<10000x128xf32, #tpu.memory_space<vmem_shared>> -> memref<16x128xf32, #tpu.memory_space<vmem_shared>>
      %dma_wait3A_328 = arith.constant 0 : i32
      %dma_wait3A_329 = tpu.memref_slice %arg18[%add3A_85, %dma_wait3A_328] : memref<10000x128xf32, #tpu.memory_space<vmem_shared>> -> memref<16x128xf32, #tpu.memory_space<vmem_shared>>
      tpu.wait_dma2 semaphore(%run_scoped3A : memref<!tpu.dma_semaphore, #tpu.memory_space<semaphore_mem>>) src(%arg17 : memref<16x128xf32, #tpu.memory_space<vmem>>) dst(%dma_wait3A_329 : memref<16x128xf32, #tpu.memory_space<vmem_shared>>)
      tpu.yield
    }) : () -> ()
    %mul3A_86 = arith.constant 624 : i32
    %mul3A_87 = arith.muli %arg1, %mul3A_86 : i32
    %add3A_88 = arith.constant 304 : i32
    %add3A_89 = arith.addi %mul3A_87, %add3A_88 : i32
    "tpu.region"() ({
      %run_scoped3A = tpu.sem_alloc : memref<!tpu.dma_semaphore, #tpu.memory_space<semaphore_mem>>
      %dma_start3A_322 = arith.constant 0 : i32
      %dma_start3A_323 = tpu.memref_slice %arg18[%add3A_89, %dma_start3A_322] : memref<10000x128xf32, #tpu.memory_space<vmem_shared>> -> memref<16x128xf32, #tpu.memory_space<vmem_shared>>
      %dma_start3A_324 = arith.constant 0 : i32
      %dma_start3A_325 = tpu.memref_slice %arg18[%add3A_89, %dma_start3A_324] : memref<10000x128xf32, #tpu.memory_space<vmem_shared>> -> memref<16x128xf32, #tpu.memory_space<vmem_shared>>
      tpu.enqueue_dma source(%arg17 : memref<16x128xf32, #tpu.memory_space<vmem>>) target(%dma_start3A_325 : memref<16x128xf32, #tpu.memory_space<vmem_shared>>) target_semaphore(%run_scoped3A : memref<!tpu.dma_semaphore, #tpu.memory_space<semaphore_mem>>)
      %dma_wait3A_326 = arith.constant 0 : i32
      %dma_wait3A_327 = tpu.memref_slice %arg18[%add3A_89, %dma_wait3A_326] : memref<10000x128xf32, #tpu.memory_space<vmem_shared>> -> memref<16x128xf32, #tpu.memory_space<vmem_shared>>
      %dma_wait3A_328 = arith.constant 0 : i32
      %dma_wait3A_329 = tpu.memref_slice %arg18[%add3A_89, %dma_wait3A_328] : memref<10000x128xf32, #tpu.memory_space<vmem_shared>> -> memref<16x128xf32, #tpu.memory_space<vmem_shared>>
      tpu.wait_dma2 semaphore(%run_scoped3A : memref<!tpu.dma_semaphore, #tpu.memory_space<semaphore_mem>>) src(%arg17 : memref<16x128xf32, #tpu.memory_space<vmem>>) dst(%dma_wait3A_329 : memref<16x128xf32, #tpu.memory_space<vmem_shared>>)
      tpu.yield
    }) : () -> ()
    %mul3A_90 = arith.constant 624 : i32
    %mul3A_91 = arith.muli %arg1, %mul3A_90 : i32
    %add3A_92 = arith.constant 320 : i32
    %add3A_93 = arith.addi %mul3A_91, %add3A_92 : i32
    "tpu.region"() ({
      %run_scoped3A = tpu.sem_alloc : memref<!tpu.dma_semaphore, #tpu.memory_space<semaphore_mem>>
      %dma_start3A_322 = arith.constant 0 : i32
      %dma_start3A_323 = tpu.memref_slice %arg18[%add3A_93, %dma_start3A_322] : memref<10000x128xf32, #tpu.memory_space<vmem_shared>> -> memref<16x128xf32, #tpu.memory_space<vmem_shared>>
      %dma_start3A_324 = arith.constant 0 : i32
      %dma_start3A_325 = tpu.memref_slice %arg18[%add3A_93, %dma_start3A_324] : memref<10000x128xf32, #tpu.memory_space<vmem_shared>> -> memref<16x128xf32, #tpu.memory_space<vmem_shared>>
      tpu.enqueue_dma source(%arg17 : memref<16x128xf32, #tpu.memory_space<vmem>>) target(%dma_start3A_325 : memref<16x128xf32, #tpu.memory_space<vmem_shared>>) target_semaphore(%run_scoped3A : memref<!tpu.dma_semaphore, #tpu.memory_space<semaphore_mem>>)
      %dma_wait3A_326 = arith.constant 0 : i32
      %dma_wait3A_327 = tpu.memref_slice %arg18[%add3A_93, %dma_wait3A_326] : memref<10000x128xf32, #tpu.memory_space<vmem_shared>> -> memref<16x128xf32, #tpu.memory_space<vmem_shared>>
      %dma_wait3A_328 = arith.constant 0 : i32
      %dma_wait3A_329 = tpu.memref_slice %arg18[%add3A_93, %dma_wait3A_328] : memref<10000x128xf32, #tpu.memory_space<vmem_shared>> -> memref<16x128xf32, #tpu.memory_space<vmem_shared>>
      tpu.wait_dma2 semaphore(%run_scoped3A : memref<!tpu.dma_semaphore, #tpu.memory_space<semaphore_mem>>) src(%arg17 : memref<16x128xf32, #tpu.memory_space<vmem>>) dst(%dma_wait3A_329 : memref<16x128xf32, #tpu.memory_space<vmem_shared>>)
      tpu.yield
    }) : () -> ()
    %mul3A_94 = arith.constant 624 : i32
    %mul3A_95 = arith.muli %arg1, %mul3A_94 : i32
    %add3A_96 = arith.constant 336 : i32
    %add3A_97 = arith.addi %mul3A_95, %add3A_96 : i32
    "tpu.region"() ({
      %run_scoped3A = tpu.sem_alloc : memref<!tpu.dma_semaphore, #tpu.memory_space<semaphore_mem>>
      %dma_start3A_322 = arith.constant 0 : i32
      %dma_start3A_323 = tpu.memref_slice %arg18[%add3A_97, %dma_start3A_322] : memref<10000x128xf32, #tpu.memory_space<vmem_shared>> -> memref<16x128xf32, #tpu.memory_space<vmem_shared>>
      %dma_start3A_324 = arith.constant 0 : i32
      %dma_start3A_325 = tpu.memref_slice %arg18[%add3A_97, %dma_start3A_324] : memref<10000x128xf32, #tpu.memory_space<vmem_shared>> -> memref<16x128xf32, #tpu.memory_space<vmem_shared>>
      tpu.enqueue_dma source(%arg17 : memref<16x128xf32, #tpu.memory_space<vmem>>) target(%dma_start3A_325 : memref<16x128xf32, #tpu.memory_space<vmem_shared>>) target_semaphore(%run_scoped3A : memref<!tpu.dma_semaphore, #tpu.memory_space<semaphore_mem>>)
      %dma_wait3A_326 = arith.constant 0 : i32
      %dma_wait3A_327 = tpu.memref_slice %arg18[%add3A_97, %dma_wait3A_326] : memref<10000x128xf32, #tpu.memory_space<vmem_shared>> -> memref<16x128xf32, #tpu.memory_space<vmem_shared>>
      %dma_wait3A_328 = arith.constant 0 : i32
      %dma_wait3A_329 = tpu.memref_slice %arg18[%add3A_97, %dma_wait3A_328] : memref<10000x128xf32, #tpu.memory_space<vmem_shared>> -> memref<16x128xf32, #tpu.memory_space<vmem_shared>>
      tpu.wait_dma2 semaphore(%run_scoped3A : memref<!tpu.dma_semaphore, #tpu.memory_space<semaphore_mem>>) src(%arg17 : memref<16x128xf32, #tpu.memory_space<vmem>>) dst(%dma_wait3A_329 : memref<16x128xf32, #tpu.memory_space<vmem_shared>>)
      tpu.yield
    }) : () -> ()
    %mul3A_98 = arith.constant 624 : i32
    %mul3A_99 = arith.muli %arg1, %mul3A_98 : i32
    %add3A_100 = arith.constant 352 : i32
    %add3A_101 = arith.addi %mul3A_99, %add3A_100 : i32
    "tpu.region"() ({
      %run_scoped3A = tpu.sem_alloc : memref<!tpu.dma_semaphore, #tpu.memory_space<semaphore_mem>>
      %dma_start3A_322 = arith.constant 0 : i32
      %dma_start3A_323 = tpu.memref_slice %arg18[%add3A_101, %dma_start3A_322] : memref<10000x128xf32, #tpu.memory_space<vmem_shared>> -> memref<16x128xf32, #tpu.memory_space<vmem_shared>>
      %dma_start3A_324 = arith.constant 0 : i32
      %dma_start3A_325 = tpu.memref_slice %arg18[%add3A_101, %dma_start3A_324] : memref<10000x128xf32, #tpu.memory_space<vmem_shared>> -> memref<16x128xf32, #tpu.memory_space<vmem_shared>>
      tpu.enqueue_dma source(%arg17 : memref<16x128xf32, #tpu.memory_space<vmem>>) target(%dma_start3A_325 : memref<16x128xf32, #tpu.memory_space<vmem_shared>>) target_semaphore(%run_scoped3A : memref<!tpu.dma_semaphore, #tpu.memory_space<semaphore_mem>>)
      %dma_wait3A_326 = arith.constant 0 : i32
      %dma_wait3A_327 = tpu.memref_slice %arg18[%add3A_101, %dma_wait3A_326] : memref<10000x128xf32, #tpu.memory_space<vmem_shared>> -> memref<16x128xf32, #tpu.memory_space<vmem_shared>>
      %dma_wait3A_328 = arith.constant 0 : i32
      %dma_wait3A_329 = tpu.memref_slice %arg18[%add3A_101, %dma_wait3A_328] : memref<10000x128xf32, #tpu.memory_space<vmem_shared>> -> memref<16x128xf32, #tpu.memory_space<vmem_shared>>
      tpu.wait_dma2 semaphore(%run_scoped3A : memref<!tpu.dma_semaphore, #tpu.memory_space<semaphore_mem>>) src(%arg17 : memref<16x128xf32, #tpu.memory_space<vmem>>) dst(%dma_wait3A_329 : memref<16x128xf32, #tpu.memory_space<vmem_shared>>)
      tpu.yield
    }) : () -> ()
    %mul3A_102 = arith.constant 624 : i32
    %mul3A_103 = arith.muli %arg1, %mul3A_102 : i32
    %add3A_104 = arith.constant 368 : i32
    %add3A_105 = arith.addi %mul3A_103, %add3A_104 : i32
    "tpu.region"() ({
      %run_scoped3A = tpu.sem_alloc : memref<!tpu.dma_semaphore, #tpu.memory_space<semaphore_mem>>
      %dma_start3A_322 = arith.constant 0 : i32
      %dma_start3A_323 = tpu.memref_slice %arg18[%add3A_105, %dma_start3A_322] : memref<10000x128xf32, #tpu.memory_space<vmem_shared>> -> memref<16x128xf32, #tpu.memory_space<vmem_shared>>
      %dma_start3A_324 = arith.constant 0 : i32
      %dma_start3A_325 = tpu.memref_slice %arg18[%add3A_105, %dma_start3A_324] : memref<10000x128xf32, #tpu.memory_space<vmem_shared>> -> memref<16x128xf32, #tpu.memory_space<vmem_shared>>
      tpu.enqueue_dma source(%arg17 : memref<16x128xf32, #tpu.memory_space<vmem>>) target(%dma_start3A_325 : memref<16x128xf32, #tpu.memory_space<vmem_shared>>) target_semaphore(%run_scoped3A : memref<!tpu.dma_semaphore, #tpu.memory_space<semaphore_mem>>)
      %dma_wait3A_326 = arith.constant 0 : i32
      %dma_wait3A_327 = tpu.memref_slice %arg18[%add3A_105, %dma_wait3A_326] : memref<10000x128xf32, #tpu.memory_space<vmem_shared>> -> memref<16x128xf32, #tpu.memory_space<vmem_shared>>
      %dma_wait3A_328 = arith.constant 0 : i32
      %dma_wait3A_329 = tpu.memref_slice %arg18[%add3A_105, %dma_wait3A_328] : memref<10000x128xf32, #tpu.memory_space<vmem_shared>> -> memref<16x128xf32, #tpu.memory_space<vmem_shared>>
      tpu.wait_dma2 semaphore(%run_scoped3A : memref<!tpu.dma_semaphore, #tpu.memory_space<semaphore_mem>>) src(%arg17 : memref<16x128xf32, #tpu.memory_space<vmem>>) dst(%dma_wait3A_329 : memref<16x128xf32, #tpu.memory_space<vmem_shared>>)
      tpu.yield
    }) : () -> ()
    %mul3A_106 = arith.constant 624 : i32
    %mul3A_107 = arith.muli %arg1, %mul3A_106 : i32
    %add3A_108 = arith.constant 384 : i32
    %add3A_109 = arith.addi %mul3A_107, %add3A_108 : i32
    "tpu.region"() ({
      %run_scoped3A = tpu.sem_alloc : memref<!tpu.dma_semaphore, #tpu.memory_space<semaphore_mem>>
      %dma_start3A_322 = arith.constant 0 : i32
      %dma_start3A_323 = tpu.memref_slice %arg18[%add3A_109, %dma_start3A_322] : memref<10000x128xf32, #tpu.memory_space<vmem_shared>> -> memref<16x128xf32, #tpu.memory_space<vmem_shared>>
      %dma_start3A_324 = arith.constant 0 : i32
      %dma_start3A_325 = tpu.memref_slice %arg18[%add3A_109, %dma_start3A_324] : memref<10000x128xf32, #tpu.memory_space<vmem_shared>> -> memref<16x128xf32, #tpu.memory_space<vmem_shared>>
      tpu.enqueue_dma source(%arg17 : memref<16x128xf32, #tpu.memory_space<vmem>>) target(%dma_start3A_325 : memref<16x128xf32, #tpu.memory_space<vmem_shared>>) target_semaphore(%run_scoped3A : memref<!tpu.dma_semaphore, #tpu.memory_space<semaphore_mem>>)
      %dma_wait3A_326 = arith.constant 0 : i32
      %dma_wait3A_327 = tpu.memref_slice %arg18[%add3A_109, %dma_wait3A_326] : memref<10000x128xf32, #tpu.memory_space<vmem_shared>> -> memref<16x128xf32, #tpu.memory_space<vmem_shared>>
      %dma_wait3A_328 = arith.constant 0 : i32
      %dma_wait3A_329 = tpu.memref_slice %arg18[%add3A_109, %dma_wait3A_328] : memref<10000x128xf32, #tpu.memory_space<vmem_shared>> -> memref<16x128xf32, #tpu.memory_space<vmem_shared>>
      tpu.wait_dma2 semaphore(%run_scoped3A : memref<!tpu.dma_semaphore, #tpu.memory_space<semaphore_mem>>) src(%arg17 : memref<16x128xf32, #tpu.memory_space<vmem>>) dst(%dma_wait3A_329 : memref<16x128xf32, #tpu.memory_space<vmem_shared>>)
      tpu.yield
    }) : () -> ()
    %mul3A_110 = arith.constant 624 : i32
    %mul3A_111 = arith.muli %arg1, %mul3A_110 : i32
    %add3A_112 = arith.constant 400 : i32
    %add3A_113 = arith.addi %mul3A_111, %add3A_112 : i32
    "tpu.region"() ({
      %run_scoped3A = tpu.sem_alloc : memref<!tpu.dma_semaphore, #tpu.memory_space<semaphore_mem>>
      %dma_start3A_322 = arith.constant 0 : i32
      %dma_start3A_323 = tpu.memref_slice %arg18[%add3A_113, %dma_start3A_322] : memref<10000x128xf32, #tpu.memory_space<vmem_shared>> -> memref<16x128xf32, #tpu.memory_space<vmem_shared>>
      %dma_start3A_324 = arith.constant 0 : i32
      %dma_start3A_325 = tpu.memref_slice %arg18[%add3A_113, %dma_start3A_324] : memref<10000x128xf32, #tpu.memory_space<vmem_shared>> -> memref<16x128xf32, #tpu.memory_space<vmem_shared>>
      tpu.enqueue_dma source(%arg17 : memref<16x128xf32, #tpu.memory_space<vmem>>) target(%dma_start3A_325 : memref<16x128xf32, #tpu.memory_space<vmem_shared>>) target_semaphore(%run_scoped3A : memref<!tpu.dma_semaphore, #tpu.memory_space<semaphore_mem>>)
      %dma_wait3A_326 = arith.constant 0 : i32
      %dma_wait3A_327 = tpu.memref_slice %arg18[%add3A_113, %dma_wait3A_326] : memref<10000x128xf32, #tpu.memory_space<vmem_shared>> -> memref<16x128xf32, #tpu.memory_space<vmem_shared>>
      %dma_wait3A_328 = arith.constant 0 : i32
      %dma_wait3A_329 = tpu.memref_slice %arg18[%add3A_113, %dma_wait3A_328] : memref<10000x128xf32, #tpu.memory_space<vmem_shared>> -> memref<16x128xf32, #tpu.memory_space<vmem_shared>>
      tpu.wait_dma2 semaphore(%run_scoped3A : memref<!tpu.dma_semaphore, #tpu.memory_space<semaphore_mem>>) src(%arg17 : memref<16x128xf32, #tpu.memory_space<vmem>>) dst(%dma_wait3A_329 : memref<16x128xf32, #tpu.memory_space<vmem_shared>>)
      tpu.yield
    }) : () -> ()
    %mul3A_114 = arith.constant 624 : i32
    %mul3A_115 = arith.muli %arg1, %mul3A_114 : i32
    %add3A_116 = arith.constant 416 : i32
    %add3A_117 = arith.addi %mul3A_115, %add3A_116 : i32
    "tpu.region"() ({
      %run_scoped3A = tpu.sem_alloc : memref<!tpu.dma_semaphore, #tpu.memory_space<semaphore_mem>>
      %dma_start3A_322 = arith.constant 0 : i32
      %dma_start3A_323 = tpu.memref_slice %arg18[%add3A_117, %dma_start3A_322] : memref<10000x128xf32, #tpu.memory_space<vmem_shared>> -> memref<16x128xf32, #tpu.memory_space<vmem_shared>>
      %dma_start3A_324 = arith.constant 0 : i32
      %dma_start3A_325 = tpu.memref_slice %arg18[%add3A_117, %dma_start3A_324] : memref<10000x128xf32, #tpu.memory_space<vmem_shared>> -> memref<16x128xf32, #tpu.memory_space<vmem_shared>>
      tpu.enqueue_dma source(%arg17 : memref<16x128xf32, #tpu.memory_space<vmem>>) target(%dma_start3A_325 : memref<16x128xf32, #tpu.memory_space<vmem_shared>>) target_semaphore(%run_scoped3A : memref<!tpu.dma_semaphore, #tpu.memory_space<semaphore_mem>>)
      %dma_wait3A_326 = arith.constant 0 : i32
      %dma_wait3A_327 = tpu.memref_slice %arg18[%add3A_117, %dma_wait3A_326] : memref<10000x128xf32, #tpu.memory_space<vmem_shared>> -> memref<16x128xf32, #tpu.memory_space<vmem_shared>>
      %dma_wait3A_328 = arith.constant 0 : i32
      %dma_wait3A_329 = tpu.memref_slice %arg18[%add3A_117, %dma_wait3A_328] : memref<10000x128xf32, #tpu.memory_space<vmem_shared>> -> memref<16x128xf32, #tpu.memory_space<vmem_shared>>
      tpu.wait_dma2 semaphore(%run_scoped3A : memref<!tpu.dma_semaphore, #tpu.memory_space<semaphore_mem>>) src(%arg17 : memref<16x128xf32, #tpu.memory_space<vmem>>) dst(%dma_wait3A_329 : memref<16x128xf32, #tpu.memory_space<vmem_shared>>)
      tpu.yield
    }) : () -> ()
    %mul3A_118 = arith.constant 624 : i32
    %mul3A_119 = arith.muli %arg1, %mul3A_118 : i32
    %add3A_120 = arith.constant 432 : i32
    %add3A_121 = arith.addi %mul3A_119, %add3A_120 : i32
    "tpu.region"() ({
      %run_scoped3A = tpu.sem_alloc : memref<!tpu.dma_semaphore, #tpu.memory_space<semaphore_mem>>
      %dma_start3A_322 = arith.constant 0 : i32
      %dma_start3A_323 = tpu.memref_slice %arg18[%add3A_121, %dma_start3A_322] : memref<10000x128xf32, #tpu.memory_space<vmem_shared>> -> memref<16x128xf32, #tpu.memory_space<vmem_shared>>
      %dma_start3A_324 = arith.constant 0 : i32
      %dma_start3A_325 = tpu.memref_slice %arg18[%add3A_121, %dma_start3A_324] : memref<10000x128xf32, #tpu.memory_space<vmem_shared>> -> memref<16x128xf32, #tpu.memory_space<vmem_shared>>
      tpu.enqueue_dma source(%arg17 : memref<16x128xf32, #tpu.memory_space<vmem>>) target(%dma_start3A_325 : memref<16x128xf32, #tpu.memory_space<vmem_shared>>) target_semaphore(%run_scoped3A : memref<!tpu.dma_semaphore, #tpu.memory_space<semaphore_mem>>)
      %dma_wait3A_326 = arith.constant 0 : i32
      %dma_wait3A_327 = tpu.memref_slice %arg18[%add3A_121, %dma_wait3A_326] : memref<10000x128xf32, #tpu.memory_space<vmem_shared>> -> memref<16x128xf32, #tpu.memory_space<vmem_shared>>
      %dma_wait3A_328 = arith.constant 0 : i32
      %dma_wait3A_329 = tpu.memref_slice %arg18[%add3A_121, %dma_wait3A_328] : memref<10000x128xf32, #tpu.memory_space<vmem_shared>> -> memref<16x128xf32, #tpu.memory_space<vmem_shared>>
      tpu.wait_dma2 semaphore(%run_scoped3A : memref<!tpu.dma_semaphore, #tpu.memory_space<semaphore_mem>>) src(%arg17 : memref<16x128xf32, #tpu.memory_space<vmem>>) dst(%dma_wait3A_329 : memref<16x128xf32, #tpu.memory_space<vmem_shared>>)
      tpu.yield
    }) : () -> ()
    %mul3A_122 = arith.constant 624 : i32
    %mul3A_123 = arith.muli %arg1, %mul3A_122 : i32
    %add3A_124 = arith.constant 448 : i32
    %add3A_125 = arith.addi %mul3A_123, %add3A_124 : i32
    "tpu.region"() ({
      %run_scoped3A = tpu.sem_alloc : memref<!tpu.dma_semaphore, #tpu.memory_space<semaphore_mem>>
      %dma_start3A_322 = arith.constant 0 : i32
      %dma_start3A_323 = tpu.memref_slice %arg18[%add3A_125, %dma_start3A_322] : memref<10000x128xf32, #tpu.memory_space<vmem_shared>> -> memref<16x128xf32, #tpu.memory_space<vmem_shared>>
      %dma_start3A_324 = arith.constant 0 : i32
      %dma_start3A_325 = tpu.memref_slice %arg18[%add3A_125, %dma_start3A_324] : memref<10000x128xf32, #tpu.memory_space<vmem_shared>> -> memref<16x128xf32, #tpu.memory_space<vmem_shared>>
      tpu.enqueue_dma source(%arg17 : memref<16x128xf32, #tpu.memory_space<vmem>>) target(%dma_start3A_325 : memref<16x128xf32, #tpu.memory_space<vmem_shared>>) target_semaphore(%run_scoped3A : memref<!tpu.dma_semaphore, #tpu.memory_space<semaphore_mem>>)
      %dma_wait3A_326 = arith.constant 0 : i32
      %dma_wait3A_327 = tpu.memref_slice %arg18[%add3A_125, %dma_wait3A_326] : memref<10000x128xf32, #tpu.memory_space<vmem_shared>> -> memref<16x128xf32, #tpu.memory_space<vmem_shared>>
      %dma_wait3A_328 = arith.constant 0 : i32
      %dma_wait3A_329 = tpu.memref_slice %arg18[%add3A_125, %dma_wait3A_328] : memref<10000x128xf32, #tpu.memory_space<vmem_shared>> -> memref<16x128xf32, #tpu.memory_space<vmem_shared>>
      tpu.wait_dma2 semaphore(%run_scoped3A : memref<!tpu.dma_semaphore, #tpu.memory_space<semaphore_mem>>) src(%arg17 : memref<16x128xf32, #tpu.memory_space<vmem>>) dst(%dma_wait3A_329 : memref<16x128xf32, #tpu.memory_space<vmem_shared>>)
      tpu.yield
    }) : () -> ()
    %mul3A_126 = arith.constant 624 : i32
    %mul3A_127 = arith.muli %arg1, %mul3A_126 : i32
    %add3A_128 = arith.constant 464 : i32
    %add3A_129 = arith.addi %mul3A_127, %add3A_128 : i32
    "tpu.region"() ({
      %run_scoped3A = tpu.sem_alloc : memref<!tpu.dma_semaphore, #tpu.memory_space<semaphore_mem>>
      %dma_start3A_322 = arith.constant 0 : i32
      %dma_start3A_323 = tpu.memref_slice %arg18[%add3A_129, %dma_start3A_322] : memref<10000x128xf32, #tpu.memory_space<vmem_shared>> -> memref<16x128xf32, #tpu.memory_space<vmem_shared>>
      %dma_start3A_324 = arith.constant 0 : i32
      %dma_start3A_325 = tpu.memref_slice %arg18[%add3A_129, %dma_start3A_324] : memref<10000x128xf32, #tpu.memory_space<vmem_shared>> -> memref<16x128xf32, #tpu.memory_space<vmem_shared>>
      tpu.enqueue_dma source(%arg17 : memref<16x128xf32, #tpu.memory_space<vmem>>) target(%dma_start3A_325 : memref<16x128xf32, #tpu.memory_space<vmem_shared>>) target_semaphore(%run_scoped3A : memref<!tpu.dma_semaphore, #tpu.memory_space<semaphore_mem>>)
      %dma_wait3A_326 = arith.constant 0 : i32
      %dma_wait3A_327 = tpu.memref_slice %arg18[%add3A_129, %dma_wait3A_326] : memref<10000x128xf32, #tpu.memory_space<vmem_shared>> -> memref<16x128xf32, #tpu.memory_space<vmem_shared>>
      %dma_wait3A_328 = arith.constant 0 : i32
      %dma_wait3A_329 = tpu.memref_slice %arg18[%add3A_129, %dma_wait3A_328] : memref<10000x128xf32, #tpu.memory_space<vmem_shared>> -> memref<16x128xf32, #tpu.memory_space<vmem_shared>>
      tpu.wait_dma2 semaphore(%run_scoped3A : memref<!tpu.dma_semaphore, #tpu.memory_space<semaphore_mem>>) src(%arg17 : memref<16x128xf32, #tpu.memory_space<vmem>>) dst(%dma_wait3A_329 : memref<16x128xf32, #tpu.memory_space<vmem_shared>>)
      tpu.yield
    }) : () -> ()
    %mul3A_130 = arith.constant 624 : i32
    %mul3A_131 = arith.muli %arg1, %mul3A_130 : i32
    %add3A_132 = arith.constant 480 : i32
    %add3A_133 = arith.addi %mul3A_131, %add3A_132 : i32
    "tpu.region"() ({
      %run_scoped3A = tpu.sem_alloc : memref<!tpu.dma_semaphore, #tpu.memory_space<semaphore_mem>>
      %dma_start3A_322 = arith.constant 0 : i32
      %dma_start3A_323 = tpu.memref_slice %arg18[%add3A_133, %dma_start3A_322] : memref<10000x128xf32, #tpu.memory_space<vmem_shared>> -> memref<16x128xf32, #tpu.memory_space<vmem_shared>>
      %dma_start3A_324 = arith.constant 0 : i32
      %dma_start3A_325 = tpu.memref_slice %arg18[%add3A_133, %dma_start3A_324] : memref<10000x128xf32, #tpu.memory_space<vmem_shared>> -> memref<16x128xf32, #tpu.memory_space<vmem_shared>>
      tpu.enqueue_dma source(%arg17 : memref<16x128xf32, #tpu.memory_space<vmem>>) target(%dma_start3A_325 : memref<16x128xf32, #tpu.memory_space<vmem_shared>>) target_semaphore(%run_scoped3A : memref<!tpu.dma_semaphore, #tpu.memory_space<semaphore_mem>>)
      %dma_wait3A_326 = arith.constant 0 : i32
      %dma_wait3A_327 = tpu.memref_slice %arg18[%add3A_133, %dma_wait3A_326] : memref<10000x128xf32, #tpu.memory_space<vmem_shared>> -> memref<16x128xf32, #tpu.memory_space<vmem_shared>>
      %dma_wait3A_328 = arith.constant 0 : i32
      %dma_wait3A_329 = tpu.memref_slice %arg18[%add3A_133, %dma_wait3A_328] : memref<10000x128xf32, #tpu.memory_space<vmem_shared>> -> memref<16x128xf32, #tpu.memory_space<vmem_shared>>
      tpu.wait_dma2 semaphore(%run_scoped3A : memref<!tpu.dma_semaphore, #tpu.memory_space<semaphore_mem>>) src(%arg17 : memref<16x128xf32, #tpu.memory_space<vmem>>) dst(%dma_wait3A_329 : memref<16x128xf32, #tpu.memory_space<vmem_shared>>)
      tpu.yield
    }) : () -> ()
    %mul3A_134 = arith.constant 624 : i32
    %mul3A_135 = arith.muli %arg1, %mul3A_134 : i32
    %add3A_136 = arith.constant 496 : i32
    %add3A_137 = arith.addi %mul3A_135, %add3A_136 : i32
    "tpu.region"() ({
      %run_scoped3A = tpu.sem_alloc : memref<!tpu.dma_semaphore, #tpu.memory_space<semaphore_mem>>
      %dma_start3A_322 = arith.constant 0 : i32
      %dma_start3A_323 = tpu.memref_slice %arg18[%add3A_137, %dma_start3A_322] : memref<10000x128xf32, #tpu.memory_space<vmem_shared>> -> memref<16x128xf32, #tpu.memory_space<vmem_shared>>
      %dma_start3A_324 = arith.constant 0 : i32
      %dma_start3A_325 = tpu.memref_slice %arg18[%add3A_137, %dma_start3A_324] : memref<10000x128xf32, #tpu.memory_space<vmem_shared>> -> memref<16x128xf32, #tpu.memory_space<vmem_shared>>
      tpu.enqueue_dma source(%arg17 : memref<16x128xf32, #tpu.memory_space<vmem>>) target(%dma_start3A_325 : memref<16x128xf32, #tpu.memory_space<vmem_shared>>) target_semaphore(%run_scoped3A : memref<!tpu.dma_semaphore, #tpu.memory_space<semaphore_mem>>)
      %dma_wait3A_326 = arith.constant 0 : i32
      %dma_wait3A_327 = tpu.memref_slice %arg18[%add3A_137, %dma_wait3A_326] : memref<10000x128xf32, #tpu.memory_space<vmem_shared>> -> memref<16x128xf32, #tpu.memory_space<vmem_shared>>
      %dma_wait3A_328 = arith.constant 0 : i32
      %dma_wait3A_329 = tpu.memref_slice %arg18[%add3A_137, %dma_wait3A_328] : memref<10000x128xf32, #tpu.memory_space<vmem_shared>> -> memref<16x128xf32, #tpu.memory_space<vmem_shared>>
      tpu.wait_dma2 semaphore(%run_scoped3A : memref<!tpu.dma_semaphore, #tpu.memory_space<semaphore_mem>>) src(%arg17 : memref<16x128xf32, #tpu.memory_space<vmem>>) dst(%dma_wait3A_329 : memref<16x128xf32, #tpu.memory_space<vmem_shared>>)
      tpu.yield
    }) : () -> ()
    %mul3A_138 = arith.constant 624 : i32
    %mul3A_139 = arith.muli %arg1, %mul3A_138 : i32
    %add3A_140 = arith.constant 512 : i32
    %add3A_141 = arith.addi %mul3A_139, %add3A_140 : i32
    "tpu.region"() ({
      %run_scoped3A = tpu.sem_alloc : memref<!tpu.dma_semaphore, #tpu.memory_space<semaphore_mem>>
      %dma_start3A_322 = arith.constant 0 : i32
      %dma_start3A_323 = tpu.memref_slice %arg18[%add3A_141, %dma_start3A_322] : memref<10000x128xf32, #tpu.memory_space<vmem_shared>> -> memref<16x128xf32, #tpu.memory_space<vmem_shared>>
      %dma_start3A_324 = arith.constant 0 : i32
      %dma_start3A_325 = tpu.memref_slice %arg18[%add3A_141, %dma_start3A_324] : memref<10000x128xf32, #tpu.memory_space<vmem_shared>> -> memref<16x128xf32, #tpu.memory_space<vmem_shared>>
      tpu.enqueue_dma source(%arg17 : memref<16x128xf32, #tpu.memory_space<vmem>>) target(%dma_start3A_325 : memref<16x128xf32, #tpu.memory_space<vmem_shared>>) target_semaphore(%run_scoped3A : memref<!tpu.dma_semaphore, #tpu.memory_space<semaphore_mem>>)
      %dma_wait3A_326 = arith.constant 0 : i32
      %dma_wait3A_327 = tpu.memref_slice %arg18[%add3A_141, %dma_wait3A_326] : memref<10000x128xf32, #tpu.memory_space<vmem_shared>> -> memref<16x128xf32, #tpu.memory_space<vmem_shared>>
      %dma_wait3A_328 = arith.constant 0 : i32
      %dma_wait3A_329 = tpu.memref_slice %arg18[%add3A_141, %dma_wait3A_328] : memref<10000x128xf32, #tpu.memory_space<vmem_shared>> -> memref<16x128xf32, #tpu.memory_space<vmem_shared>>
      tpu.wait_dma2 semaphore(%run_scoped3A : memref<!tpu.dma_semaphore, #tpu.memory_space<semaphore_mem>>) src(%arg17 : memref<16x128xf32, #tpu.memory_space<vmem>>) dst(%dma_wait3A_329 : memref<16x128xf32, #tpu.memory_space<vmem_shared>>)
      tpu.yield
    }) : () -> ()
    %mul3A_142 = arith.constant 624 : i32
    %mul3A_143 = arith.muli %arg1, %mul3A_142 : i32
    %add3A_144 = arith.constant 528 : i32
    %add3A_145 = arith.addi %mul3A_143, %add3A_144 : i32
    "tpu.region"() ({
      %run_scoped3A = tpu.sem_alloc : memref<!tpu.dma_semaphore, #tpu.memory_space<semaphore_mem>>
      %dma_start3A_322 = arith.constant 0 : i32
      %dma_start3A_323 = tpu.memref_slice %arg18[%add3A_145, %dma_start3A_322] : memref<10000x128xf32, #tpu.memory_space<vmem_shared>> -> memref<16x128xf32, #tpu.memory_space<vmem_shared>>
      %dma_start3A_324 = arith.constant 0 : i32
      %dma_start3A_325 = tpu.memref_slice %arg18[%add3A_145, %dma_start3A_324] : memref<10000x128xf32, #tpu.memory_space<vmem_shared>> -> memref<16x128xf32, #tpu.memory_space<vmem_shared>>
      tpu.enqueue_dma source(%arg17 : memref<16x128xf32, #tpu.memory_space<vmem>>) target(%dma_start3A_325 : memref<16x128xf32, #tpu.memory_space<vmem_shared>>) target_semaphore(%run_scoped3A : memref<!tpu.dma_semaphore, #tpu.memory_space<semaphore_mem>>)
      %dma_wait3A_326 = arith.constant 0 : i32
      %dma_wait3A_327 = tpu.memref_slice %arg18[%add3A_145, %dma_wait3A_326] : memref<10000x128xf32, #tpu.memory_space<vmem_shared>> -> memref<16x128xf32, #tpu.memory_space<vmem_shared>>
      %dma_wait3A_328 = arith.constant 0 : i32
      %dma_wait3A_329 = tpu.memref_slice %arg18[%add3A_145, %dma_wait3A_328] : memref<10000x128xf32, #tpu.memory_space<vmem_shared>> -> memref<16x128xf32, #tpu.memory_space<vmem_shared>>
      tpu.wait_dma2 semaphore(%run_scoped3A : memref<!tpu.dma_semaphore, #tpu.memory_space<semaphore_mem>>) src(%arg17 : memref<16x128xf32, #tpu.memory_space<vmem>>) dst(%dma_wait3A_329 : memref<16x128xf32, #tpu.memory_space<vmem_shared>>)
      tpu.yield
    }) : () -> ()
    %mul3A_146 = arith.constant 624 : i32
    %mul3A_147 = arith.muli %arg1, %mul3A_146 : i32
    %add3A_148 = arith.constant 544 : i32
    %add3A_149 = arith.addi %mul3A_147, %add3A_148 : i32
    "tpu.region"() ({
      %run_scoped3A = tpu.sem_alloc : memref<!tpu.dma_semaphore, #tpu.memory_space<semaphore_mem>>
      %dma_start3A_322 = arith.constant 0 : i32
      %dma_start3A_323 = tpu.memref_slice %arg18[%add3A_149, %dma_start3A_322] : memref<10000x128xf32, #tpu.memory_space<vmem_shared>> -> memref<16x128xf32, #tpu.memory_space<vmem_shared>>
      %dma_start3A_324 = arith.constant 0 : i32
      %dma_start3A_325 = tpu.memref_slice %arg18[%add3A_149, %dma_start3A_324] : memref<10000x128xf32, #tpu.memory_space<vmem_shared>> -> memref<16x128xf32, #tpu.memory_space<vmem_shared>>
      tpu.enqueue_dma source(%arg17 : memref<16x128xf32, #tpu.memory_space<vmem>>) target(%dma_start3A_325 : memref<16x128xf32, #tpu.memory_space<vmem_shared>>) target_semaphore(%run_scoped3A : memref<!tpu.dma_semaphore, #tpu.memory_space<semaphore_mem>>)
      %dma_wait3A_326 = arith.constant 0 : i32
      %dma_wait3A_327 = tpu.memref_slice %arg18[%add3A_149, %dma_wait3A_326] : memref<10000x128xf32, #tpu.memory_space<vmem_shared>> -> memref<16x128xf32, #tpu.memory_space<vmem_shared>>
      %dma_wait3A_328 = arith.constant 0 : i32
      %dma_wait3A_329 = tpu.memref_slice %arg18[%add3A_149, %dma_wait3A_328] : memref<10000x128xf32, #tpu.memory_space<vmem_shared>> -> memref<16x128xf32, #tpu.memory_space<vmem_shared>>
      tpu.wait_dma2 semaphore(%run_scoped3A : memref<!tpu.dma_semaphore, #tpu.memory_space<semaphore_mem>>) src(%arg17 : memref<16x128xf32, #tpu.memory_space<vmem>>) dst(%dma_wait3A_329 : memref<16x128xf32, #tpu.memory_space<vmem_shared>>)
      tpu.yield
    }) : () -> ()
    %mul3A_150 = arith.constant 624 : i32
    %mul3A_151 = arith.muli %arg1, %mul3A_150 : i32
    %add3A_152 = arith.constant 560 : i32
    %add3A_153 = arith.addi %mul3A_151, %add3A_152 : i32
    "tpu.region"() ({
      %run_scoped3A = tpu.sem_alloc : memref<!tpu.dma_semaphore, #tpu.memory_space<semaphore_mem>>
      %dma_start3A_322 = arith.constant 0 : i32
      %dma_start3A_323 = tpu.memref_slice %arg18[%add3A_153, %dma_start3A_322] : memref<10000x128xf32, #tpu.memory_space<vmem_shared>> -> memref<16x128xf32, #tpu.memory_space<vmem_shared>>
      %dma_start3A_324 = arith.constant 0 : i32
      %dma_start3A_325 = tpu.memref_slice %arg18[%add3A_153, %dma_start3A_324] : memref<10000x128xf32, #tpu.memory_space<vmem_shared>> -> memref<16x128xf32, #tpu.memory_space<vmem_shared>>
      tpu.enqueue_dma source(%arg17 : memref<16x128xf32, #tpu.memory_space<vmem>>) target(%dma_start3A_325 : memref<16x128xf32, #tpu.memory_space<vmem_shared>>) target_semaphore(%run_scoped3A : memref<!tpu.dma_semaphore, #tpu.memory_space<semaphore_mem>>)
      %dma_wait3A_326 = arith.constant 0 : i32
      %dma_wait3A_327 = tpu.memref_slice %arg18[%add3A_153, %dma_wait3A_326] : memref<10000x128xf32, #tpu.memory_space<vmem_shared>> -> memref<16x128xf32, #tpu.memory_space<vmem_shared>>
      %dma_wait3A_328 = arith.constant 0 : i32
      %dma_wait3A_329 = tpu.memref_slice %arg18[%add3A_153, %dma_wait3A_328] : memref<10000x128xf32, #tpu.memory_space<vmem_shared>> -> memref<16x128xf32, #tpu.memory_space<vmem_shared>>
      tpu.wait_dma2 semaphore(%run_scoped3A : memref<!tpu.dma_semaphore, #tpu.memory_space<semaphore_mem>>) src(%arg17 : memref<16x128xf32, #tpu.memory_space<vmem>>) dst(%dma_wait3A_329 : memref<16x128xf32, #tpu.memory_space<vmem_shared>>)
      tpu.yield
    }) : () -> ()
    %mul3A_154 = arith.constant 624 : i32
    %mul3A_155 = arith.muli %arg1, %mul3A_154 : i32
    %add3A_156 = arith.constant 576 : i32
    %add3A_157 = arith.addi %mul3A_155, %add3A_156 : i32
    "tpu.region"() ({
      %run_scoped3A = tpu.sem_alloc : memref<!tpu.dma_semaphore, #tpu.memory_space<semaphore_mem>>
      %dma_start3A_322 = arith.constant 0 : i32
      %dma_start3A_323 = tpu.memref_slice %arg18[%add3A_157, %dma_start3A_322] : memref<10000x128xf32, #tpu.memory_space<vmem_shared>> -> memref<16x128xf32, #tpu.memory_space<vmem_shared>>
      %dma_start3A_324 = arith.constant 0 : i32
      %dma_start3A_325 = tpu.memref_slice %arg18[%add3A_157, %dma_start3A_324] : memref<10000x128xf32, #tpu.memory_space<vmem_shared>> -> memref<16x128xf32, #tpu.memory_space<vmem_shared>>
      tpu.enqueue_dma source(%arg17 : memref<16x128xf32, #tpu.memory_space<vmem>>) target(%dma_start3A_325 : memref<16x128xf32, #tpu.memory_space<vmem_shared>>) target_semaphore(%run_scoped3A : memref<!tpu.dma_semaphore, #tpu.memory_space<semaphore_mem>>)
      %dma_wait3A_326 = arith.constant 0 : i32
      %dma_wait3A_327 = tpu.memref_slice %arg18[%add3A_157, %dma_wait3A_326] : memref<10000x128xf32, #tpu.memory_space<vmem_shared>> -> memref<16x128xf32, #tpu.memory_space<vmem_shared>>
      %dma_wait3A_328 = arith.constant 0 : i32
      %dma_wait3A_329 = tpu.memref_slice %arg18[%add3A_157, %dma_wait3A_328] : memref<10000x128xf32, #tpu.memory_space<vmem_shared>> -> memref<16x128xf32, #tpu.memory_space<vmem_shared>>
      tpu.wait_dma2 semaphore(%run_scoped3A : memref<!tpu.dma_semaphore, #tpu.memory_space<semaphore_mem>>) src(%arg17 : memref<16x128xf32, #tpu.memory_space<vmem>>) dst(%dma_wait3A_329 : memref<16x128xf32, #tpu.memory_space<vmem_shared>>)
      tpu.yield
    }) : () -> ()
    %mul3A_158 = arith.constant 624 : i32
    %mul3A_159 = arith.muli %arg1, %mul3A_158 : i32
    %add3A_160 = arith.constant 592 : i32
    %add3A_161 = arith.addi %mul3A_159, %add3A_160 : i32
    "tpu.region"() ({
      %run_scoped3A = tpu.sem_alloc : memref<!tpu.dma_semaphore, #tpu.memory_space<semaphore_mem>>
      %dma_start3A_322 = arith.constant 0 : i32
      %dma_start3A_323 = tpu.memref_slice %arg18[%add3A_161, %dma_start3A_322] : memref<10000x128xf32, #tpu.memory_space<vmem_shared>> -> memref<16x128xf32, #tpu.memory_space<vmem_shared>>
      %dma_start3A_324 = arith.constant 0 : i32
      %dma_start3A_325 = tpu.memref_slice %arg18[%add3A_161, %dma_start3A_324] : memref<10000x128xf32, #tpu.memory_space<vmem_shared>> -> memref<16x128xf32, #tpu.memory_space<vmem_shared>>
      tpu.enqueue_dma source(%arg17 : memref<16x128xf32, #tpu.memory_space<vmem>>) target(%dma_start3A_325 : memref<16x128xf32, #tpu.memory_space<vmem_shared>>) target_semaphore(%run_scoped3A : memref<!tpu.dma_semaphore, #tpu.memory_space<semaphore_mem>>)
      %dma_wait3A_326 = arith.constant 0 : i32
      %dma_wait3A_327 = tpu.memref_slice %arg18[%add3A_161, %dma_wait3A_326] : memref<10000x128xf32, #tpu.memory_space<vmem_shared>> -> memref<16x128xf32, #tpu.memory_space<vmem_shared>>
      %dma_wait3A_328 = arith.constant 0 : i32
      %dma_wait3A_329 = tpu.memref_slice %arg18[%add3A_161, %dma_wait3A_328] : memref<10000x128xf32, #tpu.memory_space<vmem_shared>> -> memref<16x128xf32, #tpu.memory_space<vmem_shared>>
      tpu.wait_dma2 semaphore(%run_scoped3A : memref<!tpu.dma_semaphore, #tpu.memory_space<semaphore_mem>>) src(%arg17 : memref<16x128xf32, #tpu.memory_space<vmem>>) dst(%dma_wait3A_329 : memref<16x128xf32, #tpu.memory_space<vmem_shared>>)
      tpu.yield
    }) : () -> ()
    %mul3A_162 = arith.constant 624 : i32
    %mul3A_163 = arith.muli %arg1, %mul3A_162 : i32
    %add3A_164 = arith.constant 608 : i32
    %add3A_165 = arith.addi %mul3A_163, %add3A_164 : i32
    "tpu.region"() ({
      %run_scoped3A = tpu.sem_alloc : memref<!tpu.dma_semaphore, #tpu.memory_space<semaphore_mem>>
      %dma_start3A_322 = arith.constant 0 : i32
      %dma_start3A_323 = tpu.memref_slice %arg18[%add3A_165, %dma_start3A_322] : memref<10000x128xf32, #tpu.memory_space<vmem_shared>> -> memref<16x128xf32, #tpu.memory_space<vmem_shared>>
      %dma_start3A_324 = arith.constant 0 : i32
      %dma_start3A_325 = tpu.memref_slice %arg18[%add3A_165, %dma_start3A_324] : memref<10000x128xf32, #tpu.memory_space<vmem_shared>> -> memref<16x128xf32, #tpu.memory_space<vmem_shared>>
      tpu.enqueue_dma source(%arg17 : memref<16x128xf32, #tpu.memory_space<vmem>>) target(%dma_start3A_325 : memref<16x128xf32, #tpu.memory_space<vmem_shared>>) target_semaphore(%run_scoped3A : memref<!tpu.dma_semaphore, #tpu.memory_space<semaphore_mem>>)
      %dma_wait3A_326 = arith.constant 0 : i32
      %dma_wait3A_327 = tpu.memref_slice %arg18[%add3A_165, %dma_wait3A_326] : memref<10000x128xf32, #tpu.memory_space<vmem_shared>> -> memref<16x128xf32, #tpu.memory_space<vmem_shared>>
      %dma_wait3A_328 = arith.constant 0 : i32
      %dma_wait3A_329 = tpu.memref_slice %arg18[%add3A_165, %dma_wait3A_328] : memref<10000x128xf32, #tpu.memory_space<vmem_shared>> -> memref<16x128xf32, #tpu.memory_space<vmem_shared>>
      tpu.wait_dma2 semaphore(%run_scoped3A : memref<!tpu.dma_semaphore, #tpu.memory_space<semaphore_mem>>) src(%arg17 : memref<16x128xf32, #tpu.memory_space<vmem>>) dst(%dma_wait3A_329 : memref<16x128xf32, #tpu.memory_space<vmem_shared>>)
      tpu.yield
    }) : () -> ()
    %mul3A_166 = arith.constant 624 : i32
    %mul3A_167 = arith.muli %arg1, %mul3A_166 : i32
    %add3A_168 = arith.constant 624 : i32
    %add3A_169 = arith.addi %mul3A_167, %add3A_168 : i32
    "tpu.region"() ({
      %run_scoped3A = tpu.sem_alloc : memref<!tpu.dma_semaphore, #tpu.memory_space<semaphore_mem>>
      %dma_start3A_322 = arith.constant 0 : i32
      %dma_start3A_323 = tpu.memref_slice %arg18[%add3A_169, %dma_start3A_322] : memref<10000x128xf32, #tpu.memory_space<vmem_shared>> -> memref<16x128xf32, #tpu.memory_space<vmem_shared>>
      %dma_start3A_324 = arith.constant 0 : i32
      %dma_start3A_325 = tpu.memref_slice %arg18[%add3A_169, %dma_start3A_324] : memref<10000x128xf32, #tpu.memory_space<vmem_shared>> -> memref<16x128xf32, #tpu.memory_space<vmem_shared>>
      tpu.enqueue_dma source(%arg17 : memref<16x128xf32, #tpu.memory_space<vmem>>) target(%dma_start3A_325 : memref<16x128xf32, #tpu.memory_space<vmem_shared>>) target_semaphore(%run_scoped3A : memref<!tpu.dma_semaphore, #tpu.memory_space<semaphore_mem>>)
      %dma_wait3A_326 = arith.constant 0 : i32
      %dma_wait3A_327 = tpu.memref_slice %arg18[%add3A_169, %dma_wait3A_326] : memref<10000x128xf32, #tpu.memory_space<vmem_shared>> -> memref<16x128xf32, #tpu.memory_space<vmem_shared>>
      %dma_wait3A_328 = arith.constant 0 : i32
      %dma_wait3A_329 = tpu.memref_slice %arg18[%add3A_169, %dma_wait3A_328] : memref<10000x128xf32, #tpu.memory_space<vmem_shared>> -> memref<16x128xf32, #tpu.memory_space<vmem_shared>>
      tpu.wait_dma2 semaphore(%run_scoped3A : memref<!tpu.dma_semaphore, #tpu.memory_space<semaphore_mem>>) src(%arg17 : memref<16x128xf32, #tpu.memory_space<vmem>>) dst(%dma_wait3A_329 : memref<16x128xf32, #tpu.memory_space<vmem_shared>>)
      tpu.yield
    }) : () -> ()
    %barrier3A = arith.constant 0 : index
    tpu.barrier barrier_id(%barrier3A)
    %min3A = arith.constant 0 : i32
    %min3A_170 = arith.constant 624 : i32
    %min3A_171 = arith.minsi %min3A, %min3A_170 : i32
    %mul3A_172 = arith.constant 16 : i32
    %mul3A_173 = arith.muli %min3A_171, %mul3A_172 : i32
    %add3A_174 = arith.addi %mul3A_2, %mul3A_173 : i32
    %dma_start3A = tpu.memref_slice %arg2[%add3A_174] : memref<320000xi32, #tpu.memory_space<hbm>> -> memref<16xi32, #tpu.memory_space<hbm>>
    %dma_start3A_175 = tpu.memref_slice %arg2[%add3A_174] : memref<320000xi32, #tpu.memory_space<hbm>> -> memref<16xi32, #tpu.memory_space<hbm>>
    tpu.enqueue_dma source(%dma_start3A_175 : memref<16xi32, #tpu.memory_space<hbm>>) target(%arg9 : memref<16xi32, #tpu.memory_space<vmem>>) target_semaphore(%arg19 : memref<!tpu.dma_semaphore, #tpu.memory_space<semaphore_mem>>)
    %dma_start3A_176 = tpu.memref_slice %arg3[%add3A_174] : memref<320000xi32, #tpu.memory_space<hbm>> -> memref<16xi32, #tpu.memory_space<hbm>>
    %dma_start3A_177 = tpu.memref_slice %arg3[%add3A_174] : memref<320000xi32, #tpu.memory_space<hbm>> -> memref<16xi32, #tpu.memory_space<hbm>>
    tpu.enqueue_dma source(%dma_start3A_177 : memref<16xi32, #tpu.memory_space<hbm>>) target(%arg11 : memref<16xi32, #tpu.memory_space<vmem>>) target_semaphore(%arg19 : memref<!tpu.dma_semaphore, #tpu.memory_space<semaphore_mem>>)
    %min3A_178 = arith.constant 1 : i32
    %min3A_179 = arith.constant 624 : i32
    %min3A_180 = arith.minsi %min3A_178, %min3A_179 : i32
    %mul3A_181 = arith.constant 16 : i32
    %mul3A_182 = arith.muli %min3A_180, %mul3A_181 : i32
    %add3A_183 = arith.addi %mul3A_2, %mul3A_182 : i32
    %dma_start3A_184 = tpu.memref_slice %arg2[%add3A_183] : memref<320000xi32, #tpu.memory_space<hbm>> -> memref<16xi32, #tpu.memory_space<hbm>>
    %dma_start3A_185 = tpu.memref_slice %arg2[%add3A_183] : memref<320000xi32, #tpu.memory_space<hbm>> -> memref<16xi32, #tpu.memory_space<hbm>>
    tpu.enqueue_dma source(%dma_start3A_185 : memref<16xi32, #tpu.memory_space<hbm>>) target(%arg10 : memref<16xi32, #tpu.memory_space<vmem>>) target_semaphore(%arg19 : memref<!tpu.dma_semaphore, #tpu.memory_space<semaphore_mem>>)
    %dma_start3A_186 = tpu.memref_slice %arg3[%add3A_183] : memref<320000xi32, #tpu.memory_space<hbm>> -> memref<16xi32, #tpu.memory_space<hbm>>
    %dma_start3A_187 = tpu.memref_slice %arg3[%add3A_183] : memref<320000xi32, #tpu.memory_space<hbm>> -> memref<16xi32, #tpu.memory_space<hbm>>
    tpu.enqueue_dma source(%dma_start3A_187 : memref<16xi32, #tpu.memory_space<hbm>>) target(%arg12 : memref<16xi32, #tpu.memory_space<vmem>>) target_semaphore(%arg19 : memref<!tpu.dma_semaphore, #tpu.memory_space<semaphore_mem>>)
    %dma_wait3A = arith.constant 0 : i32
    %dma_wait3A_188 = tpu.memref_slice %arg2[%dma_wait3A] : memref<320000xi32, #tpu.memory_space<hbm>> -> memref<16xi32, #tpu.memory_space<hbm>>
    %dma_wait3A_189 = arith.constant 0 : i32
    %dma_wait3A_190 = tpu.memref_slice %arg2[%dma_wait3A_189] : memref<320000xi32, #tpu.memory_space<hbm>> -> memref<16xi32, #tpu.memory_space<hbm>>
    tpu.wait_dma2 semaphore(%arg19 : memref<!tpu.dma_semaphore, #tpu.memory_space<semaphore_mem>>) src(%dma_wait3A_190 : memref<16xi32, #tpu.memory_space<hbm>>) dst(%arg9 : memref<16xi32, #tpu.memory_space<vmem>>)
    %dma_wait3A_191 = arith.constant 0 : i32
    %dma_wait3A_192 = tpu.memref_slice %arg3[%dma_wait3A_191] : memref<320000xi32, #tpu.memory_space<hbm>> -> memref<16xi32, #tpu.memory_space<hbm>>
    %dma_wait3A_193 = arith.constant 0 : i32
    %dma_wait3A_194 = tpu.memref_slice %arg3[%dma_wait3A_193] : memref<320000xi32, #tpu.memory_space<hbm>> -> memref<16xi32, #tpu.memory_space<hbm>>
    tpu.wait_dma2 semaphore(%arg19 : memref<!tpu.dma_semaphore, #tpu.memory_space<semaphore_mem>>) src(%dma_wait3A_194 : memref<16xi32, #tpu.memory_space<hbm>>) dst(%arg11 : memref<16xi32, #tpu.memory_space<vmem>>)
    %add3A_195 = arith.constant 0 : i32
    %add3A_196 = arith.addi %mul3A_2, %add3A_195 : i32
    %dma_start3A_197 = arith.constant 0 : i32
    %dma_start3A_198 = arith.constant 0 : i32
    %dma_start3A_199 = arith.constant 0 : i32
    %dma_start3A_200 = tpu.memref_slice %arg13[%dma_start3A_197, %dma_start3A_198, %dma_start3A_199] : memref<2x16x128xf32, #tpu.memory_space<vmem>> -> memref<1x16x128xf32, #tpu.memory_space<vmem>>
    %dma_start3A_201 = tpu.memref_squeeze %dma_start3A_200 : memref<1x16x128xf32, #tpu.memory_space<vmem>> -> memref<16x128xf32, #tpu.memory_space<vmem>>
    %dma_start3A_202 = arith.constant 0 : i32
    %dma_start3A_203 = arith.constant 0 : i32
    %dma_start3A_204 = tpu.memref_slice %arg4[%dma_start3A_202, %dma_start3A_203] : memref<10000x128xf32, #tpu.memory_space<hbm>> -> memref<10000x128xf32, #tpu.memory_space<hbm>>
    tpu.enqueue_indirect_dma source(%dma_start3A_204 : memref<10000x128xf32, #tpu.memory_space<hbm>>) target(%dma_start3A_201 : memref<16x128xf32, #tpu.memory_space<vmem>>) offsets(%arg9 : memref<16xi32, #tpu.memory_space<vmem>>) semaphore(%arg20 : memref<!tpu.dma_semaphore, #tpu.memory_space<semaphore_mem>>)
    %dma_start3A_205 = arith.constant 0 : i32
    %dma_start3A_206 = arith.constant 0 : i32
    %dma_start3A_207 = arith.constant 0 : i32
    %dma_start3A_208 = tpu.memref_slice %arg14[%dma_start3A_205, %dma_start3A_206, %dma_start3A_207] : memref<2x16x256xf32, #tpu.memory_space<vmem>> -> memref<1x16x256xf32, #tpu.memory_space<vmem>>
    %dma_start3A_209 = tpu.memref_squeeze %dma_start3A_208 : memref<1x16x256xf32, #tpu.memory_space<vmem>> -> memref<16x256xf32, #tpu.memory_space<vmem>>
    %dma_start3A_210 = arith.constant 0 : i32
    %dma_start3A_211 = arith.constant 0 : i32
    %dma_start3A_212 = tpu.memref_slice %arg5[%dma_start3A_210, %dma_start3A_211] : memref<10000x256xf32, #tpu.memory_space<hbm>> -> memref<10000x256xf32, #tpu.memory_space<hbm>>
    tpu.enqueue_indirect_dma source(%dma_start3A_212 : memref<10000x256xf32, #tpu.memory_space<hbm>>) target(%dma_start3A_209 : memref<16x256xf32, #tpu.memory_space<vmem>>) offsets(%arg11 : memref<16xi32, #tpu.memory_space<vmem>>) semaphore(%arg20 : memref<!tpu.dma_semaphore, #tpu.memory_space<semaphore_mem>>)
    %dma_start3A_213 = arith.constant 0 : i32
    %dma_start3A_214 = arith.constant 0 : i32
    %dma_start3A_215 = arith.constant 0 : i32
    %dma_start3A_216 = tpu.memref_slice %arg15[%dma_start3A_213, %dma_start3A_214, %dma_start3A_215] : memref<2x16x256xf32, #tpu.memory_space<vmem>> -> memref<1x16x256xf32, #tpu.memory_space<vmem>>
    %dma_start3A_217 = tpu.memref_squeeze %dma_start3A_216 : memref<1x16x256xf32, #tpu.memory_space<vmem>> -> memref<16x256xf32, #tpu.memory_space<vmem>>
    %dma_start3A_218 = arith.constant 0 : i32
    %dma_start3A_219 = tpu.memref_slice %arg6[%add3A_196, %dma_start3A_218] : memref<320000x256xf32, #tpu.memory_space<hbm>> -> memref<16x256xf32, #tpu.memory_space<hbm>>
    %dma_start3A_220 = arith.constant 0 : i32
    %dma_start3A_221 = arith.constant 0 : i32
    %dma_start3A_222 = tpu.memref_slice %arg15[%dma_start3A_213, %dma_start3A_220, %dma_start3A_221] : memref<2x16x256xf32, #tpu.memory_space<vmem>> -> memref<1x16x256xf32, #tpu.memory_space<vmem>>
    %dma_start3A_223 = tpu.memref_squeeze %dma_start3A_222 : memref<1x16x256xf32, #tpu.memory_space<vmem>> -> memref<16x256xf32, #tpu.memory_space<vmem>>
    %dma_start3A_224 = arith.constant 0 : i32
    %dma_start3A_225 = tpu.memref_slice %arg6[%add3A_196, %dma_start3A_224] : memref<320000x256xf32, #tpu.memory_space<hbm>> -> memref<16x256xf32, #tpu.memory_space<hbm>>
    tpu.enqueue_dma source(%dma_start3A_225 : memref<16x256xf32, #tpu.memory_space<hbm>>) target(%dma_start3A_223 : memref<16x256xf32, #tpu.memory_space<vmem>>) target_semaphore(%arg20 : memref<!tpu.dma_semaphore, #tpu.memory_space<semaphore_mem>>)
    %dma_start3A_226 = arith.constant 0 : i32
    %dma_start3A_227 = arith.constant 0 : i32
    %dma_start3A_228 = tpu.memref_slice %arg7[%dma_start3A_226, %dma_start3A_227] : memref<320000x128xf32, #tpu.memory_space<hbm>> -> memref<16x128xf32, #tpu.memory_space<hbm>>
    %dma_start3A_229 = arith.constant 0 : i32
    %dma_start3A_230 = arith.constant 0 : i32
    %dma_start3A_231 = tpu.memref_slice %arg7[%dma_start3A_229, %dma_start3A_230] : memref<320000x128xf32, #tpu.memory_space<hbm>> -> memref<16x128xf32, #tpu.memory_space<hbm>>
    tpu.enqueue_dma source(%dma_start3A_231 : memref<16x128xf32, #tpu.memory_space<hbm>>) target(%arg16 : memref<16x128xf32, #tpu.memory_space<vmem>>) target_semaphore(%arg21 : memref<!tpu.dma_semaphore, #tpu.memory_space<semaphore_mem>>)
    %scan3A_232 = arith.constant 0 : i32
    %scan3A_233 = arith.constant 0 : i32
    %scan3A_234 = arith.constant 312 : i32
    %scan3A_235 = arith.addi %scan3A_233, %scan3A_234 : i32
    %scan3A_236 = arith.constant 1 : i32
    %scan3A_237 = scf.for %scan3A_322 = %scan3A_233 to %scan3A_235 step %scan3A_236 iter_args(%scan3A_323 = %scan3A_232) -> (i32)  : i32 {
      %mul3A_324 = arith.constant 2 : i32
      %mul3A_325 = arith.muli %mul3A_324, %scan3A_322 : i32
      %dma_wait3A_326 = arith.constant 0 : i32
      %dma_wait3A_327 = arith.constant 0 : i32
      %dma_wait3A_328 = arith.constant 0 : i32
      %dma_wait3A_329 = tpu.memref_slice %arg13[%dma_wait3A_326, %dma_wait3A_327, %dma_wait3A_328] : memref<2x16x128xf32, #tpu.memory_space<vmem>> -> memref<1x16x128xf32, #tpu.memory_space<vmem>>
      %dma_wait3A_330 = tpu.memref_squeeze %dma_wait3A_329 : memref<1x16x128xf32, #tpu.memory_space<vmem>> -> memref<16x128xf32, #tpu.memory_space<vmem>>
      %dma_wait3A_331 = arith.constant 0 : i32
      %dma_wait3A_332 = arith.constant 0 : i32
      %dma_wait3A_333 = tpu.memref_slice %arg4[%dma_wait3A_331, %dma_wait3A_332] : memref<10000x128xf32, #tpu.memory_space<hbm>> -> memref<16x128xf32, #tpu.memory_space<hbm>>
      %dma_wait3A_334 = arith.constant 0 : i32
      %dma_wait3A_335 = arith.constant 0 : i32
      %dma_wait3A_336 = tpu.memref_slice %arg13[%dma_wait3A_326, %dma_wait3A_334, %dma_wait3A_335] : memref<2x16x128xf32, #tpu.memory_space<vmem>> -> memref<1x16x128xf32, #tpu.memory_space<vmem>>
      %dma_wait3A_337 = tpu.memref_squeeze %dma_wait3A_336 : memref<1x16x128xf32, #tpu.memory_space<vmem>> -> memref<16x128xf32, #tpu.memory_space<vmem>>
      %dma_wait3A_338 = arith.constant 0 : i32
      %dma_wait3A_339 = arith.constant 0 : i32
      %dma_wait3A_340 = tpu.memref_slice %arg4[%dma_wait3A_338, %dma_wait3A_339] : memref<10000x128xf32, #tpu.memory_space<hbm>> -> memref<16x128xf32, #tpu.memory_space<hbm>>
      tpu.wait_dma2 semaphore(%arg20 : memref<!tpu.dma_semaphore, #tpu.memory_space<semaphore_mem>>) src(%dma_wait3A_340 : memref<16x128xf32, #tpu.memory_space<hbm>>) dst(%dma_wait3A_337 : memref<16x128xf32, #tpu.memory_space<vmem>>)
      %dma_wait3A_341 = arith.constant 0 : i32
      %dma_wait3A_342 = arith.constant 0 : i32
      %dma_wait3A_343 = arith.constant 0 : i32
      %dma_wait3A_344 = tpu.memref_slice %arg14[%dma_wait3A_341, %dma_wait3A_342, %dma_wait3A_343] : memref<2x16x256xf32, #tpu.memory_space<vmem>> -> memref<1x16x256xf32, #tpu.memory_space<vmem>>
      %dma_wait3A_345 = tpu.memref_squeeze %dma_wait3A_344 : memref<1x16x256xf32, #tpu.memory_space<vmem>> -> memref<16x256xf32, #tpu.memory_space<vmem>>
      %dma_wait3A_346 = arith.constant 0 : i32
      %dma_wait3A_347 = arith.constant 0 : i32
      %dma_wait3A_348 = tpu.memref_slice %arg5[%dma_wait3A_346, %dma_wait3A_347] : memref<10000x256xf32, #tpu.memory_space<hbm>> -> memref<16x256xf32, #tpu.memory_space<hbm>>
      %dma_wait3A_349 = arith.constant 0 : i32
      %dma_wait3A_350 = arith.constant 0 : i32
      %dma_wait3A_351 = tpu.memref_slice %arg14[%dma_wait3A_341, %dma_wait3A_349, %dma_wait3A_350] : memref<2x16x256xf32, #tpu.memory_space<vmem>> -> memref<1x16x256xf32, #tpu.memory_space<vmem>>
      %dma_wait3A_352 = tpu.memref_squeeze %dma_wait3A_351 : memref<1x16x256xf32, #tpu.memory_space<vmem>> -> memref<16x256xf32, #tpu.memory_space<vmem>>
      %dma_wait3A_353 = arith.constant 0 : i32
      %dma_wait3A_354 = arith.constant 0 : i32
      %dma_wait3A_355 = tpu.memref_slice %arg5[%dma_wait3A_353, %dma_wait3A_354] : memref<10000x256xf32, #tpu.memory_space<hbm>> -> memref<16x256xf32, #tpu.memory_space<hbm>>
      tpu.wait_dma2 semaphore(%arg20 : memref<!tpu.dma_semaphore, #tpu.memory_space<semaphore_mem>>) src(%dma_wait3A_355 : memref<16x256xf32, #tpu.memory_space<hbm>>) dst(%dma_wait3A_352 : memref<16x256xf32, #tpu.memory_space<vmem>>)
      %dma_wait3A_356 = arith.constant 0 : i32
      %dma_wait3A_357 = arith.constant 0 : i32
      %dma_wait3A_358 = arith.constant 0 : i32
      %dma_wait3A_359 = tpu.memref_slice %arg15[%dma_wait3A_356, %dma_wait3A_357, %dma_wait3A_358] : memref<2x16x256xf32, #tpu.memory_space<vmem>> -> memref<1x16x256xf32, #tpu.memory_space<vmem>>
      %dma_wait3A_360 = tpu.memref_squeeze %dma_wait3A_359 : memref<1x16x256xf32, #tpu.memory_space<vmem>> -> memref<16x256xf32, #tpu.memory_space<vmem>>
      %dma_wait3A_361 = arith.constant 0 : i32
      %dma_wait3A_362 = arith.constant 0 : i32
      %dma_wait3A_363 = tpu.memref_slice %arg6[%dma_wait3A_361, %dma_wait3A_362] : memref<320000x256xf32, #tpu.memory_space<hbm>> -> memref<16x256xf32, #tpu.memory_space<hbm>>
      %dma_wait3A_364 = arith.constant 0 : i32
      %dma_wait3A_365 = arith.constant 0 : i32
      %dma_wait3A_366 = tpu.memref_slice %arg15[%dma_wait3A_356, %dma_wait3A_364, %dma_wait3A_365] : memref<2x16x256xf32, #tpu.memory_space<vmem>> -> memref<1x16x256xf32, #tpu.memory_space<vmem>>
      %dma_wait3A_367 = tpu.memref_squeeze %dma_wait3A_366 : memref<1x16x256xf32, #tpu.memory_space<vmem>> -> memref<16x256xf32, #tpu.memory_space<vmem>>
      %dma_wait3A_368 = arith.constant 0 : i32
      %dma_wait3A_369 = arith.constant 0 : i32
      %dma_wait3A_370 = tpu.memref_slice %arg6[%dma_wait3A_368, %dma_wait3A_369] : memref<320000x256xf32, #tpu.memory_space<hbm>> -> memref<16x256xf32, #tpu.memory_space<hbm>>
      tpu.wait_dma2 semaphore(%arg20 : memref<!tpu.dma_semaphore, #tpu.memory_space<semaphore_mem>>) src(%dma_wait3A_370 : memref<16x256xf32, #tpu.memory_space<hbm>>) dst(%dma_wait3A_367 : memref<16x256xf32, #tpu.memory_space<vmem>>)
      %dma_wait3A_371 = arith.constant 0 : i32
      %dma_wait3A_372 = arith.constant 0 : i32
      %dma_wait3A_373 = tpu.memref_slice %arg7[%dma_wait3A_371, %dma_wait3A_372] : memref<320000x128xf32, #tpu.memory_space<hbm>> -> memref<16x128xf32, #tpu.memory_space<hbm>>
      %dma_wait3A_374 = arith.constant 0 : i32
      %dma_wait3A_375 = arith.constant 0 : i32
      %dma_wait3A_376 = tpu.memref_slice %arg7[%dma_wait3A_374, %dma_wait3A_375] : memref<320000x128xf32, #tpu.memory_space<hbm>> -> memref<16x128xf32, #tpu.memory_space<hbm>>
      tpu.wait_dma2 semaphore(%arg21 : memref<!tpu.dma_semaphore, #tpu.memory_space<semaphore_mem>>) src(%dma_wait3A_376 : memref<16x128xf32, #tpu.memory_space<hbm>>) dst(%arg16 : memref<16x128xf32, #tpu.memory_space<vmem>>)
      %dma_wait3A_377 = arith.constant 0 : i32
      %dma_wait3A_378 = tpu.memref_slice %arg2[%dma_wait3A_377] : memref<320000xi32, #tpu.memory_space<hbm>> -> memref<16xi32, #tpu.memory_space<hbm>>
      %dma_wait3A_379 = arith.constant 0 : i32
      %dma_wait3A_380 = tpu.memref_slice %arg2[%dma_wait3A_379] : memref<320000xi32, #tpu.memory_space<hbm>> -> memref<16xi32, #tpu.memory_space<hbm>>
      tpu.wait_dma2 semaphore(%arg19 : memref<!tpu.dma_semaphore, #tpu.memory_space<semaphore_mem>>) src(%dma_wait3A_380 : memref<16xi32, #tpu.memory_space<hbm>>) dst(%arg10 : memref<16xi32, #tpu.memory_space<vmem>>)
      %dma_wait3A_381 = arith.constant 0 : i32
      %dma_wait3A_382 = tpu.memref_slice %arg3[%dma_wait3A_381] : memref<320000xi32, #tpu.memory_space<hbm>> -> memref<16xi32, #tpu.memory_space<hbm>>
      %dma_wait3A_383 = arith.constant 0 : i32
      %dma_wait3A_384 = tpu.memref_slice %arg3[%dma_wait3A_383] : memref<320000xi32, #tpu.memory_space<hbm>> -> memref<16xi32, #tpu.memory_space<hbm>>
      tpu.wait_dma2 semaphore(%arg19 : memref<!tpu.dma_semaphore, #tpu.memory_space<semaphore_mem>>) src(%dma_wait3A_384 : memref<16xi32, #tpu.memory_space<hbm>>) dst(%arg12 : memref<16xi32, #tpu.memory_space<vmem>>)
      %add3A_385 = arith.constant 1 : i32
      %add3A_386 = arith.addi %mul3A_325, %add3A_385 : i32
      %mul3A_387 = arith.constant 16 : i32
      %mul3A_388 = arith.muli %add3A_386, %mul3A_387 : i32
      %add3A_389 = arith.addi %mul3A_2, %mul3A_388 : i32
      %dma_start3A_390 = arith.constant 1 : i32
      %dma_start3A_391 = arith.constant 0 : i32
      %dma_start3A_392 = arith.constant 0 : i32
      %dma_start3A_393 = tpu.memref_slice %arg13[%dma_start3A_390, %dma_start3A_391, %dma_start3A_392] : memref<2x16x128xf32, #tpu.memory_space<vmem>> -> memref<1x16x128xf32, #tpu.memory_space<vmem>>
      %dma_start3A_394 = tpu.memref_squeeze %dma_start3A_393 : memref<1x16x128xf32, #tpu.memory_space<vmem>> -> memref<16x128xf32, #tpu.memory_space<vmem>>
      %dma_start3A_395 = arith.constant 0 : i32
      %dma_start3A_396 = arith.constant 0 : i32
      %dma_start3A_397 = tpu.memref_slice %arg4[%dma_start3A_395, %dma_start3A_396] : memref<10000x128xf32, #tpu.memory_space<hbm>> -> memref<10000x128xf32, #tpu.memory_space<hbm>>
      tpu.enqueue_indirect_dma source(%dma_start3A_397 : memref<10000x128xf32, #tpu.memory_space<hbm>>) target(%dma_start3A_394 : memref<16x128xf32, #tpu.memory_space<vmem>>) offsets(%arg10 : memref<16xi32, #tpu.memory_space<vmem>>) semaphore(%arg20 : memref<!tpu.dma_semaphore, #tpu.memory_space<semaphore_mem>>)
      %dma_start3A_398 = arith.constant 1 : i32
      %dma_start3A_399 = arith.constant 0 : i32
      %dma_start3A_400 = arith.constant 0 : i32
      %dma_start3A_401 = tpu.memref_slice %arg14[%dma_start3A_398, %dma_start3A_399, %dma_start3A_400] : memref<2x16x256xf32, #tpu.memory_space<vmem>> -> memref<1x16x256xf32, #tpu.memory_space<vmem>>
      %dma_start3A_402 = tpu.memref_squeeze %dma_start3A_401 : memref<1x16x256xf32, #tpu.memory_space<vmem>> -> memref<16x256xf32, #tpu.memory_space<vmem>>
      %dma_start3A_403 = arith.constant 0 : i32
      %dma_start3A_404 = arith.constant 0 : i32
      %dma_start3A_405 = tpu.memref_slice %arg5[%dma_start3A_403, %dma_start3A_404] : memref<10000x256xf32, #tpu.memory_space<hbm>> -> memref<10000x256xf32, #tpu.memory_space<hbm>>
      tpu.enqueue_indirect_dma source(%dma_start3A_405 : memref<10000x256xf32, #tpu.memory_space<hbm>>) target(%dma_start3A_402 : memref<16x256xf32, #tpu.memory_space<vmem>>) offsets(%arg12 : memref<16xi32, #tpu.memory_space<vmem>>) semaphore(%arg20 : memref<!tpu.dma_semaphore, #tpu.memory_space<semaphore_mem>>)
      %dma_start3A_406 = arith.constant 1 : i32
      %dma_start3A_407 = arith.constant 0 : i32
      %dma_start3A_408 = arith.constant 0 : i32
      %dma_start3A_409 = tpu.memref_slice %arg15[%dma_start3A_406, %dma_start3A_407, %dma_start3A_408] : memref<2x16x256xf32, #tpu.memory_space<vmem>> -> memref<1x16x256xf32, #tpu.memory_space<vmem>>
      %dma_start3A_410 = tpu.memref_squeeze %dma_start3A_409 : memref<1x16x256xf32, #tpu.memory_space<vmem>> -> memref<16x256xf32, #tpu.memory_space<vmem>>
      %dma_start3A_411 = arith.constant 0 : i32
      %dma_start3A_412 = tpu.memref_slice %arg6[%add3A_389, %dma_start3A_411] : memref<320000x256xf32, #tpu.memory_space<hbm>> -> memref<16x256xf32, #tpu.memory_space<hbm>>
      %dma_start3A_413 = arith.constant 0 : i32
      %dma_start3A_414 = arith.constant 0 : i32
      %dma_start3A_415 = tpu.memref_slice %arg15[%dma_start3A_406, %dma_start3A_413, %dma_start3A_414] : memref<2x16x256xf32, #tpu.memory_space<vmem>> -> memref<1x16x256xf32, #tpu.memory_space<vmem>>
      %dma_start3A_416 = tpu.memref_squeeze %dma_start3A_415 : memref<1x16x256xf32, #tpu.memory_space<vmem>> -> memref<16x256xf32, #tpu.memory_space<vmem>>
      %dma_start3A_417 = arith.constant 0 : i32
      %dma_start3A_418 = tpu.memref_slice %arg6[%add3A_389, %dma_start3A_417] : memref<320000x256xf32, #tpu.memory_space<hbm>> -> memref<16x256xf32, #tpu.memory_space<hbm>>
      tpu.enqueue_dma source(%dma_start3A_418 : memref<16x256xf32, #tpu.memory_space<hbm>>) target(%dma_start3A_416 : memref<16x256xf32, #tpu.memory_space<vmem>>) target_semaphore(%arg20 : memref<!tpu.dma_semaphore, #tpu.memory_space<semaphore_mem>>)
      %scan3A_419 = arith.constant 0 : i32
      %scan3A_420 = arith.constant 0 : i32
      %scan3A_421 = arith.constant 16 : i32
      %scan3A_422 = arith.addi %scan3A_420, %scan3A_421 : i32
      %scan3A_423 = arith.constant 1 : i32
      %scan3A_424 = scf.for %scan3A_567 = %scan3A_420 to %scan3A_422 step %scan3A_423 iter_args(%scan3A_568 = %scan3A_419) -> (i32)  : i32 {
        %get3A = arith.constant 0 : i32
        %get3A_569 = arith.index_cast %get3A : i32 to index
        %get3A_570 = arith.index_cast %scan3A_567 : i32 to index
        %get3A_571 = arith.constant 0 : index
        %get3A_572 = tpu.vector_load %arg13[%get3A_569, %get3A_570, %get3A_571] {strides = array<i32>} : memref<2x16x128xf32, #tpu.memory_space<vmem>>, vector<1x1x16xf32>,
        %get3A_573 = vector.shape_cast %get3A_572 : vector<1x1x16xf32> to vector<16xf32>
        %get3A_574 = arith.constant 0 : i32
        %get3A_575 = arith.index_cast %get3A_574 : i32 to index
        %get3A_576 = arith.index_cast %scan3A_567 : i32 to index
        %get3A_577 = arith.constant 0 : index
        %get3A_578 = tpu.vector_load %arg14[%get3A_575, %get3A_576, %get3A_577] {strides = array<i32>} : memref<2x16x256xf32, #tpu.memory_space<vmem>>, vector<1x1x16xf32>,
        %get3A_579 = vector.shape_cast %get3A_578 : vector<1x1x16xf32> to vector<16xf32>
        %add3A_580 = arith.addf %get3A_573, %get3A_579 : vector<16xf32>
        %get3A_581 = arith.constant 0 : i32
        %get3A_582 = arith.index_cast %get3A_581 : i32 to index
        %get3A_583 = arith.index_cast %scan3A_567 : i32 to index
        %get3A_584 = arith.constant 0 : index
        %get3A_585 = tpu.vector_load %arg15[%get3A_582, %get3A_583, %get3A_584] {strides = array<i32>} : memref<2x16x256xf32, #tpu.memory_space<vmem>>, vector<1x1x16xf32>,
        %get3A_586 = vector.shape_cast %get3A_585 : vector<1x1x16xf32> to vector<16xf32>
        %add3A_587 = arith.addf %add3A_580, %get3A_586 : vector<16xf32>
        %get3A_588 = arith.constant 0 : i32
        %get3A_589 = arith.index_cast %get3A_588 : i32 to index
        %get3A_590 = arith.index_cast %scan3A_567 : i32 to index
        %get3A_591 = arith.constant 128 : index
        %get3A_592 = tpu.vector_load %arg15[%get3A_589, %get3A_590, %get3A_591] {strides = array<i32>} : memref<2x16x256xf32, #tpu.memory_space<vmem>>, vector<1x1x16xf32>,
        %get3A_593 = vector.shape_cast %get3A_592 : vector<1x1x16xf32> to vector<16xf32>
        %max3A = arith.constant 0.000000e+00 : f32
        %max3A_594 = vector.broadcast %max3A : f32 to vector<16xf32>
        %max3A_595 = arith.maximumf %add3A_587, %max3A_594 : vector<16xf32>
        %add3A_596 = arith.addf %get3A_593, %max3A_595 : vector<16xf32>
        %swap3A = arith.index_cast %scan3A_567 : i32 to index
        %swap3A_597 = arith.constant 0 : index
        %swap3A_598 = tpu.vector_load %arg16[%swap3A, %swap3A_597] {strides = array<i32>} : memref<16x128xf32, #tpu.memory_space<vmem>>, vector<1x16xf32>,
        %swap3A_599 = vector.shape_cast %swap3A_598 : vector<1x16xf32> to vector<16xf32>
        %swap3A_600 = vector.shape_cast %add3A_596 : vector<16xf32> to vector<1x16xf32>
        tpu.vector_store %arg16[%swap3A, %swap3A_597], %swap3A_600 {strides = array<i32>} : memref<16x128xf32, #tpu.memory_space<vmem>>, vector<1x16xf32>,
        %neg3A = arith.constant 0.000000e+00 : f32
        %neg3A_601 = vector.broadcast %neg3A : f32 to vector<16xf32>
        %neg3A_602 = arith.subf %neg3A_601, %add3A_587 : vector<16xf32>
        %exp3A = math.exp %neg3A_602 : vector<16xf32>
        %add3A_603 = arith.constant 1.000000e+00 : f32
        %add3A_604 = vector.broadcast %add3A_603 : f32 to vector<16xf32>
        %add3A_605 = arith.addf %add3A_604, %exp3A : vector<16xf32>
        %div3A = arith.constant 1.000000e+00 : f32
        %div3A_606 = vector.broadcast %div3A : f32 to vector<16xf32>
        %div3A_607 = arith.divf %div3A_606, %add3A_605 : vector<16xf32>
        %get3A_608 = arith.constant 0 : i32
        %get3A_609 = arith.index_cast %get3A_608 : i32 to index
        %get3A_610 = arith.index_cast %scan3A_567 : i32 to index
        %get3A_611 = arith.constant 128 : index
        %get3A_612 = tpu.vector_load %arg14[%get3A_609, %get3A_610, %get3A_611] {strides = array<i32>} : memref<2x16x256xf32, #tpu.memory_space<vmem>>, vector<1x1x16xf32>,
        %get3A_613 = vector.shape_cast %get3A_612 : vector<1x1x16xf32> to vector<16xf32>
        %mul3A_614 = arith.mulf %div3A_607, %get3A_613 : vector<16xf32>
        %swap3A_615 = arith.index_cast %scan3A_567 : i32 to index
        %swap3A_616 = arith.constant 0 : index
        %swap3A_617 = tpu.vector_load %arg17[%swap3A_615, %swap3A_616] {strides = array<i32>} : memref<16x128xf32, #tpu.memory_space<vmem>>, vector<1x16xf32>,
        %swap3A_618 = vector.shape_cast %swap3A_617 : vector<1x16xf32> to vector<16xf32>
        %swap3A_619 = vector.shape_cast %mul3A_614 : vector<16xf32> to vector<1x16xf32>
        tpu.vector_store %arg17[%swap3A_615, %swap3A_616], %swap3A_619 {strides = array<i32>} : memref<16x128xf32, #tpu.memory_space<vmem>>, vector<1x16xf32>,
        %get3A_620 = arith.constant 0 : i32
        %get3A_621 = arith.index_cast %get3A_620 : i32 to index
        %get3A_622 = arith.index_cast %scan3A_567 : i32 to index
        %get3A_623 = arith.constant 16 : index
        %get3A_624 = tpu.vector_load %arg13[%get3A_621, %get3A_622, %get3A_623] {strides = array<i32>} : memref<2x16x128xf32, #tpu.memory_space<vmem>>, vector<1x1x16xf32>,
        %get3A_625 = vector.shape_cast %get3A_624 : vector<1x1x16xf32> to vector<16xf32>
        %get3A_626 = arith.constant 0 : i32
        %get3A_627 = arith.index_cast %get3A_626 : i32 to index
        %get3A_628 = arith.index_cast %scan3A_567 : i32 to index
        %get3A_629 = arith.constant 16 : index
        %get3A_630 = tpu.vector_load %arg14[%get3A_627, %get3A_628, %get3A_629] {strides = array<i32>} : memref<2x16x256xf32, #tpu.memory_space<vmem>>, vector<1x1x16xf32>,
        %get3A_631 = vector.shape_cast %get3A_630 : vector<1x1x16xf32> to vector<16xf32>
        %add3A_632 = arith.addf %get3A_625, %get3A_631 : vector<16xf32>
        %get3A_633 = arith.constant 0 : i32
        %get3A_634 = arith.index_cast %get3A_633 : i32 to index
        %get3A_635 = arith.index_cast %scan3A_567 : i32 to index
        %get3A_636 = arith.constant 16 : index
        %get3A_637 = tpu.vector_load %arg15[%get3A_634, %get3A_635, %get3A_636] {strides = array<i32>} : memref<2x16x256xf32, #tpu.memory_space<vmem>>, vector<1x1x16xf32>,
        %get3A_638 = vector.shape_cast %get3A_637 : vector<1x1x16xf32> to vector<16xf32>
        %add3A_639 = arith.addf %add3A_632, %get3A_638 : vector<16xf32>
        %get3A_640 = arith.constant 0 : i32
        %get3A_641 = arith.index_cast %get3A_640 : i32 to index
        %get3A_642 = arith.index_cast %scan3A_567 : i32 to index
        %get3A_643 = arith.constant 144 : index
        %get3A_644 = tpu.vector_load %arg15[%get3A_641, %get3A_642, %get3A_643] {strides = array<i32>} : memref<2x16x256xf32, #tpu.memory_space<vmem>>, vector<1x1x16xf32>,
        %get3A_645 = vector.shape_cast %get3A_644 : vector<1x1x16xf32> to vector<16xf32>
        %max3A_646 = arith.constant 0.000000e+00 : f32
        %max3A_647 = vector.broadcast %max3A_646 : f32 to vector<16xf32>
        %max3A_648 = arith.maximumf %add3A_639, %max3A_647 : vector<16xf32>
        %add3A_649 = arith.addf %get3A_645, %max3A_648 : vector<16xf32>
        %swap3A_650 = arith.index_cast %scan3A_567 : i32 to index
        %swap3A_651 = arith.constant 16 : index
        %swap3A_652 = tpu.vector_load %arg16[%swap3A_650, %swap3A_651] {strides = array<i32>} : memref<16x128xf32, #tpu.memory_space<vmem>>, vector<1x16xf32>,
        %swap3A_653 = vector.shape_cast %swap3A_652 : vector<1x16xf32> to vector<16xf32>
        %swap3A_654 = vector.shape_cast %add3A_649 : vector<16xf32> to vector<1x16xf32>
        tpu.vector_store %arg16[%swap3A_650, %swap3A_651], %swap3A_654 {strides = array<i32>} : memref<16x128xf32, #tpu.memory_space<vmem>>, vector<1x16xf32>,
        %neg3A_655 = arith.constant 0.000000e+00 : f32
        %neg3A_656 = vector.broadcast %neg3A_655 : f32 to vector<16xf32>
        %neg3A_657 = arith.subf %neg3A_656, %add3A_639 : vector<16xf32>
        %exp3A_658 = math.exp %neg3A_657 : vector<16xf32>
        %add3A_659 = arith.constant 1.000000e+00 : f32
        %add3A_660 = vector.broadcast %add3A_659 : f32 to vector<16xf32>
        %add3A_661 = arith.addf %add3A_660, %exp3A_658 : vector<16xf32>
        %div3A_662 = arith.constant 1.000000e+00 : f32
        %div3A_663 = vector.broadcast %div3A_662 : f32 to vector<16xf32>
        %div3A_664 = arith.divf %div3A_663, %add3A_661 : vector<16xf32>
        %get3A_665 = arith.constant 0 : i32
        %get3A_666 = arith.index_cast %get3A_665 : i32 to index
        %get3A_667 = arith.index_cast %scan3A_567 : i32 to index
        %get3A_668 = arith.constant 144 : index
        %get3A_669 = tpu.vector_load %arg14[%get3A_666, %get3A_667, %get3A_668] {strides = array<i32>} : memref<2x16x256xf32, #tpu.memory_space<vmem>>, vector<1x1x16xf32>,
        %get3A_670 = vector.shape_cast %get3A_669 : vector<1x1x16xf32> to vector<16xf32>
        %mul3A_671 = arith.mulf %div3A_664, %get3A_670 : vector<16xf32>
        %swap3A_672 = arith.index_cast %scan3A_567 : i32 to index
        %swap3A_673 = arith.constant 16 : index
        %swap3A_674 = tpu.vector_load %arg17[%swap3A_672, %swap3A_673] {strides = array<i32>} : memref<16x128xf32, #tpu.memory_space<vmem>>, vector<1x16xf32>,
        %swap3A_675 = vector.shape_cast %swap3A_674 : vector<1x16xf32> to vector<16xf32>
        %swap3A_676 = vector.shape_cast %mul3A_671 : vector<16xf32> to vector<1x16xf32>
        tpu.vector_store %arg17[%swap3A_672, %swap3A_673], %swap3A_676 {strides = array<i32>} : memref<16x128xf32, #tpu.memory_space<vmem>>, vector<1x16xf32>,
        %get3A_677 = arith.constant 0 : i32
        %get3A_678 = arith.index_cast %get3A_677 : i32 to index
        %get3A_679 = arith.index_cast %scan3A_567 : i32 to index
        %get3A_680 = arith.constant 32 : index
        %get3A_681 = tpu.vector_load %arg13[%get3A_678, %get3A_679, %get3A_680] {strides = array<i32>} : memref<2x16x128xf32, #tpu.memory_space<vmem>>, vector<1x1x16xf32>,
        %get3A_682 = vector.shape_cast %get3A_681 : vector<1x1x16xf32> to vector<16xf32>
        %get3A_683 = arith.constant 0 : i32
        %get3A_684 = arith.index_cast %get3A_683 : i32 to index
        %get3A_685 = arith.index_cast %scan3A_567 : i32 to index
        %get3A_686 = arith.constant 32 : index
        %get3A_687 = tpu.vector_load %arg14[%get3A_684, %get3A_685, %get3A_686] {strides = array<i32>} : memref<2x16x256xf32, #tpu.memory_space<vmem>>, vector<1x1x16xf32>,
        %get3A_688 = vector.shape_cast %get3A_687 : vector<1x1x16xf32> to vector<16xf32>
        %add3A_689 = arith.addf %get3A_682, %get3A_688 : vector<16xf32>
        %get3A_690 = arith.constant 0 : i32
        %get3A_691 = arith.index_cast %get3A_690 : i32 to index
        %get3A_692 = arith.index_cast %scan3A_567 : i32 to index
        %get3A_693 = arith.constant 32 : index
        %get3A_694 = tpu.vector_load %arg15[%get3A_691, %get3A_692, %get3A_693] {strides = array<i32>} : memref<2x16x256xf32, #tpu.memory_space<vmem>>, vector<1x1x16xf32>,
        %get3A_695 = vector.shape_cast %get3A_694 : vector<1x1x16xf32> to vector<16xf32>
        %add3A_696 = arith.addf %add3A_689, %get3A_695 : vector<16xf32>
        %get3A_697 = arith.constant 0 : i32
        %get3A_698 = arith.index_cast %get3A_697 : i32 to index
        %get3A_699 = arith.index_cast %scan3A_567 : i32 to index
        %get3A_700 = arith.constant 160 : index
        %get3A_701 = tpu.vector_load %arg15[%get3A_698, %get3A_699, %get3A_700] {strides = array<i32>} : memref<2x16x256xf32, #tpu.memory_space<vmem>>, vector<1x1x16xf32>,
        %get3A_702 = vector.shape_cast %get3A_701 : vector<1x1x16xf32> to vector<16xf32>
        %max3A_703 = arith.constant 0.000000e+00 : f32
        %max3A_704 = vector.broadcast %max3A_703 : f32 to vector<16xf32>
        %max3A_705 = arith.maximumf %add3A_696, %max3A_704 : vector<16xf32>
        %add3A_706 = arith.addf %get3A_702, %max3A_705 : vector<16xf32>
        %swap3A_707 = arith.index_cast %scan3A_567 : i32 to index
        %swap3A_708 = arith.constant 32 : index
        %swap3A_709 = tpu.vector_load %arg16[%swap3A_707, %swap3A_708] {strides = array<i32>} : memref<16x128xf32, #tpu.memory_space<vmem>>, vector<1x16xf32>,
        %swap3A_710 = vector.shape_cast %swap3A_709 : vector<1x16xf32> to vector<16xf32>
        %swap3A_711 = vector.shape_cast %add3A_706 : vector<16xf32> to vector<1x16xf32>
        tpu.vector_store %arg16[%swap3A_707, %swap3A_708], %swap3A_711 {strides = array<i32>} : memref<16x128xf32, #tpu.memory_space<vmem>>, vector<1x16xf32>,
        %neg3A_712 = arith.constant 0.000000e+00 : f32
        %neg3A_713 = vector.broadcast %neg3A_712 : f32 to vector<16xf32>
        %neg3A_714 = arith.subf %neg3A_713, %add3A_696 : vector<16xf32>
        %exp3A_715 = math.exp %neg3A_714 : vector<16xf32>
        %add3A_716 = arith.constant 1.000000e+00 : f32
        %add3A_717 = vector.broadcast %add3A_716 : f32 to vector<16xf32>
        %add3A_718 = arith.addf %add3A_717, %exp3A_715 : vector<16xf32>
        %div3A_719 = arith.constant 1.000000e+00 : f32
        %div3A_720 = vector.broadcast %div3A_719 : f32 to vector<16xf32>
        %div3A_721 = arith.divf %div3A_720, %add3A_718 : vector<16xf32>
        %get3A_722 = arith.constant 0 : i32
        %get3A_723 = arith.index_cast %get3A_722 : i32 to index
        %get3A_724 = arith.index_cast %scan3A_567 : i32 to index
        %get3A_725 = arith.constant 160 : index
        %get3A_726 = tpu.vector_load %arg14[%get3A_723, %get3A_724, %get3A_725] {strides = array<i32>} : memref<2x16x256xf32, #tpu.memory_space<vmem>>, vector<1x1x16xf32>,
        %get3A_727 = vector.shape_cast %get3A_726 : vector<1x1x16xf32> to vector<16xf32>
        %mul3A_728 = arith.mulf %div3A_721, %get3A_727 : vector<16xf32>
        %swap3A_729 = arith.index_cast %scan3A_567 : i32 to index
        %swap3A_730 = arith.constant 32 : index
        %swap3A_731 = tpu.vector_load %arg17[%swap3A_729, %swap3A_730] {strides = array<i32>} : memref<16x128xf32, #tpu.memory_space<vmem>>, vector<1x16xf32>,
        %swap3A_732 = vector.shape_cast %swap3A_731 : vector<1x16xf32> to vector<16xf32>
        %swap3A_733 = vector.shape_cast %mul3A_728 : vector<16xf32> to vector<1x16xf32>
        tpu.vector_store %arg17[%swap3A_729, %swap3A_730], %swap3A_733 {strides = array<i32>} : memref<16x128xf32, #tpu.memory_space<vmem>>, vector<1x16xf32>,
        %get3A_734 = arith.constant 0 : i32
        %get3A_735 = arith.index_cast %get3A_734 : i32 to index
        %get3A_736 = arith.index_cast %scan3A_567 : i32 to index
        %get3A_737 = arith.constant 48 : index
        %get3A_738 = tpu.vector_load %arg13[%get3A_735, %get3A_736, %get3A_737] {strides = array<i32>} : memref<2x16x128xf32, #tpu.memory_space<vmem>>, vector<1x1x16xf32>,
        %get3A_739 = vector.shape_cast %get3A_738 : vector<1x1x16xf32> to vector<16xf32>
        %get3A_740 = arith.constant 0 : i32
        %get3A_741 = arith.index_cast %get3A_740 : i32 to index
        %get3A_742 = arith.index_cast %scan3A_567 : i32 to index
        %get3A_743 = arith.constant 48 : index
        %get3A_744 = tpu.vector_load %arg14[%get3A_741, %get3A_742, %get3A_743] {strides = array<i32>} : memref<2x16x256xf32, #tpu.memory_space<vmem>>, vector<1x1x16xf32>,
        %get3A_745 = vector.shape_cast %get3A_744 : vector<1x1x16xf32> to vector<16xf32>
        %add3A_746 = arith.addf %get3A_739, %get3A_745 : vector<16xf32>
        %get3A_747 = arith.constant 0 : i32
        %get3A_748 = arith.index_cast %get3A_747 : i32 to index
        %get3A_749 = arith.index_cast %scan3A_567 : i32 to index
        %get3A_750 = arith.constant 48 : index
        %get3A_751 = tpu.vector_load %arg15[%get3A_748, %get3A_749, %get3A_750] {strides = array<i32>} : memref<2x16x256xf32, #tpu.memory_space<vmem>>, vector<1x1x16xf32>,
        %get3A_752 = vector.shape_cast %get3A_751 : vector<1x1x16xf32> to vector<16xf32>
        %add3A_753 = arith.addf %add3A_746, %get3A_752 : vector<16xf32>
        %get3A_754 = arith.constant 0 : i32
        %get3A_755 = arith.index_cast %get3A_754 : i32 to index
        %get3A_756 = arith.index_cast %scan3A_567 : i32 to index
        %get3A_757 = arith.constant 176 : index
        %get3A_758 = tpu.vector_load %arg15[%get3A_755, %get3A_756, %get3A_757] {strides = array<i32>} : memref<2x16x256xf32, #tpu.memory_space<vmem>>, vector<1x1x16xf32>,
        %get3A_759 = vector.shape_cast %get3A_758 : vector<1x1x16xf32> to vector<16xf32>
        %max3A_760 = arith.constant 0.000000e+00 : f32
        %max3A_761 = vector.broadcast %max3A_760 : f32 to vector<16xf32>
        %max3A_762 = arith.maximumf %add3A_753, %max3A_761 : vector<16xf32>
        %add3A_763 = arith.addf %get3A_759, %max3A_762 : vector<16xf32>
        %swap3A_764 = arith.index_cast %scan3A_567 : i32 to index
        %swap3A_765 = arith.constant 48 : index
        %swap3A_766 = tpu.vector_load %arg16[%swap3A_764, %swap3A_765] {strides = array<i32>} : memref<16x128xf32, #tpu.memory_space<vmem>>, vector<1x16xf32>,
        %swap3A_767 = vector.shape_cast %swap3A_766 : vector<1x16xf32> to vector<16xf32>
        %swap3A_768 = vector.shape_cast %add3A_763 : vector<16xf32> to vector<1x16xf32>
        tpu.vector_store %arg16[%swap3A_764, %swap3A_765], %swap3A_768 {strides = array<i32>} : memref<16x128xf32, #tpu.memory_space<vmem>>, vector<1x16xf32>,
        %neg3A_769 = arith.constant 0.000000e+00 : f32
        %neg3A_770 = vector.broadcast %neg3A_769 : f32 to vector<16xf32>
        %neg3A_771 = arith.subf %neg3A_770, %add3A_753 : vector<16xf32>
        %exp3A_772 = math.exp %neg3A_771 : vector<16xf32>
        %add3A_773 = arith.constant 1.000000e+00 : f32
        %add3A_774 = vector.broadcast %add3A_773 : f32 to vector<16xf32>
        %add3A_775 = arith.addf %add3A_774, %exp3A_772 : vector<16xf32>
        %div3A_776 = arith.constant 1.000000e+00 : f32
        %div3A_777 = vector.broadcast %div3A_776 : f32 to vector<16xf32>
        %div3A_778 = arith.divf %div3A_777, %add3A_775 : vector<16xf32>
        %get3A_779 = arith.constant 0 : i32
        %get3A_780 = arith.index_cast %get3A_779 : i32 to index
        %get3A_781 = arith.index_cast %scan3A_567 : i32 to index
        %get3A_782 = arith.constant 176 : index
        %get3A_783 = tpu.vector_load %arg14[%get3A_780, %get3A_781, %get3A_782] {strides = array<i32>} : memref<2x16x256xf32, #tpu.memory_space<vmem>>, vector<1x1x16xf32>,
        %get3A_784 = vector.shape_cast %get3A_783 : vector<1x1x16xf32> to vector<16xf32>
        %mul3A_785 = arith.mulf %div3A_778, %get3A_784 : vector<16xf32>
        %swap3A_786 = arith.index_cast %scan3A_567 : i32 to index
        %swap3A_787 = arith.constant 48 : index
        %swap3A_788 = tpu.vector_load %arg17[%swap3A_786, %swap3A_787] {strides = array<i32>} : memref<16x128xf32, #tpu.memory_space<vmem>>, vector<1x16xf32>,
        %swap3A_789 = vector.shape_cast %swap3A_788 : vector<1x16xf32> to vector<16xf32>
        %swap3A_790 = vector.shape_cast %mul3A_785 : vector<16xf32> to vector<1x16xf32>
        tpu.vector_store %arg17[%swap3A_786, %swap3A_787], %swap3A_790 {strides = array<i32>} : memref<16x128xf32, #tpu.memory_space<vmem>>, vector<1x16xf32>,
        %get3A_791 = arith.constant 0 : i32
        %get3A_792 = arith.index_cast %get3A_791 : i32 to index
        %get3A_793 = arith.index_cast %scan3A_567 : i32 to index
        %get3A_794 = arith.constant 64 : index
        %get3A_795 = tpu.vector_load %arg13[%get3A_792, %get3A_793, %get3A_794] {strides = array<i32>} : memref<2x16x128xf32, #tpu.memory_space<vmem>>, vector<1x1x16xf32>,
        %get3A_796 = vector.shape_cast %get3A_795 : vector<1x1x16xf32> to vector<16xf32>
        %get3A_797 = arith.constant 0 : i32
        %get3A_798 = arith.index_cast %get3A_797 : i32 to index
        %get3A_799 = arith.index_cast %scan3A_567 : i32 to index
        %get3A_800 = arith.constant 64 : index
        %get3A_801 = tpu.vector_load %arg14[%get3A_798, %get3A_799, %get3A_800] {strides = array<i32>} : memref<2x16x256xf32, #tpu.memory_space<vmem>>, vector<1x1x16xf32>,
        %get3A_802 = vector.shape_cast %get3A_801 : vector<1x1x16xf32> to vector<16xf32>
        %add3A_803 = arith.addf %get3A_796, %get3A_802 : vector<16xf32>
        %get3A_804 = arith.constant 0 : i32
        %get3A_805 = arith.index_cast %get3A_804 : i32 to index
        %get3A_806 = arith.index_cast %scan3A_567 : i32 to index
        %get3A_807 = arith.constant 64 : index
        %get3A_808 = tpu.vector_load %arg15[%get3A_805, %get3A_806, %get3A_807] {strides = array<i32>} : memref<2x16x256xf32, #tpu.memory_space<vmem>>, vector<1x1x16xf32>,
        %get3A_809 = vector.shape_cast %get3A_808 : vector<1x1x16xf32> to vector<16xf32>
        %add3A_810 = arith.addf %add3A_803, %get3A_809 : vector<16xf32>
        %get3A_811 = arith.constant 0 : i32
        %get3A_812 = arith.index_cast %get3A_811 : i32 to index
        %get3A_813 = arith.index_cast %scan3A_567 : i32 to index
        %get3A_814 = arith.constant 192 : index
        %get3A_815 = tpu.vector_load %arg15[%get3A_812, %get3A_813, %get3A_814] {strides = array<i32>} : memref<2x16x256xf32, #tpu.memory_space<vmem>>, vector<1x1x16xf32>,
        %get3A_816 = vector.shape_cast %get3A_815 : vector<1x1x16xf32> to vector<16xf32>
        %max3A_817 = arith.constant 0.000000e+00 : f32
        %max3A_818 = vector.broadcast %max3A_817 : f32 to vector<16xf32>
        %max3A_819 = arith.maximumf %add3A_810, %max3A_818 : vector<16xf32>
        %add3A_820 = arith.addf %get3A_816, %max3A_819 : vector<16xf32>
        %swap3A_821 = arith.index_cast %scan3A_567 : i32 to index
        %swap3A_822 = arith.constant 64 : index
        %swap3A_823 = tpu.vector_load %arg16[%swap3A_821, %swap3A_822] {strides = array<i32>} : memref<16x128xf32, #tpu.memory_space<vmem>>, vector<1x16xf32>,
        %swap3A_824 = vector.shape_cast %swap3A_823 : vector<1x16xf32> to vector<16xf32>
        %swap3A_825 = vector.shape_cast %add3A_820 : vector<16xf32> to vector<1x16xf32>
        tpu.vector_store %arg16[%swap3A_821, %swap3A_822], %swap3A_825 {strides = array<i32>} : memref<16x128xf32, #tpu.memory_space<vmem>>, vector<1x16xf32>,
        %neg3A_826 = arith.constant 0.000000e+00 : f32
        %neg3A_827 = vector.broadcast %neg3A_826 : f32 to vector<16xf32>
        %neg3A_828 = arith.subf %neg3A_827, %add3A_810 : vector<16xf32>
        %exp3A_829 = math.exp %neg3A_828 : vector<16xf32>
        %add3A_830 = arith.constant 1.000000e+00 : f32
        %add3A_831 = vector.broadcast %add3A_830 : f32 to vector<16xf32>
        %add3A_832 = arith.addf %add3A_831, %exp3A_829 : vector<16xf32>
        %div3A_833 = arith.constant 1.000000e+00 : f32
        %div3A_834 = vector.broadcast %div3A_833 : f32 to vector<16xf32>
        %div3A_835 = arith.divf %div3A_834, %add3A_832 : vector<16xf32>
        %get3A_836 = arith.constant 0 : i32
        %get3A_837 = arith.index_cast %get3A_836 : i32 to index
        %get3A_838 = arith.index_cast %scan3A_567 : i32 to index
        %get3A_839 = arith.constant 192 : index
        %get3A_840 = tpu.vector_load %arg14[%get3A_837, %get3A_838, %get3A_839] {strides = array<i32>} : memref<2x16x256xf32, #tpu.memory_space<vmem>>, vector<1x1x16xf32>,
        %get3A_841 = vector.shape_cast %get3A_840 : vector<1x1x16xf32> to vector<16xf32>
        %mul3A_842 = arith.mulf %div3A_835, %get3A_841 : vector<16xf32>
        %swap3A_843 = arith.index_cast %scan3A_567 : i32 to index
        %swap3A_844 = arith.constant 64 : index
        %swap3A_845 = tpu.vector_load %arg17[%swap3A_843, %swap3A_844] {strides = array<i32>} : memref<16x128xf32, #tpu.memory_space<vmem>>, vector<1x16xf32>,
        %swap3A_846 = vector.shape_cast %swap3A_845 : vector<1x16xf32> to vector<16xf32>
        %swap3A_847 = vector.shape_cast %mul3A_842 : vector<16xf32> to vector<1x16xf32>
        tpu.vector_store %arg17[%swap3A_843, %swap3A_844], %swap3A_847 {strides = array<i32>} : memref<16x128xf32, #tpu.memory_space<vmem>>, vector<1x16xf32>,
        %get3A_848 = arith.constant 0 : i32
        %get3A_849 = arith.index_cast %get3A_848 : i32 to index
        %get3A_850 = arith.index_cast %scan3A_567 : i32 to index
        %get3A_851 = arith.constant 80 : index
        %get3A_852 = tpu.vector_load %arg13[%get3A_849, %get3A_850, %get3A_851] {strides = array<i32>} : memref<2x16x128xf32, #tpu.memory_space<vmem>>, vector<1x1x16xf32>,
        %get3A_853 = vector.shape_cast %get3A_852 : vector<1x1x16xf32> to vector<16xf32>
        %get3A_854 = arith.constant 0 : i32
        %get3A_855 = arith.index_cast %get3A_854 : i32 to index
        %get3A_856 = arith.index_cast %scan3A_567 : i32 to index
        %get3A_857 = arith.constant 80 : index
        %get3A_858 = tpu.vector_load %arg14[%get3A_855, %get3A_856, %get3A_857] {strides = array<i32>} : memref<2x16x256xf32, #tpu.memory_space<vmem>>, vector<1x1x16xf32>,
        %get3A_859 = vector.shape_cast %get3A_858 : vector<1x1x16xf32> to vector<16xf32>
        %add3A_860 = arith.addf %get3A_853, %get3A_859 : vector<16xf32>
        %get3A_861 = arith.constant 0 : i32
        %get3A_862 = arith.index_cast %get3A_861 : i32 to index
        %get3A_863 = arith.index_cast %scan3A_567 : i32 to index
        %get3A_864 = arith.constant 80 : index
        %get3A_865 = tpu.vector_load %arg15[%get3A_862, %get3A_863, %get3A_864] {strides = array<i32>} : memref<2x16x256xf32, #tpu.memory_space<vmem>>, vector<1x1x16xf32>,
        %get3A_866 = vector.shape_cast %get3A_865 : vector<1x1x16xf32> to vector<16xf32>
        %add3A_867 = arith.addf %add3A_860, %get3A_866 : vector<16xf32>
        %get3A_868 = arith.constant 0 : i32
        %get3A_869 = arith.index_cast %get3A_868 : i32 to index
        %get3A_870 = arith.index_cast %scan3A_567 : i32 to index
        %get3A_871 = arith.constant 208 : index
        %get3A_872 = tpu.vector_load %arg15[%get3A_869, %get3A_870, %get3A_871] {strides = array<i32>} : memref<2x16x256xf32, #tpu.memory_space<vmem>>, vector<1x1x16xf32>,
        %get3A_873 = vector.shape_cast %get3A_872 : vector<1x1x16xf32> to vector<16xf32>
        %max3A_874 = arith.constant 0.000000e+00 : f32
        %max3A_875 = vector.broadcast %max3A_874 : f32 to vector<16xf32>
        %max3A_876 = arith.maximumf %add3A_867, %max3A_875 : vector<16xf32>
        %add3A_877 = arith.addf %get3A_873, %max3A_876 : vector<16xf32>
        %swap3A_878 = arith.index_cast %scan3A_567 : i32 to index
        %swap3A_879 = arith.constant 80 : index
        %swap3A_880 = tpu.vector_load %arg16[%swap3A_878, %swap3A_879] {strides = array<i32>} : memref<16x128xf32, #tpu.memory_space<vmem>>, vector<1x16xf32>,
        %swap3A_881 = vector.shape_cast %swap3A_880 : vector<1x16xf32> to vector<16xf32>
        %swap3A_882 = vector.shape_cast %add3A_877 : vector<16xf32> to vector<1x16xf32>
        tpu.vector_store %arg16[%swap3A_878, %swap3A_879], %swap3A_882 {strides = array<i32>} : memref<16x128xf32, #tpu.memory_space<vmem>>, vector<1x16xf32>,
        %neg3A_883 = arith.constant 0.000000e+00 : f32
        %neg3A_884 = vector.broadcast %neg3A_883 : f32 to vector<16xf32>
        %neg3A_885 = arith.subf %neg3A_884, %add3A_867 : vector<16xf32>
        %exp3A_886 = math.exp %neg3A_885 : vector<16xf32>
        %add3A_887 = arith.constant 1.000000e+00 : f32
        %add3A_888 = vector.broadcast %add3A_887 : f32 to vector<16xf32>
        %add3A_889 = arith.addf %add3A_888, %exp3A_886 : vector<16xf32>
        %div3A_890 = arith.constant 1.000000e+00 : f32
        %div3A_891 = vector.broadcast %div3A_890 : f32 to vector<16xf32>
        %div3A_892 = arith.divf %div3A_891, %add3A_889 : vector<16xf32>
        %get3A_893 = arith.constant 0 : i32
        %get3A_894 = arith.index_cast %get3A_893 : i32 to index
        %get3A_895 = arith.index_cast %scan3A_567 : i32 to index
        %get3A_896 = arith.constant 208 : index
        %get3A_897 = tpu.vector_load %arg14[%get3A_894, %get3A_895, %get3A_896] {strides = array<i32>} : memref<2x16x256xf32, #tpu.memory_space<vmem>>, vector<1x1x16xf32>,
        %get3A_898 = vector.shape_cast %get3A_897 : vector<1x1x16xf32> to vector<16xf32>
        %mul3A_899 = arith.mulf %div3A_892, %get3A_898 : vector<16xf32>
        %swap3A_900 = arith.index_cast %scan3A_567 : i32 to index
        %swap3A_901 = arith.constant 80 : index
        %swap3A_902 = tpu.vector_load %arg17[%swap3A_900, %swap3A_901] {strides = array<i32>} : memref<16x128xf32, #tpu.memory_space<vmem>>, vector<1x16xf32>,
        %swap3A_903 = vector.shape_cast %swap3A_902 : vector<1x16xf32> to vector<16xf32>
        %swap3A_904 = vector.shape_cast %mul3A_899 : vector<16xf32> to vector<1x16xf32>
        tpu.vector_store %arg17[%swap3A_900, %swap3A_901], %swap3A_904 {strides = array<i32>} : memref<16x128xf32, #tpu.memory_space<vmem>>, vector<1x16xf32>,
        %get3A_905 = arith.constant 0 : i32
        %get3A_906 = arith.index_cast %get3A_905 : i32 to index
        %get3A_907 = arith.index_cast %scan3A_567 : i32 to index
        %get3A_908 = arith.constant 96 : index
        %get3A_909 = tpu.vector_load %arg13[%get3A_906, %get3A_907, %get3A_908] {strides = array<i32>} : memref<2x16x128xf32, #tpu.memory_space<vmem>>, vector<1x1x16xf32>,
        %get3A_910 = vector.shape_cast %get3A_909 : vector<1x1x16xf32> to vector<16xf32>
        %get3A_911 = arith.constant 0 : i32
        %get3A_912 = arith.index_cast %get3A_911 : i32 to index
        %get3A_913 = arith.index_cast %scan3A_567 : i32 to index
        %get3A_914 = arith.constant 96 : index
        %get3A_915 = tpu.vector_load %arg14[%get3A_912, %get3A_913, %get3A_914] {strides = array<i32>} : memref<2x16x256xf32, #tpu.memory_space<vmem>>, vector<1x1x16xf32>,
        %get3A_916 = vector.shape_cast %get3A_915 : vector<1x1x16xf32> to vector<16xf32>
        %add3A_917 = arith.addf %get3A_910, %get3A_916 : vector<16xf32>
        %get3A_918 = arith.constant 0 : i32
        %get3A_919 = arith.index_cast %get3A_918 : i32 to index
        %get3A_920 = arith.index_cast %scan3A_567 : i32 to index
        %get3A_921 = arith.constant 96 : index
        %get3A_922 = tpu.vector_load %arg15[%get3A_919, %get3A_920, %get3A_921] {strides = array<i32>} : memref<2x16x256xf32, #tpu.memory_space<vmem>>, vector<1x1x16xf32>,
        %get3A_923 = vector.shape_cast %get3A_922 : vector<1x1x16xf32> to vector<16xf32>
        %add3A_924 = arith.addf %add3A_917, %get3A_923 : vector<16xf32>
        %get3A_925 = arith.constant 0 : i32
        %get3A_926 = arith.index_cast %get3A_925 : i32 to index
        %get3A_927 = arith.index_cast %scan3A_567 : i32 to index
        %get3A_928 = arith.constant 224 : index
        %get3A_929 = tpu.vector_load %arg15[%get3A_926, %get3A_927, %get3A_928] {strides = array<i32>} : memref<2x16x256xf32, #tpu.memory_space<vmem>>, vector<1x1x16xf32>,
        %get3A_930 = vector.shape_cast %get3A_929 : vector<1x1x16xf32> to vector<16xf32>
        %max3A_931 = arith.constant 0.000000e+00 : f32
        %max3A_932 = vector.broadcast %max3A_931 : f32 to vector<16xf32>
        %max3A_933 = arith.maximumf %add3A_924, %max3A_932 : vector<16xf32>
        %add3A_934 = arith.addf %get3A_930, %max3A_933 : vector<16xf32>
        %swap3A_935 = arith.index_cast %scan3A_567 : i32 to index
        %swap3A_936 = arith.constant 96 : index
        %swap3A_937 = tpu.vector_load %arg16[%swap3A_935, %swap3A_936] {strides = array<i32>} : memref<16x128xf32, #tpu.memory_space<vmem>>, vector<1x16xf32>,
        %swap3A_938 = vector.shape_cast %swap3A_937 : vector<1x16xf32> to vector<16xf32>
        %swap3A_939 = vector.shape_cast %add3A_934 : vector<16xf32> to vector<1x16xf32>
        tpu.vector_store %arg16[%swap3A_935, %swap3A_936], %swap3A_939 {strides = array<i32>} : memref<16x128xf32, #tpu.memory_space<vmem>>, vector<1x16xf32>,
        %neg3A_940 = arith.constant 0.000000e+00 : f32
        %neg3A_941 = vector.broadcast %neg3A_940 : f32 to vector<16xf32>
        %neg3A_942 = arith.subf %neg3A_941, %add3A_924 : vector<16xf32>
        %exp3A_943 = math.exp %neg3A_942 : vector<16xf32>
        %add3A_944 = arith.constant 1.000000e+00 : f32
        %add3A_945 = vector.broadcast %add3A_944 : f32 to vector<16xf32>
        %add3A_946 = arith.addf %add3A_945, %exp3A_943 : vector<16xf32>
        %div3A_947 = arith.constant 1.000000e+00 : f32
        %div3A_948 = vector.broadcast %div3A_947 : f32 to vector<16xf32>
        %div3A_949 = arith.divf %div3A_948, %add3A_946 : vector<16xf32>
        %get3A_950 = arith.constant 0 : i32
        %get3A_951 = arith.index_cast %get3A_950 : i32 to index
        %get3A_952 = arith.index_cast %scan3A_567 : i32 to index
        %get3A_953 = arith.constant 224 : index
        %get3A_954 = tpu.vector_load %arg14[%get3A_951, %get3A_952, %get3A_953] {strides = array<i32>} : memref<2x16x256xf32, #tpu.memory_space<vmem>>, vector<1x1x16xf32>,
        %get3A_955 = vector.shape_cast %get3A_954 : vector<1x1x16xf32> to vector<16xf32>
        %mul3A_956 = arith.mulf %div3A_949, %get3A_955 : vector<16xf32>
        %swap3A_957 = arith.index_cast %scan3A_567 : i32 to index
        %swap3A_958 = arith.constant 96 : index
        %swap3A_959 = tpu.vector_load %arg17[%swap3A_957, %swap3A_958] {strides = array<i32>} : memref<16x128xf32, #tpu.memory_space<vmem>>, vector<1x16xf32>,
        %swap3A_960 = vector.shape_cast %swap3A_959 : vector<1x16xf32> to vector<16xf32>
        %swap3A_961 = vector.shape_cast %mul3A_956 : vector<16xf32> to vector<1x16xf32>
        tpu.vector_store %arg17[%swap3A_957, %swap3A_958], %swap3A_961 {strides = array<i32>} : memref<16x128xf32, #tpu.memory_space<vmem>>, vector<1x16xf32>,
        %get3A_962 = arith.constant 0 : i32
        %get3A_963 = arith.index_cast %get3A_962 : i32 to index
        %get3A_964 = arith.index_cast %scan3A_567 : i32 to index
        %get3A_965 = arith.constant 112 : index
        %get3A_966 = tpu.vector_load %arg13[%get3A_963, %get3A_964, %get3A_965] {strides = array<i32>} : memref<2x16x128xf32, #tpu.memory_space<vmem>>, vector<1x1x16xf32>,
        %get3A_967 = vector.shape_cast %get3A_966 : vector<1x1x16xf32> to vector<16xf32>
        %get3A_968 = arith.constant 0 : i32
        %get3A_969 = arith.index_cast %get3A_968 : i32 to index
        %get3A_970 = arith.index_cast %scan3A_567 : i32 to index
        %get3A_971 = arith.constant 112 : index
        %get3A_972 = tpu.vector_load %arg14[%get3A_969, %get3A_970, %get3A_971] {strides = array<i32>} : memref<2x16x256xf32, #tpu.memory_space<vmem>>, vector<1x1x16xf32>,
        %get3A_973 = vector.shape_cast %get3A_972 : vector<1x1x16xf32> to vector<16xf32>
        %add3A_974 = arith.addf %get3A_967, %get3A_973 : vector<16xf32>
        %get3A_975 = arith.constant 0 : i32
        %get3A_976 = arith.index_cast %get3A_975 : i32 to index
        %get3A_977 = arith.index_cast %scan3A_567 : i32 to index
        %get3A_978 = arith.constant 112 : index
        %get3A_979 = tpu.vector_load %arg15[%get3A_976, %get3A_977, %get3A_978] {strides = array<i32>} : memref<2x16x256xf32, #tpu.memory_space<vmem>>, vector<1x1x16xf32>,
        %get3A_980 = vector.shape_cast %get3A_979 : vector<1x1x16xf32> to vector<16xf32>
        %add3A_981 = arith.addf %add3A_974, %get3A_980 : vector<16xf32>
        %get3A_982 = arith.constant 0 : i32
        %get3A_983 = arith.index_cast %get3A_982 : i32 to index
        %get3A_984 = arith.index_cast %scan3A_567 : i32 to index
        %get3A_985 = arith.constant 240 : index
        %get3A_986 = tpu.vector_load %arg15[%get3A_983, %get3A_984, %get3A_985] {strides = array<i32>} : memref<2x16x256xf32, #tpu.memory_space<vmem>>, vector<1x1x16xf32>,
        %get3A_987 = vector.shape_cast %get3A_986 : vector<1x1x16xf32> to vector<16xf32>
        %max3A_988 = arith.constant 0.000000e+00 : f32
        %max3A_989 = vector.broadcast %max3A_988 : f32 to vector<16xf32>
        %max3A_990 = arith.maximumf %add3A_981, %max3A_989 : vector<16xf32>
        %add3A_991 = arith.addf %get3A_987, %max3A_990 : vector<16xf32>
        %swap3A_992 = arith.index_cast %scan3A_567 : i32 to index
        %swap3A_993 = arith.constant 112 : index
        %swap3A_994 = tpu.vector_load %arg16[%swap3A_992, %swap3A_993] {strides = array<i32>} : memref<16x128xf32, #tpu.memory_space<vmem>>, vector<1x16xf32>,
        %swap3A_995 = vector.shape_cast %swap3A_994 : vector<1x16xf32> to vector<16xf32>
        %swap3A_996 = vector.shape_cast %add3A_991 : vector<16xf32> to vector<1x16xf32>
        tpu.vector_store %arg16[%swap3A_992, %swap3A_993], %swap3A_996 {strides = array<i32>} : memref<16x128xf32, #tpu.memory_space<vmem>>, vector<1x16xf32>,
        %neg3A_997 = arith.constant 0.000000e+00 : f32
        %neg3A_998 = vector.broadcast %neg3A_997 : f32 to vector<16xf32>
        %neg3A_999 = arith.subf %neg3A_998, %add3A_981 : vector<16xf32>
        %exp3A_1000 = math.exp %neg3A_999 : vector<16xf32>
        %add3A_1001 = arith.constant 1.000000e+00 : f32
        %add3A_1002 = vector.broadcast %add3A_1001 : f32 to vector<16xf32>
        %add3A_1003 = arith.addf %add3A_1002, %exp3A_1000 : vector<16xf32>
        %div3A_1004 = arith.constant 1.000000e+00 : f32
        %div3A_1005 = vector.broadcast %div3A_1004 : f32 to vector<16xf32>
        %div3A_1006 = arith.divf %div3A_1005, %add3A_1003 : vector<16xf32>
        %get3A_1007 = arith.constant 0 : i32
        %get3A_1008 = arith.index_cast %get3A_1007 : i32 to index
        %get3A_1009 = arith.index_cast %scan3A_567 : i32 to index
        %get3A_1010 = arith.constant 240 : index
        %get3A_1011 = tpu.vector_load %arg14[%get3A_1008, %get3A_1009, %get3A_1010] {strides = array<i32>} : memref<2x16x256xf32, #tpu.memory_space<vmem>>, vector<1x1x16xf32>,
        %get3A_1012 = vector.shape_cast %get3A_1011 : vector<1x1x16xf32> to vector<16xf32>
        %mul3A_1013 = arith.mulf %div3A_1006, %get3A_1012 : vector<16xf32>
        %swap3A_1014 = arith.index_cast %scan3A_567 : i32 to index
        %swap3A_1015 = arith.constant 112 : index
        %swap3A_1016 = tpu.vector_load %arg17[%swap3A_1014, %swap3A_1015] {strides = array<i32>} : memref<16x128xf32, #tpu.memory_space<vmem>>, vector<1x16xf32>,
        %swap3A_1017 = vector.shape_cast %swap3A_1016 : vector<1x16xf32> to vector<16xf32>
        %swap3A_1018 = vector.shape_cast %mul3A_1013 : vector<16xf32> to vector<1x16xf32>
        tpu.vector_store %arg17[%swap3A_1014, %swap3A_1015], %swap3A_1018 {strides = array<i32>} : memref<16x128xf32, #tpu.memory_space<vmem>>, vector<1x16xf32>,
        %scan3A_1019 = arith.constant 0 : i32
        scf.yield %scan3A_1019 : i32
      }
      %scan3A_425 = arith.constant 16 : i32
      %mul3A_426 = arith.constant 16 : i32
      %mul3A_427 = arith.muli %mul3A_325, %mul3A_426 : i32
      %add3A_428 = arith.addi %mul3A_2, %mul3A_427 : i32
      %dma_start3A_429 = arith.constant 0 : i32
      %dma_start3A_430 = tpu.memref_slice %arg7[%add3A_428, %dma_start3A_429] : memref<320000x128xf32, #tpu.memory_space<hbm>> -> memref<16x128xf32, #tpu.memory_space<hbm>>
      %dma_start3A_431 = arith.constant 0 : i32
      %dma_start3A_432 = tpu.memref_slice %arg7[%add3A_428, %dma_start3A_431] : memref<320000x128xf32, #tpu.memory_space<hbm>> -> memref<16x128xf32, #tpu.memory_space<hbm>>
      tpu.enqueue_dma source(%arg16 : memref<16x128xf32, #tpu.memory_space<vmem>>) target(%dma_start3A_432 : memref<16x128xf32, #tpu.memory_space<hbm>>) target_semaphore(%arg21 : memref<!tpu.dma_semaphore, #tpu.memory_space<semaphore_mem>>)
      "tpu.region"() ({
        %run_scoped3A = tpu.sem_alloc : memref<!tpu.dma_semaphore, #tpu.memory_space<semaphore_mem>>
        %dma_start3A_567 = arith.constant 0 : i32
        %dma_start3A_568 = arith.constant 0 : i32
        %dma_start3A_569 = tpu.memref_slice %arg18[%dma_start3A_567, %dma_start3A_568] : memref<10000x128xf32, #tpu.memory_space<vmem_shared>> -> memref<10000x128xf32, #tpu.memory_space<vmem_shared>>
        tpu.enqueue_indirect_dma source(%arg17 : memref<16x128xf32, #tpu.memory_space<vmem>>) target(%dma_start3A_569 : memref<10000x128xf32, #tpu.memory_space<vmem_shared>>) offsets(%arg9 : memref<16xi32, #tpu.memory_space<vmem>>) semaphore(%run_scoped3A : memref<!tpu.dma_semaphore, #tpu.memory_space<semaphore_mem>>) {add = true}
        %dma_wait3A_570 = arith.constant 0 : i32
        %dma_wait3A_571 = arith.constant 0 : i32
        %dma_wait3A_572 = tpu.memref_slice %arg18[%dma_wait3A_570, %dma_wait3A_571] : memref<10000x128xf32, #tpu.memory_space<vmem_shared>> -> memref<10000x128xf32, #tpu.memory_space<vmem_shared>>
        tpu.wait_indirect_dma semaphore(%run_scoped3A : memref<!tpu.dma_semaphore, #tpu.memory_space<semaphore_mem>>) src(%arg17 : memref<16x128xf32, #tpu.memory_space<vmem>>) dst(%dma_wait3A_572 : memref<10000x128xf32, #tpu.memory_space<vmem_shared>>)
        tpu.yield
      }) : () -> ()
      %add3A_433 = arith.constant 2 : i32
      %add3A_434 = arith.addi %mul3A_325, %add3A_433 : i32
      %min3A_435 = arith.constant 624 : i32
      %min3A_436 = arith.minsi %add3A_434, %min3A_435 : i32
      %mul3A_437 = arith.constant 16 : i32
      %mul3A_438 = arith.muli %min3A_436, %mul3A_437 : i32
      %add3A_439 = arith.addi %mul3A_2, %mul3A_438 : i32
      %dma_start3A_440 = tpu.memref_slice %arg2[%add3A_439] : memref<320000xi32, #tpu.memory_space<hbm>> -> memref<16xi32, #tpu.memory_space<hbm>>
      %dma_start3A_441 = tpu.memref_slice %arg2[%add3A_439] : memref<320000xi32, #tpu.memory_space<hbm>> -> memref<16xi32, #tpu.memory_space<hbm>>
      tpu.enqueue_dma source(%dma_start3A_441 : memref<16xi32, #tpu.memory_space<hbm>>) target(%arg9 : memref<16xi32, #tpu.memory_space<vmem>>) target_semaphore(%arg19 : memref<!tpu.dma_semaphore, #tpu.memory_space<semaphore_mem>>)
      %dma_start3A_442 = tpu.memref_slice %arg3[%add3A_439] : memref<320000xi32, #tpu.memory_space<hbm>> -> memref<16xi32, #tpu.memory_space<hbm>>
      %dma_start3A_443 = tpu.memref_slice %arg3[%add3A_439] : memref<320000xi32, #tpu.memory_space<hbm>> -> memref<16xi32, #tpu.memory_space<hbm>>
      tpu.enqueue_dma source(%dma_start3A_443 : memref<16xi32, #tpu.memory_space<hbm>>) target(%arg11 : memref<16xi32, #tpu.memory_space<vmem>>) target_semaphore(%arg19 : memref<!tpu.dma_semaphore, #tpu.memory_space<semaphore_mem>>)
      %mul3A_444 = arith.constant 2 : i32
      %mul3A_445 = arith.muli %mul3A_444, %scan3A_322 : i32
      %add3A_446 = arith.constant 1 : i32
      %add3A_447 = arith.addi %mul3A_445, %add3A_446 : i32
      %dma_wait3A_448 = arith.constant 1 : i32
      %dma_wait3A_449 = arith.constant 0 : i32
      %dma_wait3A_450 = arith.constant 0 : i32
      %dma_wait3A_451 = tpu.memref_slice %arg13[%dma_wait3A_448, %dma_wait3A_449, %dma_wait3A_450] : memref<2x16x128xf32, #tpu.memory_space<vmem>> -> memref<1x16x128xf32, #tpu.memory_space<vmem>>
      %dma_wait3A_452 = tpu.memref_squeeze %dma_wait3A_451 : memref<1x16x128xf32, #tpu.memory_space<vmem>> -> memref<16x128xf32, #tpu.memory_space<vmem>>
      %dma_wait3A_453 = arith.constant 0 : i32
      %dma_wait3A_454 = arith.constant 0 : i32
      %dma_wait3A_455 = tpu.memref_slice %arg4[%dma_wait3A_453, %dma_wait3A_454] : memref<10000x128xf32, #tpu.memory_space<hbm>> -> memref<16x128xf32, #tpu.memory_space<hbm>>
      %dma_wait3A_456 = arith.constant 0 : i32
      %dma_wait3A_457 = arith.constant 0 : i32
      %dma_wait3A_458 = tpu.memref_slice %arg13[%dma_wait3A_448, %dma_wait3A_456, %dma_wait3A_457] : memref<2x16x128xf32, #tpu.memory_space<vmem>> -> memref<1x16x128xf32, #tpu.memory_space<vmem>>
      %dma_wait3A_459 = tpu.memref_squeeze %dma_wait3A_458 : memref<1x16x128xf32, #tpu.memory_space<vmem>> -> memref<16x128xf32, #tpu.memory_space<vmem>>
      %dma_wait3A_460 = arith.constant 0 : i32
      %dma_wait3A_461 = arith.constant 0 : i32
      %dma_wait3A_462 = tpu.memref_slice %arg4[%dma_wait3A_460, %dma_wait3A_461] : memref<10000x128xf32, #tpu.memory_space<hbm>> -> memref<16x128xf32, #tpu.memory_space<hbm>>
      tpu.wait_dma2 semaphore(%arg20 : memref<!tpu.dma_semaphore, #tpu.memory_space<semaphore_mem>>) src(%dma_wait3A_462 : memref<16x128xf32, #tpu.memory_space<hbm>>) dst(%dma_wait3A_459 : memref<16x128xf32, #tpu.memory_space<vmem>>)
      %dma_wait3A_463 = arith.constant 1 : i32
      %dma_wait3A_464 = arith.constant 0 : i32
      %dma_wait3A_465 = arith.constant 0 : i32
      %dma_wait3A_466 = tpu.memref_slice %arg14[%dma_wait3A_463, %dma_wait3A_464, %dma_wait3A_465] : memref<2x16x256xf32, #tpu.memory_space<vmem>> -> memref<1x16x256xf32, #tpu.memory_space<vmem>>
      %dma_wait3A_467 = tpu.memref_squeeze %dma_wait3A_466 : memref<1x16x256xf32, #tpu.memory_space<vmem>> -> memref<16x256xf32, #tpu.memory_space<vmem>>
      %dma_wait3A_468 = arith.constant 0 : i32
      %dma_wait3A_469 = arith.constant 0 : i32
      %dma_wait3A_470 = tpu.memref_slice %arg5[%dma_wait3A_468, %dma_wait3A_469] : memref<10000x256xf32, #tpu.memory_space<hbm>> -> memref<16x256xf32, #tpu.memory_space<hbm>>
      %dma_wait3A_471 = arith.constant 0 : i32
      %dma_wait3A_472 = arith.constant 0 : i32
      %dma_wait3A_473 = tpu.memref_slice %arg14[%dma_wait3A_463, %dma_wait3A_471, %dma_wait3A_472] : memref<2x16x256xf32, #tpu.memory_space<vmem>> -> memref<1x16x256xf32, #tpu.memory_space<vmem>>
      %dma_wait3A_474 = tpu.memref_squeeze %dma_wait3A_473 : memref<1x16x256xf32, #tpu.memory_space<vmem>> -> memref<16x256xf32, #tpu.memory_space<vmem>>
      %dma_wait3A_475 = arith.constant 0 : i32
      %dma_wait3A_476 = arith.constant 0 : i32
      %dma_wait3A_477 = tpu.memref_slice %arg5[%dma_wait3A_475, %dma_wait3A_476] : memref<10000x256xf32, #tpu.memory_space<hbm>> -> memref<16x256xf32, #tpu.memory_space<hbm>>
      tpu.wait_dma2 semaphore(%arg20 : memref<!tpu.dma_semaphore, #tpu.memory_space<semaphore_mem>>) src(%dma_wait3A_477 : memref<16x256xf32, #tpu.memory_space<hbm>>) dst(%dma_wait3A_474 : memref<16x256xf32, #tpu.memory_space<vmem>>)
      %dma_wait3A_478 = arith.constant 1 : i32
      %dma_wait3A_479 = arith.constant 0 : i32
      %dma_wait3A_480 = arith.constant 0 : i32
      %dma_wait3A_481 = tpu.memref_slice %arg15[%dma_wait3A_478, %dma_wait3A_479, %dma_wait3A_480] : memref<2x16x256xf32, #tpu.memory_space<vmem>> -> memref<1x16x256xf32, #tpu.memory_space<vmem>>
      %dma_wait3A_482 = tpu.memref_squeeze %dma_wait3A_481 : memref<1x16x256xf32, #tpu.memory_space<vmem>> -> memref<16x256xf32, #tpu.memory_space<vmem>>
      %dma_wait3A_483 = arith.constant 0 : i32
      %dma_wait3A_484 = arith.constant 0 : i32
      %dma_wait3A_485 = tpu.memref_slice %arg6[%dma_wait3A_483, %dma_wait3A_484] : memref<320000x256xf32, #tpu.memory_space<hbm>> -> memref<16x256xf32, #tpu.memory_space<hbm>>
      %dma_wait3A_486 = arith.constant 0 : i32
      %dma_wait3A_487 = arith.constant 0 : i32
      %dma_wait3A_488 = tpu.memref_slice %arg15[%dma_wait3A_478, %dma_wait3A_486, %dma_wait3A_487] : memref<2x16x256xf32, #tpu.memory_space<vmem>> -> memref<1x16x256xf32, #tpu.memory_space<vmem>>
      %dma_wait3A_489 = tpu.memref_squeeze %dma_wait3A_488 : memref<1x16x256xf32, #tpu.memory_space<vmem>> -> memref<16x256xf32, #tpu.memory_space<vmem>>
      %dma_wait3A_490 = arith.constant 0 : i32
      %dma_wait3A_491 = arith.constant 0 : i32
      %dma_wait3A_492 = tpu.memref_slice %arg6[%dma_wait3A_490, %dma_wait3A_491] : memref<320000x256xf32, #tpu.memory_space<hbm>> -> memref<16x256xf32, #tpu.memory_space<hbm>>
      tpu.wait_dma2 semaphore(%arg20 : memref<!tpu.dma_semaphore, #tpu.memory_space<semaphore_mem>>) src(%dma_wait3A_492 : memref<16x256xf32, #tpu.memory_space<hbm>>) dst(%dma_wait3A_489 : memref<16x256xf32, #tpu.memory_space<vmem>>)
      %dma_wait3A_493 = arith.constant 0 : i32
      %dma_wait3A_494 = arith.constant 0 : i32
      %dma_wait3A_495 = tpu.memref_slice %arg7[%dma_wait3A_493, %dma_wait3A_494] : memref<320000x128xf32, #tpu.memory_space<hbm>> -> memref<16x128xf32, #tpu.memory_space<hbm>>
      %dma_wait3A_496 = arith.constant 0 : i32
      %dma_wait3A_497 = arith.constant 0 : i32
      %dma_wait3A_498 = tpu.memref_slice %arg7[%dma_wait3A_496, %dma_wait3A_497] : memref<320000x128xf32, #tpu.memory_space<hbm>> -> memref<16x128xf32, #tpu.memory_space<hbm>>
      tpu.wait_dma2 semaphore(%arg21 : memref<!tpu.dma_semaphore, #tpu.memory_space<semaphore_mem>>) src(%dma_wait3A_498 : memref<16x128xf32, #tpu.memory_space<hbm>>) dst(%arg16 : memref<16x128xf32, #tpu.memory_space<vmem>>)
      %dma_wait3A_499 = arith.constant 0 : i32
      %dma_wait3A_500 = tpu.memref_slice %arg2[%dma_wait3A_499] : memref<320000xi32, #tpu.memory_space<hbm>> -> memref<16xi32, #tpu.memory_space<hbm>>
      %dma_wait3A_501 = arith.constant 0 : i32
      %dma_wait3A_502 = tpu.memref_slice %arg2[%dma_wait3A_501] : memref<320000xi32, #tpu.memory_space<hbm>> -> memref<16xi32, #tpu.memory_space<hbm>>
      tpu.wait_dma2 semaphore(%arg19 : memref<!tpu.dma_semaphore, #tpu.memory_space<semaphore_mem>>) src(%dma_wait3A_502 : memref<16xi32, #tpu.memory_space<hbm>>) dst(%arg9 : memref<16xi32, #tpu.memory_space<vmem>>)
      %dma_wait3A_503 = arith.constant 0 : i32
      %dma_wait3A_504 = tpu.memref_slice %arg3[%dma_wait3A_503] : memref<320000xi32, #tpu.memory_space<hbm>> -> memref<16xi32, #tpu.memory_space<hbm>>
      %dma_wait3A_505 = arith.constant 0 : i32
      %dma_wait3A_506 = tpu.memref_slice %arg3[%dma_wait3A_505] : memref<320000xi32, #tpu.memory_space<hbm>> -> memref<16xi32, #tpu.memory_space<hbm>>
      tpu.wait_dma2 semaphore(%arg19 : memref<!tpu.dma_semaphore, #tpu.memory_space<semaphore_mem>>) src(%dma_wait3A_506 : memref<16xi32, #tpu.memory_space<hbm>>) dst(%arg11 : memref<16xi32, #tpu.memory_space<vmem>>)
      %add3A_507 = arith.constant 1 : i32
      %add3A_508 = arith.addi %add3A_447, %add3A_507 : i32
      %mul3A_509 = arith.constant 16 : i32
      %mul3A_510 = arith.muli %add3A_508, %mul3A_509 : i32
      %add3A_511 = arith.addi %mul3A_2, %mul3A_510 : i32
      %dma_start3A_512 = arith.constant 0 : i32
      %dma_start3A_513 = arith.constant 0 : i32
      %dma_start3A_514 = arith.constant 0 : i32
      %dma_start3A_515 = tpu.memref_slice %arg13[%dma_start3A_512, %dma_start3A_513, %dma_start3A_514] : memref<2x16x128xf32, #tpu.memory_space<vmem>> -> memref<1x16x128xf32, #tpu.memory_space<vmem>>
      %dma_start3A_516 = tpu.memref_squeeze %dma_start3A_515 : memref<1x16x128xf32, #tpu.memory_space<vmem>> -> memref<16x128xf32, #tpu.memory_space<vmem>>
      %dma_start3A_517 = arith.constant 0 : i32
      %dma_start3A_518 = arith.constant 0 : i32
      %dma_start3A_519 = tpu.memref_slice %arg4[%dma_start3A_517, %dma_start3A_518] : memref<10000x128xf32, #tpu.memory_space<hbm>> -> memref<10000x128xf32, #tpu.memory_space<hbm>>
      tpu.enqueue_indirect_dma source(%dma_start3A_519 : memref<10000x128xf32, #tpu.memory_space<hbm>>) target(%dma_start3A_516 : memref<16x128xf32, #tpu.memory_space<vmem>>) offsets(%arg9 : memref<16xi32, #tpu.memory_space<vmem>>) semaphore(%arg20 : memref<!tpu.dma_semaphore, #tpu.memory_space<semaphore_mem>>)
      %dma_start3A_520 = arith.constant 0 : i32
      %dma_start3A_521 = arith.constant 0 : i32
      %dma_start3A_522 = arith.constant 0 : i32
      %dma_start3A_523 = tpu.memref_slice %arg14[%dma_start3A_520, %dma_start3A_521, %dma_start3A_522] : memref<2x16x256xf32, #tpu.memory_space<vmem>> -> memref<1x16x256xf32, #tpu.memory_space<vmem>>
      %dma_start3A_524 = tpu.memref_squeeze %dma_start3A_523 : memref<1x16x256xf32, #tpu.memory_space<vmem>> -> memref<16x256xf32, #tpu.memory_space<vmem>>
      %dma_start3A_525 = arith.constant 0 : i32
      %dma_start3A_526 = arith.constant 0 : i32
      %dma_start3A_527 = tpu.memref_slice %arg5[%dma_start3A_525, %dma_start3A_526] : memref<10000x256xf32, #tpu.memory_space<hbm>> -> memref<10000x256xf32, #tpu.memory_space<hbm>>
      tpu.enqueue_indirect_dma source(%dma_start3A_527 : memref<10000x256xf32, #tpu.memory_space<hbm>>) target(%dma_start3A_524 : memref<16x256xf32, #tpu.memory_space<vmem>>) offsets(%arg11 : memref<16xi32, #tpu.memory_space<vmem>>) semaphore(%arg20 : memref<!tpu.dma_semaphore, #tpu.memory_space<semaphore_mem>>)
      %dma_start3A_528 = arith.constant 0 : i32
      %dma_start3A_529 = arith.constant 0 : i32
      %dma_start3A_530 = arith.constant 0 : i32
      %dma_start3A_531 = tpu.memref_slice %arg15[%dma_start3A_528, %dma_start3A_529, %dma_start3A_530] : memref<2x16x256xf32, #tpu.memory_space<vmem>> -> memref<1x16x256xf32, #tpu.memory_space<vmem>>
      %dma_start3A_532 = tpu.memref_squeeze %dma_start3A_531 : memref<1x16x256xf32, #tpu.memory_space<vmem>> -> memref<16x256xf32, #tpu.memory_space<vmem>>
      %dma_start3A_533 = arith.constant 0 : i32
      %dma_start3A_534 = tpu.memref_slice %arg6[%add3A_511, %dma_start3A_533] : memref<320000x256xf32, #tpu.memory_space<hbm>> -> memref<16x256xf32, #tpu.memory_space<hbm>>
      %dma_start3A_535 = arith.constant 0 : i32
      %dma_start3A_536 = arith.constant 0 : i32
      %dma_start3A_537 = tpu.memref_slice %arg15[%dma_start3A_528, %dma_start3A_535, %dma_start3A_536] : memref<2x16x256xf32, #tpu.memory_space<vmem>> -> memref<1x16x256xf32, #tpu.memory_space<vmem>>
      %dma_start3A_538 = tpu.memref_squeeze %dma_start3A_537 : memref<1x16x256xf32, #tpu.memory_space<vmem>> -> memref<16x256xf32, #tpu.memory_space<vmem>>
      %dma_start3A_539 = arith.constant 0 : i32
      %dma_start3A_540 = tpu.memref_slice %arg6[%add3A_511, %dma_start3A_539] : memref<320000x256xf32, #tpu.memory_space<hbm>> -> memref<16x256xf32, #tpu.memory_space<hbm>>
      tpu.enqueue_dma source(%dma_start3A_540 : memref<16x256xf32, #tpu.memory_space<hbm>>) target(%dma_start3A_538 : memref<16x256xf32, #tpu.memory_space<vmem>>) target_semaphore(%arg20 : memref<!tpu.dma_semaphore, #tpu.memory_space<semaphore_mem>>)
      %scan3A_541 = arith.constant 0 : i32
      %scan3A_542 = arith.constant 0 : i32
      %scan3A_543 = arith.constant 16 : i32
      %scan3A_544 = arith.addi %scan3A_542, %scan3A_543 : i32
      %scan3A_545 = arith.constant 1 : i32
      %scan3A_546 = scf.for %scan3A_567 = %scan3A_542 to %scan3A_544 step %scan3A_545 iter_args(%scan3A_568 = %scan3A_541) -> (i32)  : i32 {
        %get3A = arith.constant 1 : i32
        %get3A_569 = arith.index_cast %get3A : i32 to index
        %get3A_570 = arith.index_cast %scan3A_567 : i32 to index
        %get3A_571 = arith.constant 0 : index
        %get3A_572 = tpu.vector_load %arg13[%get3A_569, %get3A_570, %get3A_571] {strides = array<i32>} : memref<2x16x128xf32, #tpu.memory_space<vmem>>, vector<1x1x16xf32>,
        %get3A_573 = vector.shape_cast %get3A_572 : vector<1x1x16xf32> to vector<16xf32>
        %get3A_574 = arith.constant 1 : i32
        %get3A_575 = arith.index_cast %get3A_574 : i32 to index
        %get3A_576 = arith.index_cast %scan3A_567 : i32 to index
        %get3A_577 = arith.constant 0 : index
        %get3A_578 = tpu.vector_load %arg14[%get3A_575, %get3A_576, %get3A_577] {strides = array<i32>} : memref<2x16x256xf32, #tpu.memory_space<vmem>>, vector<1x1x16xf32>,
        %get3A_579 = vector.shape_cast %get3A_578 : vector<1x1x16xf32> to vector<16xf32>
        %add3A_580 = arith.addf %get3A_573, %get3A_579 : vector<16xf32>
        %get3A_581 = arith.constant 1 : i32
        %get3A_582 = arith.index_cast %get3A_581 : i32 to index
        %get3A_583 = arith.index_cast %scan3A_567 : i32 to index
        %get3A_584 = arith.constant 0 : index
        %get3A_585 = tpu.vector_load %arg15[%get3A_582, %get3A_583, %get3A_584] {strides = array<i32>} : memref<2x16x256xf32, #tpu.memory_space<vmem>>, vector<1x1x16xf32>,
        %get3A_586 = vector.shape_cast %get3A_585 : vector<1x1x16xf32> to vector<16xf32>
        %add3A_587 = arith.addf %add3A_580, %get3A_586 : vector<16xf32>
        %get3A_588 = arith.constant 1 : i32
        %get3A_589 = arith.index_cast %get3A_588 : i32 to index
        %get3A_590 = arith.index_cast %scan3A_567 : i32 to index
        %get3A_591 = arith.constant 128 : index
        %get3A_592 = tpu.vector_load %arg15[%get3A_589, %get3A_590, %get3A_591] {strides = array<i32>} : memref<2x16x256xf32, #tpu.memory_space<vmem>>, vector<1x1x16xf32>,
        %get3A_593 = vector.shape_cast %get3A_592 : vector<1x1x16xf32> to vector<16xf32>
        %max3A = arith.constant 0.000000e+00 : f32
        %max3A_594 = vector.broadcast %max3A : f32 to vector<16xf32>
        %max3A_595 = arith.maximumf %add3A_587, %max3A_594 : vector<16xf32>
        %add3A_596 = arith.addf %get3A_593, %max3A_595 : vector<16xf32>
        %swap3A = arith.index_cast %scan3A_567 : i32 to index
        %swap3A_597 = arith.constant 0 : index
        %swap3A_598 = tpu.vector_load %arg16[%swap3A, %swap3A_597] {strides = array<i32>} : memref<16x128xf32, #tpu.memory_space<vmem>>, vector<1x16xf32>,
        %swap3A_599 = vector.shape_cast %swap3A_598 : vector<1x16xf32> to vector<16xf32>
        %swap3A_600 = vector.shape_cast %add3A_596 : vector<16xf32> to vector<1x16xf32>
        tpu.vector_store %arg16[%swap3A, %swap3A_597], %swap3A_600 {strides = array<i32>} : memref<16x128xf32, #tpu.memory_space<vmem>>, vector<1x16xf32>,
        %neg3A = arith.constant 0.000000e+00 : f32
        %neg3A_601 = vector.broadcast %neg3A : f32 to vector<16xf32>
        %neg3A_602 = arith.subf %neg3A_601, %add3A_587 : vector<16xf32>
        %exp3A = math.exp %neg3A_602 : vector<16xf32>
        %add3A_603 = arith.constant 1.000000e+00 : f32
        %add3A_604 = vector.broadcast %add3A_603 : f32 to vector<16xf32>
        %add3A_605 = arith.addf %add3A_604, %exp3A : vector<16xf32>
        %div3A = arith.constant 1.000000e+00 : f32
        %div3A_606 = vector.broadcast %div3A : f32 to vector<16xf32>
        %div3A_607 = arith.divf %div3A_606, %add3A_605 : vector<16xf32>
        %get3A_608 = arith.constant 1 : i32
        %get3A_609 = arith.index_cast %get3A_608 : i32 to index
        %get3A_610 = arith.index_cast %scan3A_567 : i32 to index
        %get3A_611 = arith.constant 128 : index
        %get3A_612 = tpu.vector_load %arg14[%get3A_609, %get3A_610, %get3A_611] {strides = array<i32>} : memref<2x16x256xf32, #tpu.memory_space<vmem>>, vector<1x1x16xf32>,
        %get3A_613 = vector.shape_cast %get3A_612 : vector<1x1x16xf32> to vector<16xf32>
        %mul3A_614 = arith.mulf %div3A_607, %get3A_613 : vector<16xf32>
        %swap3A_615 = arith.index_cast %scan3A_567 : i32 to index
        %swap3A_616 = arith.constant 0 : index
        %swap3A_617 = tpu.vector_load %arg17[%swap3A_615, %swap3A_616] {strides = array<i32>} : memref<16x128xf32, #tpu.memory_space<vmem>>, vector<1x16xf32>,
        %swap3A_618 = vector.shape_cast %swap3A_617 : vector<1x16xf32> to vector<16xf32>
        %swap3A_619 = vector.shape_cast %mul3A_614 : vector<16xf32> to vector<1x16xf32>
        tpu.vector_store %arg17[%swap3A_615, %swap3A_616], %swap3A_619 {strides = array<i32>} : memref<16x128xf32, #tpu.memory_space<vmem>>, vector<1x16xf32>,
        %get3A_620 = arith.constant 1 : i32
        %get3A_621 = arith.index_cast %get3A_620 : i32 to index
        %get3A_622 = arith.index_cast %scan3A_567 : i32 to index
        %get3A_623 = arith.constant 16 : index
        %get3A_624 = tpu.vector_load %arg13[%get3A_621, %get3A_622, %get3A_623] {strides = array<i32>} : memref<2x16x128xf32, #tpu.memory_space<vmem>>, vector<1x1x16xf32>,
        %get3A_625 = vector.shape_cast %get3A_624 : vector<1x1x16xf32> to vector<16xf32>
        %get3A_626 = arith.constant 1 : i32
        %get3A_627 = arith.index_cast %get3A_626 : i32 to index
        %get3A_628 = arith.index_cast %scan3A_567 : i32 to index
        %get3A_629 = arith.constant 16 : index
        %get3A_630 = tpu.vector_load %arg14[%get3A_627, %get3A_628, %get3A_629] {strides = array<i32>} : memref<2x16x256xf32, #tpu.memory_space<vmem>>, vector<1x1x16xf32>,
        %get3A_631 = vector.shape_cast %get3A_630 : vector<1x1x16xf32> to vector<16xf32>
        %add3A_632 = arith.addf %get3A_625, %get3A_631 : vector<16xf32>
        %get3A_633 = arith.constant 1 : i32
        %get3A_634 = arith.index_cast %get3A_633 : i32 to index
        %get3A_635 = arith.index_cast %scan3A_567 : i32 to index
        %get3A_636 = arith.constant 16 : index
        %get3A_637 = tpu.vector_load %arg15[%get3A_634, %get3A_635, %get3A_636] {strides = array<i32>} : memref<2x16x256xf32, #tpu.memory_space<vmem>>, vector<1x1x16xf32>,
        %get3A_638 = vector.shape_cast %get3A_637 : vector<1x1x16xf32> to vector<16xf32>
        %add3A_639 = arith.addf %add3A_632, %get3A_638 : vector<16xf32>
        %get3A_640 = arith.constant 1 : i32
        %get3A_641 = arith.index_cast %get3A_640 : i32 to index
        %get3A_642 = arith.index_cast %scan3A_567 : i32 to index
        %get3A_643 = arith.constant 144 : index
        %get3A_644 = tpu.vector_load %arg15[%get3A_641, %get3A_642, %get3A_643] {strides = array<i32>} : memref<2x16x256xf32, #tpu.memory_space<vmem>>, vector<1x1x16xf32>,
        %get3A_645 = vector.shape_cast %get3A_644 : vector<1x1x16xf32> to vector<16xf32>
        %max3A_646 = arith.constant 0.000000e+00 : f32
        %max3A_647 = vector.broadcast %max3A_646 : f32 to vector<16xf32>
        %max3A_648 = arith.maximumf %add3A_639, %max3A_647 : vector<16xf32>
        %add3A_649 = arith.addf %get3A_645, %max3A_648 : vector<16xf32>
        %swap3A_650 = arith.index_cast %scan3A_567 : i32 to index
        %swap3A_651 = arith.constant 16 : index
        %swap3A_652 = tpu.vector_load %arg16[%swap3A_650, %swap3A_651] {strides = array<i32>} : memref<16x128xf32, #tpu.memory_space<vmem>>, vector<1x16xf32>,
        %swap3A_653 = vector.shape_cast %swap3A_652 : vector<1x16xf32> to vector<16xf32>
        %swap3A_654 = vector.shape_cast %add3A_649 : vector<16xf32> to vector<1x16xf32>
        tpu.vector_store %arg16[%swap3A_650, %swap3A_651], %swap3A_654 {strides = array<i32>} : memref<16x128xf32, #tpu.memory_space<vmem>>, vector<1x16xf32>,
        %neg3A_655 = arith.constant 0.000000e+00 : f32
        %neg3A_656 = vector.broadcast %neg3A_655 : f32 to vector<16xf32>
        %neg3A_657 = arith.subf %neg3A_656, %add3A_639 : vector<16xf32>
        %exp3A_658 = math.exp %neg3A_657 : vector<16xf32>
        %add3A_659 = arith.constant 1.000000e+00 : f32
        %add3A_660 = vector.broadcast %add3A_659 : f32 to vector<16xf32>
        %add3A_661 = arith.addf %add3A_660, %exp3A_658 : vector<16xf32>
        %div3A_662 = arith.constant 1.000000e+00 : f32
        %div3A_663 = vector.broadcast %div3A_662 : f32 to vector<16xf32>
        %div3A_664 = arith.divf %div3A_663, %add3A_661 : vector<16xf32>
        %get3A_665 = arith.constant 1 : i32
        %get3A_666 = arith.index_cast %get3A_665 : i32 to index
        %get3A_667 = arith.index_cast %scan3A_567 : i32 to index
        %get3A_668 = arith.constant 144 : index
        %get3A_669 = tpu.vector_load %arg14[%get3A_666, %get3A_667, %get3A_668] {strides = array<i32>} : memref<2x16x256xf32, #tpu.memory_space<vmem>>, vector<1x1x16xf32>,
        %get3A_670 = vector.shape_cast %get3A_669 : vector<1x1x16xf32> to vector<16xf32>
        %mul3A_671 = arith.mulf %div3A_664, %get3A_670 : vector<16xf32>
        %swap3A_672 = arith.index_cast %scan3A_567 : i32 to index
        %swap3A_673 = arith.constant 16 : index
        %swap3A_674 = tpu.vector_load %arg17[%swap3A_672, %swap3A_673] {strides = array<i32>} : memref<16x128xf32, #tpu.memory_space<vmem>>, vector<1x16xf32>,
        %swap3A_675 = vector.shape_cast %swap3A_674 : vector<1x16xf32> to vector<16xf32>
        %swap3A_676 = vector.shape_cast %mul3A_671 : vector<16xf32> to vector<1x16xf32>
        tpu.vector_store %arg17[%swap3A_672, %swap3A_673], %swap3A_676 {strides = array<i32>} : memref<16x128xf32, #tpu.memory_space<vmem>>, vector<1x16xf32>,
        %get3A_677 = arith.constant 1 : i32
        %get3A_678 = arith.index_cast %get3A_677 : i32 to index
        %get3A_679 = arith.index_cast %scan3A_567 : i32 to index
        %get3A_680 = arith.constant 32 : index
        %get3A_681 = tpu.vector_load %arg13[%get3A_678, %get3A_679, %get3A_680] {strides = array<i32>} : memref<2x16x128xf32, #tpu.memory_space<vmem>>, vector<1x1x16xf32>,
        %get3A_682 = vector.shape_cast %get3A_681 : vector<1x1x16xf32> to vector<16xf32>
        %get3A_683 = arith.constant 1 : i32
        %get3A_684 = arith.index_cast %get3A_683 : i32 to index
        %get3A_685 = arith.index_cast %scan3A_567 : i32 to index
        %get3A_686 = arith.constant 32 : index
        %get3A_687 = tpu.vector_load %arg14[%get3A_684, %get3A_685, %get3A_686] {strides = array<i32>} : memref<2x16x256xf32, #tpu.memory_space<vmem>>, vector<1x1x16xf32>,
        %get3A_688 = vector.shape_cast %get3A_687 : vector<1x1x16xf32> to vector<16xf32>
        %add3A_689 = arith.addf %get3A_682, %get3A_688 : vector<16xf32>
        %get3A_690 = arith.constant 1 : i32
        %get3A_691 = arith.index_cast %get3A_690 : i32 to index
        %get3A_692 = arith.index_cast %scan3A_567 : i32 to index
        %get3A_693 = arith.constant 32 : index
        %get3A_694 = tpu.vector_load %arg15[%get3A_691, %get3A_692, %get3A_693] {strides = array<i32>} : memref<2x16x256xf32, #tpu.memory_space<vmem>>, vector<1x1x16xf32>,
        %get3A_695 = vector.shape_cast %get3A_694 : vector<1x1x16xf32> to vector<16xf32>
        %add3A_696 = arith.addf %add3A_689, %get3A_695 : vector<16xf32>
        %get3A_697 = arith.constant 1 : i32
        %get3A_698 = arith.index_cast %get3A_697 : i32 to index
        %get3A_699 = arith.index_cast %scan3A_567 : i32 to index
        %get3A_700 = arith.constant 160 : index
        %get3A_701 = tpu.vector_load %arg15[%get3A_698, %get3A_699, %get3A_700] {strides = array<i32>} : memref<2x16x256xf32, #tpu.memory_space<vmem>>, vector<1x1x16xf32>,
        %get3A_702 = vector.shape_cast %get3A_701 : vector<1x1x16xf32> to vector<16xf32>
        %max3A_703 = arith.constant 0.000000e+00 : f32
        %max3A_704 = vector.broadcast %max3A_703 : f32 to vector<16xf32>
        %max3A_705 = arith.maximumf %add3A_696, %max3A_704 : vector<16xf32>
        %add3A_706 = arith.addf %get3A_702, %max3A_705 : vector<16xf32>
        %swap3A_707 = arith.index_cast %scan3A_567 : i32 to index
        %swap3A_708 = arith.constant 32 : index
        %swap3A_709 = tpu.vector_load %arg16[%swap3A_707, %swap3A_708] {strides = array<i32>} : memref<16x128xf32, #tpu.memory_space<vmem>>, vector<1x16xf32>,
        %swap3A_710 = vector.shape_cast %swap3A_709 : vector<1x16xf32> to vector<16xf32>
        %swap3A_711 = vector.shape_cast %add3A_706 : vector<16xf32> to vector<1x16xf32>
        tpu.vector_store %arg16[%swap3A_707, %swap3A_708], %swap3A_711 {strides = array<i32>} : memref<16x128xf32, #tpu.memory_space<vmem>>, vector<1x16xf32>,
        %neg3A_712 = arith.constant 0.000000e+00 : f32
        %neg3A_713 = vector.broadcast %neg3A_712 : f32 to vector<16xf32>
        %neg3A_714 = arith.subf %neg3A_713, %add3A_696 : vector<16xf32>
        %exp3A_715 = math.exp %neg3A_714 : vector<16xf32>
        %add3A_716 = arith.constant 1.000000e+00 : f32
        %add3A_717 = vector.broadcast %add3A_716 : f32 to vector<16xf32>
        %add3A_718 = arith.addf %add3A_717, %exp3A_715 : vector<16xf32>
        %div3A_719 = arith.constant 1.000000e+00 : f32
        %div3A_720 = vector.broadcast %div3A_719 : f32 to vector<16xf32>
        %div3A_721 = arith.divf %div3A_720, %add3A_718 : vector<16xf32>
        %get3A_722 = arith.constant 1 : i32
        %get3A_723 = arith.index_cast %get3A_722 : i32 to index
        %get3A_724 = arith.index_cast %scan3A_567 : i32 to index
        %get3A_725 = arith.constant 160 : index
        %get3A_726 = tpu.vector_load %arg14[%get3A_723, %get3A_724, %get3A_725] {strides = array<i32>} : memref<2x16x256xf32, #tpu.memory_space<vmem>>, vector<1x1x16xf32>,
        %get3A_727 = vector.shape_cast %get3A_726 : vector<1x1x16xf32> to vector<16xf32>
        %mul3A_728 = arith.mulf %div3A_721, %get3A_727 : vector<16xf32>
        %swap3A_729 = arith.index_cast %scan3A_567 : i32 to index
        %swap3A_730 = arith.constant 32 : index
        %swap3A_731 = tpu.vector_load %arg17[%swap3A_729, %swap3A_730] {strides = array<i32>} : memref<16x128xf32, #tpu.memory_space<vmem>>, vector<1x16xf32>,
        %swap3A_732 = vector.shape_cast %swap3A_731 : vector<1x16xf32> to vector<16xf32>
        %swap3A_733 = vector.shape_cast %mul3A_728 : vector<16xf32> to vector<1x16xf32>
        tpu.vector_store %arg17[%swap3A_729, %swap3A_730], %swap3A_733 {strides = array<i32>} : memref<16x128xf32, #tpu.memory_space<vmem>>, vector<1x16xf32>,
        %get3A_734 = arith.constant 1 : i32
        %get3A_735 = arith.index_cast %get3A_734 : i32 to index
        %get3A_736 = arith.index_cast %scan3A_567 : i32 to index
        %get3A_737 = arith.constant 48 : index
        %get3A_738 = tpu.vector_load %arg13[%get3A_735, %get3A_736, %get3A_737] {strides = array<i32>} : memref<2x16x128xf32, #tpu.memory_space<vmem>>, vector<1x1x16xf32>,
        %get3A_739 = vector.shape_cast %get3A_738 : vector<1x1x16xf32> to vector<16xf32>
        %get3A_740 = arith.constant 1 : i32
        %get3A_741 = arith.index_cast %get3A_740 : i32 to index
        %get3A_742 = arith.index_cast %scan3A_567 : i32 to index
        %get3A_743 = arith.constant 48 : index
        %get3A_744 = tpu.vector_load %arg14[%get3A_741, %get3A_742, %get3A_743] {strides = array<i32>} : memref<2x16x256xf32, #tpu.memory_space<vmem>>, vector<1x1x16xf32>,
        %get3A_745 = vector.shape_cast %get3A_744 : vector<1x1x16xf32> to vector<16xf32>
        %add3A_746 = arith.addf %get3A_739, %get3A_745 : vector<16xf32>
        %get3A_747 = arith.constant 1 : i32
        %get3A_748 = arith.index_cast %get3A_747 : i32 to index
        %get3A_749 = arith.index_cast %scan3A_567 : i32 to index
        %get3A_750 = arith.constant 48 : index
        %get3A_751 = tpu.vector_load %arg15[%get3A_748, %get3A_749, %get3A_750] {strides = array<i32>} : memref<2x16x256xf32, #tpu.memory_space<vmem>>, vector<1x1x16xf32>,
        %get3A_752 = vector.shape_cast %get3A_751 : vector<1x1x16xf32> to vector<16xf32>
        %add3A_753 = arith.addf %add3A_746, %get3A_752 : vector<16xf32>
        %get3A_754 = arith.constant 1 : i32
        %get3A_755 = arith.index_cast %get3A_754 : i32 to index
        %get3A_756 = arith.index_cast %scan3A_567 : i32 to index
        %get3A_757 = arith.constant 176 : index
        %get3A_758 = tpu.vector_load %arg15[%get3A_755, %get3A_756, %get3A_757] {strides = array<i32>} : memref<2x16x256xf32, #tpu.memory_space<vmem>>, vector<1x1x16xf32>,
        %get3A_759 = vector.shape_cast %get3A_758 : vector<1x1x16xf32> to vector<16xf32>
        %max3A_760 = arith.constant 0.000000e+00 : f32
        %max3A_761 = vector.broadcast %max3A_760 : f32 to vector<16xf32>
        %max3A_762 = arith.maximumf %add3A_753, %max3A_761 : vector<16xf32>
        %add3A_763 = arith.addf %get3A_759, %max3A_762 : vector<16xf32>
        %swap3A_764 = arith.index_cast %scan3A_567 : i32 to index
        %swap3A_765 = arith.constant 48 : index
        %swap3A_766 = tpu.vector_load %arg16[%swap3A_764, %swap3A_765] {strides = array<i32>} : memref<16x128xf32, #tpu.memory_space<vmem>>, vector<1x16xf32>,
        %swap3A_767 = vector.shape_cast %swap3A_766 : vector<1x16xf32> to vector<16xf32>
        %swap3A_768 = vector.shape_cast %add3A_763 : vector<16xf32> to vector<1x16xf32>
        tpu.vector_store %arg16[%swap3A_764, %swap3A_765], %swap3A_768 {strides = array<i32>} : memref<16x128xf32, #tpu.memory_space<vmem>>, vector<1x16xf32>,
        %neg3A_769 = arith.constant 0.000000e+00 : f32
        %neg3A_770 = vector.broadcast %neg3A_769 : f32 to vector<16xf32>
        %neg3A_771 = arith.subf %neg3A_770, %add3A_753 : vector<16xf32>
        %exp3A_772 = math.exp %neg3A_771 : vector<16xf32>
        %add3A_773 = arith.constant 1.000000e+00 : f32
        %add3A_774 = vector.broadcast %add3A_773 : f32 to vector<16xf32>
        %add3A_775 = arith.addf %add3A_774, %exp3A_772 : vector<16xf32>
        %div3A_776 = arith.constant 1.000000e+00 : f32
        %div3A_777 = vector.broadcast %div3A_776 : f32 to vector<16xf32>
        %div3A_778 = arith.divf %div3A_777, %add3A_775 : vector<16xf32>
        %get3A_779 = arith.constant 1 : i32
        %get3A_780 = arith.index_cast %get3A_779 : i32 to index
        %get3A_781 = arith.index_cast %scan3A_567 : i32 to index
        %get3A_782 = arith.constant 176 : index
        %get3A_783 = tpu.vector_load %arg14[%get3A_780, %get3A_781, %get3A_782] {strides = array<i32>} : memref<2x16x256xf32, #tpu.memory_space<vmem>>, vector<1x1x16xf32>,
        %get3A_784 = vector.shape_cast %get3A_783 : vector<1x1x16xf32> to vector<16xf32>
        %mul3A_785 = arith.mulf %div3A_778, %get3A_784 : vector<16xf32>
        %swap3A_786 = arith.index_cast %scan3A_567 : i32 to index
        %swap3A_787 = arith.constant 48 : index
        %swap3A_788 = tpu.vector_load %arg17[%swap3A_786, %swap3A_787] {strides = array<i32>} : memref<16x128xf32, #tpu.memory_space<vmem>>, vector<1x16xf32>,
        %swap3A_789 = vector.shape_cast %swap3A_788 : vector<1x16xf32> to vector<16xf32>
        %swap3A_790 = vector.shape_cast %mul3A_785 : vector<16xf32> to vector<1x16xf32>
        tpu.vector_store %arg17[%swap3A_786, %swap3A_787], %swap3A_790 {strides = array<i32>} : memref<16x128xf32, #tpu.memory_space<vmem>>, vector<1x16xf32>,
        %get3A_791 = arith.constant 1 : i32
        %get3A_792 = arith.index_cast %get3A_791 : i32 to index
        %get3A_793 = arith.index_cast %scan3A_567 : i32 to index
        %get3A_794 = arith.constant 64 : index
        %get3A_795 = tpu.vector_load %arg13[%get3A_792, %get3A_793, %get3A_794] {strides = array<i32>} : memref<2x16x128xf32, #tpu.memory_space<vmem>>, vector<1x1x16xf32>,
        %get3A_796 = vector.shape_cast %get3A_795 : vector<1x1x16xf32> to vector<16xf32>
        %get3A_797 = arith.constant 1 : i32
        %get3A_798 = arith.index_cast %get3A_797 : i32 to index
        %get3A_799 = arith.index_cast %scan3A_567 : i32 to index
        %get3A_800 = arith.constant 64 : index
        %get3A_801 = tpu.vector_load %arg14[%get3A_798, %get3A_799, %get3A_800] {strides = array<i32>} : memref<2x16x256xf32, #tpu.memory_space<vmem>>, vector<1x1x16xf32>,
        %get3A_802 = vector.shape_cast %get3A_801 : vector<1x1x16xf32> to vector<16xf32>
        %add3A_803 = arith.addf %get3A_796, %get3A_802 : vector<16xf32>
        %get3A_804 = arith.constant 1 : i32
        %get3A_805 = arith.index_cast %get3A_804 : i32 to index
        %get3A_806 = arith.index_cast %scan3A_567 : i32 to index
        %get3A_807 = arith.constant 64 : index
        %get3A_808 = tpu.vector_load %arg15[%get3A_805, %get3A_806, %get3A_807] {strides = array<i32>} : memref<2x16x256xf32, #tpu.memory_space<vmem>>, vector<1x1x16xf32>,
        %get3A_809 = vector.shape_cast %get3A_808 : vector<1x1x16xf32> to vector<16xf32>
        %add3A_810 = arith.addf %add3A_803, %get3A_809 : vector<16xf32>
        %get3A_811 = arith.constant 1 : i32
        %get3A_812 = arith.index_cast %get3A_811 : i32 to index
        %get3A_813 = arith.index_cast %scan3A_567 : i32 to index
        %get3A_814 = arith.constant 192 : index
        %get3A_815 = tpu.vector_load %arg15[%get3A_812, %get3A_813, %get3A_814] {strides = array<i32>} : memref<2x16x256xf32, #tpu.memory_space<vmem>>, vector<1x1x16xf32>,
        %get3A_816 = vector.shape_cast %get3A_815 : vector<1x1x16xf32> to vector<16xf32>
        %max3A_817 = arith.constant 0.000000e+00 : f32
        %max3A_818 = vector.broadcast %max3A_817 : f32 to vector<16xf32>
        %max3A_819 = arith.maximumf %add3A_810, %max3A_818 : vector<16xf32>
        %add3A_820 = arith.addf %get3A_816, %max3A_819 : vector<16xf32>
        %swap3A_821 = arith.index_cast %scan3A_567 : i32 to index
        %swap3A_822 = arith.constant 64 : index
        %swap3A_823 = tpu.vector_load %arg16[%swap3A_821, %swap3A_822] {strides = array<i32>} : memref<16x128xf32, #tpu.memory_space<vmem>>, vector<1x16xf32>,
        %swap3A_824 = vector.shape_cast %swap3A_823 : vector<1x16xf32> to vector<16xf32>
        %swap3A_825 = vector.shape_cast %add3A_820 : vector<16xf32> to vector<1x16xf32>
        tpu.vector_store %arg16[%swap3A_821, %swap3A_822], %swap3A_825 {strides = array<i32>} : memref<16x128xf32, #tpu.memory_space<vmem>>, vector<1x16xf32>,
        %neg3A_826 = arith.constant 0.000000e+00 : f32
        %neg3A_827 = vector.broadcast %neg3A_826 : f32 to vector<16xf32>
        %neg3A_828 = arith.subf %neg3A_827, %add3A_810 : vector<16xf32>
        %exp3A_829 = math.exp %neg3A_828 : vector<16xf32>
        %add3A_830 = arith.constant 1.000000e+00 : f32
        %add3A_831 = vector.broadcast %add3A_830 : f32 to vector<16xf32>
        %add3A_832 = arith.addf %add3A_831, %exp3A_829 : vector<16xf32>
        %div3A_833 = arith.constant 1.000000e+00 : f32
        %div3A_834 = vector.broadcast %div3A_833 : f32 to vector<16xf32>
        %div3A_835 = arith.divf %div3A_834, %add3A_832 : vector<16xf32>
        %get3A_836 = arith.constant 1 : i32
        %get3A_837 = arith.index_cast %get3A_836 : i32 to index
        %get3A_838 = arith.index_cast %scan3A_567 : i32 to index
        %get3A_839 = arith.constant 192 : index
        %get3A_840 = tpu.vector_load %arg14[%get3A_837, %get3A_838, %get3A_839] {strides = array<i32>} : memref<2x16x256xf32, #tpu.memory_space<vmem>>, vector<1x1x16xf32>,
        %get3A_841 = vector.shape_cast %get3A_840 : vector<1x1x16xf32> to vector<16xf32>
        %mul3A_842 = arith.mulf %div3A_835, %get3A_841 : vector<16xf32>
        %swap3A_843 = arith.index_cast %scan3A_567 : i32 to index
        %swap3A_844 = arith.constant 64 : index
        %swap3A_845 = tpu.vector_load %arg17[%swap3A_843, %swap3A_844] {strides = array<i32>} : memref<16x128xf32, #tpu.memory_space<vmem>>, vector<1x16xf32>,
        %swap3A_846 = vector.shape_cast %swap3A_845 : vector<1x16xf32> to vector<16xf32>
        %swap3A_847 = vector.shape_cast %mul3A_842 : vector<16xf32> to vector<1x16xf32>
        tpu.vector_store %arg17[%swap3A_843, %swap3A_844], %swap3A_847 {strides = array<i32>} : memref<16x128xf32, #tpu.memory_space<vmem>>, vector<1x16xf32>,
        %get3A_848 = arith.constant 1 : i32
        %get3A_849 = arith.index_cast %get3A_848 : i32 to index
        %get3A_850 = arith.index_cast %scan3A_567 : i32 to index
        %get3A_851 = arith.constant 80 : index
        %get3A_852 = tpu.vector_load %arg13[%get3A_849, %get3A_850, %get3A_851] {strides = array<i32>} : memref<2x16x128xf32, #tpu.memory_space<vmem>>, vector<1x1x16xf32>,
        %get3A_853 = vector.shape_cast %get3A_852 : vector<1x1x16xf32> to vector<16xf32>
        %get3A_854 = arith.constant 1 : i32
        %get3A_855 = arith.index_cast %get3A_854 : i32 to index
        %get3A_856 = arith.index_cast %scan3A_567 : i32 to index
        %get3A_857 = arith.constant 80 : index
        %get3A_858 = tpu.vector_load %arg14[%get3A_855, %get3A_856, %get3A_857] {strides = array<i32>} : memref<2x16x256xf32, #tpu.memory_space<vmem>>, vector<1x1x16xf32>,
        %get3A_859 = vector.shape_cast %get3A_858 : vector<1x1x16xf32> to vector<16xf32>
        %add3A_860 = arith.addf %get3A_853, %get3A_859 : vector<16xf32>
        %get3A_861 = arith.constant 1 : i32
        %get3A_862 = arith.index_cast %get3A_861 : i32 to index
        %get3A_863 = arith.index_cast %scan3A_567 : i32 to index
        %get3A_864 = arith.constant 80 : index
        %get3A_865 = tpu.vector_load %arg15[%get3A_862, %get3A_863, %get3A_864] {strides = array<i32>} : memref<2x16x256xf32, #tpu.memory_space<vmem>>, vector<1x1x16xf32>,
        %get3A_866 = vector.shape_cast %get3A_865 : vector<1x1x16xf32> to vector<16xf32>
        %add3A_867 = arith.addf %add3A_860, %get3A_866 : vector<16xf32>
        %get3A_868 = arith.constant 1 : i32
        %get3A_869 = arith.index_cast %get3A_868 : i32 to index
        %get3A_870 = arith.index_cast %scan3A_567 : i32 to index
        %get3A_871 = arith.constant 208 : index
        %get3A_872 = tpu.vector_load %arg15[%get3A_869, %get3A_870, %get3A_871] {strides = array<i32>} : memref<2x16x256xf32, #tpu.memory_space<vmem>>, vector<1x1x16xf32>,
        %get3A_873 = vector.shape_cast %get3A_872 : vector<1x1x16xf32> to vector<16xf32>
        %max3A_874 = arith.constant 0.000000e+00 : f32
        %max3A_875 = vector.broadcast %max3A_874 : f32 to vector<16xf32>
        %max3A_876 = arith.maximumf %add3A_867, %max3A_875 : vector<16xf32>
        %add3A_877 = arith.addf %get3A_873, %max3A_876 : vector<16xf32>
        %swap3A_878 = arith.index_cast %scan3A_567 : i32 to index
        %swap3A_879 = arith.constant 80 : index
        %swap3A_880 = tpu.vector_load %arg16[%swap3A_878, %swap3A_879] {strides = array<i32>} : memref<16x128xf32, #tpu.memory_space<vmem>>, vector<1x16xf32>,
        %swap3A_881 = vector.shape_cast %swap3A_880 : vector<1x16xf32> to vector<16xf32>
        %swap3A_882 = vector.shape_cast %add3A_877 : vector<16xf32> to vector<1x16xf32>
        tpu.vector_store %arg16[%swap3A_878, %swap3A_879], %swap3A_882 {strides = array<i32>} : memref<16x128xf32, #tpu.memory_space<vmem>>, vector<1x16xf32>,
        %neg3A_883 = arith.constant 0.000000e+00 : f32
        %neg3A_884 = vector.broadcast %neg3A_883 : f32 to vector<16xf32>
        %neg3A_885 = arith.subf %neg3A_884, %add3A_867 : vector<16xf32>
        %exp3A_886 = math.exp %neg3A_885 : vector<16xf32>
        %add3A_887 = arith.constant 1.000000e+00 : f32
        %add3A_888 = vector.broadcast %add3A_887 : f32 to vector<16xf32>
        %add3A_889 = arith.addf %add3A_888, %exp3A_886 : vector<16xf32>
        %div3A_890 = arith.constant 1.000000e+00 : f32
        %div3A_891 = vector.broadcast %div3A_890 : f32 to vector<16xf32>
        %div3A_892 = arith.divf %div3A_891, %add3A_889 : vector<16xf32>
        %get3A_893 = arith.constant 1 : i32
        %get3A_894 = arith.index_cast %get3A_893 : i32 to index
        %get3A_895 = arith.index_cast %scan3A_567 : i32 to index
        %get3A_896 = arith.constant 208 : index
        %get3A_897 = tpu.vector_load %arg14[%get3A_894, %get3A_895, %get3A_896] {strides = array<i32>} : memref<2x16x256xf32, #tpu.memory_space<vmem>>, vector<1x1x16xf32>,
        %get3A_898 = vector.shape_cast %get3A_897 : vector<1x1x16xf32> to vector<16xf32>
        %mul3A_899 = arith.mulf %div3A_892, %get3A_898 : vector<16xf32>
        %swap3A_900 = arith.index_cast %scan3A_567 : i32 to index
        %swap3A_901 = arith.constant 80 : index
        %swap3A_902 = tpu.vector_load %arg17[%swap3A_900, %swap3A_901] {strides = array<i32>} : memref<16x128xf32, #tpu.memory_space<vmem>>, vector<1x16xf32>,
        %swap3A_903 = vector.shape_cast %swap3A_902 : vector<1x16xf32> to vector<16xf32>
        %swap3A_904 = vector.shape_cast %mul3A_899 : vector<16xf32> to vector<1x16xf32>
        tpu.vector_store %arg17[%swap3A_900, %swap3A_901], %swap3A_904 {strides = array<i32>} : memref<16x128xf32, #tpu.memory_space<vmem>>, vector<1x16xf32>,
        %get3A_905 = arith.constant 1 : i32
        %get3A_906 = arith.index_cast %get3A_905 : i32 to index
        %get3A_907 = arith.index_cast %scan3A_567 : i32 to index
        %get3A_908 = arith.constant 96 : index
        %get3A_909 = tpu.vector_load %arg13[%get3A_906, %get3A_907, %get3A_908] {strides = array<i32>} : memref<2x16x128xf32, #tpu.memory_space<vmem>>, vector<1x1x16xf32>,
        %get3A_910 = vector.shape_cast %get3A_909 : vector<1x1x16xf32> to vector<16xf32>
        %get3A_911 = arith.constant 1 : i32
        %get3A_912 = arith.index_cast %get3A_911 : i32 to index
        %get3A_913 = arith.index_cast %scan3A_567 : i32 to index
        %get3A_914 = arith.constant 96 : index
        %get3A_915 = tpu.vector_load %arg14[%get3A_912, %get3A_913, %get3A_914] {strides = array<i32>} : memref<2x16x256xf32, #tpu.memory_space<vmem>>, vector<1x1x16xf32>,
        %get3A_916 = vector.shape_cast %get3A_915 : vector<1x1x16xf32> to vector<16xf32>
        %add3A_917 = arith.addf %get3A_910, %get3A_916 : vector<16xf32>
        %get3A_918 = arith.constant 1 : i32
        %get3A_919 = arith.index_cast %get3A_918 : i32 to index
        %get3A_920 = arith.index_cast %scan3A_567 : i32 to index
        %get3A_921 = arith.constant 96 : index
        %get3A_922 = tpu.vector_load %arg15[%get3A_919, %get3A_920, %get3A_921] {strides = array<i32>} : memref<2x16x256xf32, #tpu.memory_space<vmem>>, vector<1x1x16xf32>,
        %get3A_923 = vector.shape_cast %get3A_922 : vector<1x1x16xf32> to vector<16xf32>
        %add3A_924 = arith.addf %add3A_917, %get3A_923 : vector<16xf32>
        %get3A_925 = arith.constant 1 : i32
        %get3A_926 = arith.index_cast %get3A_925 : i32 to index
        %get3A_927 = arith.index_cast %scan3A_567 : i32 to index
        %get3A_928 = arith.constant 224 : index
        %get3A_929 = tpu.vector_load %arg15[%get3A_926, %get3A_927, %get3A_928] {strides = array<i32>} : memref<2x16x256xf32, #tpu.memory_space<vmem>>, vector<1x1x16xf32>,
        %get3A_930 = vector.shape_cast %get3A_929 : vector<1x1x16xf32> to vector<16xf32>
        %max3A_931 = arith.constant 0.000000e+00 : f32
        %max3A_932 = vector.broadcast %max3A_931 : f32 to vector<16xf32>
        %max3A_933 = arith.maximumf %add3A_924, %max3A_932 : vector<16xf32>
        %add3A_934 = arith.addf %get3A_930, %max3A_933 : vector<16xf32>
        %swap3A_935 = arith.index_cast %scan3A_567 : i32 to index
        %swap3A_936 = arith.constant 96 : index
        %swap3A_937 = tpu.vector_load %arg16[%swap3A_935, %swap3A_936] {strides = array<i32>} : memref<16x128xf32, #tpu.memory_space<vmem>>, vector<1x16xf32>,
        %swap3A_938 = vector.shape_cast %swap3A_937 : vector<1x16xf32> to vector<16xf32>
        %swap3A_939 = vector.shape_cast %add3A_934 : vector<16xf32> to vector<1x16xf32>
        tpu.vector_store %arg16[%swap3A_935, %swap3A_936], %swap3A_939 {strides = array<i32>} : memref<16x128xf32, #tpu.memory_space<vmem>>, vector<1x16xf32>,
        %neg3A_940 = arith.constant 0.000000e+00 : f32
        %neg3A_941 = vector.broadcast %neg3A_940 : f32 to vector<16xf32>
        %neg3A_942 = arith.subf %neg3A_941, %add3A_924 : vector<16xf32>
        %exp3A_943 = math.exp %neg3A_942 : vector<16xf32>
        %add3A_944 = arith.constant 1.000000e+00 : f32
        %add3A_945 = vector.broadcast %add3A_944 : f32 to vector<16xf32>
        %add3A_946 = arith.addf %add3A_945, %exp3A_943 : vector<16xf32>
        %div3A_947 = arith.constant 1.000000e+00 : f32
        %div3A_948 = vector.broadcast %div3A_947 : f32 to vector<16xf32>
        %div3A_949 = arith.divf %div3A_948, %add3A_946 : vector<16xf32>
        %get3A_950 = arith.constant 1 : i32
        %get3A_951 = arith.index_cast %get3A_950 : i32 to index
        %get3A_952 = arith.index_cast %scan3A_567 : i32 to index
        %get3A_953 = arith.constant 224 : index
        %get3A_954 = tpu.vector_load %arg14[%get3A_951, %get3A_952, %get3A_953] {strides = array<i32>} : memref<2x16x256xf32, #tpu.memory_space<vmem>>, vector<1x1x16xf32>,
        %get3A_955 = vector.shape_cast %get3A_954 : vector<1x1x16xf32> to vector<16xf32>
        %mul3A_956 = arith.mulf %div3A_949, %get3A_955 : vector<16xf32>
        %swap3A_957 = arith.index_cast %scan3A_567 : i32 to index
        %swap3A_958 = arith.constant 96 : index
        %swap3A_959 = tpu.vector_load %arg17[%swap3A_957, %swap3A_958] {strides = array<i32>} : memref<16x128xf32, #tpu.memory_space<vmem>>, vector<1x16xf32>,
        %swap3A_960 = vector.shape_cast %swap3A_959 : vector<1x16xf32> to vector<16xf32>
        %swap3A_961 = vector.shape_cast %mul3A_956 : vector<16xf32> to vector<1x16xf32>
        tpu.vector_store %arg17[%swap3A_957, %swap3A_958], %swap3A_961 {strides = array<i32>} : memref<16x128xf32, #tpu.memory_space<vmem>>, vector<1x16xf32>,
        %get3A_962 = arith.constant 1 : i32
        %get3A_963 = arith.index_cast %get3A_962 : i32 to index
        %get3A_964 = arith.index_cast %scan3A_567 : i32 to index
        %get3A_965 = arith.constant 112 : index
        %get3A_966 = tpu.vector_load %arg13[%get3A_963, %get3A_964, %get3A_965] {strides = array<i32>} : memref<2x16x128xf32, #tpu.memory_space<vmem>>, vector<1x1x16xf32>,
        %get3A_967 = vector.shape_cast %get3A_966 : vector<1x1x16xf32> to vector<16xf32>
        %get3A_968 = arith.constant 1 : i32
        %get3A_969 = arith.index_cast %get3A_968 : i32 to index
        %get3A_970 = arith.index_cast %scan3A_567 : i32 to index
        %get3A_971 = arith.constant 112 : index
        %get3A_972 = tpu.vector_load %arg14[%get3A_969, %get3A_970, %get3A_971] {strides = array<i32>} : memref<2x16x256xf32, #tpu.memory_space<vmem>>, vector<1x1x16xf32>,
        %get3A_973 = vector.shape_cast %get3A_972 : vector<1x1x16xf32> to vector<16xf32>
        %add3A_974 = arith.addf %get3A_967, %get3A_973 : vector<16xf32>
        %get3A_975 = arith.constant 1 : i32
        %get3A_976 = arith.index_cast %get3A_975 : i32 to index
        %get3A_977 = arith.index_cast %scan3A_567 : i32 to index
        %get3A_978 = arith.constant 112 : index
        %get3A_979 = tpu.vector_load %arg15[%get3A_976, %get3A_977, %get3A_978] {strides = array<i32>} : memref<2x16x256xf32, #tpu.memory_space<vmem>>, vector<1x1x16xf32>,
        %get3A_980 = vector.shape_cast %get3A_979 : vector<1x1x16xf32> to vector<16xf32>
        %add3A_981 = arith.addf %add3A_974, %get3A_980 : vector<16xf32>
        %get3A_982 = arith.constant 1 : i32
        %get3A_983 = arith.index_cast %get3A_982 : i32 to index
        %get3A_984 = arith.index_cast %scan3A_567 : i32 to index
        %get3A_985 = arith.constant 240 : index
        %get3A_986 = tpu.vector_load %arg15[%get3A_983, %get3A_984, %get3A_985] {strides = array<i32>} : memref<2x16x256xf32, #tpu.memory_space<vmem>>, vector<1x1x16xf32>,
        %get3A_987 = vector.shape_cast %get3A_986 : vector<1x1x16xf32> to vector<16xf32>
        %max3A_988 = arith.constant 0.000000e+00 : f32
        %max3A_989 = vector.broadcast %max3A_988 : f32 to vector<16xf32>
        %max3A_990 = arith.maximumf %add3A_981, %max3A_989 : vector<16xf32>
        %add3A_991 = arith.addf %get3A_987, %max3A_990 : vector<16xf32>
        %swap3A_992 = arith.index_cast %scan3A_567 : i32 to index
        %swap3A_993 = arith.constant 112 : index
        %swap3A_994 = tpu.vector_load %arg16[%swap3A_992, %swap3A_993] {strides = array<i32>} : memref<16x128xf32, #tpu.memory_space<vmem>>, vector<1x16xf32>,
        %swap3A_995 = vector.shape_cast %swap3A_994 : vector<1x16xf32> to vector<16xf32>
        %swap3A_996 = vector.shape_cast %add3A_991 : vector<16xf32> to vector<1x16xf32>
        tpu.vector_store %arg16[%swap3A_992, %swap3A_993], %swap3A_996 {strides = array<i32>} : memref<16x128xf32, #tpu.memory_space<vmem>>, vector<1x16xf32>,
        %neg3A_997 = arith.constant 0.000000e+00 : f32
        %neg3A_998 = vector.broadcast %neg3A_997 : f32 to vector<16xf32>
        %neg3A_999 = arith.subf %neg3A_998, %add3A_981 : vector<16xf32>
        %exp3A_1000 = math.exp %neg3A_999 : vector<16xf32>
        %add3A_1001 = arith.constant 1.000000e+00 : f32
        %add3A_1002 = vector.broadcast %add3A_1001 : f32 to vector<16xf32>
        %add3A_1003 = arith.addf %add3A_1002, %exp3A_1000 : vector<16xf32>
        %div3A_1004 = arith.constant 1.000000e+00 : f32
        %div3A_1005 = vector.broadcast %div3A_1004 : f32 to vector<16xf32>
        %div3A_1006 = arith.divf %div3A_1005, %add3A_1003 : vector<16xf32>
        %get3A_1007 = arith.constant 1 : i32
        %get3A_1008 = arith.index_cast %get3A_1007 : i32 to index
        %get3A_1009 = arith.index_cast %scan3A_567 : i32 to index
        %get3A_1010 = arith.constant 240 : index
        %get3A_1011 = tpu.vector_load %arg14[%get3A_1008, %get3A_1009, %get3A_1010] {strides = array<i32>} : memref<2x16x256xf32, #tpu.memory_space<vmem>>, vector<1x1x16xf32>,
        %get3A_1012 = vector.shape_cast %get3A_1011 : vector<1x1x16xf32> to vector<16xf32>
        %mul3A_1013 = arith.mulf %div3A_1006, %get3A_1012 : vector<16xf32>
        %swap3A_1014 = arith.index_cast %scan3A_567 : i32 to index
        %swap3A_1015 = arith.constant 112 : index
        %swap3A_1016 = tpu.vector_load %arg17[%swap3A_1014, %swap3A_1015] {strides = array<i32>} : memref<16x128xf32, #tpu.memory_space<vmem>>, vector<1x16xf32>,
        %swap3A_1017 = vector.shape_cast %swap3A_1016 : vector<1x16xf32> to vector<16xf32>
        %swap3A_1018 = vector.shape_cast %mul3A_1013 : vector<16xf32> to vector<1x16xf32>
        tpu.vector_store %arg17[%swap3A_1014, %swap3A_1015], %swap3A_1018 {strides = array<i32>} : memref<16x128xf32, #tpu.memory_space<vmem>>, vector<1x16xf32>,
        %scan3A_1019 = arith.constant 0 : i32
        scf.yield %scan3A_1019 : i32
      }
      %scan3A_547 = arith.constant 16 : i32
      %mul3A_548 = arith.constant 16 : i32
      %mul3A_549 = arith.muli %add3A_447, %mul3A_548 : i32
      %add3A_550 = arith.addi %mul3A_2, %mul3A_549 : i32
      %dma_start3A_551 = arith.constant 0 : i32
      %dma_start3A_552 = tpu.memref_slice %arg7[%add3A_550, %dma_start3A_551] : memref<320000x128xf32, #tpu.memory_space<hbm>> -> memref<16x128xf32, #tpu.memory_space<hbm>>
      %dma_start3A_553 = arith.constant 0 : i32
      %dma_start3A_554 = tpu.memref_slice %arg7[%add3A_550, %dma_start3A_553] : memref<320000x128xf32, #tpu.memory_space<hbm>> -> memref<16x128xf32, #tpu.memory_space<hbm>>
      tpu.enqueue_dma source(%arg16 : memref<16x128xf32, #tpu.memory_space<vmem>>) target(%dma_start3A_554 : memref<16x128xf32, #tpu.memory_space<hbm>>) target_semaphore(%arg21 : memref<!tpu.dma_semaphore, #tpu.memory_space<semaphore_mem>>)
      "tpu.region"() ({
        %run_scoped3A = tpu.sem_alloc : memref<!tpu.dma_semaphore, #tpu.memory_space<semaphore_mem>>
        %dma_start3A_567 = arith.constant 0 : i32
        %dma_start3A_568 = arith.constant 0 : i32
        %dma_start3A_569 = tpu.memref_slice %arg18[%dma_start3A_567, %dma_start3A_568] : memref<10000x128xf32, #tpu.memory_space<vmem_shared>> -> memref<10000x128xf32, #tpu.memory_space<vmem_shared>>
        tpu.enqueue_indirect_dma source(%arg17 : memref<16x128xf32, #tpu.memory_space<vmem>>) target(%dma_start3A_569 : memref<10000x128xf32, #tpu.memory_space<vmem_shared>>) offsets(%arg10 : memref<16xi32, #tpu.memory_space<vmem>>) semaphore(%run_scoped3A : memref<!tpu.dma_semaphore, #tpu.memory_space<semaphore_mem>>) {add = true}
        %dma_wait3A_570 = arith.constant 0 : i32
        %dma_wait3A_571 = arith.constant 0 : i32
        %dma_wait3A_572 = tpu.memref_slice %arg18[%dma_wait3A_570, %dma_wait3A_571] : memref<10000x128xf32, #tpu.memory_space<vmem_shared>> -> memref<10000x128xf32, #tpu.memory_space<vmem_shared>>
        tpu.wait_indirect_dma semaphore(%run_scoped3A : memref<!tpu.dma_semaphore, #tpu.memory_space<semaphore_mem>>) src(%arg17 : memref<16x128xf32, #tpu.memory_space<vmem>>) dst(%dma_wait3A_572 : memref<10000x128xf32, #tpu.memory_space<vmem_shared>>)
        tpu.yield
      }) : () -> ()
      %add3A_555 = arith.constant 2 : i32
      %add3A_556 = arith.addi %add3A_447, %add3A_555 : i32
      %min3A_557 = arith.constant 624 : i32
      %min3A_558 = arith.minsi %add3A_556, %min3A_557 : i32
      %mul3A_559 = arith.constant 16 : i32
      %mul3A_560 = arith.muli %min3A_558, %mul3A_559 : i32
      %add3A_561 = arith.addi %mul3A_2, %mul3A_560 : i32
      %dma_start3A_562 = tpu.memref_slice %arg2[%add3A_561] : memref<320000xi32, #tpu.memory_space<hbm>> -> memref<16xi32, #tpu.memory_space<hbm>>
      %dma_start3A_563 = tpu.memref_slice %arg2[%add3A_561] : memref<320000xi32, #tpu.memory_space<hbm>> -> memref<16xi32, #tpu.memory_space<hbm>>
      tpu.enqueue_dma source(%dma_start3A_563 : memref<16xi32, #tpu.memory_space<hbm>>) target(%arg10 : memref<16xi32, #tpu.memory_space<vmem>>) target_semaphore(%arg19 : memref<!tpu.dma_semaphore, #tpu.memory_space<semaphore_mem>>)
      %dma_start3A_564 = tpu.memref_slice %arg3[%add3A_561] : memref<320000xi32, #tpu.memory_space<hbm>> -> memref<16xi32, #tpu.memory_space<hbm>>
      %dma_start3A_565 = tpu.memref_slice %arg3[%add3A_561] : memref<320000xi32, #tpu.memory_space<hbm>> -> memref<16xi32, #tpu.memory_space<hbm>>
      tpu.enqueue_dma source(%dma_start3A_565 : memref<16xi32, #tpu.memory_space<hbm>>) target(%arg12 : memref<16xi32, #tpu.memory_space<vmem>>) target_semaphore(%arg19 : memref<!tpu.dma_semaphore, #tpu.memory_space<semaphore_mem>>)
      %scan3A_566 = arith.constant 0 : i32
      scf.yield %scan3A_566 : i32
    }
    %scan3A_238 = arith.constant 312 : i32
    %dma_wait3A_239 = arith.constant 0 : i32
    %dma_wait3A_240 = arith.constant 0 : i32
    %dma_wait3A_241 = arith.constant 0 : i32
    %dma_wait3A_242 = tpu.memref_slice %arg13[%dma_wait3A_239, %dma_wait3A_240, %dma_wait3A_241] : memref<2x16x128xf32, #tpu.memory_space<vmem>> -> memref<1x16x128xf32, #tpu.memory_space<vmem>>
    %dma_wait3A_243 = tpu.memref_squeeze %dma_wait3A_242 : memref<1x16x128xf32, #tpu.memory_space<vmem>> -> memref<16x128xf32, #tpu.memory_space<vmem>>
    %dma_wait3A_244 = arith.constant 0 : i32
    %dma_wait3A_245 = arith.constant 0 : i32
    %dma_wait3A_246 = tpu.memref_slice %arg4[%dma_wait3A_244, %dma_wait3A_245] : memref<10000x128xf32, #tpu.memory_space<hbm>> -> memref<16x128xf32, #tpu.memory_space<hbm>>
    %dma_wait3A_247 = arith.constant 0 : i32
    %dma_wait3A_248 = arith.constant 0 : i32
    %dma_wait3A_249 = tpu.memref_slice %arg13[%dma_wait3A_239, %dma_wait3A_247, %dma_wait3A_248] : memref<2x16x128xf32, #tpu.memory_space<vmem>> -> memref<1x16x128xf32, #tpu.memory_space<vmem>>
    %dma_wait3A_250 = tpu.memref_squeeze %dma_wait3A_249 : memref<1x16x128xf32, #tpu.memory_space<vmem>> -> memref<16x128xf32, #tpu.memory_space<vmem>>
    %dma_wait3A_251 = arith.constant 0 : i32
    %dma_wait3A_252 = arith.constant 0 : i32
    %dma_wait3A_253 = tpu.memref_slice %arg4[%dma_wait3A_251, %dma_wait3A_252] : memref<10000x128xf32, #tpu.memory_space<hbm>> -> memref<16x128xf32, #tpu.memory_space<hbm>>
    tpu.wait_dma2 semaphore(%arg20 : memref<!tpu.dma_semaphore, #tpu.memory_space<semaphore_mem>>) src(%dma_wait3A_253 : memref<16x128xf32, #tpu.memory_space<hbm>>) dst(%dma_wait3A_250 : memref<16x128xf32, #tpu.memory_space<vmem>>)
    %dma_wait3A_254 = arith.constant 0 : i32
    %dma_wait3A_255 = arith.constant 0 : i32
    %dma_wait3A_256 = arith.constant 0 : i32
    %dma_wait3A_257 = tpu.memref_slice %arg14[%dma_wait3A_254, %dma_wait3A_255, %dma_wait3A_256] : memref<2x16x256xf32, #tpu.memory_space<vmem>> -> memref<1x16x256xf32, #tpu.memory_space<vmem>>
    %dma_wait3A_258 = tpu.memref_squeeze %dma_wait3A_257 : memref<1x16x256xf32, #tpu.memory_space<vmem>> -> memref<16x256xf32, #tpu.memory_space<vmem>>
    %dma_wait3A_259 = arith.constant 0 : i32
    %dma_wait3A_260 = arith.constant 0 : i32
    %dma_wait3A_261 = tpu.memref_slice %arg5[%dma_wait3A_259, %dma_wait3A_260] : memref<10000x256xf32, #tpu.memory_space<hbm>> -> memref<16x256xf32, #tpu.memory_space<hbm>>
    %dma_wait3A_262 = arith.constant 0 : i32
    %dma_wait3A_263 = arith.constant 0 : i32
    %dma_wait3A_264 = tpu.memref_slice %arg14[%dma_wait3A_254, %dma_wait3A_262, %dma_wait3A_263] : memref<2x16x256xf32, #tpu.memory_space<vmem>> -> memref<1x16x256xf32, #tpu.memory_space<vmem>>
    %dma_wait3A_265 = tpu.memref_squeeze %dma_wait3A_264 : memref<1x16x256xf32, #tpu.memory_space<vmem>> -> memref<16x256xf32, #tpu.memory_space<vmem>>
    %dma_wait3A_266 = arith.constant 0 : i32
    %dma_wait3A_267 = arith.constant 0 : i32
    %dma_wait3A_268 = tpu.memref_slice %arg5[%dma_wait3A_266, %dma_wait3A_267] : memref<10000x256xf32, #tpu.memory_space<hbm>> -> memref<16x256xf32, #tpu.memory_space<hbm>>
    tpu.wait_dma2 semaphore(%arg20 : memref<!tpu.dma_semaphore, #tpu.memory_space<semaphore_mem>>) src(%dma_wait3A_268 : memref<16x256xf32, #tpu.memory_space<hbm>>) dst(%dma_wait3A_265 : memref<16x256xf32, #tpu.memory_space<vmem>>)
    %dma_wait3A_269 = arith.constant 0 : i32
    %dma_wait3A_270 = arith.constant 0 : i32
    %dma_wait3A_271 = arith.constant 0 : i32
    %dma_wait3A_272 = tpu.memref_slice %arg15[%dma_wait3A_269, %dma_wait3A_270, %dma_wait3A_271] : memref<2x16x256xf32, #tpu.memory_space<vmem>> -> memref<1x16x256xf32, #tpu.memory_space<vmem>>
    %dma_wait3A_273 = tpu.memref_squeeze %dma_wait3A_272 : memref<1x16x256xf32, #tpu.memory_space<vmem>> -> memref<16x256xf32, #tpu.memory_space<vmem>>
    %dma_wait3A_274 = arith.constant 0 : i32
    %dma_wait3A_275 = arith.constant 0 : i32
    %dma_wait3A_276 = tpu.memref_slice %arg6[%dma_wait3A_274, %dma_wait3A_275] : memref<320000x256xf32, #tpu.memory_space<hbm>> -> memref<16x256xf32, #tpu.memory_space<hbm>>
    %dma_wait3A_277 = arith.constant 0 : i32
    %dma_wait3A_278 = arith.constant 0 : i32
    %dma_wait3A_279 = tpu.memref_slice %arg15[%dma_wait3A_269, %dma_wait3A_277, %dma_wait3A_278] : memref<2x16x256xf32, #tpu.memory_space<vmem>> -> memref<1x16x256xf32, #tpu.memory_space<vmem>>
    %dma_wait3A_280 = tpu.memref_squeeze %dma_wait3A_279 : memref<1x16x256xf32, #tpu.memory_space<vmem>> -> memref<16x256xf32, #tpu.memory_space<vmem>>
    %dma_wait3A_281 = arith.constant 0 : i32
    %dma_wait3A_282 = arith.constant 0 : i32
    %dma_wait3A_283 = tpu.memref_slice %arg6[%dma_wait3A_281, %dma_wait3A_282] : memref<320000x256xf32, #tpu.memory_space<hbm>> -> memref<16x256xf32, #tpu.memory_space<hbm>>
    tpu.wait_dma2 semaphore(%arg20 : memref<!tpu.dma_semaphore, #tpu.memory_space<semaphore_mem>>) src(%dma_wait3A_283 : memref<16x256xf32, #tpu.memory_space<hbm>>) dst(%dma_wait3A_280 : memref<16x256xf32, #tpu.memory_space<vmem>>)
    %dma_wait3A_284 = arith.constant 0 : i32
    %dma_wait3A_285 = arith.constant 0 : i32
    %dma_wait3A_286 = tpu.memref_slice %arg7[%dma_wait3A_284, %dma_wait3A_285] : memref<320000x128xf32, #tpu.memory_space<hbm>> -> memref<16x128xf32, #tpu.memory_space<hbm>>
    %dma_wait3A_287 = arith.constant 0 : i32
    %dma_wait3A_288 = arith.constant 0 : i32
    %dma_wait3A_289 = tpu.memref_slice %arg7[%dma_wait3A_287, %dma_wait3A_288] : memref<320000x128xf32, #tpu.memory_space<hbm>> -> memref<16x128xf32, #tpu.memory_space<hbm>>
    tpu.wait_dma2 semaphore(%arg21 : memref<!tpu.dma_semaphore, #tpu.memory_space<semaphore_mem>>) src(%dma_wait3A_289 : memref<16x128xf32, #tpu.memory_space<hbm>>) dst(%arg16 : memref<16x128xf32, #tpu.memory_space<vmem>>)
    %scan3A_290 = arith.constant 0 : i32
    %scan3A_291 = arith.constant 0 : i32
    %scan3A_292 = arith.constant 16 : i32
    %scan3A_293 = arith.addi %scan3A_291, %scan3A_292 : i32
    %scan3A_294 = arith.constant 1 : i32
    %scan3A_295 = scf.for %scan3A_322 = %scan3A_291 to %scan3A_293 step %scan3A_294 iter_args(%scan3A_323 = %scan3A_290) -> (i32)  : i32 {
      %get3A = arith.constant 0 : i32
      %get3A_324 = arith.index_cast %get3A : i32 to index
      %get3A_325 = arith.index_cast %scan3A_322 : i32 to index
      %get3A_326 = arith.constant 0 : index
      %get3A_327 = tpu.vector_load %arg13[%get3A_324, %get3A_325, %get3A_326] {strides = array<i32>} : memref<2x16x128xf32, #tpu.memory_space<vmem>>, vector<1x1x16xf32>,
      %get3A_328 = vector.shape_cast %get3A_327 : vector<1x1x16xf32> to vector<16xf32>
      %get3A_329 = arith.constant 0 : i32
      %get3A_330 = arith.index_cast %get3A_329 : i32 to index
      %get3A_331 = arith.index_cast %scan3A_322 : i32 to index
      %get3A_332 = arith.constant 0 : index
      %get3A_333 = tpu.vector_load %arg14[%get3A_330, %get3A_331, %get3A_332] {strides = array<i32>} : memref<2x16x256xf32, #tpu.memory_space<vmem>>, vector<1x1x16xf32>,
      %get3A_334 = vector.shape_cast %get3A_333 : vector<1x1x16xf32> to vector<16xf32>
      %add3A_335 = arith.addf %get3A_328, %get3A_334 : vector<16xf32>
      %get3A_336 = arith.constant 0 : i32
      %get3A_337 = arith.index_cast %get3A_336 : i32 to index
      %get3A_338 = arith.index_cast %scan3A_322 : i32 to index
      %get3A_339 = arith.constant 0 : index
      %get3A_340 = tpu.vector_load %arg15[%get3A_337, %get3A_338, %get3A_339] {strides = array<i32>} : memref<2x16x256xf32, #tpu.memory_space<vmem>>, vector<1x1x16xf32>,
      %get3A_341 = vector.shape_cast %get3A_340 : vector<1x1x16xf32> to vector<16xf32>
      %add3A_342 = arith.addf %add3A_335, %get3A_341 : vector<16xf32>
      %get3A_343 = arith.constant 0 : i32
      %get3A_344 = arith.index_cast %get3A_343 : i32 to index
      %get3A_345 = arith.index_cast %scan3A_322 : i32 to index
      %get3A_346 = arith.constant 128 : index
      %get3A_347 = tpu.vector_load %arg15[%get3A_344, %get3A_345, %get3A_346] {strides = array<i32>} : memref<2x16x256xf32, #tpu.memory_space<vmem>>, vector<1x1x16xf32>,
      %get3A_348 = vector.shape_cast %get3A_347 : vector<1x1x16xf32> to vector<16xf32>
      %max3A = arith.constant 0.000000e+00 : f32
      %max3A_349 = vector.broadcast %max3A : f32 to vector<16xf32>
      %max3A_350 = arith.maximumf %add3A_342, %max3A_349 : vector<16xf32>
      %add3A_351 = arith.addf %get3A_348, %max3A_350 : vector<16xf32>
      %swap3A = arith.index_cast %scan3A_322 : i32 to index
      %swap3A_352 = arith.constant 0 : index
      %swap3A_353 = tpu.vector_load %arg16[%swap3A, %swap3A_352] {strides = array<i32>} : memref<16x128xf32, #tpu.memory_space<vmem>>, vector<1x16xf32>,
      %swap3A_354 = vector.shape_cast %swap3A_353 : vector<1x16xf32> to vector<16xf32>
      %swap3A_355 = vector.shape_cast %add3A_351 : vector<16xf32> to vector<1x16xf32>
      tpu.vector_store %arg16[%swap3A, %swap3A_352], %swap3A_355 {strides = array<i32>} : memref<16x128xf32, #tpu.memory_space<vmem>>, vector<1x16xf32>,
      %neg3A = arith.constant 0.000000e+00 : f32
      %neg3A_356 = vector.broadcast %neg3A : f32 to vector<16xf32>
      %neg3A_357 = arith.subf %neg3A_356, %add3A_342 : vector<16xf32>
      %exp3A = math.exp %neg3A_357 : vector<16xf32>
      %add3A_358 = arith.constant 1.000000e+00 : f32
      %add3A_359 = vector.broadcast %add3A_358 : f32 to vector<16xf32>
      %add3A_360 = arith.addf %add3A_359, %exp3A : vector<16xf32>
      %div3A = arith.constant 1.000000e+00 : f32
      %div3A_361 = vector.broadcast %div3A : f32 to vector<16xf32>
      %div3A_362 = arith.divf %div3A_361, %add3A_360 : vector<16xf32>
      %get3A_363 = arith.constant 0 : i32
      %get3A_364 = arith.index_cast %get3A_363 : i32 to index
      %get3A_365 = arith.index_cast %scan3A_322 : i32 to index
      %get3A_366 = arith.constant 128 : index
      %get3A_367 = tpu.vector_load %arg14[%get3A_364, %get3A_365, %get3A_366] {strides = array<i32>} : memref<2x16x256xf32, #tpu.memory_space<vmem>>, vector<1x1x16xf32>,
      %get3A_368 = vector.shape_cast %get3A_367 : vector<1x1x16xf32> to vector<16xf32>
      %mul3A_369 = arith.mulf %div3A_362, %get3A_368 : vector<16xf32>
      %swap3A_370 = arith.index_cast %scan3A_322 : i32 to index
      %swap3A_371 = arith.constant 0 : index
      %swap3A_372 = tpu.vector_load %arg17[%swap3A_370, %swap3A_371] {strides = array<i32>} : memref<16x128xf32, #tpu.memory_space<vmem>>, vector<1x16xf32>,
      %swap3A_373 = vector.shape_cast %swap3A_372 : vector<1x16xf32> to vector<16xf32>
      %swap3A_374 = vector.shape_cast %mul3A_369 : vector<16xf32> to vector<1x16xf32>
      tpu.vector_store %arg17[%swap3A_370, %swap3A_371], %swap3A_374 {strides = array<i32>} : memref<16x128xf32, #tpu.memory_space<vmem>>, vector<1x16xf32>,
      %get3A_375 = arith.constant 0 : i32
      %get3A_376 = arith.index_cast %get3A_375 : i32 to index
      %get3A_377 = arith.index_cast %scan3A_322 : i32 to index
      %get3A_378 = arith.constant 16 : index
      %get3A_379 = tpu.vector_load %arg13[%get3A_376, %get3A_377, %get3A_378] {strides = array<i32>} : memref<2x16x128xf32, #tpu.memory_space<vmem>>, vector<1x1x16xf32>,
      %get3A_380 = vector.shape_cast %get3A_379 : vector<1x1x16xf32> to vector<16xf32>
      %get3A_381 = arith.constant 0 : i32
      %get3A_382 = arith.index_cast %get3A_381 : i32 to index
      %get3A_383 = arith.index_cast %scan3A_322 : i32 to index
      %get3A_384 = arith.constant 16 : index
      %get3A_385 = tpu.vector_load %arg14[%get3A_382, %get3A_383, %get3A_384] {strides = array<i32>} : memref<2x16x256xf32, #tpu.memory_space<vmem>>, vector<1x1x16xf32>,
      %get3A_386 = vector.shape_cast %get3A_385 : vector<1x1x16xf32> to vector<16xf32>
      %add3A_387 = arith.addf %get3A_380, %get3A_386 : vector<16xf32>
      %get3A_388 = arith.constant 0 : i32
      %get3A_389 = arith.index_cast %get3A_388 : i32 to index
      %get3A_390 = arith.index_cast %scan3A_322 : i32 to index
      %get3A_391 = arith.constant 16 : index
      %get3A_392 = tpu.vector_load %arg15[%get3A_389, %get3A_390, %get3A_391] {strides = array<i32>} : memref<2x16x256xf32, #tpu.memory_space<vmem>>, vector<1x1x16xf32>,
      %get3A_393 = vector.shape_cast %get3A_392 : vector<1x1x16xf32> to vector<16xf32>
      %add3A_394 = arith.addf %add3A_387, %get3A_393 : vector<16xf32>
      %get3A_395 = arith.constant 0 : i32
      %get3A_396 = arith.index_cast %get3A_395 : i32 to index
      %get3A_397 = arith.index_cast %scan3A_322 : i32 to index
      %get3A_398 = arith.constant 144 : index
      %get3A_399 = tpu.vector_load %arg15[%get3A_396, %get3A_397, %get3A_398] {strides = array<i32>} : memref<2x16x256xf32, #tpu.memory_space<vmem>>, vector<1x1x16xf32>,
      %get3A_400 = vector.shape_cast %get3A_399 : vector<1x1x16xf32> to vector<16xf32>
      %max3A_401 = arith.constant 0.000000e+00 : f32
      %max3A_402 = vector.broadcast %max3A_401 : f32 to vector<16xf32>
      %max3A_403 = arith.maximumf %add3A_394, %max3A_402 : vector<16xf32>
      %add3A_404 = arith.addf %get3A_400, %max3A_403 : vector<16xf32>
      %swap3A_405 = arith.index_cast %scan3A_322 : i32 to index
      %swap3A_406 = arith.constant 16 : index
      %swap3A_407 = tpu.vector_load %arg16[%swap3A_405, %swap3A_406] {strides = array<i32>} : memref<16x128xf32, #tpu.memory_space<vmem>>, vector<1x16xf32>,
      %swap3A_408 = vector.shape_cast %swap3A_407 : vector<1x16xf32> to vector<16xf32>
      %swap3A_409 = vector.shape_cast %add3A_404 : vector<16xf32> to vector<1x16xf32>
      tpu.vector_store %arg16[%swap3A_405, %swap3A_406], %swap3A_409 {strides = array<i32>} : memref<16x128xf32, #tpu.memory_space<vmem>>, vector<1x16xf32>,
      %neg3A_410 = arith.constant 0.000000e+00 : f32
      %neg3A_411 = vector.broadcast %neg3A_410 : f32 to vector<16xf32>
      %neg3A_412 = arith.subf %neg3A_411, %add3A_394 : vector<16xf32>
      %exp3A_413 = math.exp %neg3A_412 : vector<16xf32>
      %add3A_414 = arith.constant 1.000000e+00 : f32
      %add3A_415 = vector.broadcast %add3A_414 : f32 to vector<16xf32>
      %add3A_416 = arith.addf %add3A_415, %exp3A_413 : vector<16xf32>
      %div3A_417 = arith.constant 1.000000e+00 : f32
      %div3A_418 = vector.broadcast %div3A_417 : f32 to vector<16xf32>
      %div3A_419 = arith.divf %div3A_418, %add3A_416 : vector<16xf32>
      %get3A_420 = arith.constant 0 : i32
      %get3A_421 = arith.index_cast %get3A_420 : i32 to index
      %get3A_422 = arith.index_cast %scan3A_322 : i32 to index
      %get3A_423 = arith.constant 144 : index
      %get3A_424 = tpu.vector_load %arg14[%get3A_421, %get3A_422, %get3A_423] {strides = array<i32>} : memref<2x16x256xf32, #tpu.memory_space<vmem>>, vector<1x1x16xf32>,
      %get3A_425 = vector.shape_cast %get3A_424 : vector<1x1x16xf32> to vector<16xf32>
      %mul3A_426 = arith.mulf %div3A_419, %get3A_425 : vector<16xf32>
      %swap3A_427 = arith.index_cast %scan3A_322 : i32 to index
      %swap3A_428 = arith.constant 16 : index
      %swap3A_429 = tpu.vector_load %arg17[%swap3A_427, %swap3A_428] {strides = array<i32>} : memref<16x128xf32, #tpu.memory_space<vmem>>, vector<1x16xf32>,
      %swap3A_430 = vector.shape_cast %swap3A_429 : vector<1x16xf32> to vector<16xf32>
      %swap3A_431 = vector.shape_cast %mul3A_426 : vector<16xf32> to vector<1x16xf32>
      tpu.vector_store %arg17[%swap3A_427, %swap3A_428], %swap3A_431 {strides = array<i32>} : memref<16x128xf32, #tpu.memory_space<vmem>>, vector<1x16xf32>,
      %get3A_432 = arith.constant 0 : i32
      %get3A_433 = arith.index_cast %get3A_432 : i32 to index
      %get3A_434 = arith.index_cast %scan3A_322 : i32 to index
      %get3A_435 = arith.constant 32 : index
      %get3A_436 = tpu.vector_load %arg13[%get3A_433, %get3A_434, %get3A_435] {strides = array<i32>} : memref<2x16x128xf32, #tpu.memory_space<vmem>>, vector<1x1x16xf32>,
      %get3A_437 = vector.shape_cast %get3A_436 : vector<1x1x16xf32> to vector<16xf32>
      %get3A_438 = arith.constant 0 : i32
      %get3A_439 = arith.index_cast %get3A_438 : i32 to index
      %get3A_440 = arith.index_cast %scan3A_322 : i32 to index
      %get3A_441 = arith.constant 32 : index
      %get3A_442 = tpu.vector_load %arg14[%get3A_439, %get3A_440, %get3A_441] {strides = array<i32>} : memref<2x16x256xf32, #tpu.memory_space<vmem>>, vector<1x1x16xf32>,
      %get3A_443 = vector.shape_cast %get3A_442 : vector<1x1x16xf32> to vector<16xf32>
      %add3A_444 = arith.addf %get3A_437, %get3A_443 : vector<16xf32>
      %get3A_445 = arith.constant 0 : i32
      %get3A_446 = arith.index_cast %get3A_445 : i32 to index
      %get3A_447 = arith.index_cast %scan3A_322 : i32 to index
      %get3A_448 = arith.constant 32 : index
      %get3A_449 = tpu.vector_load %arg15[%get3A_446, %get3A_447, %get3A_448] {strides = array<i32>} : memref<2x16x256xf32, #tpu.memory_space<vmem>>, vector<1x1x16xf32>,
      %get3A_450 = vector.shape_cast %get3A_449 : vector<1x1x16xf32> to vector<16xf32>
      %add3A_451 = arith.addf %add3A_444, %get3A_450 : vector<16xf32>
      %get3A_452 = arith.constant 0 : i32
      %get3A_453 = arith.index_cast %get3A_452 : i32 to index
      %get3A_454 = arith.index_cast %scan3A_322 : i32 to index
      %get3A_455 = arith.constant 160 : index
      %get3A_456 = tpu.vector_load %arg15[%get3A_453, %get3A_454, %get3A_455] {strides = array<i32>} : memref<2x16x256xf32, #tpu.memory_space<vmem>>, vector<1x1x16xf32>,
      %get3A_457 = vector.shape_cast %get3A_456 : vector<1x1x16xf32> to vector<16xf32>
      %max3A_458 = arith.constant 0.000000e+00 : f32
      %max3A_459 = vector.broadcast %max3A_458 : f32 to vector<16xf32>
      %max3A_460 = arith.maximumf %add3A_451, %max3A_459 : vector<16xf32>
      %add3A_461 = arith.addf %get3A_457, %max3A_460 : vector<16xf32>
      %swap3A_462 = arith.index_cast %scan3A_322 : i32 to index
      %swap3A_463 = arith.constant 32 : index
      %swap3A_464 = tpu.vector_load %arg16[%swap3A_462, %swap3A_463] {strides = array<i32>} : memref<16x128xf32, #tpu.memory_space<vmem>>, vector<1x16xf32>,
      %swap3A_465 = vector.shape_cast %swap3A_464 : vector<1x16xf32> to vector<16xf32>
      %swap3A_466 = vector.shape_cast %add3A_461 : vector<16xf32> to vector<1x16xf32>
      tpu.vector_store %arg16[%swap3A_462, %swap3A_463], %swap3A_466 {strides = array<i32>} : memref<16x128xf32, #tpu.memory_space<vmem>>, vector<1x16xf32>,
      %neg3A_467 = arith.constant 0.000000e+00 : f32
      %neg3A_468 = vector.broadcast %neg3A_467 : f32 to vector<16xf32>
      %neg3A_469 = arith.subf %neg3A_468, %add3A_451 : vector<16xf32>
      %exp3A_470 = math.exp %neg3A_469 : vector<16xf32>
      %add3A_471 = arith.constant 1.000000e+00 : f32
      %add3A_472 = vector.broadcast %add3A_471 : f32 to vector<16xf32>
      %add3A_473 = arith.addf %add3A_472, %exp3A_470 : vector<16xf32>
      %div3A_474 = arith.constant 1.000000e+00 : f32
      %div3A_475 = vector.broadcast %div3A_474 : f32 to vector<16xf32>
      %div3A_476 = arith.divf %div3A_475, %add3A_473 : vector<16xf32>
      %get3A_477 = arith.constant 0 : i32
      %get3A_478 = arith.index_cast %get3A_477 : i32 to index
      %get3A_479 = arith.index_cast %scan3A_322 : i32 to index
      %get3A_480 = arith.constant 160 : index
      %get3A_481 = tpu.vector_load %arg14[%get3A_478, %get3A_479, %get3A_480] {strides = array<i32>} : memref<2x16x256xf32, #tpu.memory_space<vmem>>, vector<1x1x16xf32>,
      %get3A_482 = vector.shape_cast %get3A_481 : vector<1x1x16xf32> to vector<16xf32>
      %mul3A_483 = arith.mulf %div3A_476, %get3A_482 : vector<16xf32>
      %swap3A_484 = arith.index_cast %scan3A_322 : i32 to index
      %swap3A_485 = arith.constant 32 : index
      %swap3A_486 = tpu.vector_load %arg17[%swap3A_484, %swap3A_485] {strides = array<i32>} : memref<16x128xf32, #tpu.memory_space<vmem>>, vector<1x16xf32>,
      %swap3A_487 = vector.shape_cast %swap3A_486 : vector<1x16xf32> to vector<16xf32>
      %swap3A_488 = vector.shape_cast %mul3A_483 : vector<16xf32> to vector<1x16xf32>
      tpu.vector_store %arg17[%swap3A_484, %swap3A_485], %swap3A_488 {strides = array<i32>} : memref<16x128xf32, #tpu.memory_space<vmem>>, vector<1x16xf32>,
      %get3A_489 = arith.constant 0 : i32
      %get3A_490 = arith.index_cast %get3A_489 : i32 to index
      %get3A_491 = arith.index_cast %scan3A_322 : i32 to index
      %get3A_492 = arith.constant 48 : index
      %get3A_493 = tpu.vector_load %arg13[%get3A_490, %get3A_491, %get3A_492] {strides = array<i32>} : memref<2x16x128xf32, #tpu.memory_space<vmem>>, vector<1x1x16xf32>,
      %get3A_494 = vector.shape_cast %get3A_493 : vector<1x1x16xf32> to vector<16xf32>
      %get3A_495 = arith.constant 0 : i32
      %get3A_496 = arith.index_cast %get3A_495 : i32 to index
      %get3A_497 = arith.index_cast %scan3A_322 : i32 to index
      %get3A_498 = arith.constant 48 : index
      %get3A_499 = tpu.vector_load %arg14[%get3A_496, %get3A_497, %get3A_498] {strides = array<i32>} : memref<2x16x256xf32, #tpu.memory_space<vmem>>, vector<1x1x16xf32>,
      %get3A_500 = vector.shape_cast %get3A_499 : vector<1x1x16xf32> to vector<16xf32>
      %add3A_501 = arith.addf %get3A_494, %get3A_500 : vector<16xf32>
      %get3A_502 = arith.constant 0 : i32
      %get3A_503 = arith.index_cast %get3A_502 : i32 to index
      %get3A_504 = arith.index_cast %scan3A_322 : i32 to index
      %get3A_505 = arith.constant 48 : index
      %get3A_506 = tpu.vector_load %arg15[%get3A_503, %get3A_504, %get3A_505] {strides = array<i32>} : memref<2x16x256xf32, #tpu.memory_space<vmem>>, vector<1x1x16xf32>,
      %get3A_507 = vector.shape_cast %get3A_506 : vector<1x1x16xf32> to vector<16xf32>
      %add3A_508 = arith.addf %add3A_501, %get3A_507 : vector<16xf32>
      %get3A_509 = arith.constant 0 : i32
      %get3A_510 = arith.index_cast %get3A_509 : i32 to index
      %get3A_511 = arith.index_cast %scan3A_322 : i32 to index
      %get3A_512 = arith.constant 176 : index
      %get3A_513 = tpu.vector_load %arg15[%get3A_510, %get3A_511, %get3A_512] {strides = array<i32>} : memref<2x16x256xf32, #tpu.memory_space<vmem>>, vector<1x1x16xf32>,
      %get3A_514 = vector.shape_cast %get3A_513 : vector<1x1x16xf32> to vector<16xf32>
      %max3A_515 = arith.constant 0.000000e+00 : f32
      %max3A_516 = vector.broadcast %max3A_515 : f32 to vector<16xf32>
      %max3A_517 = arith.maximumf %add3A_508, %max3A_516 : vector<16xf32>
      %add3A_518 = arith.addf %get3A_514, %max3A_517 : vector<16xf32>
      %swap3A_519 = arith.index_cast %scan3A_322 : i32 to index
      %swap3A_520 = arith.constant 48 : index
      %swap3A_521 = tpu.vector_load %arg16[%swap3A_519, %swap3A_520] {strides = array<i32>} : memref<16x128xf32, #tpu.memory_space<vmem>>, vector<1x16xf32>,
      %swap3A_522 = vector.shape_cast %swap3A_521 : vector<1x16xf32> to vector<16xf32>
      %swap3A_523 = vector.shape_cast %add3A_518 : vector<16xf32> to vector<1x16xf32>
      tpu.vector_store %arg16[%swap3A_519, %swap3A_520], %swap3A_523 {strides = array<i32>} : memref<16x128xf32, #tpu.memory_space<vmem>>, vector<1x16xf32>,
      %neg3A_524 = arith.constant 0.000000e+00 : f32
      %neg3A_525 = vector.broadcast %neg3A_524 : f32 to vector<16xf32>
      %neg3A_526 = arith.subf %neg3A_525, %add3A_508 : vector<16xf32>
      %exp3A_527 = math.exp %neg3A_526 : vector<16xf32>
      %add3A_528 = arith.constant 1.000000e+00 : f32
      %add3A_529 = vector.broadcast %add3A_528 : f32 to vector<16xf32>
      %add3A_530 = arith.addf %add3A_529, %exp3A_527 : vector<16xf32>
      %div3A_531 = arith.constant 1.000000e+00 : f32
      %div3A_532 = vector.broadcast %div3A_531 : f32 to vector<16xf32>
      %div3A_533 = arith.divf %div3A_532, %add3A_530 : vector<16xf32>
      %get3A_534 = arith.constant 0 : i32
      %get3A_535 = arith.index_cast %get3A_534 : i32 to index
      %get3A_536 = arith.index_cast %scan3A_322 : i32 to index
      %get3A_537 = arith.constant 176 : index
      %get3A_538 = tpu.vector_load %arg14[%get3A_535, %get3A_536, %get3A_537] {strides = array<i32>} : memref<2x16x256xf32, #tpu.memory_space<vmem>>, vector<1x1x16xf32>,
      %get3A_539 = vector.shape_cast %get3A_538 : vector<1x1x16xf32> to vector<16xf32>
      %mul3A_540 = arith.mulf %div3A_533, %get3A_539 : vector<16xf32>
      %swap3A_541 = arith.index_cast %scan3A_322 : i32 to index
      %swap3A_542 = arith.constant 48 : index
      %swap3A_543 = tpu.vector_load %arg17[%swap3A_541, %swap3A_542] {strides = array<i32>} : memref<16x128xf32, #tpu.memory_space<vmem>>, vector<1x16xf32>,
      %swap3A_544 = vector.shape_cast %swap3A_543 : vector<1x16xf32> to vector<16xf32>
      %swap3A_545 = vector.shape_cast %mul3A_540 : vector<16xf32> to vector<1x16xf32>
      tpu.vector_store %arg17[%swap3A_541, %swap3A_542], %swap3A_545 {strides = array<i32>} : memref<16x128xf32, #tpu.memory_space<vmem>>, vector<1x16xf32>,
      %get3A_546 = arith.constant 0 : i32
      %get3A_547 = arith.index_cast %get3A_546 : i32 to index
      %get3A_548 = arith.index_cast %scan3A_322 : i32 to index
      %get3A_549 = arith.constant 64 : index
      %get3A_550 = tpu.vector_load %arg13[%get3A_547, %get3A_548, %get3A_549] {strides = array<i32>} : memref<2x16x128xf32, #tpu.memory_space<vmem>>, vector<1x1x16xf32>,
      %get3A_551 = vector.shape_cast %get3A_550 : vector<1x1x16xf32> to vector<16xf32>
      %get3A_552 = arith.constant 0 : i32
      %get3A_553 = arith.index_cast %get3A_552 : i32 to index
      %get3A_554 = arith.index_cast %scan3A_322 : i32 to index
      %get3A_555 = arith.constant 64 : index
      %get3A_556 = tpu.vector_load %arg14[%get3A_553, %get3A_554, %get3A_555] {strides = array<i32>} : memref<2x16x256xf32, #tpu.memory_space<vmem>>, vector<1x1x16xf32>,
      %get3A_557 = vector.shape_cast %get3A_556 : vector<1x1x16xf32> to vector<16xf32>
      %add3A_558 = arith.addf %get3A_551, %get3A_557 : vector<16xf32>
      %get3A_559 = arith.constant 0 : i32
      %get3A_560 = arith.index_cast %get3A_559 : i32 to index
      %get3A_561 = arith.index_cast %scan3A_322 : i32 to index
      %get3A_562 = arith.constant 64 : index
      %get3A_563 = tpu.vector_load %arg15[%get3A_560, %get3A_561, %get3A_562] {strides = array<i32>} : memref<2x16x256xf32, #tpu.memory_space<vmem>>, vector<1x1x16xf32>,
      %get3A_564 = vector.shape_cast %get3A_563 : vector<1x1x16xf32> to vector<16xf32>
      %add3A_565 = arith.addf %add3A_558, %get3A_564 : vector<16xf32>
      %get3A_566 = arith.constant 0 : i32
      %get3A_567 = arith.index_cast %get3A_566 : i32 to index
      %get3A_568 = arith.index_cast %scan3A_322 : i32 to index
      %get3A_569 = arith.constant 192 : index
      %get3A_570 = tpu.vector_load %arg15[%get3A_567, %get3A_568, %get3A_569] {strides = array<i32>} : memref<2x16x256xf32, #tpu.memory_space<vmem>>, vector<1x1x16xf32>,
      %get3A_571 = vector.shape_cast %get3A_570 : vector<1x1x16xf32> to vector<16xf32>
      %max3A_572 = arith.constant 0.000000e+00 : f32
      %max3A_573 = vector.broadcast %max3A_572 : f32 to vector<16xf32>
      %max3A_574 = arith.maximumf %add3A_565, %max3A_573 : vector<16xf32>
      %add3A_575 = arith.addf %get3A_571, %max3A_574 : vector<16xf32>
      %swap3A_576 = arith.index_cast %scan3A_322 : i32 to index
      %swap3A_577 = arith.constant 64 : index
      %swap3A_578 = tpu.vector_load %arg16[%swap3A_576, %swap3A_577] {strides = array<i32>} : memref<16x128xf32, #tpu.memory_space<vmem>>, vector<1x16xf32>,
      %swap3A_579 = vector.shape_cast %swap3A_578 : vector<1x16xf32> to vector<16xf32>
      %swap3A_580 = vector.shape_cast %add3A_575 : vector<16xf32> to vector<1x16xf32>
      tpu.vector_store %arg16[%swap3A_576, %swap3A_577], %swap3A_580 {strides = array<i32>} : memref<16x128xf32, #tpu.memory_space<vmem>>, vector<1x16xf32>,
      %neg3A_581 = arith.constant 0.000000e+00 : f32
      %neg3A_582 = vector.broadcast %neg3A_581 : f32 to vector<16xf32>
      %neg3A_583 = arith.subf %neg3A_582, %add3A_565 : vector<16xf32>
      %exp3A_584 = math.exp %neg3A_583 : vector<16xf32>
      %add3A_585 = arith.constant 1.000000e+00 : f32
      %add3A_586 = vector.broadcast %add3A_585 : f32 to vector<16xf32>
      %add3A_587 = arith.addf %add3A_586, %exp3A_584 : vector<16xf32>
      %div3A_588 = arith.constant 1.000000e+00 : f32
      %div3A_589 = vector.broadcast %div3A_588 : f32 to vector<16xf32>
      %div3A_590 = arith.divf %div3A_589, %add3A_587 : vector<16xf32>
      %get3A_591 = arith.constant 0 : i32
      %get3A_592 = arith.index_cast %get3A_591 : i32 to index
      %get3A_593 = arith.index_cast %scan3A_322 : i32 to index
      %get3A_594 = arith.constant 192 : index
      %get3A_595 = tpu.vector_load %arg14[%get3A_592, %get3A_593, %get3A_594] {strides = array<i32>} : memref<2x16x256xf32, #tpu.memory_space<vmem>>, vector<1x1x16xf32>,
      %get3A_596 = vector.shape_cast %get3A_595 : vector<1x1x16xf32> to vector<16xf32>
      %mul3A_597 = arith.mulf %div3A_590, %get3A_596 : vector<16xf32>
      %swap3A_598 = arith.index_cast %scan3A_322 : i32 to index
      %swap3A_599 = arith.constant 64 : index
      %swap3A_600 = tpu.vector_load %arg17[%swap3A_598, %swap3A_599] {strides = array<i32>} : memref<16x128xf32, #tpu.memory_space<vmem>>, vector<1x16xf32>,
      %swap3A_601 = vector.shape_cast %swap3A_600 : vector<1x16xf32> to vector<16xf32>
      %swap3A_602 = vector.shape_cast %mul3A_597 : vector<16xf32> to vector<1x16xf32>
      tpu.vector_store %arg17[%swap3A_598, %swap3A_599], %swap3A_602 {strides = array<i32>} : memref<16x128xf32, #tpu.memory_space<vmem>>, vector<1x16xf32>,
      %get3A_603 = arith.constant 0 : i32
      %get3A_604 = arith.index_cast %get3A_603 : i32 to index
      %get3A_605 = arith.index_cast %scan3A_322 : i32 to index
      %get3A_606 = arith.constant 80 : index
      %get3A_607 = tpu.vector_load %arg13[%get3A_604, %get3A_605, %get3A_606] {strides = array<i32>} : memref<2x16x128xf32, #tpu.memory_space<vmem>>, vector<1x1x16xf32>,
      %get3A_608 = vector.shape_cast %get3A_607 : vector<1x1x16xf32> to vector<16xf32>
      %get3A_609 = arith.constant 0 : i32
      %get3A_610 = arith.index_cast %get3A_609 : i32 to index
      %get3A_611 = arith.index_cast %scan3A_322 : i32 to index
      %get3A_612 = arith.constant 80 : index
      %get3A_613 = tpu.vector_load %arg14[%get3A_610, %get3A_611, %get3A_612] {strides = array<i32>} : memref<2x16x256xf32, #tpu.memory_space<vmem>>, vector<1x1x16xf32>,
      %get3A_614 = vector.shape_cast %get3A_613 : vector<1x1x16xf32> to vector<16xf32>
      %add3A_615 = arith.addf %get3A_608, %get3A_614 : vector<16xf32>
      %get3A_616 = arith.constant 0 : i32
      %get3A_617 = arith.index_cast %get3A_616 : i32 to index
      %get3A_618 = arith.index_cast %scan3A_322 : i32 to index
      %get3A_619 = arith.constant 80 : index
      %get3A_620 = tpu.vector_load %arg15[%get3A_617, %get3A_618, %get3A_619] {strides = array<i32>} : memref<2x16x256xf32, #tpu.memory_space<vmem>>, vector<1x1x16xf32>,
      %get3A_621 = vector.shape_cast %get3A_620 : vector<1x1x16xf32> to vector<16xf32>
      %add3A_622 = arith.addf %add3A_615, %get3A_621 : vector<16xf32>
      %get3A_623 = arith.constant 0 : i32
      %get3A_624 = arith.index_cast %get3A_623 : i32 to index
      %get3A_625 = arith.index_cast %scan3A_322 : i32 to index
      %get3A_626 = arith.constant 208 : index
      %get3A_627 = tpu.vector_load %arg15[%get3A_624, %get3A_625, %get3A_626] {strides = array<i32>} : memref<2x16x256xf32, #tpu.memory_space<vmem>>, vector<1x1x16xf32>,
      %get3A_628 = vector.shape_cast %get3A_627 : vector<1x1x16xf32> to vector<16xf32>
      %max3A_629 = arith.constant 0.000000e+00 : f32
      %max3A_630 = vector.broadcast %max3A_629 : f32 to vector<16xf32>
      %max3A_631 = arith.maximumf %add3A_622, %max3A_630 : vector<16xf32>
      %add3A_632 = arith.addf %get3A_628, %max3A_631 : vector<16xf32>
      %swap3A_633 = arith.index_cast %scan3A_322 : i32 to index
      %swap3A_634 = arith.constant 80 : index
      %swap3A_635 = tpu.vector_load %arg16[%swap3A_633, %swap3A_634] {strides = array<i32>} : memref<16x128xf32, #tpu.memory_space<vmem>>, vector<1x16xf32>,
      %swap3A_636 = vector.shape_cast %swap3A_635 : vector<1x16xf32> to vector<16xf32>
      %swap3A_637 = vector.shape_cast %add3A_632 : vector<16xf32> to vector<1x16xf32>
      tpu.vector_store %arg16[%swap3A_633, %swap3A_634], %swap3A_637 {strides = array<i32>} : memref<16x128xf32, #tpu.memory_space<vmem>>, vector<1x16xf32>,
      %neg3A_638 = arith.constant 0.000000e+00 : f32
      %neg3A_639 = vector.broadcast %neg3A_638 : f32 to vector<16xf32>
      %neg3A_640 = arith.subf %neg3A_639, %add3A_622 : vector<16xf32>
      %exp3A_641 = math.exp %neg3A_640 : vector<16xf32>
      %add3A_642 = arith.constant 1.000000e+00 : f32
      %add3A_643 = vector.broadcast %add3A_642 : f32 to vector<16xf32>
      %add3A_644 = arith.addf %add3A_643, %exp3A_641 : vector<16xf32>
      %div3A_645 = arith.constant 1.000000e+00 : f32
      %div3A_646 = vector.broadcast %div3A_645 : f32 to vector<16xf32>
      %div3A_647 = arith.divf %div3A_646, %add3A_644 : vector<16xf32>
      %get3A_648 = arith.constant 0 : i32
      %get3A_649 = arith.index_cast %get3A_648 : i32 to index
      %get3A_650 = arith.index_cast %scan3A_322 : i32 to index
      %get3A_651 = arith.constant 208 : index
      %get3A_652 = tpu.vector_load %arg14[%get3A_649, %get3A_650, %get3A_651] {strides = array<i32>} : memref<2x16x256xf32, #tpu.memory_space<vmem>>, vector<1x1x16xf32>,
      %get3A_653 = vector.shape_cast %get3A_652 : vector<1x1x16xf32> to vector<16xf32>
      %mul3A_654 = arith.mulf %div3A_647, %get3A_653 : vector<16xf32>
      %swap3A_655 = arith.index_cast %scan3A_322 : i32 to index
      %swap3A_656 = arith.constant 80 : index
      %swap3A_657 = tpu.vector_load %arg17[%swap3A_655, %swap3A_656] {strides = array<i32>} : memref<16x128xf32, #tpu.memory_space<vmem>>, vector<1x16xf32>,
      %swap3A_658 = vector.shape_cast %swap3A_657 : vector<1x16xf32> to vector<16xf32>
      %swap3A_659 = vector.shape_cast %mul3A_654 : vector<16xf32> to vector<1x16xf32>
      tpu.vector_store %arg17[%swap3A_655, %swap3A_656], %swap3A_659 {strides = array<i32>} : memref<16x128xf32, #tpu.memory_space<vmem>>, vector<1x16xf32>,
      %get3A_660 = arith.constant 0 : i32
      %get3A_661 = arith.index_cast %get3A_660 : i32 to index
      %get3A_662 = arith.index_cast %scan3A_322 : i32 to index
      %get3A_663 = arith.constant 96 : index
      %get3A_664 = tpu.vector_load %arg13[%get3A_661, %get3A_662, %get3A_663] {strides = array<i32>} : memref<2x16x128xf32, #tpu.memory_space<vmem>>, vector<1x1x16xf32>,
      %get3A_665 = vector.shape_cast %get3A_664 : vector<1x1x16xf32> to vector<16xf32>
      %get3A_666 = arith.constant 0 : i32
      %get3A_667 = arith.index_cast %get3A_666 : i32 to index
      %get3A_668 = arith.index_cast %scan3A_322 : i32 to index
      %get3A_669 = arith.constant 96 : index
      %get3A_670 = tpu.vector_load %arg14[%get3A_667, %get3A_668, %get3A_669] {strides = array<i32>} : memref<2x16x256xf32, #tpu.memory_space<vmem>>, vector<1x1x16xf32>,
      %get3A_671 = vector.shape_cast %get3A_670 : vector<1x1x16xf32> to vector<16xf32>
      %add3A_672 = arith.addf %get3A_665, %get3A_671 : vector<16xf32>
      %get3A_673 = arith.constant 0 : i32
      %get3A_674 = arith.index_cast %get3A_673 : i32 to index
      %get3A_675 = arith.index_cast %scan3A_322 : i32 to index
      %get3A_676 = arith.constant 96 : index
      %get3A_677 = tpu.vector_load %arg15[%get3A_674, %get3A_675, %get3A_676] {strides = array<i32>} : memref<2x16x256xf32, #tpu.memory_space<vmem>>, vector<1x1x16xf32>,
      %get3A_678 = vector.shape_cast %get3A_677 : vector<1x1x16xf32> to vector<16xf32>
      %add3A_679 = arith.addf %add3A_672, %get3A_678 : vector<16xf32>
      %get3A_680 = arith.constant 0 : i32
      %get3A_681 = arith.index_cast %get3A_680 : i32 to index
      %get3A_682 = arith.index_cast %scan3A_322 : i32 to index
      %get3A_683 = arith.constant 224 : index
      %get3A_684 = tpu.vector_load %arg15[%get3A_681, %get3A_682, %get3A_683] {strides = array<i32>} : memref<2x16x256xf32, #tpu.memory_space<vmem>>, vector<1x1x16xf32>,
      %get3A_685 = vector.shape_cast %get3A_684 : vector<1x1x16xf32> to vector<16xf32>
      %max3A_686 = arith.constant 0.000000e+00 : f32
      %max3A_687 = vector.broadcast %max3A_686 : f32 to vector<16xf32>
      %max3A_688 = arith.maximumf %add3A_679, %max3A_687 : vector<16xf32>
      %add3A_689 = arith.addf %get3A_685, %max3A_688 : vector<16xf32>
      %swap3A_690 = arith.index_cast %scan3A_322 : i32 to index
      %swap3A_691 = arith.constant 96 : index
      %swap3A_692 = tpu.vector_load %arg16[%swap3A_690, %swap3A_691] {strides = array<i32>} : memref<16x128xf32, #tpu.memory_space<vmem>>, vector<1x16xf32>,
      %swap3A_693 = vector.shape_cast %swap3A_692 : vector<1x16xf32> to vector<16xf32>
      %swap3A_694 = vector.shape_cast %add3A_689 : vector<16xf32> to vector<1x16xf32>
      tpu.vector_store %arg16[%swap3A_690, %swap3A_691], %swap3A_694 {strides = array<i32>} : memref<16x128xf32, #tpu.memory_space<vmem>>, vector<1x16xf32>,
      %neg3A_695 = arith.constant 0.000000e+00 : f32
      %neg3A_696 = vector.broadcast %neg3A_695 : f32 to vector<16xf32>
      %neg3A_697 = arith.subf %neg3A_696, %add3A_679 : vector<16xf32>
      %exp3A_698 = math.exp %neg3A_697 : vector<16xf32>
      %add3A_699 = arith.constant 1.000000e+00 : f32
      %add3A_700 = vector.broadcast %add3A_699 : f32 to vector<16xf32>
      %add3A_701 = arith.addf %add3A_700, %exp3A_698 : vector<16xf32>
      %div3A_702 = arith.constant 1.000000e+00 : f32
      %div3A_703 = vector.broadcast %div3A_702 : f32 to vector<16xf32>
      %div3A_704 = arith.divf %div3A_703, %add3A_701 : vector<16xf32>
      %get3A_705 = arith.constant 0 : i32
      %get3A_706 = arith.index_cast %get3A_705 : i32 to index
      %get3A_707 = arith.index_cast %scan3A_322 : i32 to index
      %get3A_708 = arith.constant 224 : index
      %get3A_709 = tpu.vector_load %arg14[%get3A_706, %get3A_707, %get3A_708] {strides = array<i32>} : memref<2x16x256xf32, #tpu.memory_space<vmem>>, vector<1x1x16xf32>,
      %get3A_710 = vector.shape_cast %get3A_709 : vector<1x1x16xf32> to vector<16xf32>
      %mul3A_711 = arith.mulf %div3A_704, %get3A_710 : vector<16xf32>
      %swap3A_712 = arith.index_cast %scan3A_322 : i32 to index
      %swap3A_713 = arith.constant 96 : index
      %swap3A_714 = tpu.vector_load %arg17[%swap3A_712, %swap3A_713] {strides = array<i32>} : memref<16x128xf32, #tpu.memory_space<vmem>>, vector<1x16xf32>,
      %swap3A_715 = vector.shape_cast %swap3A_714 : vector<1x16xf32> to vector<16xf32>
      %swap3A_716 = vector.shape_cast %mul3A_711 : vector<16xf32> to vector<1x16xf32>
      tpu.vector_store %arg17[%swap3A_712, %swap3A_713], %swap3A_716 {strides = array<i32>} : memref<16x128xf32, #tpu.memory_space<vmem>>, vector<1x16xf32>,
      %get3A_717 = arith.constant 0 : i32
      %get3A_718 = arith.index_cast %get3A_717 : i32 to index
      %get3A_719 = arith.index_cast %scan3A_322 : i32 to index
      %get3A_720 = arith.constant 112 : index
      %get3A_721 = tpu.vector_load %arg13[%get3A_718, %get3A_719, %get3A_720] {strides = array<i32>} : memref<2x16x128xf32, #tpu.memory_space<vmem>>, vector<1x1x16xf32>,
      %get3A_722 = vector.shape_cast %get3A_721 : vector<1x1x16xf32> to vector<16xf32>
      %get3A_723 = arith.constant 0 : i32
      %get3A_724 = arith.index_cast %get3A_723 : i32 to index
      %get3A_725 = arith.index_cast %scan3A_322 : i32 to index
      %get3A_726 = arith.constant 112 : index
      %get3A_727 = tpu.vector_load %arg14[%get3A_724, %get3A_725, %get3A_726] {strides = array<i32>} : memref<2x16x256xf32, #tpu.memory_space<vmem>>, vector<1x1x16xf32>,
      %get3A_728 = vector.shape_cast %get3A_727 : vector<1x1x16xf32> to vector<16xf32>
      %add3A_729 = arith.addf %get3A_722, %get3A_728 : vector<16xf32>
      %get3A_730 = arith.constant 0 : i32
      %get3A_731 = arith.index_cast %get3A_730 : i32 to index
      %get3A_732 = arith.index_cast %scan3A_322 : i32 to index
      %get3A_733 = arith.constant 112 : index
      %get3A_734 = tpu.vector_load %arg15[%get3A_731, %get3A_732, %get3A_733] {strides = array<i32>} : memref<2x16x256xf32, #tpu.memory_space<vmem>>, vector<1x1x16xf32>,
      %get3A_735 = vector.shape_cast %get3A_734 : vector<1x1x16xf32> to vector<16xf32>
      %add3A_736 = arith.addf %add3A_729, %get3A_735 : vector<16xf32>
      %get3A_737 = arith.constant 0 : i32
      %get3A_738 = arith.index_cast %get3A_737 : i32 to index
      %get3A_739 = arith.index_cast %scan3A_322 : i32 to index
      %get3A_740 = arith.constant 240 : index
      %get3A_741 = tpu.vector_load %arg15[%get3A_738, %get3A_739, %get3A_740] {strides = array<i32>} : memref<2x16x256xf32, #tpu.memory_space<vmem>>, vector<1x1x16xf32>,
      %get3A_742 = vector.shape_cast %get3A_741 : vector<1x1x16xf32> to vector<16xf32>
      %max3A_743 = arith.constant 0.000000e+00 : f32
      %max3A_744 = vector.broadcast %max3A_743 : f32 to vector<16xf32>
      %max3A_745 = arith.maximumf %add3A_736, %max3A_744 : vector<16xf32>
      %add3A_746 = arith.addf %get3A_742, %max3A_745 : vector<16xf32>
      %swap3A_747 = arith.index_cast %scan3A_322 : i32 to index
      %swap3A_748 = arith.constant 112 : index
      %swap3A_749 = tpu.vector_load %arg16[%swap3A_747, %swap3A_748] {strides = array<i32>} : memref<16x128xf32, #tpu.memory_space<vmem>>, vector<1x16xf32>,
      %swap3A_750 = vector.shape_cast %swap3A_749 : vector<1x16xf32> to vector<16xf32>
      %swap3A_751 = vector.shape_cast %add3A_746 : vector<16xf32> to vector<1x16xf32>
      tpu.vector_store %arg16[%swap3A_747, %swap3A_748], %swap3A_751 {strides = array<i32>} : memref<16x128xf32, #tpu.memory_space<vmem>>, vector<1x16xf32>,
      %neg3A_752 = arith.constant 0.000000e+00 : f32
      %neg3A_753 = vector.broadcast %neg3A_752 : f32 to vector<16xf32>
      %neg3A_754 = arith.subf %neg3A_753, %add3A_736 : vector<16xf32>
      %exp3A_755 = math.exp %neg3A_754 : vector<16xf32>
      %add3A_756 = arith.constant 1.000000e+00 : f32
      %add3A_757 = vector.broadcast %add3A_756 : f32 to vector<16xf32>
      %add3A_758 = arith.addf %add3A_757, %exp3A_755 : vector<16xf32>
      %div3A_759 = arith.constant 1.000000e+00 : f32
      %div3A_760 = vector.broadcast %div3A_759 : f32 to vector<16xf32>
      %div3A_761 = arith.divf %div3A_760, %add3A_758 : vector<16xf32>
      %get3A_762 = arith.constant 0 : i32
      %get3A_763 = arith.index_cast %get3A_762 : i32 to index
      %get3A_764 = arith.index_cast %scan3A_322 : i32 to index
      %get3A_765 = arith.constant 240 : index
      %get3A_766 = tpu.vector_load %arg14[%get3A_763, %get3A_764, %get3A_765] {strides = array<i32>} : memref<2x16x256xf32, #tpu.memory_space<vmem>>, vector<1x1x16xf32>,
      %get3A_767 = vector.shape_cast %get3A_766 : vector<1x1x16xf32> to vector<16xf32>
      %mul3A_768 = arith.mulf %div3A_761, %get3A_767 : vector<16xf32>
      %swap3A_769 = arith.index_cast %scan3A_322 : i32 to index
      %swap3A_770 = arith.constant 112 : index
      %swap3A_771 = tpu.vector_load %arg17[%swap3A_769, %swap3A_770] {strides = array<i32>} : memref<16x128xf32, #tpu.memory_space<vmem>>, vector<1x16xf32>,
      %swap3A_772 = vector.shape_cast %swap3A_771 : vector<1x16xf32> to vector<16xf32>
      %swap3A_773 = vector.shape_cast %mul3A_768 : vector<16xf32> to vector<1x16xf32>
      tpu.vector_store %arg17[%swap3A_769, %swap3A_770], %swap3A_773 {strides = array<i32>} : memref<16x128xf32, #tpu.memory_space<vmem>>, vector<1x16xf32>,
      %scan3A_774 = arith.constant 0 : i32
      scf.yield %scan3A_774 : i32
    }
    %scan3A_296 = arith.constant 16 : i32
    %add3A_297 = arith.constant 9984 : i32
    %add3A_298 = arith.addi %mul3A_2, %add3A_297 : i32
    %dma_start3A_299 = arith.constant 0 : i32
    %dma_start3A_300 = tpu.memref_slice %arg7[%add3A_298, %dma_start3A_299] : memref<320000x128xf32, #tpu.memory_space<hbm>> -> memref<16x128xf32, #tpu.memory_space<hbm>>
    %dma_start3A_301 = arith.constant 0 : i32
    %dma_start3A_302 = tpu.memref_slice %arg7[%add3A_298, %dma_start3A_301] : memref<320000x128xf32, #tpu.memory_space<hbm>> -> memref<16x128xf32, #tpu.memory_space<hbm>>
    tpu.enqueue_dma source(%arg16 : memref<16x128xf32, #tpu.memory_space<vmem>>) target(%dma_start3A_302 : memref<16x128xf32, #tpu.memory_space<hbm>>) target_semaphore(%arg21 : memref<!tpu.dma_semaphore, #tpu.memory_space<semaphore_mem>>)
    "tpu.region"() ({
      %run_scoped3A = tpu.sem_alloc : memref<!tpu.dma_semaphore, #tpu.memory_space<semaphore_mem>>
      %dma_start3A_322 = arith.constant 0 : i32
      %dma_start3A_323 = arith.constant 0 : i32
      %dma_start3A_324 = tpu.memref_slice %arg18[%dma_start3A_322, %dma_start3A_323] : memref<10000x128xf32, #tpu.memory_space<vmem_shared>> -> memref<10000x128xf32, #tpu.memory_space<vmem_shared>>
      tpu.enqueue_indirect_dma source(%arg17 : memref<16x128xf32, #tpu.memory_space<vmem>>) target(%dma_start3A_324 : memref<10000x128xf32, #tpu.memory_space<vmem_shared>>) offsets(%arg9 : memref<16xi32, #tpu.memory_space<vmem>>) semaphore(%run_scoped3A : memref<!tpu.dma_semaphore, #tpu.memory_space<semaphore_mem>>) {add = true}
      %dma_wait3A_325 = arith.constant 0 : i32
      %dma_wait3A_326 = arith.constant 0 : i32
      %dma_wait3A_327 = tpu.memref_slice %arg18[%dma_wait3A_325, %dma_wait3A_326] : memref<10000x128xf32, #tpu.memory_space<vmem_shared>> -> memref<10000x128xf32, #tpu.memory_space<vmem_shared>>
      tpu.wait_indirect_dma semaphore(%run_scoped3A : memref<!tpu.dma_semaphore, #tpu.memory_space<semaphore_mem>>) src(%arg17 : memref<16x128xf32, #tpu.memory_space<vmem>>) dst(%dma_wait3A_327 : memref<10000x128xf32, #tpu.memory_space<vmem_shared>>)
      tpu.yield
    }) : () -> ()
    %dma_wait3A_303 = arith.constant 0 : i32
    %dma_wait3A_304 = arith.constant 0 : i32
    %dma_wait3A_305 = tpu.memref_slice %arg7[%dma_wait3A_303, %dma_wait3A_304] : memref<320000x128xf32, #tpu.memory_space<hbm>> -> memref<16x128xf32, #tpu.memory_space<hbm>>
    %dma_wait3A_306 = arith.constant 0 : i32
    %dma_wait3A_307 = arith.constant 0 : i32
    %dma_wait3A_308 = tpu.memref_slice %arg7[%dma_wait3A_306, %dma_wait3A_307] : memref<320000x128xf32, #tpu.memory_space<hbm>> -> memref<16x128xf32, #tpu.memory_space<hbm>>
    tpu.wait_dma2 semaphore(%arg21 : memref<!tpu.dma_semaphore, #tpu.memory_space<semaphore_mem>>) src(%dma_wait3A_308 : memref<16x128xf32, #tpu.memory_space<hbm>>) dst(%arg16 : memref<16x128xf32, #tpu.memory_space<vmem>>)
    %dma_wait3A_309 = arith.constant 0 : i32
    %dma_wait3A_310 = tpu.memref_slice %arg2[%dma_wait3A_309] : memref<320000xi32, #tpu.memory_space<hbm>> -> memref<16xi32, #tpu.memory_space<hbm>>
    %dma_wait3A_311 = arith.constant 0 : i32
    %dma_wait3A_312 = tpu.memref_slice %arg2[%dma_wait3A_311] : memref<320000xi32, #tpu.memory_space<hbm>> -> memref<16xi32, #tpu.memory_space<hbm>>
    tpu.wait_dma2 semaphore(%arg19 : memref<!tpu.dma_semaphore, #tpu.memory_space<semaphore_mem>>) src(%dma_wait3A_312 : memref<16xi32, #tpu.memory_space<hbm>>) dst(%arg10 : memref<16xi32, #tpu.memory_space<vmem>>)
    %dma_wait3A_313 = arith.constant 0 : i32
    %dma_wait3A_314 = tpu.memref_slice %arg3[%dma_wait3A_313] : memref<320000xi32, #tpu.memory_space<hbm>> -> memref<16xi32, #tpu.memory_space<hbm>>
    %dma_wait3A_315 = arith.constant 0 : i32
    %dma_wait3A_316 = tpu.memref_slice %arg3[%dma_wait3A_315] : memref<320000xi32, #tpu.memory_space<hbm>> -> memref<16xi32, #tpu.memory_space<hbm>>
    tpu.wait_dma2 semaphore(%arg19 : memref<!tpu.dma_semaphore, #tpu.memory_space<semaphore_mem>>) src(%dma_wait3A_316 : memref<16xi32, #tpu.memory_space<hbm>>) dst(%arg12 : memref<16xi32, #tpu.memory_space<vmem>>)
    %barrier3A_317 = arith.constant 0 : index
    tpu.barrier barrier_id(%barrier3A_317)
    %mul3A_318 = arith.constant 624 : i32
    %mul3A_319 = arith.muli %arg1, %mul3A_318 : i32
    "tpu.region"() ({
      %run_scoped3A = tpu.sem_alloc : memref<!tpu.dma_semaphore, #tpu.memory_space<semaphore_mem>>
      %dma_start3A_322 = arith.constant 0 : i32
      %dma_start3A_323 = tpu.memref_slice %arg8[%arg0, %mul3A_319, %dma_start3A_322] : memref<2x10000x128xf32, #tpu.memory_space<hbm>> -> memref<1x624x128xf32, #tpu.memory_space<hbm>>
      %dma_start3A_324 = tpu.memref_squeeze %dma_start3A_323 : memref<1x624x128xf32, #tpu.memory_space<hbm>> -> memref<624x128xf32, #tpu.memory_space<hbm>>
      %dma_start3A_325 = arith.constant 0 : i32
      %dma_start3A_326 = tpu.memref_slice %arg18[%mul3A_319, %dma_start3A_325] : memref<10000x128xf32, #tpu.memory_space<vmem_shared>> -> memref<624x128xf32, #tpu.memory_space<vmem_shared>>
      tpu.enqueue_dma source(%dma_start3A_326 : memref<624x128xf32, #tpu.memory_space<vmem_shared>>) target(%dma_start3A_324 : memref<624x128xf32, #tpu.memory_space<hbm>>) target_semaphore(%run_scoped3A : memref<!tpu.dma_semaphore, #tpu.memory_space<semaphore_mem>>)
      %dma_wait3A_327 = arith.constant 0 : i32
      %dma_wait3A_328 = tpu.memref_slice %arg8[%arg0, %mul3A_319, %dma_wait3A_327] : memref<2x10000x128xf32, #tpu.memory_space<hbm>> -> memref<1x624x128xf32, #tpu.memory_space<hbm>>
      %dma_wait3A_329 = tpu.memref_squeeze %dma_wait3A_328 : memref<1x624x128xf32, #tpu.memory_space<hbm>> -> memref<624x128xf32, #tpu.memory_space<hbm>>
      %dma_wait3A_330 = arith.constant 0 : i32
      %dma_wait3A_331 = tpu.memref_slice %arg18[%mul3A_319, %dma_wait3A_330] : memref<10000x128xf32, #tpu.memory_space<vmem_shared>> -> memref<624x128xf32, #tpu.memory_space<vmem_shared>>
      tpu.wait_dma2 semaphore(%run_scoped3A : memref<!tpu.dma_semaphore, #tpu.memory_space<semaphore_mem>>) src(%dma_wait3A_331 : memref<624x128xf32, #tpu.memory_space<vmem_shared>>) dst(%dma_wait3A_329 : memref<624x128xf32, #tpu.memory_space<hbm>>)
      tpu.yield
    }) : () -> ()
    %eq3A = arith.constant 15 : i32
    %eq3A_320 = arith.cmpi eq, %arg1, %eq3A : i32
    %convert_element_type3A = arith.extui %eq3A_320 : i1 to i32
    %cond3A = arith.constant 0 : i32
    %cond3A_321 = arith.cmpi ne, %convert_element_type3A, %cond3A : i32
    scf.if %cond3A_321 {
      "tpu.region"() ({
        %run_scoped3A = tpu.sem_alloc : memref<!tpu.dma_semaphore, #tpu.memory_space<semaphore_mem>>
        %dma_start3A_322 = arith.constant 9984 : i32
        %dma_start3A_323 = arith.constant 0 : i32
        %dma_start3A_324 = tpu.memref_slice %arg8[%arg0, %dma_start3A_322, %dma_start3A_323] : memref<2x10000x128xf32, #tpu.memory_space<hbm>> -> memref<1x16x128xf32, #tpu.memory_space<hbm>>
        %dma_start3A_325 = tpu.memref_squeeze %dma_start3A_324 : memref<1x16x128xf32, #tpu.memory_space<hbm>> -> memref<16x128xf32, #tpu.memory_space<hbm>>
        %dma_start3A_326 = arith.constant 9984 : i32
        %dma_start3A_327 = arith.constant 0 : i32
        %dma_start3A_328 = tpu.memref_slice %arg18[%dma_start3A_326, %dma_start3A_327] : memref<10000x128xf32, #tpu.memory_space<vmem_shared>> -> memref<16x128xf32, #tpu.memory_space<vmem_shared>>
        tpu.enqueue_dma source(%dma_start3A_328 : memref<16x128xf32, #tpu.memory_space<vmem_shared>>) target(%dma_start3A_325 : memref<16x128xf32, #tpu.memory_space<hbm>>) target_semaphore(%run_scoped3A : memref<!tpu.dma_semaphore, #tpu.memory_space<semaphore_mem>>)
        %dma_wait3A_329 = arith.constant 9984 : i32
        %dma_wait3A_330 = arith.constant 0 : i32
        %dma_wait3A_331 = tpu.memref_slice %arg8[%arg0, %dma_wait3A_329, %dma_wait3A_330] : memref<2x10000x128xf32, #tpu.memory_space<hbm>> -> memref<1x16x128xf32, #tpu.memory_space<hbm>>
        %dma_wait3A_332 = tpu.memref_squeeze %dma_wait3A_331 : memref<1x16x128xf32, #tpu.memory_space<hbm>> -> memref<16x128xf32, #tpu.memory_space<hbm>>
        %dma_wait3A_333 = arith.constant 9984 : i32
        %dma_wait3A_334 = arith.constant 0 : i32
        %dma_wait3A_335 = tpu.memref_slice %arg18[%dma_wait3A_333, %dma_wait3A_334] : memref<10000x128xf32, #tpu.memory_space<vmem_shared>> -> memref<16x128xf32, #tpu.memory_space<vmem_shared>>
        tpu.wait_dma2 semaphore(%run_scoped3A : memref<!tpu.dma_semaphore, #tpu.memory_space<semaphore_mem>>) src(%dma_wait3A_335 : memref<16x128xf32, #tpu.memory_space<vmem_shared>>) dst(%dma_wait3A_332 : memref<16x128xf32, #tpu.memory_space<hbm>>)
        tpu.yield
      }) : () -> ()
    } else {
    }
    return
  }
}

module attributes {stable_mosaic.version = 14 : i64} {
  func.func @_nodeproj_body(%arg0: i32, %arg1: memref<1000x128xf32, #tpu.memory_space<vmem>>, %arg2: memref<512x128xf32, #tpu.memory_space<vmem>>, %arg3: memref<1x512xf32, #tpu.memory_space<vmem>>, %arg4: memref<1000x128xf32, #tpu.memory_space<vmem>>, %arg5: memref<1000x128xf32, #tpu.memory_space<vmem>>, %arg6: memref<1000x256xf32, #tpu.memory_space<vmem>>) attributes {dimension_semantics = [#tpu.dimension_semantics<arbitrary>], iteration_bounds = array<i64: 10>, scalar_prefetch = 0 : i64, scratch_operands = 0 : i64, tpu.core_type = #tpu.core_type<tc>, window_params = [{transform_indices = @transform_0, window_bounds = array<i64: 1000, 128>}, {pipeline_mode = #tpu.pipeline_mode<synchronous>, transform_indices = @transform_1, window_bounds = array<i64: 512, 128>}, {pipeline_mode = #tpu.pipeline_mode<synchronous>, transform_indices = @transform_2, window_bounds = array<i64: 1, 512>}, {transform_indices = @transform_3, window_bounds = array<i64: 1000, 128>}, {transform_indices = @transform_4, window_bounds = array<i64: 1000, 128>}, {transform_indices = @transform_5, window_bounds = array<i64: 1000, 256>}]} {
    %get3A = arith.constant 0 : index
    %get3A_0 = arith.constant 0 : index
    %get3A_1 = vector.load %arg1[%get3A, %get3A_0] : memref<1000x128xf32, #tpu.memory_space<vmem>>, vector<1000x128xf32>
    %get3A_2 = arith.constant 0 : index
    %get3A_3 = arith.constant 0 : index
    %get3A_4 = vector.load %arg2[%get3A_2, %get3A_3] : memref<512x128xf32, #tpu.memory_space<vmem>>, vector<512x128xf32>
    %dot_general3A = arith.constant dense<0.000000e+00> : vector<1000x512xf32>
    %dot_general3A_5 = tpu.matmul %get3A_1, %get3A_4, %dot_general3A {dimension_numbers = #tpu.dot_dimension_numbers<[1], [1], [0], [0], [0, 0, 1, 0], [], []>, transpose_lhs_hint = false} : vector<1000x128xf32>, vector<512x128xf32>, vector<1000x512xf32> -> vector<1000x512xf32>
    %get3A_6 = arith.constant 0 : index
    %get3A_7 = arith.constant 0 : index
    %get3A_8 = vector.load %arg3[%get3A_6, %get3A_7] : memref<1x512xf32, #tpu.memory_space<vmem>>, vector<1x512xf32>
    %add3A = vector.broadcast %get3A_8 : vector<1x512xf32> to vector<1000x512xf32>
    %add3A_9 = arith.addf %dot_general3A_5, %add3A : vector<1000x512xf32>
    %slice3A = vector.extract_strided_slice %add3A_9 {offsets = [0, 0], sizes = [1000, 128], strides = [1, 1]} : vector<1000x512xf32> to vector<1000x128xf32>
    %swap3A = arith.constant 0 : index
    %swap3A_10 = arith.constant 0 : index
    %swap3A_11 = vector.load %arg4[%swap3A, %swap3A_10] : memref<1000x128xf32, #tpu.memory_space<vmem>>, vector<1000x128xf32>
    tpu.vector_store %arg4[%swap3A, %swap3A_10], %slice3A {strides = array<i32>} : memref<1000x128xf32, #tpu.memory_space<vmem>>, vector<1000x128xf32>,
    %slice3A_12 = vector.extract_strided_slice %add3A_9 {offsets = [0, 128], sizes = [1000, 128], strides = [1, 1]} : vector<1000x512xf32> to vector<1000x128xf32>
    %swap3A_13 = arith.constant 0 : index
    %swap3A_14 = arith.constant 0 : index
    %swap3A_15 = vector.load %arg5[%swap3A_13, %swap3A_14] : memref<1000x128xf32, #tpu.memory_space<vmem>>, vector<1000x128xf32>
    tpu.vector_store %arg5[%swap3A_13, %swap3A_14], %slice3A_12 {strides = array<i32>} : memref<1000x128xf32, #tpu.memory_space<vmem>>, vector<1000x128xf32>,
    %slice3A_16 = vector.extract_strided_slice %add3A_9 {offsets = [0, 256], sizes = [1000, 256], strides = [1, 1]} : vector<1000x512xf32> to vector<1000x256xf32>
    %swap3A_17 = arith.constant 0 : index
    %swap3A_18 = arith.constant 0 : index
    %swap3A_19 = vector.load %arg6[%swap3A_17, %swap3A_18] : memref<1000x256xf32, #tpu.memory_space<vmem>>, vector<1000x256xf32>
    tpu.vector_store %arg6[%swap3A_17, %swap3A_18], %slice3A_16 {strides = array<i32>} : memref<1000x256xf32, #tpu.memory_space<vmem>>, vector<1000x256xf32>,
    return
  }
  func.func @transform_0(%arg0: i32) -> (i32, i32) {
    %c0_i32 = arith.constant 0 : i32
    %c0_i32_0 = arith.constant 0 : i32
    return %arg0, %c0_i32 : i32, i32
  }
  func.func @transform_1(%arg0: i32) -> (i32, i32) {
    %c0_i32 = arith.constant 0 : i32
    %c0_i32_0 = arith.constant 0 : i32
    %c0_i32_1 = arith.constant 0 : i32
    return %c0_i32, %c0_i32_0 : i32, i32
  }
  func.func @transform_2(%arg0: i32) -> (i32, i32) {
    %c0_i32 = arith.constant 0 : i32
    %c0_i32_0 = arith.constant 0 : i32
    %c0_i32_1 = arith.constant 0 : i32
    return %c0_i32, %c0_i32_0 : i32, i32
  }
  func.func @transform_3(%arg0: i32) -> (i32, i32) {
    %c0_i32 = arith.constant 0 : i32
    %c0_i32_0 = arith.constant 0 : i32
    return %arg0, %c0_i32 : i32, i32
  }
  func.func @transform_4(%arg0: i32) -> (i32, i32) {
    %c0_i32 = arith.constant 0 : i32
    %c0_i32_0 = arith.constant 0 : i32
    return %arg0, %c0_i32 : i32, i32
  }
  func.func @transform_5(%arg0: i32) -> (i32, i32) {
    %c0_i32 = arith.constant 0 : i32
    %c0_i32_0 = arith.constant 0 : i32
    return %arg0, %c0_i32 : i32, i32
  }
}

module attributes {stable_mosaic.version = 14 : i64} {
  func.func @_final_body(%arg0: i32, %arg1: memref<1000x128xf32, #tpu.memory_space<vmem>>, %arg2: memref<1000x128xf32, #tpu.memory_space<vmem>>, %arg3: memref<2x1000x128xf32, #tpu.memory_space<vmem>>, %arg4: memref<1000x128xf32, #tpu.memory_space<vmem>>) attributes {dimension_semantics = [#tpu.dimension_semantics<arbitrary>], iteration_bounds = array<i64: 10>, scalar_prefetch = 0 : i64, scratch_operands = 0 : i64, tpu.core_type = #tpu.core_type<tc>, window_params = [{transform_indices = @transform_0, window_bounds = array<i64: 1000, 128>}, {transform_indices = @transform_1, window_bounds = array<i64: 1000, 128>}, {transform_indices = @transform_2, window_bounds = array<i64: 2, 1000, 128>}, {transform_indices = @transform_3, window_bounds = array<i64: 1000, 128>}]} {
    %get3A = arith.constant 0 : index
    %get3A_0 = arith.constant 0 : index
    %get3A_1 = vector.load %arg1[%get3A, %get3A_0] : memref<1000x128xf32, #tpu.memory_space<vmem>>, vector<1000x128xf32>
    %get3A_2 = arith.constant 0 : index
    %get3A_3 = arith.constant 0 : index
    %get3A_4 = vector.load %arg2[%get3A_2, %get3A_3] : memref<1000x128xf32, #tpu.memory_space<vmem>>, vector<1000x128xf32>
    %get3A_5 = arith.constant 0 : index
    %get3A_6 = arith.constant 0 : index
    %get3A_7 = arith.constant 0 : index
    %get3A_8 = vector.load %arg3[%get3A_5, %get3A_6, %get3A_7] : memref<2x1000x128xf32, #tpu.memory_space<vmem>>, vector<1x1000x128xf32>
    %get3A_9 = vector.shape_cast %get3A_8 : vector<1x1000x128xf32> to vector<1000x128xf32>
    %add3A = arith.addf %get3A_4, %get3A_9 : vector<1000x128xf32>
    %get3A_10 = arith.constant 1 : index
    %get3A_11 = arith.constant 0 : index
    %get3A_12 = arith.constant 0 : index
    %get3A_13 = vector.load %arg3[%get3A_10, %get3A_11, %get3A_12] : memref<2x1000x128xf32, #tpu.memory_space<vmem>>, vector<1x1000x128xf32>
    %get3A_14 = vector.shape_cast %get3A_13 : vector<1x1000x128xf32> to vector<1000x128xf32>
    %add3A_15 = arith.addf %add3A, %get3A_14 : vector<1000x128xf32>
    %max3A = arith.constant 0.000000e+00 : f32
    %max3A_16 = vector.broadcast %max3A : f32 to vector<1000x128xf32>
    %max3A_17 = arith.maximumf %add3A_15, %max3A_16 : vector<1000x128xf32>
    %add3A_18 = arith.addf %get3A_1, %max3A_17 : vector<1000x128xf32>
    %swap3A = arith.constant 0 : index
    %swap3A_19 = arith.constant 0 : index
    %swap3A_20 = vector.load %arg4[%swap3A, %swap3A_19] : memref<1000x128xf32, #tpu.memory_space<vmem>>, vector<1000x128xf32>
    tpu.vector_store %arg4[%swap3A, %swap3A_19], %add3A_18 {strides = array<i32>} : memref<1000x128xf32, #tpu.memory_space<vmem>>, vector<1000x128xf32>,
    return
  }
  func.func @transform_0(%arg0: i32) -> (i32, i32) {
    %c0_i32 = arith.constant 0 : i32
    %c0_i32_0 = arith.constant 0 : i32
    return %arg0, %c0_i32 : i32, i32
  }
  func.func @transform_1(%arg0: i32) -> (i32, i32) {
    %c0_i32 = arith.constant 0 : i32
    %c0_i32_0 = arith.constant 0 : i32
    return %arg0, %c0_i32 : i32, i32
  }
  func.func @transform_2(%arg0: i32) -> (i32, i32, i32) {
    %c0_i32 = arith.constant 0 : i32
    %c0_i32_0 = arith.constant 0 : i32
    %c0_i32_1 = arith.constant 0 : i32
    return %c0_i32, %arg0, %c0_i32_0 : i32, i32, i32
  }
  func.func @transform_3(%arg0: i32) -> (i32, i32) {
    %c0_i32 = arith.constant 0 : i32
    %c0_i32_0 = arith.constant 0 : i32
    return %arg0, %c0_i32 : i32, i32
  }
}

module attributes {stable_mosaic.version = 14 : i64} {
  func.func @_edgeproj_body(%arg0: i32, %arg1: memref<8000x16xf32, #tpu.memory_space<vmem>>, %arg2: memref<256x16xf32, #tpu.memory_space<vmem>>, %arg3: memref<1x256xf32, #tpu.memory_space<vmem>>, %arg4: memref<8000x256xf32, #tpu.memory_space<vmem>>) attributes {dimension_semantics = [#tpu.dimension_semantics<arbitrary>], iteration_bounds = array<i64: 40>, scalar_prefetch = 0 : i64, scratch_operands = 0 : i64, tpu.core_type = #tpu.core_type<tc>, window_params = [{transform_indices = @transform_0, window_bounds = array<i64: 8000, 16>}, {pipeline_mode = #tpu.pipeline_mode<synchronous>, transform_indices = @transform_1, window_bounds = array<i64: 256, 16>}, {pipeline_mode = #tpu.pipeline_mode<synchronous>, transform_indices = @transform_2, window_bounds = array<i64: 1, 256>}, {transform_indices = @transform_3, window_bounds = array<i64: 8000, 256>}]} {
    %get3A = arith.constant 0 : index
    %get3A_0 = arith.constant 0 : index
    %get3A_1 = vector.load %arg1[%get3A, %get3A_0] : memref<8000x16xf32, #tpu.memory_space<vmem>>, vector<8000x16xf32>
    %get3A_2 = arith.constant 0 : index
    %get3A_3 = arith.constant 0 : index
    %get3A_4 = vector.load %arg2[%get3A_2, %get3A_3] : memref<256x16xf32, #tpu.memory_space<vmem>>, vector<256x16xf32>
    %dot_general3A = arith.constant dense<0.000000e+00> : vector<8000x256xf32>
    %dot_general3A_5 = tpu.matmul %get3A_1, %get3A_4, %dot_general3A {dimension_numbers = #tpu.dot_dimension_numbers<[1], [1], [0], [0], [0, 0, 1, 0], [], []>, transpose_lhs_hint = false} : vector<8000x16xf32>, vector<256x16xf32>, vector<8000x256xf32> -> vector<8000x256xf32>
    %get3A_6 = arith.constant 0 : index
    %get3A_7 = arith.constant 0 : index
    %get3A_8 = vector.load %arg3[%get3A_6, %get3A_7] : memref<1x256xf32, #tpu.memory_space<vmem>>, vector<1x256xf32>
    %add3A = vector.broadcast %get3A_8 : vector<1x256xf32> to vector<8000x256xf32>
    %add3A_9 = arith.addf %dot_general3A_5, %add3A : vector<8000x256xf32>
    %swap3A = arith.constant 0 : index
    %swap3A_10 = arith.constant 0 : index
    %swap3A_11 = vector.load %arg4[%swap3A, %swap3A_10] : memref<8000x256xf32, #tpu.memory_space<vmem>>, vector<8000x256xf32>
    tpu.vector_store %arg4[%swap3A, %swap3A_10], %add3A_9 {strides = array<i32>} : memref<8000x256xf32, #tpu.memory_space<vmem>>, vector<8000x256xf32>,
    return
  }
  func.func @transform_0(%arg0: i32) -> (i32, i32) {
    %c0_i32 = arith.constant 0 : i32
    %c0_i32_0 = arith.constant 0 : i32
    return %arg0, %c0_i32 : i32, i32
  }
  func.func @transform_1(%arg0: i32) -> (i32, i32) {
    %c0_i32 = arith.constant 0 : i32
    %c0_i32_0 = arith.constant 0 : i32
    %c0_i32_1 = arith.constant 0 : i32
    return %c0_i32, %c0_i32_0 : i32, i32
  }
  func.func @transform_2(%arg0: i32) -> (i32, i32) {
    %c0_i32 = arith.constant 0 : i32
    %c0_i32_0 = arith.constant 0 : i32
    %c0_i32_1 = arith.constant 0 : i32
    return %c0_i32, %c0_i32_0 : i32, i32
  }
  func.func @transform_3(%arg0: i32) -> (i32, i32) {
    %c0_i32 = arith.constant 0 : i32
    %c0_i32_0 = arith.constant 0 : i32
    return %arg0, %c0_i32 : i32, i32
  }
}

</mosaic_0001>

<sc_bundles>
// kernel: kernel.6.cloned.1.call-start
scs
__scs_entry_jumppad:
0x0: {  	(pc) =	sbr.rel $0x88, $3  }
0x1: {  	(tag) =	ssettag $0x0;
	lr =	simm.s32 $0x1  }
0x2: {  	[smem:$0x3F93] =	sst lr;
	_ =	strace $0xD0000000  }
0x3: {  	_ = 	snop  }
0x4: {  	_ = 	snop  }
0x5: {  	_ = 	snop  }
0x6: {  	_ = 	snop  }
0x7: {  	_ = 	snop  }
__scs_overlays_trampoline_lowered:
0x8: {  	[smem:$0x3FA2] =	sst s0  }
0x9: {  	[smem:$0x3FA3] =	sst s1  }
0xa: {  	[smem:$0x3FA4] =	sst s2  }
0xb: {  	[smem:$0x3FA5] =	sst s3  }
0xc: {  	[smem:$0x3FA6] =	sst s4  }
0xd: {  	[smem:$0x3FA7] =	sst s5  }
0xe: {  	[smem:$0x3FA8] =	sst s6  }
0xf: {  	[smem:$0x3FA9] =	sst s7  }
0x10: {  	[smem:$0x3FAA] =	sst s8  }
0x11: {  	[smem:$0x3FAB] =	sst s9;
	s0 =	simm.s32 @!p0 $0x0  }
0x12: {  	s1 =	sld [smem:$0x3F91];
	s0 =	simm.s32 @p0 $0x1  }
0x13: {  	[smem:$0x3FAC] =	sst s0;
	s0 =	simm.s32 @!p1 $0x0  }
0x14: {  	s2 =	sld [smem:$0x3F90];
	s0 =	simm.s32 @p1 $0x1  }
0x15: {  	[smem:$0x3FAD] =	sst s0;
	s0 =	simm.s32 @!p2 $0x0  }
0x16: {  	s3 =	sld [smem:$0x3FDB];
	s0 =	simm.s32 @p2 $0x1  }
0x17: {  	s4 =	simm.s32 $0x1BF5;
	[smem:$0x3FAF] =	sst s0  }
0x18: {  	s0 =	sld [smem:$0x3F92];
	_ =	swait.ge [sflag:s4], $0x0  }
0x19: {  	s7 =	sld [smem:$0x3F93]  }
0x1a: {  	s8 =	sadd.s32 $0xFFFFE003, lr  }
0x1b: {  	s9 =	sadd.s32 $0xFFFFFEF7, lr;
	s5 =	simm.s32 $0xFFFFFFFF;
	p2 =	slt.u32 s8, $0xFFFFF086  }
0x1c: {  	p1 =	slt.u32 s9, $0xF7A;
	s5 =	simm.s32 @!p2 $0x0  }
0x1d: {  	s5 =	simm.s32 @p1 $0x1;
	p0 =	seq.s32 s7, s2  }
0x1e: {  	s7 =	smul.u32 @!p0 $0xF7A, s2;
	p2 =	seq.s32 @!p0 s5, $0x0  }
0x1f: {  	s9 =	smul.u32 $0xF7A, s1;
	s8 =	simm.s32 @!p0 $0x1BF5;
	p2 =	por !p2, p0  }
0x20: {  	[sflag:s8] =	ssyncset.s32 @!p0 $0xFFFFF086;
	s6 =	sadd.s32 @!p0 s3, s7;
	s7 =	simm.s32 @!p0 $0x108  }
0x21: {  	s3 =	sadd.s32 s3, s9;
	s6 =	sadd.s32 @!p0 $0x88, s6;
	s7 =	simm.s32 @p2 $0x1082  }
0x22: {  	[simem:s7], [sflag:s8] =	dma.local @!p0 [hbm:s6], $0xF7A  }
0x23: {  	s9 =	sor.u32 $0xD0000000, s2;
	s6 =	simm.s32 $0x108;
	_ =	swait.ge @!p0 [sflag:s8], $0x0  }
0x24: {  	s3 =	sadd.s32 $0x88, s3;
	s6 =	simm.s32 @!p1 $0x1082;
	[sflag:s4] =	ssyncset.s32 $0xFFFFF086  }
0x25: {  	[simem:s6], [sflag:s4] =	dma.local [hbm:s3], $0xF7A  }
0x26: {  	[smem:$0x3F93] =	sst s1;
	(tag) =	ssettag s2;
	_ =	strace s9  }
0x27: {  	s1 =	sld [smem:$0x3FA3]  }
0x28: {  	s2 =	sld [smem:$0x3FA4]  }
0x29: {  	s4 =	sld [smem:$0x3FA6]  }
0x2a: {  	p0 =	seq.s32 s5, $0x0;
	s5 =	sld [smem:$0x3FA7]  }
0x2b: {  	s6 =	sld [smem:$0x3FA8]  }
0x2c: {  	s7 =	sld [smem:$0x3FA9]  }
0x2d: {  	s3 =	simm.s32 $0x108;
	s8 =	sld [smem:$0x3FAA]  }
0x2e: {  	s3 =	simm.s32 @!p0 $0x1082;
	s9 =	sld [smem:$0x3FAB]  }
0x2f: {  	lr =	sadd.s32 s0, s3;
	s0 =	sld [smem:$0x3FA2]  }
0x30: {  	s3 =	sld [smem:$0x3FA5]  }
0x31: {  	[smem:$0x3FAE] =	sst s10  }
0x32: {  	s10 =	sld [smem:$0x3FAC];
	_ =	sdelay $0x3  }
0x33: {  	p0 =	seq.s32 s10, $0x1;
	s10 =	sld [smem:$0x3FAE];
	_ =	sdelay $0x3  }
0x34: {  	[smem:$0x3FAE] =	sst s10  }
0x35: {  	s10 =	sld [smem:$0x3FAD];
	_ =	sdelay $0x3  }
0x36: {  	p1 =	seq.s32 s10, $0x1;
	s10 =	sld [smem:$0x3FAE];
	_ =	sdelay $0x3  }
0x37: {  	[smem:$0x3FAE] =	sst s10  }
0x38: {  	s10 =	sld [smem:$0x3FAF]  }
0x39: {  	_ = 	snop;
	(pc) =	sbr.ind lr, $3  }
0x3a: {  	_ = 	snop  }
0x3b: {  	_ = 	snop  }
0x3c: {  	p2 =	seq.s32 s10, $0x1;
	s10 =	sld [smem:$0x3FAE]  }
0x3d: {  	_ =	shalt  }
0x3e: {  	_ =	shalt  }
0x3f: {  	_ =	shalt  }
0x40: {  	_ =	shalt  }
0x41: {  	_ =	shalt  }
0x42: {  	_ =	shalt  }
0x43: {  	_ =	shalt  }
0x44: {  	_ =	shalt  }
0x45: {  	_ =	shalt  }
0x46: {  	_ =	shalt  }
0x47: {  	_ =	shalt  }
0x48: {  	_ =	shalt  }
0x49: {  	_ =	shalt  }
0x4a: {  	_ =	shalt  }
0x4b: {  	_ =	shalt  }
0x4c: {  	_ =	shalt  }
0x4d: {  	_ =	shalt  }
0x4e: {  	_ =	shalt  }
0x4f: {  	_ =	shalt  }
0x50: {  	_ =	shalt  }
0x51: {  	_ =	shalt  }
0x52: {  	_ =	shalt  }
0x53: {  	_ =	shalt  }
0x54: {  	_ =	shalt  }
0x55: {  	_ =	shalt  }
0x56: {  	_ =	shalt  }
0x57: {  	_ =	shalt  }
0x58: {  	_ =	shalt  }
0x59: {  	_ =	shalt  }
0x5a: {  	_ =	shalt  }
0x5b: {  	_ =	shalt  }
0x5c: {  	_ =	shalt  }
0x5d: {  	_ =	shalt  }
0x5e: {  	_ =	shalt  }
0x5f: {  	_ =	shalt  }
0x60: {  	_ =	shalt  }
0x61: {  	_ =	shalt  }
0x62: {  	_ =	shalt  }
0x63: {  	_ =	shalt  }
0x64: {  	_ =	shalt  }
0x65: {  	_ =	shalt  }
0x66: {  	_ =	shalt  }
0x67: {  	_ =	shalt  }
0x68: {  	_ =	shalt  }
0x69: {  	_ =	shalt  }
0x6a: {  	_ =	shalt  }
0x6b: {  	_ =	shalt  }
0x6c: {  	_ =	shalt  }
0x6d: {  	_ =	shalt  }
0x6e: {  	_ =	shalt  }
0x6f: {  	_ =	shalt  }
0x70: {  	_ =	shalt  }
0x71: {  	_ =	shalt  }
0x72: {  	_ =	shalt  }
0x73: {  	_ =	shalt  }
0x74: {  	_ =	shalt  }
0x75: {  	_ =	shalt  }
0x76: {  	_ =	shalt  }
0x77: {  	_ =	shalt  }
0x78: {  	_ =	shalt  }
0x79: {  	_ =	shalt  }
0x7a: {  	_ =	shalt  }
0x7b: {  	_ =	shalt  }
0x7c: {  	_ =	shalt  }
0x7d: {  	_ =	shalt  }
0x7e: {  	_ =	shalt  }
0x7f: {  	_ =	shalt  }
0x80: {  	_ =	shalt  }
0x81: {  	_ =	shalt  }
0x82: {  	_ =	shalt  }
0x83: {  	_ =	shalt  }
0x84: {  	_ =	shalt  }
0x85: {  	_ =	shalt  }
0x86: {  	_ =	shalt  }
0x87: {  	_ =	shalt  }
.Lfunc_end0:
.L_simem_size_0:
called_computation_lowered:
.L_overlay_start_0:
0x88: {  	s2 =	sld [smem:$0x3FD9]  }
0x89: {  	s3 =	sld [smem:$0x3FFE];
	_ =	sdelay $0x1  }
0x8a: {  	s1 =	srdreg.scid  }
0x8b: {  	s0 =	sand.u32 $0x1, s1  }
0x8c: {  	s14 =	sshll.u32 s0, $0xA;
	s2 =	sadd.s32 s3, s2  }
0x8d: {  	s2 =	sadd.s32 s2, s14  }
0x8e: {  	[smem:$0x3FBA] =	sst s2  }
0x8f: {  	_ = 	snop  }
0x90: {  	s2 =	sld [smem:$0x3FD0];
	_ =	sdelay $0x2  }
0x91: {  	s15 =	simm.s32 $0xA;
	s4 =	simm.s32 $0x10  }
0x92: {  	[smem:s4], [sflag:s15] =	dma.local [hbm:s2], $0x1  }
0x93: {  	_ =	swait.eq [sflag:s15], $0x1  }
0x94: {  	[sflag:s15] =	ssyncset.done $0x0  }
0x95: {  	[sflag:s15] =	ssyncadd.s32 $0xFFFFFFFF  }
0x96: {  	s16 =	sld [smem:$0x11];
	(tm) =	ssettm $0x1  }
0x97: {  	s17 =	sld [smem:$0x3FFB];
	_ =	sdelay $0x3  }
0x98: {  	_ =	strace s17  }
0x99: {  	s3 =	sld [smem:$0x3FFC];
	_ =	sdelay $0x3  }
0x9a: {  	_ =	strace s3  }
0x9b: {  	s3 =	sld [smem:$0x3FFD];
	_ =	sdelay $0x3  }
0x9c: {  	_ =	strace s3  }
0x9d: {  	_ =	strace $0x8FFFFFFF  }
0x9e: {  	s18 =	sld [smem:$0x3FDB];
	_ =	sdelay $0x1  }
0x9f: {  	s19 =	simm.s32 $_scs_section_size  }
0xa0: {  	s5 =	simm.s32 $_size__tile_overlayer_lowered;
	s6 =	simm.s32 $_tile_overlayer_lowered  }
0xa1: {  	s22 =	simm.s32 $0x1BFF;
	s21 =	sshll.u32 s6, $0x1;
	s3 =	sadd.s32 s19, s18  }
0xa2: {  	s7 =	simm.s32 $0x0;
	s20 =	sshll.u32 s5, $0x1;
	s5 =	sadd.s32 s21, s3  }
0xa3: {  	[timem:s7], [sflag:s22] =	dma.local [hbm:s5], s20  }
0xa4: {  	_ =	swait.ge [sflag:s22], s20  }
0xa5: {  	s4 =	ssub.s32 $0x0, s20;
	[sflag:s22] =	ssyncset.done $0x0  }
0xa6: {  	[sflag:s22] =	ssyncadd.s32 s4;
	_ =	sdelay $0x1  }
0xa7: {  	s23 =	simm.s32 $0x1B8B  }
0xa8: {  	_ =	swait.ge [sflag:s23], $0x1  }
0xa9: {  	[sflag:s23] =	ssyncset.done $0x0  }
0xaa: {  	s25 =	simm.s32 $0x1B8E;
	s24 =	sld [smem:$0x3FFE];
	[sflag:s23] =	ssyncadd.s32 $0xFFFFFFFF  }
0xab: {  	s26 =	simm.s32 $execute0_lowered;
	[smem:$0x3FD2] =	sst s25  }
0xac: {  	s5 =	sshll.u32 s26, $0x1;
	_ =	strace $0x80000046;
	[dreg:$0x1] =	wrdreg $0xFFFFFFFF  }
0xad: {  	s28 =	simm.s32 $_size_execute0_lowered;
	s3 =	sadd.s32 s3, s5;
	[dreg:$0x0] =	wrdreg $0x0  }
0xae: {  	s5 =	sshll.u32 s28, $0x1;
	[dreg:$0x2] =	wrdreg s3  }
0xaf: {  	[dreg:$0x3] =	wrdreg s5  }
0xb0: {  	[dreg:$0x4] =	wrdreg $0xC0  }
0xb1: {  	_ =	task [dreg:s7], $0x5FFFF  }
0xb2: {  	[dreg:$0x1] =	wrdreg $0xFFFFFFFF  }
0xb3: {  	[dreg:$0x0] =	wrdreg $0x60  }
0xb4: {  	[dreg:$0x2] =	wrdreg s24  }
0xb5: {  	[dreg:$0x3] =	wrdreg s16  }
0xb6: {  	[dreg:$0x4] =	wrdreg $0x62000  }
0xb7: {  	[dreg:$0x5] =	wrdreg $0x9  }
0xb8: {  	_ =	task.clear_ibuf [dreg:s7], $0x6FFFF;
	_ =	strace $0x90000046  }
0xb9: {  	s29 =	simm.s32 $0x9;
	_ =	strace $0x80000048  }
0xba: {  	_ =	swait.ge [sflag:s29], $0x1  }
0xbb: {  	[sflag:s29] =	ssyncadd.s32 $0xFFFFFFFF  }
0xbc: {  	_ =	strace $0x90000048  }
0xbd: {  	_ =	sfence  }
0xbe: {  	s30 =	sld [smem:$0x0];
	_ =	sdelay $0x2  }
0xbf: {  	s31 =	sshll.u32 s1, $0xD;
	s1 =	sshrl.u32 s1, $0x2  }
0xc0: {  	s3 =	sand.u32 $0x4000, s31;
	s1 =	sadd.s32 s1, s30  }
0xc1: {  	s0 =	sor.u32 s3, s0;
	s1 =	sshll.u32 s1, $0x11  }
0xc2: {  	s0 =	sor.u32 s1, s0  }
0xc3: {  	s0 =	sadd.s32 $0x8F2B, s0  }
0xc4: {  	[sflag:s0] =	ssyncadd.remote.s32 $0x1  }
0xc5: {  	_ =	sfence.sel $0xFFFF  }
0xc6: {  	[dreg:$0x0] =	wrdreg $0xFFFFFFFF;
	(pc) =	sbr.abs _section_cstart, $3  }
0xc7: {  	[dreg:$0x1] =	wrdreg $0xFFFFFFFF  }
0xc8: {  	_ =	task.clear_ibuf [dreg:s7], $0x2FFFF;
	_ =	strace $0x9FFFFFFF  }
0xc9: {  	(tm) =	ssettm $0x7FFFFFFF  }
tec
execute0_lowered:
.L_overlay_start_1:
0x0: {  	(tag) =	ssettag $0x1  }
0x1: {  	s1 =	srdreg.scid;
	s10 =	stileid.u32  }
0x2: {  	s1 =	sand.u32 $0x1, s1;
	s6 =	sshll.u32 s10, $0x1  }
0x3: {  	s11 =	smul.u32 $0x4E000, s10;
	s6 =	sor.u32 s1, s6  }
0x4: {  	s17 =	smul.u32 $0x2710, s6  }
0x5: {  	s0 =	rddreg [dreg:$0x0];
	s23 =	smul.u32 $0x4E200, s6  }
0x6: {  	s21 =	rddreg [dreg:$0x1];
	s25 =	smul.u32 $0x138800, s6  }
0x7: {  	s2 =	rddreg [dreg:$0x2];
	s3 =	simm.s32 $0x0;
	s6 =	smul.u32 $0x271000, s6  }
0x8: {  	[smem:$0x7FF] =	sst s3;
	s9 =	sadd.s32 $0x8B600, s0;
	s11 =	sshrl.u32 s11, $0x2  }
0x9: {  	_ =	strace $0x80000047;
	s18 =	sadd.s32 s11, s2;
	[dreg:$0xc] =	wrdreg s6  }
0xa: {  	s12 =	ssub.s32 $0x2, s1;
	s24 =	sadd.s32 $0x800, s18;
	[dreg:$0x4] =	wrdreg s18  }
0xb: {  	s13 =	sshrl.u32 s12, $0x1;
	s26 =	sadd.s32 $0x10, s17;
	[dreg:$0x5] =	wrdreg s24  }
0xc: {  	s12 =	ssub.s32 s12, s13;
	s11 =	sadd.s32 s9, s23;
	[dreg:$0x7] =	wrdreg s26  }
0xd: {  	s19 =	smax.u32 s12, $0x1;
	[dreg:$0xb] =	wrdreg s11  }
0xe: {  	s4 =	sadd.s32 $0xC400, s0;
	s22 =	sadd.s32 $0x1000, s18;
	[dreg:$0x10] =	wrdreg s19  }
0xf: {  	s16 =	smul.u32 $0x13800, s10;
	s23 =	sadd.s32 $0x1800, s18;
	[dreg:$0x12] =	wrdreg s22  }
0x10: {  	p0 =	sne.s32 s10, $0xF;
	s10 =	sadd.s32 $0x5800, s18;
	[dreg:$0x13] =	wrdreg s23  }
0x11: {  	s14 =	sshrl.u32 s17, $0x3;
	s12 =	sadd.s32 $0x6800, s18;
	[dreg:$0x1b] =	wrdreg s10  }
0x12: {  	s5 =	sadd.s32 $0x2600, s0;
	s15 =	sadd.s32 s4, s14;
	[dreg:$0x1d] =	wrdreg s12  }
0x13: {  	s14 =	sadd.s32 s5, s14;
	[dreg:$0x6] =	wrdreg s15  }
0x14: {  	s24 =	sadd.s32 $0x2000, s18;
	[dreg:$0x8] =	wrdreg s14  }
0x15: {  	s28 =	sshrl.u32 s26, $0x3;
	s26 =	sadd.s32 $0x3000, s18;
	[dreg:$0x14] =	wrdreg s24  }
0x16: {  	s19 =	sadd.s32 $0x8800, s18;
	[dreg:$0x16] =	wrdreg s26  }
0x17: {  	s22 =	sadd.s32 $0x9000, s18;
	[smem:$0x7E7] =	sst s19  }
0x18: {  	s23 =	sadd.s32 $0x9800, s18;
	[smem:$0x7E8] =	sst s22  }
0x19: {  	s10 =	sadd.s32 $0xD800, s18;
	[smem:$0x7E9] =	sst s23  }
0x1a: {  	s12 =	sadd.s32 $0xE800, s18;
	[smem:$0x7F1] =	sst s10  }
0x1b: {  	s15 =	sadd.s32 s4, s28;
	[smem:$0x7F3] =	sst s12  }
0x1c: {  	s14 =	sadd.s32 s5, s28;
	[dreg:$0x9] =	wrdreg s15  }
0x1d: {  	s28 =	sadd.s32 $0x3800, s18;
	[dreg:$0xa] =	wrdreg s14  }
0x1e: {  	s24 =	sadd.s32 $0xA000, s18;
	[dreg:$0x17] =	wrdreg s28  }
0x1f: {  	s26 =	sadd.s32 $0xB000, s18;
	[smem:$0x7EA] =	sst s24  }
0x20: {  	s19 =	sadd.s32 $0x10800, s18;
	[smem:$0x7EC] =	sst s26  }
0x21: {  	s22 =	sadd.s32 $0x11000, s18;
	[smem:$0x7F7] =	sst s19  }
0x22: {  	s20 =	smov.u32 s25;
	s23 =	sadd.s32 $0x11800, s18;
	[smem:$0x7F8] =	sst s22  }
0x23: {  	s14 =	sshrl.u32 s25, $0x3;
	s25 =	sadd.s32 $0x2800, s18;
	[smem:$0x7F9] =	sst s23  }
0x24: {  	s1 =	smul.u32 $0x138800, s1;
	s28 =	sadd.s32 $0xB800, s18;
	[dreg:$0x15] =	wrdreg s25  }
0x25: {  	s24 =	sadd.s32 $0x12000, s18;
	[smem:$0x7ED] =	sst s28  }
0x26: {  	s15 =	sadd.s32 s16, s1;
	s26 =	sadd.s32 $0x13000, s18;
	[smem:$0x7FA] =	sst s24  }
0x27: {  	s6 =	sadd.s32 s21, s14;
	s14 =	sadd.s32 $0x7000, s18;
	[smem:$0x7FC] =	sst s26  }
0x28: {  	s11 =	sshrl.u32 s15, $0x3;
	s15 =	sadd.s32 $0x7800, s18;
	[dreg:$0x1e] =	wrdreg s14  }
0x29: {  	s7 =	sadd.s32 $0x64400, s0;
	s25 =	sadd.s32 $0xA800, s18;
	[dreg:$0x1f] =	wrdreg s15  }
0x2a: {  	s8 =	sadd.s32 $0x16200, s0;
	s28 =	sadd.s32 $0x13800, s18;
	[smem:$0x7EB] =	sst s25  }
0x2b: {  	s0 =	sadd.s32 $0xA4F600, s0;
	s6 =	sadd.s32 $0x27000, s6;
	[smem:$0x7FD] =	sst s28  }
0x2c: {  	s1 =	sshrl.u32 s1, $0x3;
	s16 =	sadd.s32 s0, s11;
	[dreg:$0xd] =	wrdreg s6  }
0x2d: {  	s0 =	sadd.s32 s0, s1;
	s1 =	sadd.s32 $0x4000, s18;
	[dreg:$0xe] =	wrdreg s16  }
0x2e: {  	s11 =	sadd.s32 $0x6000, s18;
	[dreg:$0x18] =	wrdreg s1  }
0x2f: {  	s14 =	sadd.s32 $0xF000, s18;
	[dreg:$0x1c] =	wrdreg s11  }
0x30: {  	s30 =	simm.s32 $0x5A00;
	s15 =	sadd.s32 $0xF800, s18;
	[smem:$0x7F4] =	sst s14  }
0x31: {  	s31 =	simm.s32 $0x4;
	s25 =	sadd.s32 $0x12800, s18;
	[smem:$0x7F5] =	sst s15  }
0x32: {  	s13 =	smov.u32 s2;
	s0 =	sadd.s32 $0x27000, s0;
	[smem:$0x7FB] =	sst s25  }
0x33: {  	s29 =	sadd.s32 $0x30, s17;
	s6 =	sadd.s32 $0x5000, s18;
	[dreg:$0xf] =	wrdreg s0  }
0x34: {  	s22 =	simm.s32 $0x5200;
	s16 =	sadd.s32 $0x8000, s18;
	[dreg:$0x1a] =	wrdreg s6  }
0x35: {  	s23 =	simm.s32 $0x2;
	s1 =	sadd.s32 $0xC000, s18;
	[smem:$0x7E6] =	sst s16  }
0x36: {  	s24 =	simm.s32 $0x3;
	s11 =	sadd.s32 $0xE000, s18;
	[smem:$0x7EE] =	sst s1  }
0x37: {  	s0 =	sadd.s32 $0x138000, s2;
	s2 =	sadd.s32 $0x4800, s18;
	[smem:$0x7F2] =	sst s11  }
0x38: {  	s15 =	smov.u32 s17;
	s6 =	sadd.s32 $0xD000, s18;
	[dreg:$0x19] =	wrdreg s2  }
0x39: {  	s14 =	simm.s32 $0x1;
	s16 =	sadd.s32 $0x10000, s18;
	[smem:$0x7F0] =	sst s6  }
0x3a: {  	v3 =	vlaneseq.u32;
	s25 =	simm.s32 $0x0;
	s0 =	sshrl.u32 @!p0 s0, $0x3;
	[smem:$0x7F6] =	sst s16  }
0x3b: {  	v0 =	vimm.f32 $0.0e+00;
	vm0 =	vmmov $0xffff;
	v2 =	vshrl.u32 v3, $0x3;
	s2 =	sadd.s32 $0xC800, s18;
	s6 =	simm.s32 $0x80;
	[dreg:$0x11] =	wrdreg s0  }
0x3c: {  	v1 =	vand.u32 $0x7, v3;
	v3 =	vor.u32 $0x8, v3;
	v2 =	vmul.u32 $0x8, v2;
	s16 =	simm.s32 $0x10;
	[smem:$0x7EF] =	sst s2;
	s2 =	simm.s32 $0x0  }
.LBB2_1:
0x3d: {  	[smem:$0x7E5] =	sst s2;
	s0 =	simm.s32 $0x0;
	s1 =	simm.s32 $0x200  }
.LBB2_2:
0x3e: {  	p1 =	sne.s32 s1, $0x1E00;
	[tilespmem:s0+$0x5A70] =	vst v0  }
0x3f: {  	[tilespmem:s0+$0x5A00] =	vst v0  }
0x40: {  	[tilespmem:s0+$0x5A10] =	vst v0  }
.Ltmp0:
0x41: {  	[tilespmem:s0+$0x5A20] =	vst v0;
	(pc) =	sbr.rel @p1 .LBB2_2-.Ltmp0, $4  }
0x42: {  	[tilespmem:s0+$0x5A30] =	vst v0  }
0x43: {  	[tilespmem:s0+$0x5A40] =	vst v0  }
0x44: {  	[tilespmem:s0+$0x5A50] =	vst v0  }
0x45: {  	[tilespmem:s0+$0x5A60] =	vst v0;
	s0 =	sshra.s32 s1, $0x2;
	s1 =	sadd.s32 $0x200, s1  }
0x46: {  	[tilespmem:s0+$0x5A70] =	vst v0  }
0x47: {  	[tilespmem:s0+$0x5A00] =	vst v0  }
0x48: {  	[tilespmem:s0+$0x5A10] =	vst v0  }
0x49: {  	[tilespmem:s0+$0x5A20] =	vst v0  }
0x4a: {  	[tilespmem:s0+$0x5A30] =	vst v0  }
0x4b: {  	[tilespmem:s0+$0x5A40] =	vst v0  }
0x4c: {  	[tilespmem:s0+$0x5A50] =	vst v0  }
0x4d: {  	[tilespmem:s0+$0x5A60] =	vst v0  }
0x4e: {  	[spmem:s18] =	stream.linear.scatter [tilespmem:s30], [sflag:$0x4], $0x800, $0x38;
	[tilespmem:$0x19A80] =	vst v63  }
0x4f: {  	_ =	swait.ge [sflag:s31], $0x800  }
0x50: {  	[sflag:s31] =	ssyncset.done $0x0  }
0x51: {  	s2 =	rddreg [dreg:$0x5];
	[sflag:s31] =	ssyncadd.s32 $0xFFFFF800  }
0x52: {  	[spmem:s2] =	stream.linear.scatter [tilespmem:s30], [sflag:$0x4], $0x800, $0x38;
	[tilespmem:$0x19A80] =	vst v63  }
0x53: {  	_ =	swait.ge [sflag:s31], $0x800  }
0x54: {  	[sflag:s31] =	ssyncset.done $0x0  }
0x55: {  	s10 =	rddreg [dreg:$0x12];
	[sflag:s31] =	ssyncadd.s32 $0xFFFFF800  }
0x56: {  	[spmem:s10] =	stream.linear.scatter [tilespmem:s30], [sflag:$0x4], $0x800, $0x38;
	[tilespmem:$0x19A80] =	vst v63  }
0x57: {  	_ =	swait.ge [sflag:s31], $0x800  }
0x58: {  	[sflag:s31] =	ssyncset.done $0x0  }
0x59: {  	s11 =	rddreg [dreg:$0x13];
	[sflag:s31] =	ssyncadd.s32 $0xFFFFF800  }
0x5a: {  	[spmem:s11] =	stream.linear.scatter [tilespmem:s30], [sflag:$0x4], $0x800, $0x38;
	[tilespmem:$0x19A80] =	vst v63  }
0x5b: {  	_ =	swait.ge [sflag:s31], $0x800  }
0x5c: {  	[sflag:s31] =	ssyncset.done $0x0  }
0x5d: {  	s12 =	rddreg [dreg:$0x14];
	[sflag:s31] =	ssyncadd.s32 $0xFFFFF800  }
0x5e: {  	[spmem:s12] =	stream.linear.scatter [tilespmem:s30], [sflag:$0x4], $0x800, $0x38;
	[tilespmem:$0x19A80] =	vst v63  }
0x5f: {  	_ =	swait.ge [sflag:s31], $0x800  }
0x60: {  	[sflag:s31] =	ssyncset.done $0x0  }
0x61: {  	s17 =	rddreg [dreg:$0x15];
	[sflag:s31] =	ssyncadd.s32 $0xFFFFF800  }
0x62: {  	[spmem:s17] =	stream.linear.scatter [tilespmem:s30], [sflag:$0x4], $0x800, $0x38;
	[tilespmem:$0x19A80] =	vst v63  }
0x63: {  	_ =	swait.ge [sflag:s31], $0x800  }
0x64: {  	[sflag:s31] =	ssyncset.done $0x0  }
0x65: {  	s18 =	rddreg [dreg:$0x16];
	[sflag:s31] =	ssyncadd.s32 $0xFFFFF800  }
0x66: {  	[spmem:s18] =	stream.linear.scatter [tilespmem:s30], [sflag:$0x4], $0x800, $0x38;
	[tilespmem:$0x19A80] =	vst v63  }
0x67: {  	_ =	swait.ge [sflag:s31], $0x800  }
0x68: {  	[sflag:s31] =	ssyncset.done $0x0  }
0x69: {  	s19 =	rddreg [dreg:$0x17];
	[sflag:s31] =	ssyncadd.s32 $0xFFFFF800  }
0x6a: {  	[spmem:s19] =	stream.linear.scatter [tilespmem:s30], [sflag:$0x4], $0x800, $0x38;
	[tilespmem:$0x19A80] =	vst v63  }
0x6b: {  	_ =	swait.ge [sflag:s31], $0x800  }
0x6c: {  	[sflag:s31] =	ssyncset.done $0x0  }
0x6d: {  	s26 =	rddreg [dreg:$0x18];
	[sflag:s31] =	ssyncadd.s32 $0xFFFFF800  }
0x6e: {  	[spmem:s26] =	stream.linear.scatter [tilespmem:s30], [sflag:$0x4], $0x800, $0x38;
	[tilespmem:$0x19A80] =	vst v63  }
0x6f: {  	_ =	swait.ge [sflag:s31], $0x800  }
0x70: {  	[sflag:s31] =	ssyncset.done $0x0  }
0x71: {  	s28 =	rddreg [dreg:$0x19];
	[sflag:s31] =	ssyncadd.s32 $0xFFFFF800  }
0x72: {  	[spmem:s28] =	stream.linear.scatter [tilespmem:s30], [sflag:$0x4], $0x800, $0x38;
	[tilespmem:$0x19A80] =	vst v63  }
0x73: {  	_ =	swait.ge [sflag:s31], $0x800  }
0x74: {  	[sflag:s31] =	ssyncset.done $0x0  }
0x75: {  	s1 =	rddreg [dreg:$0x1a];
	[sflag:s31] =	ssyncadd.s32 $0xFFFFF800  }
0x76: {  	[spmem:s1] =	stream.linear.scatter [tilespmem:s30], [sflag:$0x4], $0x800, $0x38;
	[tilespmem:$0x19A80] =	vst v63  }
0x77: {  	_ =	swait.ge [sflag:s31], $0x800  }
0x78: {  	[sflag:s31] =	ssyncset.done $0x0  }
0x79: {  	s2 =	rddreg [dreg:$0x1b];
	[sflag:s31] =	ssyncadd.s32 $0xFFFFF800  }
0x7a: {  	[spmem:s2] =	stream.linear.scatter [tilespmem:s30], [sflag:$0x4], $0x800, $0x38;
	[tilespmem:$0x19A80] =	vst v63  }
0x7b: {  	_ =	swait.ge [sflag:s31], $0x800  }
0x7c: {  	[sflag:s31] =	ssyncset.done $0x0  }
0x7d: {  	s10 =	rddreg [dreg:$0x1c];
	[sflag:s31] =	ssyncadd.s32 $0xFFFFF800  }
0x7e: {  	[spmem:s10] =	stream.linear.scatter [tilespmem:s30], [sflag:$0x4], $0x800, $0x38;
	[tilespmem:$0x19A80] =	vst v63  }
0x7f: {  	_ =	swait.ge [sflag:s31], $0x800  }
0x80: {  	[sflag:s31] =	ssyncset.done $0x0  }
0x81: {  	s11 =	rddreg [dreg:$0x1d];
	[sflag:s31] =	ssyncadd.s32 $0xFFFFF800  }
0x82: {  	[spmem:s11] =	stream.linear.scatter [tilespmem:s30], [sflag:$0x4], $0x800, $0x38;
	[tilespmem:$0x19A80] =	vst v63  }
0x83: {  	_ =	swait.ge [sflag:s31], $0x800  }
0x84: {  	[sflag:s31] =	ssyncset.done $0x0  }
0x85: {  	s12 =	rddreg [dreg:$0x1e];
	[sflag:s31] =	ssyncadd.s32 $0xFFFFF800  }
0x86: {  	[spmem:s12] =	stream.linear.scatter [tilespmem:s30], [sflag:$0x4], $0x800, $0x38;
	[tilespmem:$0x19A80] =	vst v63  }
0x87: {  	_ =	swait.ge [sflag:s31], $0x800  }
0x88: {  	[sflag:s31] =	ssyncset.done $0x0  }
0x89: {  	s17 =	rddreg [dreg:$0x1f];
	[sflag:s31] =	ssyncadd.s32 $0xFFFFF800  }
0x8a: {  	[spmem:s17] =	stream.linear.scatter [tilespmem:s30], [sflag:$0x4], $0x800, $0x38;
	[tilespmem:$0x19A80] =	vst v63  }
0x8b: {  	_ =	swait.ge [sflag:s31], $0x800  }
0x8c: {  	s18 =	sld [smem:$0x7E6]  }
0x8d: {  	[sflag:s31] =	ssyncset.done $0x0  }
0x8e: {  	[sflag:s31] =	ssyncadd.s32 $0xFFFFF800  }
0x8f: {  	[spmem:s18] =	stream.linear.scatter [tilespmem:s30], [sflag:$0x4], $0x800, $0x38;
	[tilespmem:$0x19A80] =	vst v63  }
0x90: {  	_ =	swait.ge [sflag:s31], $0x800  }
0x91: {  	s19 =	sld [smem:$0x7E7]  }
0x92: {  	[sflag:s31] =	ssyncset.done $0x0  }
0x93: {  	[sflag:s31] =	ssyncadd.s32 $0xFFFFF800  }
0x94: {  	[spmem:s19] =	stream.linear.scatter [tilespmem:s30], [sflag:$0x4], $0x800, $0x38;
	[tilespmem:$0x19A80] =	vst v63  }
0x95: {  	_ =	swait.ge [sflag:s31], $0x800  }
0x96: {  	s26 =	sld [smem:$0x7E8]  }
0x97: {  	[sflag:s31] =	ssyncset.done $0x0  }
0x98: {  	[sflag:s31] =	ssyncadd.s32 $0xFFFFF800  }
0x99: {  	[spmem:s26] =	stream.linear.scatter [tilespmem:s30], [sflag:$0x4], $0x800, $0x38;
	[tilespmem:$0x19A80] =	vst v63  }
0x9a: {  	_ =	swait.ge [sflag:s31], $0x800  }
0x9b: {  	s28 =	sld [smem:$0x7E9]  }
0x9c: {  	[sflag:s31] =	ssyncset.done $0x0  }
0x9d: {  	[sflag:s31] =	ssyncadd.s32 $0xFFFFF800  }
0x9e: {  	[spmem:s28] =	stream.linear.scatter [tilespmem:s30], [sflag:$0x4], $0x800, $0x38;
	[tilespmem:$0x19A80] =	vst v63  }
0x9f: {  	_ =	swait.ge [sflag:s31], $0x800  }
0xa0: {  	s1 =	sld [smem:$0x7EA]  }
0xa1: {  	[sflag:s31] =	ssyncset.done $0x0  }
0xa2: {  	[sflag:s31] =	ssyncadd.s32 $0xFFFFF800  }
0xa3: {  	[spmem:s1] =	stream.linear.scatter [tilespmem:s30], [sflag:$0x4], $0x800, $0x38;
	[tilespmem:$0x19A80] =	vst v63  }
0xa4: {  	_ =	swait.ge [sflag:s31], $0x800  }
0xa5: {  	s2 =	sld [smem:$0x7EB]  }
0xa6: {  	[sflag:s31] =	ssyncset.done $0x0  }
0xa7: {  	[sflag:s31] =	ssyncadd.s32 $0xFFFFF800  }
0xa8: {  	[spmem:s2] =	stream.linear.scatter [tilespmem:s30], [sflag:$0x4], $0x800, $0x38;
	[tilespmem:$0x19A80] =	vst v63  }
0xa9: {  	_ =	swait.ge [sflag:s31], $0x800  }
0xaa: {  	s10 =	sld [smem:$0x7EC]  }
0xab: {  	[sflag:s31] =	ssyncset.done $0x0  }
0xac: {  	[sflag:s31] =	ssyncadd.s32 $0xFFFFF800  }
0xad: {  	[spmem:s10] =	stream.linear.scatter [tilespmem:s30], [sflag:$0x4], $0x800, $0x38;
	[tilespmem:$0x19A80] =	vst v63  }
0xae: {  	_ =	swait.ge [sflag:s31], $0x800  }
0xaf: {  	s11 =	sld [smem:$0x7ED]  }
0xb0: {  	[sflag:s31] =	ssyncset.done $0x0  }
0xb1: {  	[sflag:s31] =	ssyncadd.s32 $0xFFFFF800  }
0xb2: {  	[spmem:s11] =	stream.linear.scatter [tilespmem:s30], [sflag:$0x4], $0x800, $0x38;
	[tilespmem:$0x19A80] =	vst v63  }
0xb3: {  	_ =	swait.ge [sflag:s31], $0x800  }
0xb4: {  	s12 =	sld [smem:$0x7EE]  }
0xb5: {  	[sflag:s31] =	ssyncset.done $0x0  }
0xb6: {  	[sflag:s31] =	ssyncadd.s32 $0xFFFFF800  }
0xb7: {  	[spmem:s12] =	stream.linear.scatter [tilespmem:s30], [sflag:$0x4], $0x800, $0x38;
	[tilespmem:$0x19A80] =	vst v63  }
0xb8: {  	_ =	swait.ge [sflag:s31], $0x800  }
0xb9: {  	s17 =	sld [smem:$0x7EF]  }
0xba: {  	[sflag:s31] =	ssyncset.done $0x0  }
0xbb: {  	[sflag:s31] =	ssyncadd.s32 $0xFFFFF800  }
0xbc: {  	[spmem:s17] =	stream.linear.scatter [tilespmem:s30], [sflag:$0x4], $0x800, $0x38;
	[tilespmem:$0x19A80] =	vst v63  }
0xbd: {  	_ =	swait.ge [sflag:s31], $0x800  }
0xbe: {  	s18 =	sld [smem:$0x7F0]  }
0xbf: {  	[sflag:s31] =	ssyncset.done $0x0  }
0xc0: {  	[sflag:s31] =	ssyncadd.s32 $0xFFFFF800  }
0xc1: {  	[spmem:s18] =	stream.linear.scatter [tilespmem:s30], [sflag:$0x4], $0x800, $0x38;
	[tilespmem:$0x19A80] =	vst v63  }
0xc2: {  	_ =	swait.ge [sflag:s31], $0x800  }
0xc3: {  	s19 =	sld [smem:$0x7F1]  }
0xc4: {  	[sflag:s31] =	ssyncset.done $0x0  }
0xc5: {  	[sflag:s31] =	ssyncadd.s32 $0xFFFFF800  }
0xc6: {  	[spmem:s19] =	stream.linear.scatter [tilespmem:s30], [sflag:$0x4], $0x800, $0x38;
	[tilespmem:$0x19A80] =	vst v63  }
0xc7: {  	_ =	swait.ge [sflag:s31], $0x800  }
0xc8: {  	s26 =	sld [smem:$0x7F2]  }
0xc9: {  	[sflag:s31] =	ssyncset.done $0x0  }
0xca: {  	[sflag:s31] =	ssyncadd.s32 $0xFFFFF800  }
0xcb: {  	[spmem:s26] =	stream.linear.scatter [tilespmem:s30], [sflag:$0x4], $0x800, $0x38;
	[tilespmem:$0x19A80] =	vst v63  }
0xcc: {  	_ =	swait.ge [sflag:s31], $0x800  }
0xcd: {  	s28 =	sld [smem:$0x7F3]  }
0xce: {  	[sflag:s31] =	ssyncset.done $0x0  }
0xcf: {  	[sflag:s31] =	ssyncadd.s32 $0xFFFFF800  }
0xd0: {  	[spmem:s28] =	stream.linear.scatter [tilespmem:s30], [sflag:$0x4], $0x800, $0x38;
	[tilespmem:$0x19A80] =	vst v63  }
0xd1: {  	_ =	swait.ge [sflag:s31], $0x800  }
0xd2: {  	s1 =	sld [smem:$0x7F4]  }
0xd3: {  	[sflag:s31] =	ssyncset.done $0x0  }
0xd4: {  	[sflag:s31] =	ssyncadd.s32 $0xFFFFF800  }
0xd5: {  	[spmem:s1] =	stream.linear.scatter [tilespmem:s30], [sflag:$0x4], $0x800, $0x38;
	[tilespmem:$0x19A80] =	vst v63  }
0xd6: {  	_ =	swait.ge [sflag:s31], $0x800  }
0xd7: {  	s2 =	sld [smem:$0x7F5]  }
0xd8: {  	[sflag:s31] =	ssyncset.done $0x0  }
0xd9: {  	[sflag:s31] =	ssyncadd.s32 $0xFFFFF800  }
0xda: {  	[spmem:s2] =	stream.linear.scatter [tilespmem:s30], [sflag:$0x4], $0x800, $0x38;
	[tilespmem:$0x19A80] =	vst v63  }
0xdb: {  	_ =	swait.ge [sflag:s31], $0x800  }
0xdc: {  	s10 =	sld [smem:$0x7F6]  }
0xdd: {  	[sflag:s31] =	ssyncset.done $0x0  }
0xde: {  	[sflag:s31] =	ssyncadd.s32 $0xFFFFF800  }
0xdf: {  	[spmem:s10] =	stream.linear.scatter [tilespmem:s30], [sflag:$0x4], $0x800, $0x38;
	[tilespmem:$0x19A80] =	vst v63  }
0xe0: {  	_ =	swait.ge [sflag:s31], $0x800  }
0xe1: {  	s11 =	sld [smem:$0x7F7]  }
0xe2: {  	[sflag:s31] =	ssyncset.done $0x0  }
0xe3: {  	[sflag:s31] =	ssyncadd.s32 $0xFFFFF800  }
0xe4: {  	[spmem:s11] =	stream.linear.scatter [tilespmem:s30], [sflag:$0x4], $0x800, $0x38;
	[tilespmem:$0x19A80] =	vst v63  }
0xe5: {  	_ =	swait.ge [sflag:s31], $0x800  }
0xe6: {  	s12 =	sld [smem:$0x7F8]  }
0xe7: {  	[sflag:s31] =	ssyncset.done $0x0  }
0xe8: {  	[sflag:s31] =	ssyncadd.s32 $0xFFFFF800  }
0xe9: {  	[spmem:s12] =	stream.linear.scatter [tilespmem:s30], [sflag:$0x4], $0x800, $0x38;
	[tilespmem:$0x19A80] =	vst v63  }
0xea: {  	_ =	swait.ge [sflag:s31], $0x800  }
0xeb: {  	s17 =	sld [smem:$0x7F9]  }
0xec: {  	[sflag:s31] =	ssyncset.done $0x0  }
0xed: {  	[sflag:s31] =	ssyncadd.s32 $0xFFFFF800  }
0xee: {  	[spmem:s17] =	stream.linear.scatter [tilespmem:s30], [sflag:$0x4], $0x800, $0x38;
	[tilespmem:$0x19A80] =	vst v63  }
0xef: {  	_ =	swait.ge [sflag:s31], $0x800  }
0xf0: {  	s18 =	sld [smem:$0x7FA]  }
0xf1: {  	[sflag:s31] =	ssyncset.done $0x0  }
0xf2: {  	[sflag:s31] =	ssyncadd.s32 $0xFFFFF800  }
0xf3: {  	[spmem:s18] =	stream.linear.scatter [tilespmem:s30], [sflag:$0x4], $0x800, $0x38;
	[tilespmem:$0x19A80] =	vst v63  }
0xf4: {  	_ =	swait.ge [sflag:s31], $0x800  }
0xf5: {  	s19 =	sld [smem:$0x7FB]  }
0xf6: {  	[sflag:s31] =	ssyncset.done $0x0  }
0xf7: {  	[sflag:s31] =	ssyncadd.s32 $0xFFFFF800  }
0xf8: {  	[spmem:s19] =	stream.linear.scatter [tilespmem:s30], [sflag:$0x4], $0x800, $0x38;
	[tilespmem:$0x19A80] =	vst v63  }
0xf9: {  	_ =	swait.ge [sflag:s31], $0x800  }
0xfa: {  	s26 =	sld [smem:$0x7FC]  }
0xfb: {  	[sflag:s31] =	ssyncset.done $0x0  }
0xfc: {  	[sflag:s31] =	ssyncadd.s32 $0xFFFFF800  }
0xfd: {  	[spmem:s26] =	stream.linear.scatter [tilespmem:s30], [sflag:$0x4], $0x800, $0x38;
	[tilespmem:$0x19A80] =	vst v63  }
0xfe: {  	_ =	swait.ge [sflag:s31], $0x800  }
0xff: {  	s28 =	sld [smem:$0x7FD]  }
0x100: {  	[sflag:s31] =	ssyncset.done $0x0  }
0x101: {  	[sflag:s31] =	ssyncadd.s32 $0xFFFFF800  }
0x102: {  	[spmem:s28] =	stream.linear.scatter [tilespmem:s30], [sflag:$0x4], $0x800, $0x38;
	[tilespmem:$0x19A80] =	vst v63  }
0x103: {  	_ =	swait.ge [sflag:s31], $0x800  }
0x104: {  	[sflag:s31] =	ssyncset.done $0x0  }
0x105: {  	[sflag:s31] =	ssyncadd.s32 $0xFFFFF800  }
0x106: {  	[bflag:$0x0] =	sbarrier.arrive $0xFFFF  }
0x107: {  	s1 =	rddreg [dreg:$0x6]  }
0x108: {  	[tilespmem:s25], [sflag:$0x1] =	stream.linear.gather [hbm4b:s1+s25], $0x10, $0x38;
	[tilespmem:$0x19A80] =	vst v63  }
0x109: {  	s2 =	rddreg [dreg:$0x8];
	s1 =	simm.s32 $0x100  }
0x10a: {  	[tilespmem:s1], [sflag:$0x1] =	stream.linear.gather [hbm4b:s2+s25], $0x10, $0x38;
	[tilespmem:$0x19A80] =	vst v63  }
0x10b: {  	s10 =	rddreg [dreg:$0x9]  }
0x10c: {  	[tilespmem:s6], [sflag:$0x1] =	stream.linear.gather [hbm4b:s10+s25], $0x10, $0x38;
	[tilespmem:$0x19A80] =	vst v63  }
0x10d: {  	s12 =	simm.s32 $0x180;
	s11 =	rddreg [dreg:$0xa]  }
0x10e: {  	[tilespmem:s12], [sflag:$0x1] =	stream.linear.gather [hbm4b:s11+s25], $0x10, $0x38;
	[tilespmem:$0x19A80] =	vst v63  }
0x10f: {  	_ =	swait.ge [sflag:s14], $0x10  }
0x110: {  	[sflag:s14] =	ssyncset.done $0x0  }
0x111: {  	[sflag:s14] =	ssyncadd.s32 $0xFFFFFFF0  }
0x112: {  	_ =	swait.ge [sflag:s14], $0x10  }
0x113: {  	[sflag:s14] =	ssyncset.done $0x0  }
0x114: {  	s17 =	simm.s32 $0x200;
	[sflag:s14] =	ssyncadd.s32 $0xFFFFFFF0  }
0x115: {  	[tilespmem:s17], [sflag:$0x2] =	stream.indirect.gather [hbm4b:s7+s16], $0x80, s25, s16, $0xb8;
	[tilespmem:$0x19A80] =	vst v63  }
0x116: {  	v4 =	vld [tilespmem:$0x100];
	_ =	sdelay $0x4  }
0x117: {  	v5 =	vshll.u32 v4, $0x1  }
0x118: {  	v4 =	vand.u32 $0x7, v4;
	v5 =	vand.u32 $0xFFFFFFF0, v5  }
0x119: {  	v4 =	vor.u32 v4, v5  }
0x11a: {  	v5 =	vperm.xlane v4, v1;
	_ =	sdelay $0x1  }
0x11b: {  	v4 =	vperm.xlane v4, v3;
	v5 =	vadd.s32 v2, v5;
	_ =	sdelay $0x1  }
0x11c: {  	v4 =	vadd.s32 v2, v4;
	_ =	sdelay $0x1  }
0x11d: {  	s18 =	simm.s32 $0x1200  }
0x11e: {  	[tilespmem:s18], [sflag:$0x2] =	stream.indirect_vreg.gather [hbm4b:s8+s25], $0x80, v5, vm0, $0xb8;
	[tilespmem:$0x19A80] =	vst v63  }
0x11f: {  	s19 =	simm.s32 $0x1A00  }
0x120: {  	[tilespmem:s19], [sflag:$0x2] =	stream.indirect_vreg.gather [hbm4b:s8+s25], $0x80, v4, vm0, $0xb8;
	[tilespmem:$0x19A80] =	vst v63  }
0x121: {  	s28 =	simm.s32 $0x3200;
	s26 =	rddreg [dreg:$0xb]  }
0x122: {  	[tilespmem:s28], [sflag:$0x2] =	stream.linear.gather [hbm4b:s26+s25], $0x1000, $0x38;
	[tilespmem:$0x19A80] =	vst v63  }
0x123: {  	s26 =	simm.s32 $0x0  }
0x124: {  	[tilespmem:s22], [sflag:$0x3] =	stream.linear.gather [hbm4b:s21+s25], $0x800, $0x38;
	[tilespmem:$0x19A80] =	vst v63  }
.LBB2_4:
0x125: {  	_ =	swait.ge [sflag:s23], $0x800  }
0x126: {  	[sflag:s23] =	ssyncset.done $0x0  }
0x127: {  	[sflag:s23] =	ssyncadd.s32 $0xFFFFF800  }
0x128: {  	_ =	swait.ge [sflag:s23], $0x1000  }
0x129: {  	[sflag:s23] =	ssyncset.done $0x0  }
0x12a: {  	[sflag:s23] =	ssyncadd.s32 $0xFFFFF000  }
0x12b: {  	_ =	swait.ge [sflag:s23], $0x1000  }
0x12c: {  	[sflag:s23] =	ssyncset.done $0x0  }
0x12d: {  	[sflag:s23] =	ssyncadd.s32 $0xFFFFF000  }
0x12e: {  	_ =	swait.ge [sflag:s24], $0x800  }
0x12f: {  	[sflag:s24] =	ssyncset.done $0x0  }
0x130: {  	[sflag:s24] =	ssyncadd.s32 $0xFFFFF800  }
0x131: {  	_ =	swait.ge [sflag:s14], $0x10  }
0x132: {  	[sflag:s14] =	ssyncset.done $0x0  }
0x133: {  	[sflag:s14] =	ssyncadd.s32 $0xFFFFFFF0  }
0x134: {  	_ =	swait.ge [sflag:s14], $0x10  }
0x135: {  	[sflag:s14] =	ssyncset.done $0x0  }
0x136: {  	s0 =	simm.s32 $0xA00;
	[sflag:s14] =	ssyncadd.s32 $0xFFFFFFF0  }
0x137: {  	[tilespmem:s0], [sflag:$0x2] =	stream.indirect.gather [hbm4b:s7+s16], $0x80, s6, s16, $0xb8;
	[tilespmem:$0x19A80] =	vst v63  }
0x138: {  	v4 =	vld [tilespmem:$0x180];
	_ =	sdelay $0x4  }
0x139: {  	v5 =	vshll.u32 v4, $0x1  }
0x13a: {  	v4 =	vand.u32 $0x7, v4;
	v5 =	vand.u32 $0xFFFFFFF0, v5  }
0x13b: {  	v4 =	vor.u32 v4, v5  }
0x13c: {  	v5 =	vperm.xlane v4, v1;
	_ =	sdelay $0x1  }
0x13d: {  	v4 =	vperm.xlane v4, v3;
	v5 =	vadd.s32 v2, v5;
	_ =	sdelay $0x1  }
0x13e: {  	v4 =	vadd.s32 v2, v4  }
0x13f: {  	s11 =	sshll.u32 s26, $0x5;
	s12 =	rddreg [dreg:$0x7]  }
0x140: {  	s1 =	simm.s32 $0x2200;
	s28 =	sadd.s32 s11, s12  }
0x141: {  	[tilespmem:s1], [sflag:$0x2] =	stream.indirect_vreg.gather [hbm4b:s8+s25], $0x80, v5, vm0, $0xb8;
	[tilespmem:$0x19A80] =	vst v63  }
0x142: {  	s17 =	simm.s32 $0x2A00;
	s19 =	simm.s32 $0x4200;
	s18 =	sshll.u32 s28, $0x5  }
0x143: {  	[tilespmem:s17], [sflag:$0x2] =	stream.indirect_vreg.gather [hbm4b:s8+s25], $0x80, v4, vm0, $0xb8;
	[tilespmem:$0x19A80] =	vst v63  }
0x144: {  	s11 =	simm.s32 $0x5240;
	s12 =	simm.s32 $0x5A40;
	s0 =	sadd.s32 s9, s18  }
0x145: {  	[tilespmem:s19], [sflag:$0x2] =	stream.linear.gather [hbm4b:s0+s25], $0x1000, $0x38;
	[tilespmem:$0x19A80] =	vst v63  }
0x146: {  	s18 =	simm.s32 $0x0;
	s17 =	simm.s32 $0x0;
	s0 =	simm.s32 $0x240  }
.LBB2_5:
0x147: {  	s1 =	sand.u32 $0x800, s17;
	s19 =	sand.u32 $0x380, s18  }
0x148: {  	v4 =	vld [tilespmem:s0+$0xFFFFFFC0];
	s19 =	sor.u32 s19, s1  }
0x149: {  	v5 =	vld [tilespmem:s19+$0x1200];
	_ =	sdelay $0x1  }
0x14a: {  	v6 =	vld [tilespmem:s19+$0x3200];
	_ =	sdelay $0x2  }
0x14b: {  	v4 =	vadd.f32 v5, v4;
	_ =	sdelay $0x1  }
0x14c: {  	v4 =	vadd.f32 v6, v4;
	_ =	sdelay $0x1  }
0x14d: {  	v5 =	vsub.f32 $0.0e+00, v4;
	_ =	sdelay $0x1  }
0x14e: {  	v5 =	vmul.f32 $1.442695020e+00, v5;
	_ =	sdelay $0x1  }
0x14f: {  	(erf) = vpow2.f32 v5;
	_ =	sdelay $0x8  }
0x150: {  	v5 =	vld [tilespmem:s19+$0x3600];
	v49 =	vpop (erf)  }
0x151: {  	v6 =	vadd.f32 $1.000000000e+00, v49;
	_ =	sdelay $0x1  }
0x152: {  	(erf) = vrcp.f32 v6  }
0x153: {  	v4 =	vmax.f32 v4, $0.0e+00  }
0x154: {  	v4 =	vadd.f32 v4, v5;
	_ =	sdelay $0x1  }
0x155: {  	[tilespmem:s11+$0xFFFFFFC0] =	vst v4  }
0x156: {  	v4 =	vld [tilespmem:s19+$0x1600];
	_ =	sdelay $0x3  }
0x157: {  	v5 =	vpop (erf)  }
0x158: {  	v4 =	vmul.f32 v5, v4;
	_ =	sdelay $0x1  }
0x159: {  	[tilespmem:s12+$0xFFFFFFC0] =	vst v4  }
0x15a: {  	v4 =	vld [tilespmem:s0+$0xFFFFFFD0]  }
0x15b: {  	v5 =	vld [tilespmem:s19+$0x1210];
	_ =	sdelay $0x1  }
0x15c: {  	v50 =	vld [tilespmem:s19+$0x3210];
	_ =	sdelay $0x2  }
0x15d: {  	v4 =	vadd.f32 v5, v4;
	_ =	sdelay $0x1  }
0x15e: {  	v4 =	vadd.f32 v50, v4;
	_ =	sdelay $0x1  }
0x15f: {  	v5 =	vsub.f32 $0.0e+00, v4;
	_ =	sdelay $0x1  }
0x160: {  	v5 =	vmul.f32 $1.442695020e+00, v5;
	_ =	sdelay $0x1  }
0x161: {  	(erf) = vpow2.f32 v5;
	_ =	sdelay $0x8  }
0x162: {  	v5 =	vld [tilespmem:s19+$0x3610];
	v51 =	vpop (erf)  }
0x163: {  	v6 =	vadd.f32 $1.000000000e+00, v51;
	_ =	sdelay $0x1  }
0x164: {  	(erf) = vrcp.f32 v6  }
0x165: {  	v4 =	vmax.f32 v4, $0.0e+00  }
0x166: {  	v4 =	vadd.f32 v4, v5;
	_ =	sdelay $0x1  }
0x167: {  	[tilespmem:s11+$0xFFFFFFD0] =	vst v4  }
0x168: {  	v4 =	vld [tilespmem:s19+$0x1610];
	_ =	sdelay $0x3  }
0x169: {  	v5 =	vpop (erf)  }
0x16a: {  	v4 =	vmul.f32 v5, v4;
	_ =	sdelay $0x1  }
0x16b: {  	[tilespmem:s12+$0xFFFFFFD0] =	vst v4  }
0x16c: {  	v4 =	vld [tilespmem:s0+$0xFFFFFFE0]  }
0x16d: {  	v5 =	vld [tilespmem:s19+$0x1220];
	_ =	sdelay $0x1  }
0x16e: {  	v52 =	vld [tilespmem:s19+$0x3220];
	_ =	sdelay $0x2  }
0x16f: {  	v4 =	vadd.f32 v5, v4;
	_ =	sdelay $0x1  }
0x170: {  	v4 =	vadd.f32 v52, v4;
	_ =	sdelay $0x1  }
0x171: {  	v5 =	vsub.f32 $0.0e+00, v4;
	_ =	sdelay $0x1  }
0x172: {  	v5 =	vmul.f32 $1.442695020e+00, v5;
	_ =	sdelay $0x1  }
0x173: {  	(erf) = vpow2.f32 v5;
	_ =	sdelay $0x8  }
0x174: {  	v5 =	vld [tilespmem:s19+$0x3620];
	v53 =	vpop (erf)  }
0x175: {  	v6 =	vadd.f32 $1.000000000e+00, v53;
	_ =	sdelay $0x1  }
0x176: {  	(erf) = vrcp.f32 v6  }
0x177: {  	v4 =	vmax.f32 v4, $0.0e+00  }
0x178: {  	v4 =	vadd.f32 v4, v5;
	_ =	sdelay $0x1  }
0x179: {  	[tilespmem:s11+$0xFFFFFFE0] =	vst v4  }
0x17a: {  	v4 =	vld [tilespmem:s19+$0x1620];
	_ =	sdelay $0x3  }
0x17b: {  	v5 =	vpop (erf)  }
0x17c: {  	v4 =	vmul.f32 v5, v4;
	_ =	sdelay $0x1  }
0x17d: {  	[tilespmem:s12+$0xFFFFFFE0] =	vst v4  }
0x17e: {  	v4 =	vld [tilespmem:s0+$0xFFFFFFF0]  }
0x17f: {  	v5 =	vld [tilespmem:s19+$0x1230];
	_ =	sdelay $0x1  }
0x180: {  	v54 =	vld [tilespmem:s19+$0x3230];
	_ =	sdelay $0x2  }
0x181: {  	v4 =	vadd.f32 v5, v4;
	_ =	sdelay $0x1  }
0x182: {  	v4 =	vadd.f32 v54, v4;
	_ =	sdelay $0x1  }
0x183: {  	v5 =	vsub.f32 $0.0e+00, v4;
	_ =	sdelay $0x1  }
0x184: {  	v5 =	vmul.f32 $1.442695020e+00, v5;
	_ =	sdelay $0x1  }
0x185: {  	(erf) = vpow2.f32 v5;
	_ =	sdelay $0x8  }
0x186: {  	v5 =	vld [tilespmem:s19+$0x3630];
	v55 =	vpop (erf)  }
0x187: {  	v6 =	vadd.f32 $1.000000000e+00, v55;
	_ =	sdelay $0x1  }
0x188: {  	(erf) = vrcp.f32 v6  }
0x189: {  	v4 =	vmax.f32 v4, $0.0e+00  }
0x18a: {  	v4 =	vadd.f32 v4, v5;
	_ =	sdelay $0x1  }
0x18b: {  	[tilespmem:s11+$0xFFFFFFF0] =	vst v4  }
0x18c: {  	v4 =	vld [tilespmem:s19+$0x1630];
	_ =	sdelay $0x3  }
0x18d: {  	v5 =	vpop (erf)  }
0x18e: {  	v4 =	vmul.f32 v5, v4;
	_ =	sdelay $0x1  }
0x18f: {  	[tilespmem:s12+$0xFFFFFFF0] =	vst v4  }
0x190: {  	v4 =	vld [tilespmem:s0+$0x0]  }
0x191: {  	v5 =	vld [tilespmem:s19+$0x1240];
	_ =	sdelay $0x1  }
0x192: {  	v56 =	vld [tilespmem:s19+$0x3240];
	_ =	sdelay $0x2  }
0x193: {  	v4 =	vadd.f32 v5, v4;
	_ =	sdelay $0x1  }
0x194: {  	v4 =	vadd.f32 v56, v4;
	_ =	sdelay $0x1  }
0x195: {  	v5 =	vsub.f32 $0.0e+00, v4;
	_ =	sdelay $0x1  }
0x196: {  	v5 =	vmul.f32 $1.442695020e+00, v5;
	_ =	sdelay $0x1  }
0x197: {  	(erf) = vpow2.f32 v5;
	_ =	sdelay $0x8  }
0x198: {  	v5 =	vld [tilespmem:s19+$0x3640];
	v57 =	vpop (erf)  }
0x199: {  	v6 =	vadd.f32 $1.000000000e+00, v57;
	_ =	sdelay $0x1  }
0x19a: {  	(erf) = vrcp.f32 v6  }
0x19b: {  	v4 =	vmax.f32 v4, $0.0e+00  }
0x19c: {  	v4 =	vadd.f32 v4, v5;
	_ =	sdelay $0x1  }
0x19d: {  	[tilespmem:s11+$0x0] =	vst v4  }
0x19e: {  	v4 =	vld [tilespmem:s19+$0x1640];
	_ =	sdelay $0x3  }
0x19f: {  	v5 =	vpop (erf)  }
0x1a0: {  	v4 =	vmul.f32 v5, v4;
	_ =	sdelay $0x1  }
0x1a1: {  	[tilespmem:s12+$0x0] =	vst v4  }
0x1a2: {  	v4 =	vld [tilespmem:s0+$0x10]  }
0x1a3: {  	v5 =	vld [tilespmem:s19+$0x1250];
	_ =	sdelay $0x1  }
0x1a4: {  	v58 =	vld [tilespmem:s19+$0x3250];
	_ =	sdelay $0x2  }
0x1a5: {  	v4 =	vadd.f32 v5, v4;
	_ =	sdelay $0x1  }
0x1a6: {  	v4 =	vadd.f32 v58, v4;
	_ =	sdelay $0x1  }
0x1a7: {  	v5 =	vsub.f32 $0.0e+00, v4;
	_ =	sdelay $0x1  }
0x1a8: {  	v5 =	vmul.f32 $1.442695020e+00, v5;
	_ =	sdelay $0x1  }
0x1a9: {  	(erf) = vpow2.f32 v5;
	_ =	sdelay $0x8  }
0x1aa: {  	v5 =	vld [tilespmem:s19+$0x3650];
	v59 =	vpop (erf)  }
0x1ab: {  	v6 =	vadd.f32 $1.000000000e+00, v59;
	_ =	sdelay $0x1  }
0x1ac: {  	(erf) = vrcp.f32 v6  }
0x1ad: {  	v4 =	vmax.f32 v4, $0.0e+00  }
0x1ae: {  	v4 =	vadd.f32 v4, v5;
	_ =	sdelay $0x1  }
0x1af: {  	[tilespmem:s11+$0x10] =	vst v4  }
0x1b0: {  	v4 =	vld [tilespmem:s19+$0x1650];
	_ =	sdelay $0x3  }
0x1b1: {  	v5 =	vpop (erf)  }
0x1b2: {  	v4 =	vmul.f32 v5, v4;
	_ =	sdelay $0x1  }
0x1b3: {  	[tilespmem:s12+$0x10] =	vst v4  }
0x1b4: {  	v4 =	vld [tilespmem:s0+$0x20]  }
0x1b5: {  	v5 =	vld [tilespmem:s19+$0x1260];
	_ =	sdelay $0x1  }
0x1b6: {  	v60 =	vld [tilespmem:s19+$0x3260];
	_ =	sdelay $0x2  }
0x1b7: {  	v4 =	vadd.f32 v5, v4;
	_ =	sdelay $0x1  }
0x1b8: {  	v4 =	vadd.f32 v60, v4;
	_ =	sdelay $0x1  }
0x1b9: {  	v5 =	vsub.f32 $0.0e+00, v4;
	_ =	sdelay $0x1  }
0x1ba: {  	v5 =	vmul.f32 $1.442695020e+00, v5;
	_ =	sdelay $0x1  }
0x1bb: {  	(erf) = vpow2.f32 v5;
	_ =	sdelay $0x8  }
0x1bc: {  	v5 =	vld [tilespmem:s19+$0x3660];
	v61 =	vpop (erf)  }
0x1bd: {  	v6 =	vadd.f32 $1.000000000e+00, v61;
	_ =	sdelay $0x1  }
0x1be: {  	(erf) = vrcp.f32 v6  }
0x1bf: {  	v4 =	vmax.f32 v4, $0.0e+00  }
0x1c0: {  	v4 =	vadd.f32 v4, v5;
	_ =	sdelay $0x1  }
0x1c1: {  	[tilespmem:s11+$0x20] =	vst v4  }
0x1c2: {  	v4 =	vld [tilespmem:s19+$0x1660];
	_ =	sdelay $0x3  }
0x1c3: {  	v5 =	vpop (erf)  }
0x1c4: {  	v4 =	vmul.f32 v5, v4;
	_ =	sdelay $0x1  }
0x1c5: {  	[tilespmem:s12+$0x20] =	vst v4  }
0x1c6: {  	v4 =	vld [tilespmem:s0+$0x30]  }
0x1c7: {  	v5 =	vld [tilespmem:s19+$0x1270];
	_ =	sdelay $0x1  }
0x1c8: {  	v62 =	vld [tilespmem:s19+$0x3270];
	_ =	sdelay $0x2  }
0x1c9: {  	v4 =	vadd.f32 v5, v4;
	_ =	sdelay $0x1  }
0x1ca: {  	v4 =	vadd.f32 v62, v4;
	_ =	sdelay $0x1  }
0x1cb: {  	v5 =	vsub.f32 $0.0e+00, v4;
	_ =	sdelay $0x1  }
0x1cc: {  	v5 =	vmul.f32 $1.442695020e+00, v5;
	_ =	sdelay $0x1  }
0x1cd: {  	(erf) = vpow2.f32 v5;
	_ =	sdelay $0x8  }
0x1ce: {  	v5 =	vld [tilespmem:s19+$0x3670];
	v63 =	vpop (erf)  }
0x1cf: {  	v6 =	vadd.f32 $1.000000000e+00, v63;
	_ =	sdelay $0x1  }
0x1d0: {  	(erf) = vrcp.f32 v6  }
0x1d1: {  	v4 =	vmax.f32 v4, $0.0e+00  }
0x1d2: {  	v4 =	vadd.f32 v4, v5;
	_ =	sdelay $0x1  }
0x1d3: {  	[tilespmem:s11+$0x30] =	vst v4  }
0x1d4: {  	v4 =	vld [tilespmem:s19+$0x1670];
	_ =	sdelay $0x1  }
0x1d5: {  	p1 =	sne.s32 s18, $0x780  }
.Ltmp1:
0x1d6: {  	_ = 	snop;
	(pc) =	sbr.rel @p1 .LBB2_5-.Ltmp1, $4  }
0x1d7: {  	v5 =	vpop (erf)  }
0x1d8: {  	v4 =	vmul.f32 v5, v4  }
0x1d9: {  	s17 =	sadd.s32 $0x100, s17;
	s18 =	sadd.s32 $0x80, s18  }
0x1da: {  	s0 =	sadd.s32 $0x80, s0;
	s11 =	sadd.s32 $0x80, s11;
	[tilespmem:s12+$0x30] =	vst v4;
	s12 =	sadd.s32 $0x80, s12  }
0x1db: {  	s0 =	sshll.u32 s26, $0xC  }
0x1dc: {  	s0 =	sadd.s32 s20, s0  }
0x1dd: {  	s10 =	smov.u32 s21;
	s11 =	sshll.u32 s26, $0x1;
	s0 =	sshrl.u32 s0, $0x3  }
0x1de: {  	s1 =	sadd.s32 s21, s0;
	s0 =	simm.s32 $0x0;
	s21 =	sadd.s32 $0x2, s11  }
0x1df: {  	[hbm4b:s1+s0] =	stream.linear.scatter [tilespmem:s22], [sflag:$0x3], $0x800, $0x38;
	[tilespmem:$0x19A80] =	vst v63  }
0x1e0: {  	s12 =	sshll.u32 s21, $0x4  }
0x1e1: {  	[spmem:s13] =	stream.indirect.scatter.add.f32 [tilespmem:s30], [sflag:$0x4], $0x80, s0, s16, $0xb8;
	[tilespmem:$0x19A80] =	vst v63  }
0x1e2: {  	s12 =	sadd.s32 s15, s12;
	_ =	swait.ge [sflag:s31], $0x800  }
0x1e3: {  	s12 =	sshrl.u32 s12, $0x3;
	[sflag:s31] =	ssyncset.done $0x0  }
0x1e4: {  	s17 =	sadd.s32 s4, s12;
	[sflag:s31] =	ssyncadd.s32 $0xFFFFF800  }
0x1e5: {  	[tilespmem:s0], [sflag:$0x1] =	stream.linear.gather [hbm4b:s17+s0], $0x10, $0x38;
	[tilespmem:$0x19A80] =	vst v63  }
0x1e6: {  	s2 =	simm.s32 $0x100;
	s12 =	sadd.s32 s5, s12  }
0x1e7: {  	[tilespmem:s2], [sflag:$0x1] =	stream.linear.gather [hbm4b:s12+s0], $0x10, $0x38;
	[tilespmem:$0x19A80] =	vst v63  }
0x1e8: {  	_ =	swait.ge [sflag:s23], $0x800  }
0x1e9: {  	[sflag:s23] =	ssyncset.done $0x0  }
0x1ea: {  	[sflag:s23] =	ssyncadd.s32 $0xFFFFF800  }
0x1eb: {  	_ =	swait.ge [sflag:s23], $0x1000  }
0x1ec: {  	[sflag:s23] =	ssyncset.done $0x0  }
0x1ed: {  	[sflag:s23] =	ssyncadd.s32 $0xFFFFF000  }
0x1ee: {  	_ =	swait.ge [sflag:s23], $0x1000  }
0x1ef: {  	[sflag:s23] =	ssyncset.done $0x0  }
0x1f0: {  	[sflag:s23] =	ssyncadd.s32 $0xFFFFF000  }
0x1f1: {  	_ =	swait.ge [sflag:s24], $0x800  }
0x1f2: {  	[sflag:s24] =	ssyncset.done $0x0  }
0x1f3: {  	[sflag:s24] =	ssyncadd.s32 $0xFFFFF800  }
0x1f4: {  	_ =	swait.ge [sflag:s14], $0x10  }
0x1f5: {  	[sflag:s14] =	ssyncset.done $0x0  }
0x1f6: {  	[sflag:s14] =	ssyncadd.s32 $0xFFFFFFF0  }
0x1f7: {  	_ =	swait.ge [sflag:s14], $0x10  }
0x1f8: {  	[sflag:s14] =	ssyncset.done $0x0  }
0x1f9: {  	s12 =	simm.s32 $0x200;
	[sflag:s14] =	ssyncadd.s32 $0xFFFFFFF0  }
0x1fa: {  	[tilespmem:s12], [sflag:$0x2] =	stream.indirect.gather [hbm4b:s7+s16], $0x80, s0, s16, $0xb8;
	[tilespmem:$0x19A80] =	vst v63  }
0x1fb: {  	v4 =	vld [tilespmem:$0x100];
	_ =	sdelay $0x4  }
0x1fc: {  	v5 =	vshll.u32 v4, $0x1  }
0x1fd: {  	v4 =	vand.u32 $0x7, v4;
	v5 =	vand.u32 $0xFFFFFFF0, v5  }
0x1fe: {  	v4 =	vor.u32 v4, v5  }
0x1ff: {  	v5 =	vperm.xlane v4, v1;
	_ =	sdelay $0x1  }
0x200: {  	v4 =	vperm.xlane v4, v3;
	v5 =	vadd.s32 v2, v5;
	_ =	sdelay $0x1  }
0x201: {  	v4 =	vadd.s32 v2, v4  }
0x202: {  	s18 =	simm.s32 $0x1A00;
	s1 =	sshll.u32 s21, $0xC;
	s19 =	rddreg [dreg:$0xc]  }
0x203: {  	s21 =	simm.s32 $0x3200;
	s17 =	simm.s32 $0x1200;
	s1 =	sadd.s32 s19, s1  }
0x204: {  	[tilespmem:s17], [sflag:$0x2] =	stream.indirect_vreg.gather [hbm4b:s8+s0], $0x80, v5, vm0, $0xb8;
	[tilespmem:$0x19A80] =	vst v63  }
0x205: {  	s19 =	simm.s32 $0x0;
	s1 =	sshrl.u32 s1, $0x3;
	s12 =	simm.s32 $0x5240  }
0x206: {  	[tilespmem:s18], [sflag:$0x2] =	stream.indirect_vreg.gather [hbm4b:s8+s0], $0x80, v4, vm0, $0xb8;
	[tilespmem:$0x19A80] =	vst v63  }
0x207: {  	s1 =	sadd.s32 s9, s1;
	s17 =	simm.s32 $0x5A40;
	s18 =	simm.s32 $0xA70  }
0x208: {  	[tilespmem:s21], [sflag:$0x2] =	stream.linear.gather [hbm4b:s1+s0], $0x1000, $0x38;
	[tilespmem:$0x19A80] =	vst v63  }
.LBB2_7:
0x209: {  	s1 =	sand.u32 $0x800, s0;
	s21 =	sand.u32 $0x380, s19  }
0x20a: {  	v4 =	vld [tilespmem:s18+$0xFFFFFF90];
	s21 =	sor.u32 s21, s1  }
0x20b: {  	v5 =	vld [tilespmem:s21+$0x2200];
	_ =	sdelay $0x1  }
0x20c: {  	v6 =	vld [tilespmem:s21+$0x4200];
	_ =	sdelay $0x2  }
0x20d: {  	v4 =	vadd.f32 v5, v4;
	_ =	sdelay $0x1  }
0x20e: {  	v4 =	vadd.f32 v6, v4;
	_ =	sdelay $0x1  }
0x20f: {  	v5 =	vsub.f32 $0.0e+00, v4;
	_ =	sdelay $0x1  }
0x210: {  	v5 =	vmul.f32 $1.442695020e+00, v5;
	_ =	sdelay $0x1  }
0x211: {  	(erf) = vpow2.f32 v5;
	_ =	sdelay $0x5  }
0x212: {  	s2 =	sand.u32 $0xFFFFF800, s0  }
0x213: {  	s1 =	sadd.s32 s2, s19  }
0x214: {  	s2 =	sor.u32 $0x1400, s1  }
0x215: {  	v5 =	vld [tilespmem:s2+$0x3200];
	v49 =	vpop (erf)  }
0x216: {  	v6 =	vadd.f32 $1.000000000e+00, v49;
	_ =	sdelay $0x1  }
0x217: {  	(erf) = vrcp.f32 v6  }
0x218: {  	v4 =	vmax.f32 v4, $0.0e+00  }
0x219: {  	v4 =	vadd.f32 v4, v5;
	_ =	sdelay $0x1  }
0x21a: {  	[tilespmem:s12+$0xFFFFFFC0] =	vst v4  }
0x21b: {  	v4 =	vld [tilespmem:s2+$0x1200];
	_ =	sdelay $0x3  }
0x21c: {  	v5 =	vpop (erf)  }
0x21d: {  	v4 =	vmul.f32 v5, v4;
	_ =	sdelay $0x1  }
0x21e: {  	[tilespmem:s17+$0xFFFFFFC0] =	vst v4  }
0x21f: {  	v4 =	vld [tilespmem:s18+$0xFFFFFFA0]  }
0x220: {  	v5 =	vld [tilespmem:s21+$0x2210];
	_ =	sdelay $0x1  }
0x221: {  	v50 =	vld [tilespmem:s21+$0x4210];
	_ =	sdelay $0x2  }
0x222: {  	v4 =	vadd.f32 v5, v4;
	_ =	sdelay $0x1  }
0x223: {  	v4 =	vadd.f32 v50, v4;
	_ =	sdelay $0x1  }
0x224: {  	v5 =	vsub.f32 $0.0e+00, v4;
	_ =	sdelay $0x1  }
0x225: {  	v5 =	vmul.f32 $1.442695020e+00, v5;
	_ =	sdelay $0x1  }
0x226: {  	(erf) = vpow2.f32 v5;
	_ =	sdelay $0x7  }
0x227: {  	s2 =	sor.u32 $0x1410, s1  }
0x228: {  	v5 =	vld [tilespmem:s2+$0x3200];
	v51 =	vpop (erf)  }
0x229: {  	v6 =	vadd.f32 $1.000000000e+00, v51;
	_ =	sdelay $0x1  }
0x22a: {  	(erf) = vrcp.f32 v6  }
0x22b: {  	v4 =	vmax.f32 v4, $0.0e+00  }
0x22c: {  	v4 =	vadd.f32 v4, v5;
	_ =	sdelay $0x1  }
0x22d: {  	[tilespmem:s12+$0xFFFFFFD0] =	vst v4  }
0x22e: {  	v4 =	vld [tilespmem:s2+$0x1200];
	_ =	sdelay $0x3  }
0x22f: {  	v5 =	vpop (erf)  }
0x230: {  	v4 =	vmul.f32 v5, v4;
	_ =	sdelay $0x1  }
0x231: {  	[tilespmem:s17+$0xFFFFFFD0] =	vst v4  }
0x232: {  	v4 =	vld [tilespmem:s18+$0xFFFFFFB0]  }
0x233: {  	v5 =	vld [tilespmem:s21+$0x2220];
	_ =	sdelay $0x1  }
0x234: {  	v52 =	vld [tilespmem:s21+$0x4220];
	_ =	sdelay $0x2  }
0x235: {  	v4 =	vadd.f32 v5, v4;
	_ =	sdelay $0x1  }
0x236: {  	v4 =	vadd.f32 v52, v4;
	_ =	sdelay $0x1  }
0x237: {  	v5 =	vsub.f32 $0.0e+00, v4;
	_ =	sdelay $0x1  }
0x238: {  	v5 =	vmul.f32 $1.442695020e+00, v5;
	_ =	sdelay $0x1  }
0x239: {  	(erf) = vpow2.f32 v5;
	_ =	sdelay $0x7  }
0x23a: {  	s2 =	sor.u32 $0x1420, s1  }
0x23b: {  	v5 =	vld [tilespmem:s2+$0x3200];
	v53 =	vpop (erf)  }
0x23c: {  	v6 =	vadd.f32 $1.000000000e+00, v53;
	_ =	sdelay $0x1  }
0x23d: {  	(erf) = vrcp.f32 v6  }
0x23e: {  	v4 =	vmax.f32 v4, $0.0e+00  }
0x23f: {  	v4 =	vadd.f32 v4, v5;
	_ =	sdelay $0x1  }
0x240: {  	[tilespmem:s12+$0xFFFFFFE0] =	vst v4  }
0x241: {  	v4 =	vld [tilespmem:s2+$0x1200];
	_ =	sdelay $0x3  }
0x242: {  	v5 =	vpop (erf)  }
0x243: {  	v4 =	vmul.f32 v5, v4;
	_ =	sdelay $0x1  }
0x244: {  	[tilespmem:s17+$0xFFFFFFE0] =	vst v4  }
0x245: {  	v4 =	vld [tilespmem:s18+$0xFFFFFFC0]  }
0x246: {  	v5 =	vld [tilespmem:s21+$0x2230];
	_ =	sdelay $0x1  }
0x247: {  	v54 =	vld [tilespmem:s21+$0x4230];
	_ =	sdelay $0x2  }
0x248: {  	v4 =	vadd.f32 v5, v4;
	_ =	sdelay $0x1  }
0x249: {  	v4 =	vadd.f32 v54, v4;
	_ =	sdelay $0x1  }
0x24a: {  	v5 =	vsub.f32 $0.0e+00, v4;
	_ =	sdelay $0x1  }
0x24b: {  	v5 =	vmul.f32 $1.442695020e+00, v5;
	_ =	sdelay $0x1  }
0x24c: {  	(erf) = vpow2.f32 v5;
	_ =	sdelay $0x7  }
0x24d: {  	s2 =	sor.u32 $0x1430, s1  }
0x24e: {  	v5 =	vld [tilespmem:s2+$0x3200];
	v55 =	vpop (erf)  }
0x24f: {  	v6 =	vadd.f32 $1.000000000e+00, v55;
	_ =	sdelay $0x1  }
0x250: {  	(erf) = vrcp.f32 v6  }
0x251: {  	v4 =	vmax.f32 v4, $0.0e+00  }
0x252: {  	v4 =	vadd.f32 v4, v5;
	_ =	sdelay $0x1  }
0x253: {  	[tilespmem:s12+$0xFFFFFFF0] =	vst v4  }
0x254: {  	v4 =	vld [tilespmem:s2+$0x1200];
	_ =	sdelay $0x3  }
0x255: {  	v5 =	vpop (erf)  }
0x256: {  	v4 =	vmul.f32 v5, v4;
	_ =	sdelay $0x1  }
0x257: {  	[tilespmem:s17+$0xFFFFFFF0] =	vst v4  }
0x258: {  	v4 =	vld [tilespmem:s18+$0xFFFFFFD0]  }
0x259: {  	v5 =	vld [tilespmem:s21+$0x2240];
	_ =	sdelay $0x1  }
0x25a: {  	v56 =	vld [tilespmem:s21+$0x4240];
	_ =	sdelay $0x2  }
0x25b: {  	v4 =	vadd.f32 v5, v4;
	_ =	sdelay $0x1  }
0x25c: {  	v4 =	vadd.f32 v56, v4;
	_ =	sdelay $0x1  }
0x25d: {  	v5 =	vsub.f32 $0.0e+00, v4;
	_ =	sdelay $0x1  }
0x25e: {  	v5 =	vmul.f32 $1.442695020e+00, v5;
	_ =	sdelay $0x1  }
0x25f: {  	(erf) = vpow2.f32 v5;
	_ =	sdelay $0x7  }
0x260: {  	s2 =	sor.u32 $0x1440, s1  }
0x261: {  	v5 =	vld [tilespmem:s2+$0x3200];
	v57 =	vpop (erf)  }
0x262: {  	v6 =	vadd.f32 $1.000000000e+00, v57;
	_ =	sdelay $0x1  }
0x263: {  	(erf) = vrcp.f32 v6  }
0x264: {  	v4 =	vmax.f32 v4, $0.0e+00  }
0x265: {  	v4 =	vadd.f32 v4, v5;
	_ =	sdelay $0x1  }
0x266: {  	[tilespmem:s12+$0x0] =	vst v4  }
0x267: {  	v4 =	vld [tilespmem:s2+$0x1200];
	_ =	sdelay $0x3  }
0x268: {  	v5 =	vpop (erf)  }
0x269: {  	v4 =	vmul.f32 v5, v4;
	_ =	sdelay $0x1  }
0x26a: {  	[tilespmem:s17+$0x0] =	vst v4  }
0x26b: {  	v4 =	vld [tilespmem:s18+$0xFFFFFFE0]  }
0x26c: {  	v5 =	vld [tilespmem:s21+$0x2250];
	_ =	sdelay $0x1  }
0x26d: {  	v58 =	vld [tilespmem:s21+$0x4250];
	_ =	sdelay $0x2  }
0x26e: {  	v4 =	vadd.f32 v5, v4;
	_ =	sdelay $0x1  }
0x26f: {  	v4 =	vadd.f32 v58, v4;
	_ =	sdelay $0x1  }
0x270: {  	v5 =	vsub.f32 $0.0e+00, v4;
	_ =	sdelay $0x1  }
0x271: {  	v5 =	vmul.f32 $1.442695020e+00, v5;
	_ =	sdelay $0x1  }
0x272: {  	(erf) = vpow2.f32 v5;
	_ =	sdelay $0x7  }
0x273: {  	s2 =	sor.u32 $0x1450, s1  }
0x274: {  	v5 =	vld [tilespmem:s2+$0x3200];
	v59 =	vpop (erf)  }
0x275: {  	v6 =	vadd.f32 $1.000000000e+00, v59;
	_ =	sdelay $0x1  }
0x276: {  	(erf) = vrcp.f32 v6  }
0x277: {  	v4 =	vmax.f32 v4, $0.0e+00  }
0x278: {  	v4 =	vadd.f32 v4, v5;
	_ =	sdelay $0x1  }
0x279: {  	[tilespmem:s12+$0x10] =	vst v4  }
0x27a: {  	v4 =	vld [tilespmem:s2+$0x1200];
	_ =	sdelay $0x3  }
0x27b: {  	v5 =	vpop (erf)  }
0x27c: {  	v4 =	vmul.f32 v5, v4;
	_ =	sdelay $0x1  }
0x27d: {  	[tilespmem:s17+$0x10] =	vst v4  }
0x27e: {  	v4 =	vld [tilespmem:s18+$0xFFFFFFF0]  }
0x27f: {  	v5 =	vld [tilespmem:s21+$0x2260];
	_ =	sdelay $0x1  }
0x280: {  	v60 =	vld [tilespmem:s21+$0x4260];
	_ =	sdelay $0x2  }
0x281: {  	v4 =	vadd.f32 v5, v4;
	_ =	sdelay $0x1  }
0x282: {  	v4 =	vadd.f32 v60, v4;
	_ =	sdelay $0x1  }
0x283: {  	v5 =	vsub.f32 $0.0e+00, v4;
	_ =	sdelay $0x1  }
0x284: {  	v5 =	vmul.f32 $1.442695020e+00, v5;
	_ =	sdelay $0x1  }
0x285: {  	(erf) = vpow2.f32 v5;
	_ =	sdelay $0x7  }
0x286: {  	s2 =	sor.u32 $0x1460, s1  }
0x287: {  	v5 =	vld [tilespmem:s2+$0x3200];
	v61 =	vpop (erf)  }
0x288: {  	v6 =	vadd.f32 $1.000000000e+00, v61;
	_ =	sdelay $0x1  }
0x289: {  	(erf) = vrcp.f32 v6  }
0x28a: {  	v4 =	vmax.f32 v4, $0.0e+00  }
0x28b: {  	v4 =	vadd.f32 v4, v5;
	_ =	sdelay $0x1  }
0x28c: {  	[tilespmem:s12+$0x20] =	vst v4  }
0x28d: {  	v4 =	vld [tilespmem:s2+$0x1200];
	_ =	sdelay $0x3  }
0x28e: {  	v5 =	vpop (erf)  }
0x28f: {  	v4 =	vmul.f32 v5, v4;
	_ =	sdelay $0x1  }
0x290: {  	[tilespmem:s17+$0x20] =	vst v4  }
0x291: {  	v4 =	vld [tilespmem:s18+$0x0]  }
0x292: {  	v5 =	vld [tilespmem:s21+$0x2270];
	_ =	sdelay $0x1  }
0x293: {  	v62 =	vld [tilespmem:s21+$0x4270];
	_ =	sdelay $0x2  }
0x294: {  	v4 =	vadd.f32 v5, v4;
	_ =	sdelay $0x1  }
0x295: {  	v4 =	vadd.f32 v62, v4;
	_ =	sdelay $0x1  }
0x296: {  	v5 =	vsub.f32 $0.0e+00, v4;
	_ =	sdelay $0x1  }
0x297: {  	v5 =	vmul.f32 $1.442695020e+00, v5;
	_ =	sdelay $0x1  }
0x298: {  	(erf) = vpow2.f32 v5;
	_ =	sdelay $0x7  }
0x299: {  	s1 =	sor.u32 $0x1470, s1  }
0x29a: {  	v5 =	vld [tilespmem:s1+$0x3200];
	v63 =	vpop (erf)  }
0x29b: {  	v6 =	vadd.f32 $1.000000000e+00, v63;
	_ =	sdelay $0x1  }
0x29c: {  	(erf) = vrcp.f32 v6  }
0x29d: {  	v4 =	vmax.f32 v4, $0.0e+00  }
0x29e: {  	v4 =	vadd.f32 v4, v5;
	_ =	sdelay $0x1  }
0x29f: {  	[tilespmem:s12+$0x30] =	vst v4  }
0x2a0: {  	v4 =	vld [tilespmem:s1+$0x1200];
	_ =	sdelay $0x1  }
0x2a1: {  	p1 =	sne.s32 s19, $0x780  }
.Ltmp2:
0x2a2: {  	_ = 	snop;
	(pc) =	sbr.rel @p1 .LBB2_7-.Ltmp2, $4  }
0x2a3: {  	v5 =	vpop (erf)  }
0x2a4: {  	v4 =	vmul.f32 v5, v4  }
0x2a5: {  	s0 =	sadd.s32 $0x100, s0;
	s19 =	sadd.s32 $0x80, s19  }
0x2a6: {  	s18 =	sadd.s32 $0x80, s18;
	s12 =	sadd.s32 $0x80, s12;
	[tilespmem:s17+$0x30] =	vst v4;
	s17 =	sadd.s32 $0x80, s17  }
0x2a7: {  	s0 =	sshll.u32 s28, $0x4  }
0x2a8: {  	s19 =	smin.u32 s11, $0x26D;
	s0 =	sadd.s32 s10, s0  }
0x2a9: {  	[hbm4b:s0+s3] =	stream.linear.scatter [tilespmem:s22], [sflag:$0x3], $0x800, $0x38;
	[tilespmem:$0x19A80] =	vst v63  }
0x2aa: {  	s26 =	sadd.s32 $0x1, s26;
	s0 =	sshll.u32 s19, $0x4  }
0x2ab: {  	[spmem:s13] =	stream.indirect.scatter.add.f32 [tilespmem:s30], [sflag:$0x4], $0x80, s6, s16, $0xb8;
	[tilespmem:$0x19A80] =	vst v63  }
0x2ac: {  	p1 =	sne.s32 s26, $0x138;
	s0 =	sadd.s32 s0, s29;
	_ =	swait.ge [sflag:s31], $0x800  }
.Ltmp3:
0x2ad: {  	s0 =	sshrl.u32 s0, $0x3;
	[sflag:s31] =	ssyncset.done $0x0;
	(pc) =	sbr.rel @p1 .LBB2_4-.Ltmp3, $4  }
0x2ae: {  	s1 =	sadd.s32 s4, s0;
	[sflag:s31] =	ssyncadd.s32 $0xFFFFF800  }
0x2af: {  	[tilespmem:s6], [sflag:$0x1] =	stream.linear.gather [hbm4b:s1+s3], $0x10, $0x38;
	[tilespmem:$0x19A80] =	vst v63  }
0x2b0: {  	s21 =	smov.u32 s10;
	s28 =	simm.s32 $0x180;
	s0 =	sadd.s32 s5, s0  }
0x2b1: {  	[tilespmem:s28], [sflag:$0x1] =	stream.linear.gather [hbm4b:s0+s3], $0x10, $0x38;
	[tilespmem:$0x19A80] =	vst v63  }
0x2b2: {  	_ =	swait.ge [sflag:s23], $0x800  }
0x2b3: {  	[sflag:s23] =	ssyncset.done $0x0  }
0x2b4: {  	[sflag:s23] =	ssyncadd.s32 $0xFFFFF800  }
0x2b5: {  	_ =	swait.ge [sflag:s23], $0x1000  }
0x2b6: {  	[sflag:s23] =	ssyncset.done $0x0  }
0x2b7: {  	[sflag:s23] =	ssyncadd.s32 $0xFFFFF000  }
0x2b8: {  	_ =	swait.ge [sflag:s23], $0x1000  }
0x2b9: {  	[sflag:s23] =	ssyncset.done $0x0  }
0x2ba: {  	[sflag:s23] =	ssyncadd.s32 $0xFFFFF000  }
0x2bb: {  	s0 =	simm.s32 $0x0;
	_ =	swait.ge [sflag:s24], $0x800  }
0x2bc: {  	s11 =	simm.s32 $0x240;
	s12 =	simm.s32 $0x5240;
	[sflag:s24] =	ssyncset.done $0x0  }
0x2bd: {  	s17 =	simm.s32 $0x5A40;
	s18 =	simm.s32 $0x0;
	[sflag:s24] =	ssyncadd.s32 $0xFFFFF800  }
.LBB2_10:
0x2be: {  	s1 =	sand.u32 $0x800, s0;
	s2 =	sand.u32 $0x380, s18  }
0x2bf: {  	v4 =	vld [tilespmem:s11+$0xFFFFFFC0];
	s19 =	sor.u32 s2, s1  }
0x2c0: {  	v5 =	vld [tilespmem:s19+$0x1200];
	_ =	sdelay $0x1  }
0x2c1: {  	v6 =	vld [tilespmem:s19+$0x3200];
	_ =	sdelay $0x2  }
0x2c2: {  	v4 =	vadd.f32 v5, v4;
	_ =	sdelay $0x1  }
0x2c3: {  	v4 =	vadd.f32 v6, v4;
	_ =	sdelay $0x1  }
0x2c4: {  	v5 =	vsub.f32 $0.0e+00, v4;
	_ =	sdelay $0x1  }
0x2c5: {  	v5 =	vmul.f32 $1.442695020e+00, v5;
	_ =	sdelay $0x1  }
0x2c6: {  	(erf) = vpow2.f32 v5;
	_ =	sdelay $0x8  }
0x2c7: {  	v5 =	vld [tilespmem:s19+$0x3600];
	v49 =	vpop (erf)  }
0x2c8: {  	v6 =	vadd.f32 $1.000000000e+00, v49;
	_ =	sdelay $0x1  }
0x2c9: {  	(erf) = vrcp.f32 v6  }
0x2ca: {  	v4 =	vmax.f32 v4, $0.0e+00  }
0x2cb: {  	v4 =	vadd.f32 v4, v5;
	_ =	sdelay $0x1  }
0x2cc: {  	[tilespmem:s12+$0xFFFFFFC0] =	vst v4  }
0x2cd: {  	v4 =	vld [tilespmem:s19+$0x1600];
	_ =	sdelay $0x3  }
0x2ce: {  	v5 =	vpop (erf)  }
0x2cf: {  	v4 =	vmul.f32 v5, v4;
	_ =	sdelay $0x1  }
0x2d0: {  	[tilespmem:s17+$0xFFFFFFC0] =	vst v4  }
0x2d1: {  	v4 =	vld [tilespmem:s11+$0xFFFFFFD0]  }
0x2d2: {  	v5 =	vld [tilespmem:s19+$0x1210];
	_ =	sdelay $0x1  }
0x2d3: {  	v50 =	vld [tilespmem:s19+$0x3210];
	_ =	sdelay $0x2  }
0x2d4: {  	v4 =	vadd.f32 v5, v4;
	_ =	sdelay $0x1  }
0x2d5: {  	v4 =	vadd.f32 v50, v4;
	_ =	sdelay $0x1  }
0x2d6: {  	v5 =	vsub.f32 $0.0e+00, v4;
	_ =	sdelay $0x1  }
0x2d7: {  	v5 =	vmul.f32 $1.442695020e+00, v5;
	_ =	sdelay $0x1  }
0x2d8: {  	(erf) = vpow2.f32 v5;
	_ =	sdelay $0x8  }
0x2d9: {  	v5 =	vld [tilespmem:s19+$0x3610];
	v51 =	vpop (erf)  }
0x2da: {  	v6 =	vadd.f32 $1.000000000e+00, v51;
	_ =	sdelay $0x1  }
0x2db: {  	(erf) = vrcp.f32 v6  }
0x2dc: {  	v4 =	vmax.f32 v4, $0.0e+00  }
0x2dd: {  	v4 =	vadd.f32 v4, v5;
	_ =	sdelay $0x1  }
0x2de: {  	[tilespmem:s12+$0xFFFFFFD0] =	vst v4  }
0x2df: {  	v4 =	vld [tilespmem:s19+$0x1610];
	_ =	sdelay $0x3  }
0x2e0: {  	v5 =	vpop (erf)  }
0x2e1: {  	v4 =	vmul.f32 v5, v4;
	_ =	sdelay $0x1  }
0x2e2: {  	[tilespmem:s17+$0xFFFFFFD0] =	vst v4  }
0x2e3: {  	v4 =	vld [tilespmem:s11+$0xFFFFFFE0]  }
0x2e4: {  	v5 =	vld [tilespmem:s19+$0x1220];
	_ =	sdelay $0x1  }
0x2e5: {  	v52 =	vld [tilespmem:s19+$0x3220];
	_ =	sdelay $0x2  }
0x2e6: {  	v4 =	vadd.f32 v5, v4;
	_ =	sdelay $0x1  }
0x2e7: {  	v4 =	vadd.f32 v52, v4;
	_ =	sdelay $0x1  }
0x2e8: {  	v5 =	vsub.f32 $0.0e+00, v4;
	_ =	sdelay $0x1  }
0x2e9: {  	v5 =	vmul.f32 $1.442695020e+00, v5;
	_ =	sdelay $0x1  }
0x2ea: {  	(erf) = vpow2.f32 v5;
	_ =	sdelay $0x8  }
0x2eb: {  	v5 =	vld [tilespmem:s19+$0x3620];
	v53 =	vpop (erf)  }
0x2ec: {  	v6 =	vadd.f32 $1.000000000e+00, v53;
	_ =	sdelay $0x1  }
0x2ed: {  	(erf) = vrcp.f32 v6  }
0x2ee: {  	v4 =	vmax.f32 v4, $0.0e+00  }
0x2ef: {  	v4 =	vadd.f32 v4, v5;
	_ =	sdelay $0x1  }
0x2f0: {  	[tilespmem:s12+$0xFFFFFFE0] =	vst v4  }
0x2f1: {  	v4 =	vld [tilespmem:s19+$0x1620];
	_ =	sdelay $0x3  }
0x2f2: {  	v5 =	vpop (erf)  }
0x2f3: {  	v4 =	vmul.f32 v5, v4;
	_ =	sdelay $0x1  }
0x2f4: {  	[tilespmem:s17+$0xFFFFFFE0] =	vst v4  }
0x2f5: {  	v4 =	vld [tilespmem:s11+$0xFFFFFFF0]  }
0x2f6: {  	v5 =	vld [tilespmem:s19+$0x1230];
	_ =	sdelay $0x1  }
0x2f7: {  	v54 =	vld [tilespmem:s19+$0x3230];
	_ =	sdelay $0x2  }
0x2f8: {  	v4 =	vadd.f32 v5, v4;
	_ =	sdelay $0x1  }
0x2f9: {  	v4 =	vadd.f32 v54, v4;
	_ =	sdelay $0x1  }
0x2fa: {  	v5 =	vsub.f32 $0.0e+00, v4;
	_ =	sdelay $0x1  }
0x2fb: {  	v5 =	vmul.f32 $1.442695020e+00, v5;
	_ =	sdelay $0x1  }
0x2fc: {  	(erf) = vpow2.f32 v5;
	_ =	sdelay $0x8  }
0x2fd: {  	v5 =	vld [tilespmem:s19+$0x3630];
	v55 =	vpop (erf)  }
0x2fe: {  	v6 =	vadd.f32 $1.000000000e+00, v55;
	_ =	sdelay $0x1  }
0x2ff: {  	(erf) = vrcp.f32 v6  }
0x300: {  	v4 =	vmax.f32 v4, $0.0e+00  }
0x301: {  	v4 =	vadd.f32 v4, v5;
	_ =	sdelay $0x1  }
0x302: {  	[tilespmem:s12+$0xFFFFFFF0] =	vst v4  }
0x303: {  	v4 =	vld [tilespmem:s19+$0x1630];
	_ =	sdelay $0x3  }
0x304: {  	v5 =	vpop (erf)  }
0x305: {  	v4 =	vmul.f32 v5, v4;
	_ =	sdelay $0x1  }
0x306: {  	[tilespmem:s17+$0xFFFFFFF0] =	vst v4  }
0x307: {  	v4 =	vld [tilespmem:s11+$0x0]  }
0x308: {  	v5 =	vld [tilespmem:s19+$0x1240];
	_ =	sdelay $0x1  }
0x309: {  	v56 =	vld [tilespmem:s19+$0x3240];
	_ =	sdelay $0x2  }
0x30a: {  	v4 =	vadd.f32 v5, v4;
	_ =	sdelay $0x1  }
0x30b: {  	v4 =	vadd.f32 v56, v4;
	_ =	sdelay $0x1  }
0x30c: {  	v5 =	vsub.f32 $0.0e+00, v4;
	_ =	sdelay $0x1  }
0x30d: {  	v5 =	vmul.f32 $1.442695020e+00, v5;
	_ =	sdelay $0x1  }
0x30e: {  	(erf) = vpow2.f32 v5;
	_ =	sdelay $0x8  }
0x30f: {  	v5 =	vld [tilespmem:s19+$0x3640];
	v57 =	vpop (erf)  }
0x310: {  	v6 =	vadd.f32 $1.000000000e+00, v57;
	_ =	sdelay $0x1  }
0x311: {  	(erf) = vrcp.f32 v6  }
0x312: {  	v4 =	vmax.f32 v4, $0.0e+00  }
0x313: {  	v4 =	vadd.f32 v4, v5;
	_ =	sdelay $0x1  }
0x314: {  	[tilespmem:s12+$0x0] =	vst v4  }
0x315: {  	v4 =	vld [tilespmem:s19+$0x1640];
	_ =	sdelay $0x3  }
0x316: {  	v5 =	vpop (erf)  }
0x317: {  	v4 =	vmul.f32 v5, v4;
	_ =	sdelay $0x1  }
0x318: {  	[tilespmem:s17+$0x0] =	vst v4  }
0x319: {  	v4 =	vld [tilespmem:s11+$0x10]  }
0x31a: {  	v5 =	vld [tilespmem:s19+$0x1250];
	_ =	sdelay $0x1  }
0x31b: {  	v58 =	vld [tilespmem:s19+$0x3250];
	_ =	sdelay $0x2  }
0x31c: {  	v4 =	vadd.f32 v5, v4;
	_ =	sdelay $0x1  }
0x31d: {  	v4 =	vadd.f32 v58, v4;
	_ =	sdelay $0x1  }
0x31e: {  	v5 =	vsub.f32 $0.0e+00, v4;
	_ =	sdelay $0x1  }
0x31f: {  	v5 =	vmul.f32 $1.442695020e+00, v5;
	_ =	sdelay $0x1  }
0x320: {  	(erf) = vpow2.f32 v5;
	_ =	sdelay $0x8  }
0x321: {  	v5 =	vld [tilespmem:s19+$0x3650];
	v59 =	vpop (erf)  }
0x322: {  	v6 =	vadd.f32 $1.000000000e+00, v59;
	_ =	sdelay $0x1  }
0x323: {  	(erf) = vrcp.f32 v6  }
0x324: {  	v4 =	vmax.f32 v4, $0.0e+00  }
0x325: {  	v4 =	vadd.f32 v4, v5;
	_ =	sdelay $0x1  }
0x326: {  	[tilespmem:s12+$0x10] =	vst v4  }
0x327: {  	v4 =	vld [tilespmem:s19+$0x1650];
	_ =	sdelay $0x3  }
0x328: {  	v5 =	vpop (erf)  }
0x329: {  	v4 =	vmul.f32 v5, v4;
	_ =	sdelay $0x1  }
0x32a: {  	[tilespmem:s17+$0x10] =	vst v4  }
0x32b: {  	v4 =	vld [tilespmem:s11+$0x20]  }
0x32c: {  	v5 =	vld [tilespmem:s19+$0x1260];
	_ =	sdelay $0x1  }
0x32d: {  	v60 =	vld [tilespmem:s19+$0x3260];
	_ =	sdelay $0x2  }
0x32e: {  	v4 =	vadd.f32 v5, v4;
	_ =	sdelay $0x1  }
0x32f: {  	v4 =	vadd.f32 v60, v4;
	_ =	sdelay $0x1  }
0x330: {  	v5 =	vsub.f32 $0.0e+00, v4;
	_ =	sdelay $0x1  }
0x331: {  	v5 =	vmul.f32 $1.442695020e+00, v5;
	_ =	sdelay $0x1  }
0x332: {  	(erf) = vpow2.f32 v5;
	_ =	sdelay $0x8  }
0x333: {  	v5 =	vld [tilespmem:s19+$0x3660];
	v61 =	vpop (erf)  }
0x334: {  	v6 =	vadd.f32 $1.000000000e+00, v61;
	_ =	sdelay $0x1  }
0x335: {  	(erf) = vrcp.f32 v6  }
0x336: {  	v4 =	vmax.f32 v4, $0.0e+00  }
0x337: {  	v4 =	vadd.f32 v4, v5;
	_ =	sdelay $0x1  }
0x338: {  	[tilespmem:s12+$0x20] =	vst v4  }
0x339: {  	v4 =	vld [tilespmem:s19+$0x1660];
	_ =	sdelay $0x3  }
0x33a: {  	v5 =	vpop (erf)  }
0x33b: {  	v4 =	vmul.f32 v5, v4;
	_ =	sdelay $0x1  }
0x33c: {  	[tilespmem:s17+$0x20] =	vst v4  }
0x33d: {  	v4 =	vld [tilespmem:s11+$0x30]  }
0x33e: {  	v5 =	vld [tilespmem:s19+$0x1270];
	_ =	sdelay $0x1  }
0x33f: {  	v62 =	vld [tilespmem:s19+$0x3270];
	_ =	sdelay $0x2  }
0x340: {  	v4 =	vadd.f32 v5, v4;
	_ =	sdelay $0x1  }
0x341: {  	v4 =	vadd.f32 v62, v4;
	_ =	sdelay $0x1  }
0x342: {  	v5 =	vsub.f32 $0.0e+00, v4;
	_ =	sdelay $0x1  }
0x343: {  	v5 =	vmul.f32 $1.442695020e+00, v5;
	_ =	sdelay $0x1  }
0x344: {  	(erf) = vpow2.f32 v5;
	_ =	sdelay $0x8  }
0x345: {  	v5 =	vld [tilespmem:s19+$0x3670];
	v63 =	vpop (erf)  }
0x346: {  	v6 =	vadd.f32 $1.000000000e+00, v63;
	_ =	sdelay $0x1  }
0x347: {  	(erf) = vrcp.f32 v6  }
0x348: {  	v4 =	vmax.f32 v4, $0.0e+00  }
0x349: {  	v4 =	vadd.f32 v4, v5;
	_ =	sdelay $0x1  }
0x34a: {  	[tilespmem:s12+$0x30] =	vst v4  }
0x34b: {  	v4 =	vld [tilespmem:s19+$0x1670];
	_ =	sdelay $0x1  }
0x34c: {  	p1 =	sne.s32 s18, $0x780  }
.Ltmp4:
0x34d: {  	_ = 	snop;
	(pc) =	sbr.rel @p1 .LBB2_10-.Ltmp4, $4  }
0x34e: {  	v5 =	vpop (erf)  }
0x34f: {  	v4 =	vmul.f32 v5, v4  }
0x350: {  	s0 =	sadd.s32 $0x100, s0;
	s18 =	sadd.s32 $0x80, s18  }
0x351: {  	s11 =	sadd.s32 $0x80, s11;
	s12 =	sadd.s32 $0x80, s12;
	[tilespmem:s17+$0x30] =	vst v4;
	s17 =	sadd.s32 $0x80, s17  }
0x352: {  	s0 =	rddreg [dreg:$0xd]  }
0x353: {  	[hbm4b:s0+s3] =	stream.linear.scatter [tilespmem:s22], [sflag:$0x3], $0x800, $0x38;
	[tilespmem:$0x19A80] =	vst v63  }
0x354: {  	_ = 	snop  }
0x355: {  	[spmem:s13] =	stream.indirect.scatter.add.f32 [tilespmem:s30], [sflag:$0x4], $0x80, s3, s16, $0xb8;
	[tilespmem:$0x19A80] =	vst v63  }
0x356: {  	_ =	swait.ge [sflag:s31], $0x800  }
0x357: {  	[sflag:s31] =	ssyncset.done $0x0  }
0x358: {  	[sflag:s31] =	ssyncadd.s32 $0xFFFFF800  }
0x359: {  	_ =	swait.ge [sflag:s24], $0x800  }
0x35a: {  	[sflag:s24] =	ssyncset.done $0x0  }
0x35b: {  	[sflag:s24] =	ssyncadd.s32 $0xFFFFF800  }
0x35c: {  	_ =	swait.ge [sflag:s14], $0x10  }
0x35d: {  	[sflag:s14] =	ssyncset.done $0x0  }
0x35e: {  	[sflag:s14] =	ssyncadd.s32 $0xFFFFFFF0  }
0x35f: {  	_ =	swait.ge [sflag:s14], $0x10  }
0x360: {  	[sflag:s14] =	ssyncset.done $0x0  }
0x361: {  	[sflag:s14] =	ssyncadd.s32 $0xFFFFFFF0  }
0x362: {  	s19 =	stileid.u32;
	[bflag:$0x0] =	sbarrier.arrive $0xFFFF  }
0x363: {  	s0 =	sshll.u32 s19, $0x6;
	s18 =	rddreg [dreg:$0x4]  }
0x364: {  	s0 =	sor.u32 $0x1C04, s0;
	s2 =	rddreg [dreg:$0xe];
	s1 =	sshrl.u32 s18, $0x3  }
0x365: {  	[hbm:s2], [sflag:s0] =	dma.local [spmem:s1], $0x2700  }
0x366: {  	_ =	swait.ge [sflag:s31], $0x2700  }
0x367: {  	[sflag:s31] =	ssyncset.done $0x0;
	s1 =	rddreg [dreg:$0xf]  }
0x368: {  	s2 =	rddreg [dreg:$0x11];
	[sflag:s31] =	ssyncadd.s32 $0xFFFFD900  }
0x369: {  	[hbm:s1], [sflag:s0] =	dma.local @!p0 [spmem:s2], $0x100  }
0x36a: {  	s0 =	simm.s32 @!p0 $0x4  }
0x36b: {  	_ =	swait.ge @!p0 [sflag:s0], $0x100  }
0x36c: {  	s26 =	sld [smem:$0x7E5];
	_ =	sdelay $0x2  }
0x36d: {  	s28 =	rddreg [dreg:$0x10];
	s2 =	sadd.s32 $0x1, s26  }
0x36e: {  	p1 =	sne.s32 s2, s28  }
.Ltmp5:
0x36f: {  	_ = 	snop;
	(pc) =	sbr.rel @p1 .LBB2_1-.Ltmp5, $3  }
0x370: {  	_ =	sdelay $0x1  }
0x371: {  	[sflag:s0] =	ssyncset.done @!p0 $0x0  }
0x372: {  	[sflag:s0] =	ssyncadd.s32 @!p0 $0xFFFFFF00  }
0x373: {  	_ =	sfence.sel $0x180000  }
0x374: {  	[bflag:$0x0] =	sbarrier.arrive $0xFFFF  }
0x375: {  	_ =	strace $0x90000047  }
0x376: {  	s0 =	stileid.u32;
	[bflag:$0x2] =	sbarrier.arrive $0xFFFF  }
0x377: {  	p0 =	sne.s32 s0, $0x0;
	s0 =	rddreg [dreg:$0x3]  }
0x378: {  	s0 =	sadd.s32 @!p0 $0x100000, s0  }
0x379: {  	[sflag:s0] =	ssyncadd.tile.s32 @!p0 $0x1;
	_ =	shalt  }
.Lfunc_end2:
_tile_overlayer_lowered:
.L_overlay_start_2:
0x37a: {  	(tag) =	ssettag $0x2  }
0x37b: {  	s0 =	rddreg [dreg:$0x0];
	s2 =	stileid.u32  }
0x37c: {  	s1 =	rddreg [dreg:$0x1];
	p0 =	sne.s32 s2, $0x0  }
0x37d: {  	s3 =	rddreg [dreg:$0x2];
	[bflag:$0x3] =	sbarrier.arrive $0xFFFF;
	s2 =	simm.s32 @!p0 $0x1C04  }
0x37e: {  	[timem:s3], [sflag:s2] =	dma.local @!p0 [hbm:s0], s1  }
0x37f: {  	s0 =	simm.s32 @!p0 $0x4  }
0x380: {  	_ =	swait.ge @!p0 [sflag:s0], s1  }
0x381: {  	s1 =	ssub.s32 @!p0 $0x0, s1;
	[sflag:s0] =	ssyncset.done @!p0 $0x0  }
0x382: {  	[sflag:s0] =	ssyncadd.s32 @!p0 s1  }
0x383: {  	[bflag:$0x3] =	sbarrier.arrive $0xFFFF  }
0x384: {  	_ =	shalt  }

</sc_bundles>
